<compile_context>
chip_gen: v7x
topology: tpu7x:2x2x1
jax: 0.10.2.dev20260603
libtpu: 0.0.44.dev20260713+nightly
codegen_flags: <defaults>
</compile_context>

<pallas_src>
import functools

import jax
import jax.numpy as jnp
from jax import lax
from jax.experimental import pallas as pl
from jax.experimental.pallas import tpu as pltpu
from jax.experimental.pallas import tpu_sc as plsc

_R_EQ6 = 0.5 ** 6
_HALF_DEPTH = 0.238 * 0.5
_CUT = 2.0
_CUT_LO = 1.5

_N_EDGES = 6400000
_N_ATOMS = 100000
_N_MOL = 64

_SLICES = (3200000, 3200000)
_STARTS = (0, 3200000)
_K = len(_SLICES)

_BLK_E = 640000

_NC = 2
_NS = 16
_NW = _NC * _NS
_CHUNK = 4000
_UNROLL = 4


def _lj_body(v_ref, o_ref):
    x = v_ref[0, :]
    y = v_ref[1, :]
    z = v_ref[2, :]
    r2 = x * x + y * y + z * z
    d = jnp.sqrt(r2)
    inv = 1.0 / r2
    p6 = _R_EQ6 * inv * inv * inv
    yij = p6 * p6 - p6
    u = 2.0 * d - 3.0
    r_function = 1.0 + u * u * (2.0 * u - 3.0)
    switch = jnp.where(d > _CUT_LO, r_function, 1.0)
    switch = jnp.where(d > _CUT, 0.0, switch)
    o_ref[...] = yij * switch


def _lj_energies(xt, k):
    size = _SLICES[k]
    blk0 = _STARTS[k] // _BLK_E
    return pl.pallas_call(
        _lj_body,
        grid=(size // _BLK_E,),
        in_specs=[pl.BlockSpec((3, _BLK_E), lambda i, b=blk0: (0, b + i))],
        out_specs=pl.BlockSpec((_BLK_E,), lambda i: (i,)),
        out_shape=jax.ShapeDtypeStruct((size,), jnp.float32),
        compiler_params=pltpu.CompilerParams(allow_input_fusion=[True]),
    )(xt)


def _sc_bin_body(k, yij_hbm, idxi_hbm, idxm_hbm, out_hbm,
                 table, ybuf0, ibuf0, ybuf1, ibuf1, acc, binv,
                 sy0, si0, sy1, si1):
    epw = _SLICES[k] // _NW
    nchunk = epw // _CHUNK
    wid = lax.axis_index("s") * _NC + lax.axis_index("c")
    lane = lax.iota(jnp.int32, 16)
    zero16 = jnp.zeros((16,), jnp.float32)
    base_y = pl.multiple_of(wid * epw, _CHUNK)
    base_i = pl.multiple_of(_STARTS[k] + wid * epw, _CHUNK)

    pltpu.sync_copy(idxm_hbm, table)

    for m in range(_N_MOL):
        acc[m] = zero16

    def start(ch, yb, ib, sy, si):
        off = ch * _CHUNK
        pltpu.async_copy(yij_hbm.at[pl.ds(base_y + off, _CHUNK)], yb, sy)
        pltpu.async_copy(idxi_hbm.at[pl.ds(base_i + off, _CHUNK)], ib, si)

    def wait(ch, yb, ib, sy, si):
        off = ch * _CHUNK
        pltpu.make_async_copy(
            yij_hbm.at[pl.ds(base_y + off, _CHUNK)], yb, sy).wait()
        pltpu.make_async_copy(
            idxi_hbm.at[pl.ds(base_i + off, _CHUNK)], ib, si).wait()

    def process(yb, ib):
        @plsc.parallel_loop(0, _CHUNK, step=16, unroll=_UNROLL)
        def _(off):
            iv = ib[pl.ds(off, 16)]
            yv = yb[pl.ds(off, 16)]
            mol = plsc.load_gather(table, [iv])
            plsc.addupdate_scatter(acc, [mol, lane], yv)

    start(0, ybuf0, ibuf0, sy0, si0)

    def pair_body(p, carry):
        ch0 = p * 2
        start(ch0 + 1, ybuf1, ibuf1, sy1, si1)
        wait(ch0, ybuf0, ibuf0, sy0, si0)
        process(ybuf0, ibuf0)

        @pl.when(ch0 + 2 < nchunk)
        def _():
            start(ch0 + 2, ybuf0, ibuf0, sy0, si0)

        wait(ch0 + 1, ybuf1, ibuf1, sy1, si1)
        process(ybuf1, ibuf1)
        return carry

    lax.fori_loop(0, nchunk // 2, pair_body, 0)

    if nchunk % 2 == 1:
        wait(nchunk - 1, ybuf0, ibuf0, sy0, si0)
        process(ybuf0, ibuf0)

    for g in range(4):
        r = zero16
        for t in range(16):
            s = jnp.sum(acc[g * 16 + t])
            r = jnp.where(lane == t, s, r)
        binv[pl.ds(g * 16, 16)] = r

    pltpu.sync_copy(binv, out_hbm.at[wid])


def _sc_bin(yij_slice, idx_i, idx_m, k):
    f = pl.kernel(
        functools.partial(_sc_bin_body, k),
        out_type=jax.ShapeDtypeStruct((_NW, _N_MOL), jnp.float32),
        mesh=plsc.VectorSubcoreMesh(core_axis_name="c", subcore_axis_name="s"),
        compiler_params=pltpu.CompilerParams(needs_layout_passes=False),
        scratch_types=[
            pltpu.VMEM((_N_ATOMS,), jnp.int32),
            pltpu.VMEM((_CHUNK,), jnp.float32),
            pltpu.VMEM((_CHUNK,), jnp.int32),
            pltpu.VMEM((_CHUNK,), jnp.float32),
            pltpu.VMEM((_CHUNK,), jnp.int32),
            pltpu.VMEM((_N_MOL, 16), jnp.float32),
            pltpu.VMEM((_N_MOL,), jnp.float32),
            pltpu.SemaphoreType.DMA,
            pltpu.SemaphoreType.DMA,
            pltpu.SemaphoreType.DMA,
            pltpu.SemaphoreType.DMA,
        ],
    )
    return f(yij_slice, idx_i, idx_m)


def _finish_body(*refs):
    o_ref = refs[-1]
    total = functools.reduce(
        lambda a, b: a + b, [jnp.sum(r[...], axis=0, keepdims=True) for r in refs[:-1]])
    o_ref[...] = total * _HALF_DEPTH


def _finish(partials):
    return pl.pallas_call(
        _finish_body,
        out_shape=jax.ShapeDtypeStruct((1, _N_MOL), jnp.float32),
    )(*partials)


def kernel(Rij, R, idx_i, idx_m):
    xt = Rij.T
    partials = []
    for k in range(_K):
        yij = _lj_energies(xt, k)
        partials.append(_sc_bin(yij, idx_i, idx_m, k))
    y = _finish(partials)
    return y.reshape(_N_MOL)

# --- scband reference (transcript-rebuilt; emitter-appended) ---
"""Pipeline reference for scband-ljmodel-70171175682200 (READ-ONLY COPY).

The authoritative reference and input builder live on the scoring server;
editing this copy changes nothing except your own understanding.
"""

import jax, jax.numpy as jnp
import numpy as np

R_EQ = 0.5
WELL_DEPTH = 0.238
CUTOFF = 2.0
HEALING = 0.5
N_ATOMS = 100000
N_EDGES = 6400000
N_MOL = 64


def _cutoff_switch(d):
    r = (d - (CUTOFF - HEALING)) / HEALING
    r_function = 1.0 + r ** 2 * (2.0 * r - 3.0)
    switch = jnp.where(d > CUTOFF - HEALING, r_function, jnp.ones_like(d))
    switch = jnp.where(d > CUTOFF, jnp.zeros_like(d), switch)
    return switch


def setup_inputs(seed: int = 0) -> dict:
    key = jax.random.key(seed)
    k1, k2, k3, k4 = jax.random.split(key, 4)
    Rij = jax.random.normal(k1, (N_EDGES, 3), dtype=jnp.float32)
    R = jax.random.normal(k2, (N_ATOMS, 3), dtype=jnp.float32)
    idx_i = jax.random.randint(k3, (N_EDGES,), 0, N_ATOMS, dtype=jnp.int32)
    idx_m = jnp.sort(jax.random.randint(k4, (N_ATOMS,), 0, N_MOL, dtype=jnp.int32))
    return {"Rij": Rij, "R": R, "idx_i": idx_i, "idx_m": idx_m}


def reference(Rij, R, idx_i, idx_m):
    # r_ij = ||vec_ij||, keepdim
    r_ij = jnp.linalg.norm(Rij, axis=1, keepdims=True)
    r_cut = _cutoff_switch(r_ij)
    power_6 = jnp.power(R_EQ / r_ij, 6)
    power_12 = power_6 * power_6
    yij = (power_12 - power_6) * r_cut
    # scatter_add per-edge energies onto atoms (dim_size = n_atoms)
    yi = jnp.zeros((R.shape[0], 1), dtype=yij.dtype).at[idx_i].add(yij)
    # index_add per-atom energies onto molecules
    maxm = N_MOL
    y = jnp.zeros((maxm, 1), dtype=yi.dtype).at[idx_m].add(yi)
    y = jnp.squeeze(y, -1)
    y = WELL_DEPTH * 0.5 * y
    return y

if __name__ == "__main__":
    import jax
    _d = setup_inputs()
    print(jax.jit(kernel)(*tuple(_d.values())))

</pallas_src>

<mosaic_0001>
#map = affine_map<(d0, d1) -> (0)>
#map1 = affine_map<(d0, d1) -> (0, 0)>
module attributes {stable_mosaic.version = 14 : i64} {
  func.func @_sc_bin_body(%arg0: i32, %arg1: i32, %arg2: memref<3200000xf32, #tpu.memory_space<hbm>>, %arg3: memref<6400000xi32, #tpu.memory_space<hbm>>, %arg4: memref<100000xi32, #tpu.memory_space<hbm>>, %arg5: memref<32x64xf32, #tpu.memory_space<hbm>>, %arg6: memref<100000xi32, #tpu.memory_space<vmem>>, %arg7: memref<4000xf32, #tpu.memory_space<vmem>>, %arg8: memref<4000xi32, #tpu.memory_space<vmem>>, %arg9: memref<4000xf32, #tpu.memory_space<vmem>>, %arg10: memref<4000xi32, #tpu.memory_space<vmem>>, %arg11: memref<64x16xf32, #tpu.memory_space<vmem>>, %arg12: memref<64xf32, #tpu.memory_space<vmem>>, %arg13: memref<!tpu.dma_semaphore, #tpu.memory_space<semaphore_mem>>, %arg14: memref<!tpu.dma_semaphore, #tpu.memory_space<semaphore_mem>>, %arg15: memref<!tpu.dma_semaphore, #tpu.memory_space<semaphore_mem>>, %arg16: memref<!tpu.dma_semaphore, #tpu.memory_space<semaphore_mem>>) attributes {dimension_semantics = [#tpu.dimension_semantics<core_parallel>, #tpu.dimension_semantics<subcore_parallel>], iteration_bounds = array<i64: 2, 16>, scalar_prefetch = 0 : i64, scratch_operands = 11 : i64, tpu.core_type = #tpu.core_type<sc_vector_subcore>, window_params = [{transform_indices = #map}, {transform_indices = #map}, {transform_indices = #map}, {transform_indices = #map1}]} {
    %mul3A = arith.constant 2 : i32
    %mul3A_0 = arith.muli %arg1, %mul3A : i32
    %add3A = arith.addi %mul3A_0, %arg0 : i32
    %iota3A = tpu.iota {dimensions = array<i32: 0>} : vector<16xi32>
    %broadcast_in_dim3A = arith.constant 0.000000e+00 : f32
    %broadcast_in_dim3A_1 = vector.broadcast %broadcast_in_dim3A : f32 to vector<16xf32>
    %mul3A_2 = arith.constant 100000 : i32
    %mul3A_3 = arith.muli %add3A, %mul3A_2 : i32
    %multiple_of3A = tpu.assume_multiple %mul3A_3, 4000 : i32
    %mul3A_4 = arith.constant 100000 : i32
    %mul3A_5 = arith.muli %add3A, %mul3A_4 : i32
    %add3A_6 = arith.constant 3200000 : i32
    %add3A_7 = arith.addi %add3A_6, %mul3A_5 : i32
    %multiple_of3A_8 = tpu.assume_multiple %add3A_7, 4000 : i32
    "tpu.region"() ({
      %run_scoped3A = tpu.sem_alloc : memref<!tpu.dma_semaphore, #tpu.memory_space<semaphore_mem>>
      tpu.enqueue_dma source(%arg4 : memref<100000xi32, #tpu.memory_space<hbm>>) target(%arg6 : memref<100000xi32, #tpu.memory_space<vmem>>) target_semaphore(%run_scoped3A : memref<!tpu.dma_semaphore, #tpu.memory_space<semaphore_mem>>)
      tpu.wait_dma2 semaphore(%run_scoped3A : memref<!tpu.dma_semaphore, #tpu.memory_space<semaphore_mem>>) src(%arg4 : memref<100000xi32, #tpu.memory_space<hbm>>) dst(%arg6 : memref<100000xi32, #tpu.memory_space<vmem>>)
      tpu.yield
    }) : () -> ()
    %swap3A = arith.constant 0 : i32
    %swap3A_9 = arith.index_cast %swap3A : i32 to index
    %swap3A_10 = arith.constant 0 : index
    %swap3A_11 = tpu.vector_load %arg11[%swap3A_9, %swap3A_10] {strides = array<i32>} : memref<64x16xf32, #tpu.memory_space<vmem>>, vector<16xf32>,
    tpu.vector_store %arg11[%swap3A_9, %swap3A_10], %broadcast_in_dim3A_1 {strides = array<i32>} : memref<64x16xf32, #tpu.memory_space<vmem>>, vector<16xf32>,
    %swap3A_12 = arith.constant 1 : i32
    %swap3A_13 = arith.index_cast %swap3A_12 : i32 to index
    %swap3A_14 = arith.constant 0 : index
    %swap3A_15 = tpu.vector_load %arg11[%swap3A_13, %swap3A_14] {strides = array<i32>} : memref<64x16xf32, #tpu.memory_space<vmem>>, vector<16xf32>,
    tpu.vector_store %arg11[%swap3A_13, %swap3A_14], %broadcast_in_dim3A_1 {strides = array<i32>} : memref<64x16xf32, #tpu.memory_space<vmem>>, vector<16xf32>,
    %swap3A_16 = arith.constant 2 : i32
    %swap3A_17 = arith.index_cast %swap3A_16 : i32 to index
    %swap3A_18 = arith.constant 0 : index
    %swap3A_19 = tpu.vector_load %arg11[%swap3A_17, %swap3A_18] {strides = array<i32>} : memref<64x16xf32, #tpu.memory_space<vmem>>, vector<16xf32>,
    tpu.vector_store %arg11[%swap3A_17, %swap3A_18], %broadcast_in_dim3A_1 {strides = array<i32>} : memref<64x16xf32, #tpu.memory_space<vmem>>, vector<16xf32>,
    %swap3A_20 = arith.constant 3 : i32
    %swap3A_21 = arith.index_cast %swap3A_20 : i32 to index
    %swap3A_22 = arith.constant 0 : index
    %swap3A_23 = tpu.vector_load %arg11[%swap3A_21, %swap3A_22] {strides = array<i32>} : memref<64x16xf32, #tpu.memory_space<vmem>>, vector<16xf32>,
    tpu.vector_store %arg11[%swap3A_21, %swap3A_22], %broadcast_in_dim3A_1 {strides = array<i32>} : memref<64x16xf32, #tpu.memory_space<vmem>>, vector<16xf32>,
    %swap3A_24 = arith.constant 4 : i32
    %swap3A_25 = arith.index_cast %swap3A_24 : i32 to index
    %swap3A_26 = arith.constant 0 : index
    %swap3A_27 = tpu.vector_load %arg11[%swap3A_25, %swap3A_26] {strides = array<i32>} : memref<64x16xf32, #tpu.memory_space<vmem>>, vector<16xf32>,
    tpu.vector_store %arg11[%swap3A_25, %swap3A_26], %broadcast_in_dim3A_1 {strides = array<i32>} : memref<64x16xf32, #tpu.memory_space<vmem>>, vector<16xf32>,
    %swap3A_28 = arith.constant 5 : i32
    %swap3A_29 = arith.index_cast %swap3A_28 : i32 to index
    %swap3A_30 = arith.constant 0 : index
    %swap3A_31 = tpu.vector_load %arg11[%swap3A_29, %swap3A_30] {strides = array<i32>} : memref<64x16xf32, #tpu.memory_space<vmem>>, vector<16xf32>,
    tpu.vector_store %arg11[%swap3A_29, %swap3A_30], %broadcast_in_dim3A_1 {strides = array<i32>} : memref<64x16xf32, #tpu.memory_space<vmem>>, vector<16xf32>,
    %swap3A_32 = arith.constant 6 : i32
    %swap3A_33 = arith.index_cast %swap3A_32 : i32 to index
    %swap3A_34 = arith.constant 0 : index
    %swap3A_35 = tpu.vector_load %arg11[%swap3A_33, %swap3A_34] {strides = array<i32>} : memref<64x16xf32, #tpu.memory_space<vmem>>, vector<16xf32>,
    tpu.vector_store %arg11[%swap3A_33, %swap3A_34], %broadcast_in_dim3A_1 {strides = array<i32>} : memref<64x16xf32, #tpu.memory_space<vmem>>, vector<16xf32>,
    %swap3A_36 = arith.constant 7 : i32
    %swap3A_37 = arith.index_cast %swap3A_36 : i32 to index
    %swap3A_38 = arith.constant 0 : index
    %swap3A_39 = tpu.vector_load %arg11[%swap3A_37, %swap3A_38] {strides = array<i32>} : memref<64x16xf32, #tpu.memory_space<vmem>>, vector<16xf32>,
    tpu.vector_store %arg11[%swap3A_37, %swap3A_38], %broadcast_in_dim3A_1 {strides = array<i32>} : memref<64x16xf32, #tpu.memory_space<vmem>>, vector<16xf32>,
    %swap3A_40 = arith.constant 8 : i32
    %swap3A_41 = arith.index_cast %swap3A_40 : i32 to index
    %swap3A_42 = arith.constant 0 : index
    %swap3A_43 = tpu.vector_load %arg11[%swap3A_41, %swap3A_42] {strides = array<i32>} : memref<64x16xf32, #tpu.memory_space<vmem>>, vector<16xf32>,
    tpu.vector_store %arg11[%swap3A_41, %swap3A_42], %broadcast_in_dim3A_1 {strides = array<i32>} : memref<64x16xf32, #tpu.memory_space<vmem>>, vector<16xf32>,
    %swap3A_44 = arith.constant 9 : i32
    %swap3A_45 = arith.index_cast %swap3A_44 : i32 to index
    %swap3A_46 = arith.constant 0 : index
    %swap3A_47 = tpu.vector_load %arg11[%swap3A_45, %swap3A_46] {strides = array<i32>} : memref<64x16xf32, #tpu.memory_space<vmem>>, vector<16xf32>,
    tpu.vector_store %arg11[%swap3A_45, %swap3A_46], %broadcast_in_dim3A_1 {strides = array<i32>} : memref<64x16xf32, #tpu.memory_space<vmem>>, vector<16xf32>,
    %swap3A_48 = arith.constant 10 : i32
    %swap3A_49 = arith.index_cast %swap3A_48 : i32 to index
    %swap3A_50 = arith.constant 0 : index
    %swap3A_51 = tpu.vector_load %arg11[%swap3A_49, %swap3A_50] {strides = array<i32>} : memref<64x16xf32, #tpu.memory_space<vmem>>, vector<16xf32>,
    tpu.vector_store %arg11[%swap3A_49, %swap3A_50], %broadcast_in_dim3A_1 {strides = array<i32>} : memref<64x16xf32, #tpu.memory_space<vmem>>, vector<16xf32>,
    %swap3A_52 = arith.constant 11 : i32
    %swap3A_53 = arith.index_cast %swap3A_52 : i32 to index
    %swap3A_54 = arith.constant 0 : index
    %swap3A_55 = tpu.vector_load %arg11[%swap3A_53, %swap3A_54] {strides = array<i32>} : memref<64x16xf32, #tpu.memory_space<vmem>>, vector<16xf32>,
    tpu.vector_store %arg11[%swap3A_53, %swap3A_54], %broadcast_in_dim3A_1 {strides = array<i32>} : memref<64x16xf32, #tpu.memory_space<vmem>>, vector<16xf32>,
    %swap3A_56 = arith.constant 12 : i32
    %swap3A_57 = arith.index_cast %swap3A_56 : i32 to index
    %swap3A_58 = arith.constant 0 : index
    %swap3A_59 = tpu.vector_load %arg11[%swap3A_57, %swap3A_58] {strides = array<i32>} : memref<64x16xf32, #tpu.memory_space<vmem>>, vector<16xf32>,
    tpu.vector_store %arg11[%swap3A_57, %swap3A_58], %broadcast_in_dim3A_1 {strides = array<i32>} : memref<64x16xf32, #tpu.memory_space<vmem>>, vector<16xf32>,
    %swap3A_60 = arith.constant 13 : i32
    %swap3A_61 = arith.index_cast %swap3A_60 : i32 to index
    %swap3A_62 = arith.constant 0 : index
    %swap3A_63 = tpu.vector_load %arg11[%swap3A_61, %swap3A_62] {strides = array<i32>} : memref<64x16xf32, #tpu.memory_space<vmem>>, vector<16xf32>,
    tpu.vector_store %arg11[%swap3A_61, %swap3A_62], %broadcast_in_dim3A_1 {strides = array<i32>} : memref<64x16xf32, #tpu.memory_space<vmem>>, vector<16xf32>,
    %swap3A_64 = arith.constant 14 : i32
    %swap3A_65 = arith.index_cast %swap3A_64 : i32 to index
    %swap3A_66 = arith.constant 0 : index
    %swap3A_67 = tpu.vector_load %arg11[%swap3A_65, %swap3A_66] {strides = array<i32>} : memref<64x16xf32, #tpu.memory_space<vmem>>, vector<16xf32>,
    tpu.vector_store %arg11[%swap3A_65, %swap3A_66], %broadcast_in_dim3A_1 {strides = array<i32>} : memref<64x16xf32, #tpu.memory_space<vmem>>, vector<16xf32>,
    %swap3A_68 = arith.constant 15 : i32
    %swap3A_69 = arith.index_cast %swap3A_68 : i32 to index
    %swap3A_70 = arith.constant 0 : index
    %swap3A_71 = tpu.vector_load %arg11[%swap3A_69, %swap3A_70] {strides = array<i32>} : memref<64x16xf32, #tpu.memory_space<vmem>>, vector<16xf32>,
    tpu.vector_store %arg11[%swap3A_69, %swap3A_70], %broadcast_in_dim3A_1 {strides = array<i32>} : memref<64x16xf32, #tpu.memory_space<vmem>>, vector<16xf32>,
    %swap3A_72 = arith.constant 16 : i32
    %swap3A_73 = arith.index_cast %swap3A_72 : i32 to index
    %swap3A_74 = arith.constant 0 : index
    %swap3A_75 = tpu.vector_load %arg11[%swap3A_73, %swap3A_74] {strides = array<i32>} : memref<64x16xf32, #tpu.memory_space<vmem>>, vector<16xf32>,
    tpu.vector_store %arg11[%swap3A_73, %swap3A_74], %broadcast_in_dim3A_1 {strides = array<i32>} : memref<64x16xf32, #tpu.memory_space<vmem>>, vector<16xf32>,
    %swap3A_76 = arith.constant 17 : i32
    %swap3A_77 = arith.index_cast %swap3A_76 : i32 to index
    %swap3A_78 = arith.constant 0 : index
    %swap3A_79 = tpu.vector_load %arg11[%swap3A_77, %swap3A_78] {strides = array<i32>} : memref<64x16xf32, #tpu.memory_space<vmem>>, vector<16xf32>,
    tpu.vector_store %arg11[%swap3A_77, %swap3A_78], %broadcast_in_dim3A_1 {strides = array<i32>} : memref<64x16xf32, #tpu.memory_space<vmem>>, vector<16xf32>,
    %swap3A_80 = arith.constant 18 : i32
    %swap3A_81 = arith.index_cast %swap3A_80 : i32 to index
    %swap3A_82 = arith.constant 0 : index
    %swap3A_83 = tpu.vector_load %arg11[%swap3A_81, %swap3A_82] {strides = array<i32>} : memref<64x16xf32, #tpu.memory_space<vmem>>, vector<16xf32>,
    tpu.vector_store %arg11[%swap3A_81, %swap3A_82], %broadcast_in_dim3A_1 {strides = array<i32>} : memref<64x16xf32, #tpu.memory_space<vmem>>, vector<16xf32>,
    %swap3A_84 = arith.constant 19 : i32
    %swap3A_85 = arith.index_cast %swap3A_84 : i32 to index
    %swap3A_86 = arith.constant 0 : index
    %swap3A_87 = tpu.vector_load %arg11[%swap3A_85, %swap3A_86] {strides = array<i32>} : memref<64x16xf32, #tpu.memory_space<vmem>>, vector<16xf32>,
    tpu.vector_store %arg11[%swap3A_85, %swap3A_86], %broadcast_in_dim3A_1 {strides = array<i32>} : memref<64x16xf32, #tpu.memory_space<vmem>>, vector<16xf32>,
    %swap3A_88 = arith.constant 20 : i32
    %swap3A_89 = arith.index_cast %swap3A_88 : i32 to index
    %swap3A_90 = arith.constant 0 : index
    %swap3A_91 = tpu.vector_load %arg11[%swap3A_89, %swap3A_90] {strides = array<i32>} : memref<64x16xf32, #tpu.memory_space<vmem>>, vector<16xf32>,
    tpu.vector_store %arg11[%swap3A_89, %swap3A_90], %broadcast_in_dim3A_1 {strides = array<i32>} : memref<64x16xf32, #tpu.memory_space<vmem>>, vector<16xf32>,
    %swap3A_92 = arith.constant 21 : i32
    %swap3A_93 = arith.index_cast %swap3A_92 : i32 to index
    %swap3A_94 = arith.constant 0 : index
    %swap3A_95 = tpu.vector_load %arg11[%swap3A_93, %swap3A_94] {strides = array<i32>} : memref<64x16xf32, #tpu.memory_space<vmem>>, vector<16xf32>,
    tpu.vector_store %arg11[%swap3A_93, %swap3A_94], %broadcast_in_dim3A_1 {strides = array<i32>} : memref<64x16xf32, #tpu.memory_space<vmem>>, vector<16xf32>,
    %swap3A_96 = arith.constant 22 : i32
    %swap3A_97 = arith.index_cast %swap3A_96 : i32 to index
    %swap3A_98 = arith.constant 0 : index
    %swap3A_99 = tpu.vector_load %arg11[%swap3A_97, %swap3A_98] {strides = array<i32>} : memref<64x16xf32, #tpu.memory_space<vmem>>, vector<16xf32>,
    tpu.vector_store %arg11[%swap3A_97, %swap3A_98], %broadcast_in_dim3A_1 {strides = array<i32>} : memref<64x16xf32, #tpu.memory_space<vmem>>, vector<16xf32>,
    %swap3A_100 = arith.constant 23 : i32
    %swap3A_101 = arith.index_cast %swap3A_100 : i32 to index
    %swap3A_102 = arith.constant 0 : index
    %swap3A_103 = tpu.vector_load %arg11[%swap3A_101, %swap3A_102] {strides = array<i32>} : memref<64x16xf32, #tpu.memory_space<vmem>>, vector<16xf32>,
    tpu.vector_store %arg11[%swap3A_101, %swap3A_102], %broadcast_in_dim3A_1 {strides = array<i32>} : memref<64x16xf32, #tpu.memory_space<vmem>>, vector<16xf32>,
    %swap3A_104 = arith.constant 24 : i32
    %swap3A_105 = arith.index_cast %swap3A_104 : i32 to index
    %swap3A_106 = arith.constant 0 : index
    %swap3A_107 = tpu.vector_load %arg11[%swap3A_105, %swap3A_106] {strides = array<i32>} : memref<64x16xf32, #tpu.memory_space<vmem>>, vector<16xf32>,
    tpu.vector_store %arg11[%swap3A_105, %swap3A_106], %broadcast_in_dim3A_1 {strides = array<i32>} : memref<64x16xf32, #tpu.memory_space<vmem>>, vector<16xf32>,
    %swap3A_108 = arith.constant 25 : i32
    %swap3A_109 = arith.index_cast %swap3A_108 : i32 to index
    %swap3A_110 = arith.constant 0 : index
    %swap3A_111 = tpu.vector_load %arg11[%swap3A_109, %swap3A_110] {strides = array<i32>} : memref<64x16xf32, #tpu.memory_space<vmem>>, vector<16xf32>,
    tpu.vector_store %arg11[%swap3A_109, %swap3A_110], %broadcast_in_dim3A_1 {strides = array<i32>} : memref<64x16xf32, #tpu.memory_space<vmem>>, vector<16xf32>,
    %swap3A_112 = arith.constant 26 : i32
    %swap3A_113 = arith.index_cast %swap3A_112 : i32 to index
    %swap3A_114 = arith.constant 0 : index
    %swap3A_115 = tpu.vector_load %arg11[%swap3A_113, %swap3A_114] {strides = array<i32>} : memref<64x16xf32, #tpu.memory_space<vmem>>, vector<16xf32>,
    tpu.vector_store %arg11[%swap3A_113, %swap3A_114], %broadcast_in_dim3A_1 {strides = array<i32>} : memref<64x16xf32, #tpu.memory_space<vmem>>, vector<16xf32>,
    %swap3A_116 = arith.constant 27 : i32
    %swap3A_117 = arith.index_cast %swap3A_116 : i32 to index
    %swap3A_118 = arith.constant 0 : index
    %swap3A_119 = tpu.vector_load %arg11[%swap3A_117, %swap3A_118] {strides = array<i32>} : memref<64x16xf32, #tpu.memory_space<vmem>>, vector<16xf32>,
    tpu.vector_store %arg11[%swap3A_117, %swap3A_118], %broadcast_in_dim3A_1 {strides = array<i32>} : memref<64x16xf32, #tpu.memory_space<vmem>>, vector<16xf32>,
    %swap3A_120 = arith.constant 28 : i32
    %swap3A_121 = arith.index_cast %swap3A_120 : i32 to index
    %swap3A_122 = arith.constant 0 : index
    %swap3A_123 = tpu.vector_load %arg11[%swap3A_121, %swap3A_122] {strides = array<i32>} : memref<64x16xf32, #tpu.memory_space<vmem>>, vector<16xf32>,
    tpu.vector_store %arg11[%swap3A_121, %swap3A_122], %broadcast_in_dim3A_1 {strides = array<i32>} : memref<64x16xf32, #tpu.memory_space<vmem>>, vector<16xf32>,
    %swap3A_124 = arith.constant 29 : i32
    %swap3A_125 = arith.index_cast %swap3A_124 : i32 to index
    %swap3A_126 = arith.constant 0 : index
    %swap3A_127 = tpu.vector_load %arg11[%swap3A_125, %swap3A_126] {strides = array<i32>} : memref<64x16xf32, #tpu.memory_space<vmem>>, vector<16xf32>,
    tpu.vector_store %arg11[%swap3A_125, %swap3A_126], %broadcast_in_dim3A_1 {strides = array<i32>} : memref<64x16xf32, #tpu.memory_space<vmem>>, vector<16xf32>,
    %swap3A_128 = arith.constant 30 : i32
    %swap3A_129 = arith.index_cast %swap3A_128 : i32 to index
    %swap3A_130 = arith.constant 0 : index
    %swap3A_131 = tpu.vector_load %arg11[%swap3A_129, %swap3A_130] {strides = array<i32>} : memref<64x16xf32, #tpu.memory_space<vmem>>, vector<16xf32>,
    tpu.vector_store %arg11[%swap3A_129, %swap3A_130], %broadcast_in_dim3A_1 {strides = array<i32>} : memref<64x16xf32, #tpu.memory_space<vmem>>, vector<16xf32>,
    %swap3A_132 = arith.constant 31 : i32
    %swap3A_133 = arith.index_cast %swap3A_132 : i32 to index
    %swap3A_134 = arith.constant 0 : index
    %swap3A_135 = tpu.vector_load %arg11[%swap3A_133, %swap3A_134] {strides = array<i32>} : memref<64x16xf32, #tpu.memory_space<vmem>>, vector<16xf32>,
    tpu.vector_store %arg11[%swap3A_133, %swap3A_134], %broadcast_in_dim3A_1 {strides = array<i32>} : memref<64x16xf32, #tpu.memory_space<vmem>>, vector<16xf32>,
    %swap3A_136 = arith.constant 32 : i32
    %swap3A_137 = arith.index_cast %swap3A_136 : i32 to index
    %swap3A_138 = arith.constant 0 : index
    %swap3A_139 = tpu.vector_load %arg11[%swap3A_137, %swap3A_138] {strides = array<i32>} : memref<64x16xf32, #tpu.memory_space<vmem>>, vector<16xf32>,
    tpu.vector_store %arg11[%swap3A_137, %swap3A_138], %broadcast_in_dim3A_1 {strides = array<i32>} : memref<64x16xf32, #tpu.memory_space<vmem>>, vector<16xf32>,
    %swap3A_140 = arith.constant 33 : i32
    %swap3A_141 = arith.index_cast %swap3A_140 : i32 to index
    %swap3A_142 = arith.constant 0 : index
    %swap3A_143 = tpu.vector_load %arg11[%swap3A_141, %swap3A_142] {strides = array<i32>} : memref<64x16xf32, #tpu.memory_space<vmem>>, vector<16xf32>,
    tpu.vector_store %arg11[%swap3A_141, %swap3A_142], %broadcast_in_dim3A_1 {strides = array<i32>} : memref<64x16xf32, #tpu.memory_space<vmem>>, vector<16xf32>,
    %swap3A_144 = arith.constant 34 : i32
    %swap3A_145 = arith.index_cast %swap3A_144 : i32 to index
    %swap3A_146 = arith.constant 0 : index
    %swap3A_147 = tpu.vector_load %arg11[%swap3A_145, %swap3A_146] {strides = array<i32>} : memref<64x16xf32, #tpu.memory_space<vmem>>, vector<16xf32>,
    tpu.vector_store %arg11[%swap3A_145, %swap3A_146], %broadcast_in_dim3A_1 {strides = array<i32>} : memref<64x16xf32, #tpu.memory_space<vmem>>, vector<16xf32>,
    %swap3A_148 = arith.constant 35 : i32
    %swap3A_149 = arith.index_cast %swap3A_148 : i32 to index
    %swap3A_150 = arith.constant 0 : index
    %swap3A_151 = tpu.vector_load %arg11[%swap3A_149, %swap3A_150] {strides = array<i32>} : memref<64x16xf32, #tpu.memory_space<vmem>>, vector<16xf32>,
    tpu.vector_store %arg11[%swap3A_149, %swap3A_150], %broadcast_in_dim3A_1 {strides = array<i32>} : memref<64x16xf32, #tpu.memory_space<vmem>>, vector<16xf32>,
    %swap3A_152 = arith.constant 36 : i32
    %swap3A_153 = arith.index_cast %swap3A_152 : i32 to index
    %swap3A_154 = arith.constant 0 : index
    %swap3A_155 = tpu.vector_load %arg11[%swap3A_153, %swap3A_154] {strides = array<i32>} : memref<64x16xf32, #tpu.memory_space<vmem>>, vector<16xf32>,
    tpu.vector_store %arg11[%swap3A_153, %swap3A_154], %broadcast_in_dim3A_1 {strides = array<i32>} : memref<64x16xf32, #tpu.memory_space<vmem>>, vector<16xf32>,
    %swap3A_156 = arith.constant 37 : i32
    %swap3A_157 = arith.index_cast %swap3A_156 : i32 to index
    %swap3A_158 = arith.constant 0 : index
    %swap3A_159 = tpu.vector_load %arg11[%swap3A_157, %swap3A_158] {strides = array<i32>} : memref<64x16xf32, #tpu.memory_space<vmem>>, vector<16xf32>,
    tpu.vector_store %arg11[%swap3A_157, %swap3A_158], %broadcast_in_dim3A_1 {strides = array<i32>} : memref<64x16xf32, #tpu.memory_space<vmem>>, vector<16xf32>,
    %swap3A_160 = arith.constant 38 : i32
    %swap3A_161 = arith.index_cast %swap3A_160 : i32 to index
    %swap3A_162 = arith.constant 0 : index
    %swap3A_163 = tpu.vector_load %arg11[%swap3A_161, %swap3A_162] {strides = array<i32>} : memref<64x16xf32, #tpu.memory_space<vmem>>, vector<16xf32>,
    tpu.vector_store %arg11[%swap3A_161, %swap3A_162], %broadcast_in_dim3A_1 {strides = array<i32>} : memref<64x16xf32, #tpu.memory_space<vmem>>, vector<16xf32>,
    %swap3A_164 = arith.constant 39 : i32
    %swap3A_165 = arith.index_cast %swap3A_164 : i32 to index
    %swap3A_166 = arith.constant 0 : index
    %swap3A_167 = tpu.vector_load %arg11[%swap3A_165, %swap3A_166] {strides = array<i32>} : memref<64x16xf32, #tpu.memory_space<vmem>>, vector<16xf32>,
    tpu.vector_store %arg11[%swap3A_165, %swap3A_166], %broadcast_in_dim3A_1 {strides = array<i32>} : memref<64x16xf32, #tpu.memory_space<vmem>>, vector<16xf32>,
    %swap3A_168 = arith.constant 40 : i32
    %swap3A_169 = arith.index_cast %swap3A_168 : i32 to index
    %swap3A_170 = arith.constant 0 : index
    %swap3A_171 = tpu.vector_load %arg11[%swap3A_169, %swap3A_170] {strides = array<i32>} : memref<64x16xf32, #tpu.memory_space<vmem>>, vector<16xf32>,
    tpu.vector_store %arg11[%swap3A_169, %swap3A_170], %broadcast_in_dim3A_1 {strides = array<i32>} : memref<64x16xf32, #tpu.memory_space<vmem>>, vector<16xf32>,
    %swap3A_172 = arith.constant 41 : i32
    %swap3A_173 = arith.index_cast %swap3A_172 : i32 to index
    %swap3A_174 = arith.constant 0 : index
    %swap3A_175 = tpu.vector_load %arg11[%swap3A_173, %swap3A_174] {strides = array<i32>} : memref<64x16xf32, #tpu.memory_space<vmem>>, vector<16xf32>,
    tpu.vector_store %arg11[%swap3A_173, %swap3A_174], %broadcast_in_dim3A_1 {strides = array<i32>} : memref<64x16xf32, #tpu.memory_space<vmem>>, vector<16xf32>,
    %swap3A_176 = arith.constant 42 : i32
    %swap3A_177 = arith.index_cast %swap3A_176 : i32 to index
    %swap3A_178 = arith.constant 0 : index
    %swap3A_179 = tpu.vector_load %arg11[%swap3A_177, %swap3A_178] {strides = array<i32>} : memref<64x16xf32, #tpu.memory_space<vmem>>, vector<16xf32>,
    tpu.vector_store %arg11[%swap3A_177, %swap3A_178], %broadcast_in_dim3A_1 {strides = array<i32>} : memref<64x16xf32, #tpu.memory_space<vmem>>, vector<16xf32>,
    %swap3A_180 = arith.constant 43 : i32
    %swap3A_181 = arith.index_cast %swap3A_180 : i32 to index
    %swap3A_182 = arith.constant 0 : index
    %swap3A_183 = tpu.vector_load %arg11[%swap3A_181, %swap3A_182] {strides = array<i32>} : memref<64x16xf32, #tpu.memory_space<vmem>>, vector<16xf32>,
    tpu.vector_store %arg11[%swap3A_181, %swap3A_182], %broadcast_in_dim3A_1 {strides = array<i32>} : memref<64x16xf32, #tpu.memory_space<vmem>>, vector<16xf32>,
    %swap3A_184 = arith.constant 44 : i32
    %swap3A_185 = arith.index_cast %swap3A_184 : i32 to index
    %swap3A_186 = arith.constant 0 : index
    %swap3A_187 = tpu.vector_load %arg11[%swap3A_185, %swap3A_186] {strides = array<i32>} : memref<64x16xf32, #tpu.memory_space<vmem>>, vector<16xf32>,
    tpu.vector_store %arg11[%swap3A_185, %swap3A_186], %broadcast_in_dim3A_1 {strides = array<i32>} : memref<64x16xf32, #tpu.memory_space<vmem>>, vector<16xf32>,
    %swap3A_188 = arith.constant 45 : i32
    %swap3A_189 = arith.index_cast %swap3A_188 : i32 to index
    %swap3A_190 = arith.constant 0 : index
    %swap3A_191 = tpu.vector_load %arg11[%swap3A_189, %swap3A_190] {strides = array<i32>} : memref<64x16xf32, #tpu.memory_space<vmem>>, vector<16xf32>,
    tpu.vector_store %arg11[%swap3A_189, %swap3A_190], %broadcast_in_dim3A_1 {strides = array<i32>} : memref<64x16xf32, #tpu.memory_space<vmem>>, vector<16xf32>,
    %swap3A_192 = arith.constant 46 : i32
    %swap3A_193 = arith.index_cast %swap3A_192 : i32 to index
    %swap3A_194 = arith.constant 0 : index
    %swap3A_195 = tpu.vector_load %arg11[%swap3A_193, %swap3A_194] {strides = array<i32>} : memref<64x16xf32, #tpu.memory_space<vmem>>, vector<16xf32>,
    tpu.vector_store %arg11[%swap3A_193, %swap3A_194], %broadcast_in_dim3A_1 {strides = array<i32>} : memref<64x16xf32, #tpu.memory_space<vmem>>, vector<16xf32>,
    %swap3A_196 = arith.constant 47 : i32
    %swap3A_197 = arith.index_cast %swap3A_196 : i32 to index
    %swap3A_198 = arith.constant 0 : index
    %swap3A_199 = tpu.vector_load %arg11[%swap3A_197, %swap3A_198] {strides = array<i32>} : memref<64x16xf32, #tpu.memory_space<vmem>>, vector<16xf32>,
    tpu.vector_store %arg11[%swap3A_197, %swap3A_198], %broadcast_in_dim3A_1 {strides = array<i32>} : memref<64x16xf32, #tpu.memory_space<vmem>>, vector<16xf32>,
    %swap3A_200 = arith.constant 48 : i32
    %swap3A_201 = arith.index_cast %swap3A_200 : i32 to index
    %swap3A_202 = arith.constant 0 : index
    %swap3A_203 = tpu.vector_load %arg11[%swap3A_201, %swap3A_202] {strides = array<i32>} : memref<64x16xf32, #tpu.memory_space<vmem>>, vector<16xf32>,
    tpu.vector_store %arg11[%swap3A_201, %swap3A_202], %broadcast_in_dim3A_1 {strides = array<i32>} : memref<64x16xf32, #tpu.memory_space<vmem>>, vector<16xf32>,
    %swap3A_204 = arith.constant 49 : i32
    %swap3A_205 = arith.index_cast %swap3A_204 : i32 to index
    %swap3A_206 = arith.constant 0 : index
    %swap3A_207 = tpu.vector_load %arg11[%swap3A_205, %swap3A_206] {strides = array<i32>} : memref<64x16xf32, #tpu.memory_space<vmem>>, vector<16xf32>,
    tpu.vector_store %arg11[%swap3A_205, %swap3A_206], %broadcast_in_dim3A_1 {strides = array<i32>} : memref<64x16xf32, #tpu.memory_space<vmem>>, vector<16xf32>,
    %swap3A_208 = arith.constant 50 : i32
    %swap3A_209 = arith.index_cast %swap3A_208 : i32 to index
    %swap3A_210 = arith.constant 0 : index
    %swap3A_211 = tpu.vector_load %arg11[%swap3A_209, %swap3A_210] {strides = array<i32>} : memref<64x16xf32, #tpu.memory_space<vmem>>, vector<16xf32>,
    tpu.vector_store %arg11[%swap3A_209, %swap3A_210], %broadcast_in_dim3A_1 {strides = array<i32>} : memref<64x16xf32, #tpu.memory_space<vmem>>, vector<16xf32>,
    %swap3A_212 = arith.constant 51 : i32
    %swap3A_213 = arith.index_cast %swap3A_212 : i32 to index
    %swap3A_214 = arith.constant 0 : index
    %swap3A_215 = tpu.vector_load %arg11[%swap3A_213, %swap3A_214] {strides = array<i32>} : memref<64x16xf32, #tpu.memory_space<vmem>>, vector<16xf32>,
    tpu.vector_store %arg11[%swap3A_213, %swap3A_214], %broadcast_in_dim3A_1 {strides = array<i32>} : memref<64x16xf32, #tpu.memory_space<vmem>>, vector<16xf32>,
    %swap3A_216 = arith.constant 52 : i32
    %swap3A_217 = arith.index_cast %swap3A_216 : i32 to index
    %swap3A_218 = arith.constant 0 : index
    %swap3A_219 = tpu.vector_load %arg11[%swap3A_217, %swap3A_218] {strides = array<i32>} : memref<64x16xf32, #tpu.memory_space<vmem>>, vector<16xf32>,
    tpu.vector_store %arg11[%swap3A_217, %swap3A_218], %broadcast_in_dim3A_1 {strides = array<i32>} : memref<64x16xf32, #tpu.memory_space<vmem>>, vector<16xf32>,
    %swap3A_220 = arith.constant 53 : i32
    %swap3A_221 = arith.index_cast %swap3A_220 : i32 to index
    %swap3A_222 = arith.constant 0 : index
    %swap3A_223 = tpu.vector_load %arg11[%swap3A_221, %swap3A_222] {strides = array<i32>} : memref<64x16xf32, #tpu.memory_space<vmem>>, vector<16xf32>,
    tpu.vector_store %arg11[%swap3A_221, %swap3A_222], %broadcast_in_dim3A_1 {strides = array<i32>} : memref<64x16xf32, #tpu.memory_space<vmem>>, vector<16xf32>,
    %swap3A_224 = arith.constant 54 : i32
    %swap3A_225 = arith.index_cast %swap3A_224 : i32 to index
    %swap3A_226 = arith.constant 0 : index
    %swap3A_227 = tpu.vector_load %arg11[%swap3A_225, %swap3A_226] {strides = array<i32>} : memref<64x16xf32, #tpu.memory_space<vmem>>, vector<16xf32>,
    tpu.vector_store %arg11[%swap3A_225, %swap3A_226], %broadcast_in_dim3A_1 {strides = array<i32>} : memref<64x16xf32, #tpu.memory_space<vmem>>, vector<16xf32>,
    %swap3A_228 = arith.constant 55 : i32
    %swap3A_229 = arith.index_cast %swap3A_228 : i32 to index
    %swap3A_230 = arith.constant 0 : index
    %swap3A_231 = tpu.vector_load %arg11[%swap3A_229, %swap3A_230] {strides = array<i32>} : memref<64x16xf32, #tpu.memory_space<vmem>>, vector<16xf32>,
    tpu.vector_store %arg11[%swap3A_229, %swap3A_230], %broadcast_in_dim3A_1 {strides = array<i32>} : memref<64x16xf32, #tpu.memory_space<vmem>>, vector<16xf32>,
    %swap3A_232 = arith.constant 56 : i32
    %swap3A_233 = arith.index_cast %swap3A_232 : i32 to index
    %swap3A_234 = arith.constant 0 : index
    %swap3A_235 = tpu.vector_load %arg11[%swap3A_233, %swap3A_234] {strides = array<i32>} : memref<64x16xf32, #tpu.memory_space<vmem>>, vector<16xf32>,
    tpu.vector_store %arg11[%swap3A_233, %swap3A_234], %broadcast_in_dim3A_1 {strides = array<i32>} : memref<64x16xf32, #tpu.memory_space<vmem>>, vector<16xf32>,
    %swap3A_236 = arith.constant 57 : i32
    %swap3A_237 = arith.index_cast %swap3A_236 : i32 to index
    %swap3A_238 = arith.constant 0 : index
    %swap3A_239 = tpu.vector_load %arg11[%swap3A_237, %swap3A_238] {strides = array<i32>} : memref<64x16xf32, #tpu.memory_space<vmem>>, vector<16xf32>,
    tpu.vector_store %arg11[%swap3A_237, %swap3A_238], %broadcast_in_dim3A_1 {strides = array<i32>} : memref<64x16xf32, #tpu.memory_space<vmem>>, vector<16xf32>,
    %swap3A_240 = arith.constant 58 : i32
    %swap3A_241 = arith.index_cast %swap3A_240 : i32 to index
    %swap3A_242 = arith.constant 0 : index
    %swap3A_243 = tpu.vector_load %arg11[%swap3A_241, %swap3A_242] {strides = array<i32>} : memref<64x16xf32, #tpu.memory_space<vmem>>, vector<16xf32>,
    tpu.vector_store %arg11[%swap3A_241, %swap3A_242], %broadcast_in_dim3A_1 {strides = array<i32>} : memref<64x16xf32, #tpu.memory_space<vmem>>, vector<16xf32>,
    %swap3A_244 = arith.constant 59 : i32
    %swap3A_245 = arith.index_cast %swap3A_244 : i32 to index
    %swap3A_246 = arith.constant 0 : index
    %swap3A_247 = tpu.vector_load %arg11[%swap3A_245, %swap3A_246] {strides = array<i32>} : memref<64x16xf32, #tpu.memory_space<vmem>>, vector<16xf32>,
    tpu.vector_store %arg11[%swap3A_245, %swap3A_246], %broadcast_in_dim3A_1 {strides = array<i32>} : memref<64x16xf32, #tpu.memory_space<vmem>>, vector<16xf32>,
    %swap3A_248 = arith.constant 60 : i32
    %swap3A_249 = arith.index_cast %swap3A_248 : i32 to index
    %swap3A_250 = arith.constant 0 : index
    %swap3A_251 = tpu.vector_load %arg11[%swap3A_249, %swap3A_250] {strides = array<i32>} : memref<64x16xf32, #tpu.memory_space<vmem>>, vector<16xf32>,
    tpu.vector_store %arg11[%swap3A_249, %swap3A_250], %broadcast_in_dim3A_1 {strides = array<i32>} : memref<64x16xf32, #tpu.memory_space<vmem>>, vector<16xf32>,
    %swap3A_252 = arith.constant 61 : i32
    %swap3A_253 = arith.index_cast %swap3A_252 : i32 to index
    %swap3A_254 = arith.constant 0 : index
    %swap3A_255 = tpu.vector_load %arg11[%swap3A_253, %swap3A_254] {strides = array<i32>} : memref<64x16xf32, #tpu.memory_space<vmem>>, vector<16xf32>,
    tpu.vector_store %arg11[%swap3A_253, %swap3A_254], %broadcast_in_dim3A_1 {strides = array<i32>} : memref<64x16xf32, #tpu.memory_space<vmem>>, vector<16xf32>,
    %swap3A_256 = arith.constant 62 : i32
    %swap3A_257 = arith.index_cast %swap3A_256 : i32 to index
    %swap3A_258 = arith.constant 0 : index
    %swap3A_259 = tpu.vector_load %arg11[%swap3A_257, %swap3A_258] {strides = array<i32>} : memref<64x16xf32, #tpu.memory_space<vmem>>, vector<16xf32>,
    tpu.vector_store %arg11[%swap3A_257, %swap3A_258], %broadcast_in_dim3A_1 {strides = array<i32>} : memref<64x16xf32, #tpu.memory_space<vmem>>, vector<16xf32>,
    %swap3A_260 = arith.constant 63 : i32
    %swap3A_261 = arith.index_cast %swap3A_260 : i32 to index
    %swap3A_262 = arith.constant 0 : index
    %swap3A_263 = tpu.vector_load %arg11[%swap3A_261, %swap3A_262] {strides = array<i32>} : memref<64x16xf32, #tpu.memory_space<vmem>>, vector<16xf32>,
    tpu.vector_store %arg11[%swap3A_261, %swap3A_262], %broadcast_in_dim3A_1 {strides = array<i32>} : memref<64x16xf32, #tpu.memory_space<vmem>>, vector<16xf32>,
    %add3A_264 = arith.constant 0 : i32
    %add3A_265 = arith.addi %multiple_of3A, %add3A_264 : i32
    %dma_start3A = tpu.memref_slice %arg2[%add3A_265] : memref<3200000xf32, #tpu.memory_space<hbm>> -> memref<4000xf32, #tpu.memory_space<hbm>>
    %dma_start3A_266 = tpu.memref_slice %arg2[%add3A_265] : memref<3200000xf32, #tpu.memory_space<hbm>> -> memref<4000xf32, #tpu.memory_space<hbm>>
    tpu.enqueue_dma source(%dma_start3A_266 : memref<4000xf32, #tpu.memory_space<hbm>>) target(%arg7 : memref<4000xf32, #tpu.memory_space<vmem>>) target_semaphore(%arg13 : memref<!tpu.dma_semaphore, #tpu.memory_space<semaphore_mem>>)
    %add3A_267 = arith.constant 0 : i32
    %add3A_268 = arith.addi %multiple_of3A_8, %add3A_267 : i32
    %dma_start3A_269 = tpu.memref_slice %arg3[%add3A_268] : memref<6400000xi32, #tpu.memory_space<hbm>> -> memref<4000xi32, #tpu.memory_space<hbm>>
    %dma_start3A_270 = tpu.memref_slice %arg3[%add3A_268] : memref<6400000xi32, #tpu.memory_space<hbm>> -> memref<4000xi32, #tpu.memory_space<hbm>>
    tpu.enqueue_dma source(%dma_start3A_270 : memref<4000xi32, #tpu.memory_space<hbm>>) target(%arg8 : memref<4000xi32, #tpu.memory_space<vmem>>) target_semaphore(%arg14 : memref<!tpu.dma_semaphore, #tpu.memory_space<semaphore_mem>>)
    %scan3A = arith.constant 0 : i32
    %scan3A_271 = arith.constant 0 : i32
    %scan3A_272 = arith.constant 12 : i32
    %scan3A_273 = arith.addi %scan3A_271, %scan3A_272 : i32
    %scan3A_274 = arith.constant 1 : i32
    scf.for %scan3A_1121 = %scan3A_271 to %scan3A_273 step %scan3A_274  : i32 {
      %mul3A_1122 = arith.constant 2 : i32
      %mul3A_1123 = arith.muli %scan3A_1121, %mul3A_1122 : i32
      %add3A_1124 = arith.constant 1 : i32
      %add3A_1125 = arith.addi %mul3A_1123, %add3A_1124 : i32
      %mul3A_1126 = arith.constant 4000 : i32
      %mul3A_1127 = arith.muli %add3A_1125, %mul3A_1126 : i32
      %add3A_1128 = arith.addi %multiple_of3A, %mul3A_1127 : i32
      %dma_start3A_1129 = tpu.memref_slice %arg2[%add3A_1128] : memref<3200000xf32, #tpu.memory_space<hbm>> -> memref<4000xf32, #tpu.memory_space<hbm>>
      %dma_start3A_1130 = tpu.memref_slice %arg2[%add3A_1128] : memref<3200000xf32, #tpu.memory_space<hbm>> -> memref<4000xf32, #tpu.memory_space<hbm>>
      tpu.enqueue_dma source(%dma_start3A_1130 : memref<4000xf32, #tpu.memory_space<hbm>>) target(%arg9 : memref<4000xf32, #tpu.memory_space<vmem>>) target_semaphore(%arg15 : memref<!tpu.dma_semaphore, #tpu.memory_space<semaphore_mem>>)
      %add3A_1131 = arith.addi %multiple_of3A_8, %mul3A_1127 : i32
      %dma_start3A_1132 = tpu.memref_slice %arg3[%add3A_1131] : memref<6400000xi32, #tpu.memory_space<hbm>> -> memref<4000xi32, #tpu.memory_space<hbm>>
      %dma_start3A_1133 = tpu.memref_slice %arg3[%add3A_1131] : memref<6400000xi32, #tpu.memory_space<hbm>> -> memref<4000xi32, #tpu.memory_space<hbm>>
      tpu.enqueue_dma source(%dma_start3A_1133 : memref<4000xi32, #tpu.memory_space<hbm>>) target(%arg10 : memref<4000xi32, #tpu.memory_space<vmem>>) target_semaphore(%arg16 : memref<!tpu.dma_semaphore, #tpu.memory_space<semaphore_mem>>)
      %mul3A_1134 = arith.constant 4000 : i32
      %mul3A_1135 = arith.muli %mul3A_1123, %mul3A_1134 : i32
      %add3A_1136 = arith.addi %multiple_of3A, %mul3A_1135 : i32
      %dma_wait3A_1137 = tpu.memref_slice %arg2[%add3A_1136] : memref<3200000xf32, #tpu.memory_space<hbm>> -> memref<4000xf32, #tpu.memory_space<hbm>>
      %dma_wait3A_1138 = tpu.memref_slice %arg2[%add3A_1136] : memref<3200000xf32, #tpu.memory_space<hbm>> -> memref<4000xf32, #tpu.memory_space<hbm>>
      tpu.wait_dma2 semaphore(%arg13 : memref<!tpu.dma_semaphore, #tpu.memory_space<semaphore_mem>>) src(%dma_wait3A_1138 : memref<4000xf32, #tpu.memory_space<hbm>>) dst(%arg7 : memref<4000xf32, #tpu.memory_space<vmem>>)
      %add3A_1139 = arith.addi %multiple_of3A_8, %mul3A_1135 : i32
      %dma_wait3A_1140 = tpu.memref_slice %arg3[%add3A_1139] : memref<6400000xi32, #tpu.memory_space<hbm>> -> memref<4000xi32, #tpu.memory_space<hbm>>
      %dma_wait3A_1141 = tpu.memref_slice %arg3[%add3A_1139] : memref<6400000xi32, #tpu.memory_space<hbm>> -> memref<4000xi32, #tpu.memory_space<hbm>>
      tpu.wait_dma2 semaphore(%arg14 : memref<!tpu.dma_semaphore, #tpu.memory_space<semaphore_mem>>) src(%dma_wait3A_1141 : memref<4000xi32, #tpu.memory_space<hbm>>) dst(%arg8 : memref<4000xi32, #tpu.memory_space<vmem>>)
      %parallel_loop3A_1142 = arith.constant 0 : i32
      %parallel_loop3A_1143 = arith.constant 4000 : i32
      %parallel_loop3A_1144 = arith.constant 16 : i32
      scf.for %parallel_loop3A_1162 = %parallel_loop3A_1142 to %parallel_loop3A_1143 step %parallel_loop3A_1144  : i32 {
        %parallel_loop3A_1163 = arith.index_cast %parallel_loop3A_1162 : i32 to index
        %parallel_loop3A_1164 = tpu.vector_load %arg8[%parallel_loop3A_1163] {strides = array<i32>} : memref<4000xi32, #tpu.memory_space<vmem>>, vector<16xi32>,
        %parallel_loop3A_1165 = arith.index_cast %parallel_loop3A_1162 : i32 to index
        %parallel_loop3A_1166 = tpu.vector_load %arg7[%parallel_loop3A_1165] {strides = array<i32>} : memref<4000xf32, #tpu.memory_space<vmem>>, vector<16xf32>,
        %parallel_loop3A_1167 = tpu.vector_load_idx %arg6[%parallel_loop3A_1164] : memref<100000xi32, #tpu.memory_space<vmem>>[vector<16xi32>], vector<16xi32>,
        tpu.vector_store_idx %arg11[%parallel_loop3A_1167, %iota3A], %parallel_loop3A_1166 {add = true} : memref<64x16xf32, #tpu.memory_space<vmem>>[vector<16xi32>, vector<16xi32>], vector<16xf32>,
      } {sc.loop_unroll_factor = 4 : i64, sc.parallel_access}
      %add3A_1145 = arith.constant 2 : i32
      %add3A_1146 = arith.addi %mul3A_1123, %add3A_1145 : i32
      %lt3A = arith.constant 25 : i32
      %lt3A_1147 = arith.cmpi slt, %add3A_1146, %lt3A : i32
      %convert_element_type3A = arith.extui %lt3A_1147 : i1 to i32
      %cond3A = arith.constant 0 : i32
      %cond3A_1148 = arith.cmpi ne, %convert_element_type3A, %cond3A : i32
      scf.if %cond3A_1148 {
        %add3A_1162 = arith.constant 2 : i32
        %add3A_1163 = arith.addi %mul3A_1123, %add3A_1162 : i32
        %mul3A_1164 = arith.constant 4000 : i32
        %mul3A_1165 = arith.muli %add3A_1163, %mul3A_1164 : i32
        %add3A_1166 = arith.addi %multiple_of3A, %mul3A_1165 : i32
        %dma_start3A_1167 = tpu.memref_slice %arg2[%add3A_1166] : memref<3200000xf32, #tpu.memory_space<hbm>> -> memref<4000xf32, #tpu.memory_space<hbm>>
        %dma_start3A_1168 = tpu.memref_slice %arg2[%add3A_1166] : memref<3200000xf32, #tpu.memory_space<hbm>> -> memref<4000xf32, #tpu.memory_space<hbm>>
        tpu.enqueue_dma source(%dma_start3A_1168 : memref<4000xf32, #tpu.memory_space<hbm>>) target(%arg7 : memref<4000xf32, #tpu.memory_space<vmem>>) target_semaphore(%arg13 : memref<!tpu.dma_semaphore, #tpu.memory_space<semaphore_mem>>)
        %add3A_1169 = arith.addi %multiple_of3A_8, %mul3A_1165 : i32
        %dma_start3A_1170 = tpu.memref_slice %arg3[%add3A_1169] : memref<6400000xi32, #tpu.memory_space<hbm>> -> memref<4000xi32, #tpu.memory_space<hbm>>
        %dma_start3A_1171 = tpu.memref_slice %arg3[%add3A_1169] : memref<6400000xi32, #tpu.memory_space<hbm>> -> memref<4000xi32, #tpu.memory_space<hbm>>
        tpu.enqueue_dma source(%dma_start3A_1171 : memref<4000xi32, #tpu.memory_space<hbm>>) target(%arg8 : memref<4000xi32, #tpu.memory_space<vmem>>) target_semaphore(%arg14 : memref<!tpu.dma_semaphore, #tpu.memory_space<semaphore_mem>>)
      } else {
      }
      %add3A_1149 = arith.constant 1 : i32
      %add3A_1150 = arith.addi %mul3A_1123, %add3A_1149 : i32
      %mul3A_1151 = arith.constant 4000 : i32
      %mul3A_1152 = arith.muli %add3A_1150, %mul3A_1151 : i32
      %add3A_1153 = arith.addi %multiple_of3A, %mul3A_1152 : i32
      %dma_wait3A_1154 = tpu.memref_slice %arg2[%add3A_1153] : memref<3200000xf32, #tpu.memory_space<hbm>> -> memref<4000xf32, #tpu.memory_space<hbm>>
      %dma_wait3A_1155 = tpu.memref_slice %arg2[%add3A_1153] : memref<3200000xf32, #tpu.memory_space<hbm>> -> memref<4000xf32, #tpu.memory_space<hbm>>
      tpu.wait_dma2 semaphore(%arg15 : memref<!tpu.dma_semaphore, #tpu.memory_space<semaphore_mem>>) src(%dma_wait3A_1155 : memref<4000xf32, #tpu.memory_space<hbm>>) dst(%arg9 : memref<4000xf32, #tpu.memory_space<vmem>>)
      %add3A_1156 = arith.addi %multiple_of3A_8, %mul3A_1152 : i32
      %dma_wait3A_1157 = tpu.memref_slice %arg3[%add3A_1156] : memref<6400000xi32, #tpu.memory_space<hbm>> -> memref<4000xi32, #tpu.memory_space<hbm>>
      %dma_wait3A_1158 = tpu.memref_slice %arg3[%add3A_1156] : memref<6400000xi32, #tpu.memory_space<hbm>> -> memref<4000xi32, #tpu.memory_space<hbm>>
      tpu.wait_dma2 semaphore(%arg16 : memref<!tpu.dma_semaphore, #tpu.memory_space<semaphore_mem>>) src(%dma_wait3A_1158 : memref<4000xi32, #tpu.memory_space<hbm>>) dst(%arg10 : memref<4000xi32, #tpu.memory_space<vmem>>)
      %parallel_loop3A_1159 = arith.constant 0 : i32
      %parallel_loop3A_1160 = arith.constant 4000 : i32
      %parallel_loop3A_1161 = arith.constant 16 : i32
      scf.for %parallel_loop3A_1162 = %parallel_loop3A_1159 to %parallel_loop3A_1160 step %parallel_loop3A_1161  : i32 {
        %parallel_loop3A_1163 = arith.index_cast %parallel_loop3A_1162 : i32 to index
        %parallel_loop3A_1164 = tpu.vector_load %arg10[%parallel_loop3A_1163] {strides = array<i32>} : memref<4000xi32, #tpu.memory_space<vmem>>, vector<16xi32>,
        %parallel_loop3A_1165 = arith.index_cast %parallel_loop3A_1162 : i32 to index
        %parallel_loop3A_1166 = tpu.vector_load %arg9[%parallel_loop3A_1165] {strides = array<i32>} : memref<4000xf32, #tpu.memory_space<vmem>>, vector<16xf32>,
        %parallel_loop3A_1167 = tpu.vector_load_idx %arg6[%parallel_loop3A_1164] : memref<100000xi32, #tpu.memory_space<vmem>>[vector<16xi32>], vector<16xi32>,
        tpu.vector_store_idx %arg11[%parallel_loop3A_1167, %iota3A], %parallel_loop3A_1166 {add = true} : memref<64x16xf32, #tpu.memory_space<vmem>>[vector<16xi32>, vector<16xi32>], vector<16xf32>,
      } {sc.loop_unroll_factor = 4 : i64, sc.parallel_access}
    }
    %scan3A_275 = arith.constant 12 : i32
    %add3A_276 = arith.constant 96000 : i32
    %add3A_277 = arith.addi %multiple_of3A, %add3A_276 : i32
    %dma_wait3A = tpu.memref_slice %arg2[%add3A_277] : memref<3200000xf32, #tpu.memory_space<hbm>> -> memref<4000xf32, #tpu.memory_space<hbm>>
    %dma_wait3A_278 = tpu.memref_slice %arg2[%add3A_277] : memref<3200000xf32, #tpu.memory_space<hbm>> -> memref<4000xf32, #tpu.memory_space<hbm>>
    tpu.wait_dma2 semaphore(%arg13 : memref<!tpu.dma_semaphore, #tpu.memory_space<semaphore_mem>>) src(%dma_wait3A_278 : memref<4000xf32, #tpu.memory_space<hbm>>) dst(%arg7 : memref<4000xf32, #tpu.memory_space<vmem>>)
    %add3A_279 = arith.constant 96000 : i32
    %add3A_280 = arith.addi %multiple_of3A_8, %add3A_279 : i32
    %dma_wait3A_281 = tpu.memref_slice %arg3[%add3A_280] : memref<6400000xi32, #tpu.memory_space<hbm>> -> memref<4000xi32, #tpu.memory_space<hbm>>
    %dma_wait3A_282 = tpu.memref_slice %arg3[%add3A_280] : memref<6400000xi32, #tpu.memory_space<hbm>> -> memref<4000xi32, #tpu.memory_space<hbm>>
    tpu.wait_dma2 semaphore(%arg14 : memref<!tpu.dma_semaphore, #tpu.memory_space<semaphore_mem>>) src(%dma_wait3A_282 : memref<4000xi32, #tpu.memory_space<hbm>>) dst(%arg8 : memref<4000xi32, #tpu.memory_space<vmem>>)
    %parallel_loop3A = arith.constant 0 : i32
    %parallel_loop3A_283 = arith.constant 4000 : i32
    %parallel_loop3A_284 = arith.constant 16 : i32
    scf.for %parallel_loop3A_1121 = %parallel_loop3A to %parallel_loop3A_283 step %parallel_loop3A_284  : i32 {
      %parallel_loop3A_1122 = arith.index_cast %parallel_loop3A_1121 : i32 to index
      %parallel_loop3A_1123 = tpu.vector_load %arg8[%parallel_loop3A_1122] {strides = array<i32>} : memref<4000xi32, #tpu.memory_space<vmem>>, vector<16xi32>,
      %parallel_loop3A_1124 = arith.index_cast %parallel_loop3A_1121 : i32 to index
      %parallel_loop3A_1125 = tpu.vector_load %arg7[%parallel_loop3A_1124] {strides = array<i32>} : memref<4000xf32, #tpu.memory_space<vmem>>, vector<16xf32>,
      %parallel_loop3A_1126 = tpu.vector_load_idx %arg6[%parallel_loop3A_1123] : memref<100000xi32, #tpu.memory_space<vmem>>[vector<16xi32>], vector<16xi32>,
      tpu.vector_store_idx %arg11[%parallel_loop3A_1126, %iota3A], %parallel_loop3A_1125 {add = true} : memref<64x16xf32, #tpu.memory_space<vmem>>[vector<16xi32>, vector<16xi32>], vector<16xf32>,
    } {sc.loop_unroll_factor = 4 : i64, sc.parallel_access}
    %get3A = arith.constant 0 : i32
    %get3A_285 = arith.index_cast %get3A : i32 to index
    %get3A_286 = arith.constant 0 : index
    %get3A_287 = tpu.vector_load %arg11[%get3A_285, %get3A_286] {strides = array<i32>} : memref<64x16xf32, #tpu.memory_space<vmem>>, vector<16xf32>,
    %reduce_sum3A = arith.constant true
    %reduce_sum3A_288 = vector.broadcast %reduce_sum3A : i1 to vector<16xi1>
    %reduce_sum3A_289 = tpu.scan <sum>, %get3A_287 masked %reduce_sum3A_288 : vector<16xf32>, vector<16xi1> -> vector<16xf32>
    %reduce_sum3A_290 = vector.extract %reduce_sum3A_289[15] : f32 from vector<16xf32>
    %eq3A = arith.constant 0 : i32
    %eq3A_291 = vector.broadcast %eq3A : i32 to vector<16xi32>
    %eq3A_292 = arith.cmpi eq, %iota3A, %eq3A_291 : vector<16xi32>
    %broadcast_in_dim3A_293 = vector.broadcast %reduce_sum3A_290 : f32 to vector<16xf32>
    %select_n3A = arith.select %eq3A_292, %broadcast_in_dim3A_293, %broadcast_in_dim3A_1 : vector<16xi1>, vector<16xf32>
    %get3A_294 = arith.constant 1 : i32
    %get3A_295 = arith.index_cast %get3A_294 : i32 to index
    %get3A_296 = arith.constant 0 : index
    %get3A_297 = tpu.vector_load %arg11[%get3A_295, %get3A_296] {strides = array<i32>} : memref<64x16xf32, #tpu.memory_space<vmem>>, vector<16xf32>,
    %reduce_sum3A_298 = arith.constant true
    %reduce_sum3A_299 = vector.broadcast %reduce_sum3A_298 : i1 to vector<16xi1>
    %reduce_sum3A_300 = tpu.scan <sum>, %get3A_297 masked %reduce_sum3A_299 : vector<16xf32>, vector<16xi1> -> vector<16xf32>
    %reduce_sum3A_301 = vector.extract %reduce_sum3A_300[15] : f32 from vector<16xf32>
    %eq3A_302 = arith.constant 1 : i32
    %eq3A_303 = vector.broadcast %eq3A_302 : i32 to vector<16xi32>
    %eq3A_304 = arith.cmpi eq, %iota3A, %eq3A_303 : vector<16xi32>
    %broadcast_in_dim3A_305 = vector.broadcast %reduce_sum3A_301 : f32 to vector<16xf32>
    %select_n3A_306 = arith.select %eq3A_304, %broadcast_in_dim3A_305, %select_n3A : vector<16xi1>, vector<16xf32>
    %get3A_307 = arith.constant 2 : i32
    %get3A_308 = arith.index_cast %get3A_307 : i32 to index
    %get3A_309 = arith.constant 0 : index
    %get3A_310 = tpu.vector_load %arg11[%get3A_308, %get3A_309] {strides = array<i32>} : memref<64x16xf32, #tpu.memory_space<vmem>>, vector<16xf32>,
    %reduce_sum3A_311 = arith.constant true
    %reduce_sum3A_312 = vector.broadcast %reduce_sum3A_311 : i1 to vector<16xi1>
    %reduce_sum3A_313 = tpu.scan <sum>, %get3A_310 masked %reduce_sum3A_312 : vector<16xf32>, vector<16xi1> -> vector<16xf32>
    %reduce_sum3A_314 = vector.extract %reduce_sum3A_313[15] : f32 from vector<16xf32>
    %eq3A_315 = arith.constant 2 : i32
    %eq3A_316 = vector.broadcast %eq3A_315 : i32 to vector<16xi32>
    %eq3A_317 = arith.cmpi eq, %iota3A, %eq3A_316 : vector<16xi32>
    %broadcast_in_dim3A_318 = vector.broadcast %reduce_sum3A_314 : f32 to vector<16xf32>
    %select_n3A_319 = arith.select %eq3A_317, %broadcast_in_dim3A_318, %select_n3A_306 : vector<16xi1>, vector<16xf32>
    %get3A_320 = arith.constant 3 : i32
    %get3A_321 = arith.index_cast %get3A_320 : i32 to index
    %get3A_322 = arith.constant 0 : index
    %get3A_323 = tpu.vector_load %arg11[%get3A_321, %get3A_322] {strides = array<i32>} : memref<64x16xf32, #tpu.memory_space<vmem>>, vector<16xf32>,
    %reduce_sum3A_324 = arith.constant true
    %reduce_sum3A_325 = vector.broadcast %reduce_sum3A_324 : i1 to vector<16xi1>
    %reduce_sum3A_326 = tpu.scan <sum>, %get3A_323 masked %reduce_sum3A_325 : vector<16xf32>, vector<16xi1> -> vector<16xf32>
    %reduce_sum3A_327 = vector.extract %reduce_sum3A_326[15] : f32 from vector<16xf32>
    %eq3A_328 = arith.constant 3 : i32
    %eq3A_329 = vector.broadcast %eq3A_328 : i32 to vector<16xi32>
    %eq3A_330 = arith.cmpi eq, %iota3A, %eq3A_329 : vector<16xi32>
    %broadcast_in_dim3A_331 = vector.broadcast %reduce_sum3A_327 : f32 to vector<16xf32>
    %select_n3A_332 = arith.select %eq3A_330, %broadcast_in_dim3A_331, %select_n3A_319 : vector<16xi1>, vector<16xf32>
    %get3A_333 = arith.constant 4 : i32
    %get3A_334 = arith.index_cast %get3A_333 : i32 to index
    %get3A_335 = arith.constant 0 : index
    %get3A_336 = tpu.vector_load %arg11[%get3A_334, %get3A_335] {strides = array<i32>} : memref<64x16xf32, #tpu.memory_space<vmem>>, vector<16xf32>,
    %reduce_sum3A_337 = arith.constant true
    %reduce_sum3A_338 = vector.broadcast %reduce_sum3A_337 : i1 to vector<16xi1>
    %reduce_sum3A_339 = tpu.scan <sum>, %get3A_336 masked %reduce_sum3A_338 : vector<16xf32>, vector<16xi1> -> vector<16xf32>
    %reduce_sum3A_340 = vector.extract %reduce_sum3A_339[15] : f32 from vector<16xf32>
    %eq3A_341 = arith.constant 4 : i32
    %eq3A_342 = vector.broadcast %eq3A_341 : i32 to vector<16xi32>
    %eq3A_343 = arith.cmpi eq, %iota3A, %eq3A_342 : vector<16xi32>
    %broadcast_in_dim3A_344 = vector.broadcast %reduce_sum3A_340 : f32 to vector<16xf32>
    %select_n3A_345 = arith.select %eq3A_343, %broadcast_in_dim3A_344, %select_n3A_332 : vector<16xi1>, vector<16xf32>
    %get3A_346 = arith.constant 5 : i32
    %get3A_347 = arith.index_cast %get3A_346 : i32 to index
    %get3A_348 = arith.constant 0 : index
    %get3A_349 = tpu.vector_load %arg11[%get3A_347, %get3A_348] {strides = array<i32>} : memref<64x16xf32, #tpu.memory_space<vmem>>, vector<16xf32>,
    %reduce_sum3A_350 = arith.constant true
    %reduce_sum3A_351 = vector.broadcast %reduce_sum3A_350 : i1 to vector<16xi1>
    %reduce_sum3A_352 = tpu.scan <sum>, %get3A_349 masked %reduce_sum3A_351 : vector<16xf32>, vector<16xi1> -> vector<16xf32>
    %reduce_sum3A_353 = vector.extract %reduce_sum3A_352[15] : f32 from vector<16xf32>
    %eq3A_354 = arith.constant 5 : i32
    %eq3A_355 = vector.broadcast %eq3A_354 : i32 to vector<16xi32>
    %eq3A_356 = arith.cmpi eq, %iota3A, %eq3A_355 : vector<16xi32>
    %broadcast_in_dim3A_357 = vector.broadcast %reduce_sum3A_353 : f32 to vector<16xf32>
    %select_n3A_358 = arith.select %eq3A_356, %broadcast_in_dim3A_357, %select_n3A_345 : vector<16xi1>, vector<16xf32>
    %get3A_359 = arith.constant 6 : i32
    %get3A_360 = arith.index_cast %get3A_359 : i32 to index
    %get3A_361 = arith.constant 0 : index
    %get3A_362 = tpu.vector_load %arg11[%get3A_360, %get3A_361] {strides = array<i32>} : memref<64x16xf32, #tpu.memory_space<vmem>>, vector<16xf32>,
    %reduce_sum3A_363 = arith.constant true
    %reduce_sum3A_364 = vector.broadcast %reduce_sum3A_363 : i1 to vector<16xi1>
    %reduce_sum3A_365 = tpu.scan <sum>, %get3A_362 masked %reduce_sum3A_364 : vector<16xf32>, vector<16xi1> -> vector<16xf32>
    %reduce_sum3A_366 = vector.extract %reduce_sum3A_365[15] : f32 from vector<16xf32>
    %eq3A_367 = arith.constant 6 : i32
    %eq3A_368 = vector.broadcast %eq3A_367 : i32 to vector<16xi32>
    %eq3A_369 = arith.cmpi eq, %iota3A, %eq3A_368 : vector<16xi32>
    %broadcast_in_dim3A_370 = vector.broadcast %reduce_sum3A_366 : f32 to vector<16xf32>
    %select_n3A_371 = arith.select %eq3A_369, %broadcast_in_dim3A_370, %select_n3A_358 : vector<16xi1>, vector<16xf32>
    %get3A_372 = arith.constant 7 : i32
    %get3A_373 = arith.index_cast %get3A_372 : i32 to index
    %get3A_374 = arith.constant 0 : index
    %get3A_375 = tpu.vector_load %arg11[%get3A_373, %get3A_374] {strides = array<i32>} : memref<64x16xf32, #tpu.memory_space<vmem>>, vector<16xf32>,
    %reduce_sum3A_376 = arith.constant true
    %reduce_sum3A_377 = vector.broadcast %reduce_sum3A_376 : i1 to vector<16xi1>
    %reduce_sum3A_378 = tpu.scan <sum>, %get3A_375 masked %reduce_sum3A_377 : vector<16xf32>, vector<16xi1> -> vector<16xf32>
    %reduce_sum3A_379 = vector.extract %reduce_sum3A_378[15] : f32 from vector<16xf32>
    %eq3A_380 = arith.constant 7 : i32
    %eq3A_381 = vector.broadcast %eq3A_380 : i32 to vector<16xi32>
    %eq3A_382 = arith.cmpi eq, %iota3A, %eq3A_381 : vector<16xi32>
    %broadcast_in_dim3A_383 = vector.broadcast %reduce_sum3A_379 : f32 to vector<16xf32>
    %select_n3A_384 = arith.select %eq3A_382, %broadcast_in_dim3A_383, %select_n3A_371 : vector<16xi1>, vector<16xf32>
    %get3A_385 = arith.constant 8 : i32
    %get3A_386 = arith.index_cast %get3A_385 : i32 to index
    %get3A_387 = arith.constant 0 : index
    %get3A_388 = tpu.vector_load %arg11[%get3A_386, %get3A_387] {strides = array<i32>} : memref<64x16xf32, #tpu.memory_space<vmem>>, vector<16xf32>,
    %reduce_sum3A_389 = arith.constant true
    %reduce_sum3A_390 = vector.broadcast %reduce_sum3A_389 : i1 to vector<16xi1>
    %reduce_sum3A_391 = tpu.scan <sum>, %get3A_388 masked %reduce_sum3A_390 : vector<16xf32>, vector<16xi1> -> vector<16xf32>
    %reduce_sum3A_392 = vector.extract %reduce_sum3A_391[15] : f32 from vector<16xf32>
    %eq3A_393 = arith.constant 8 : i32
    %eq3A_394 = vector.broadcast %eq3A_393 : i32 to vector<16xi32>
    %eq3A_395 = arith.cmpi eq, %iota3A, %eq3A_394 : vector<16xi32>
    %broadcast_in_dim3A_396 = vector.broadcast %reduce_sum3A_392 : f32 to vector<16xf32>
    %select_n3A_397 = arith.select %eq3A_395, %broadcast_in_dim3A_396, %select_n3A_384 : vector<16xi1>, vector<16xf32>
    %get3A_398 = arith.constant 9 : i32
    %get3A_399 = arith.index_cast %get3A_398 : i32 to index
    %get3A_400 = arith.constant 0 : index
    %get3A_401 = tpu.vector_load %arg11[%get3A_399, %get3A_400] {strides = array<i32>} : memref<64x16xf32, #tpu.memory_space<vmem>>, vector<16xf32>,
    %reduce_sum3A_402 = arith.constant true
    %reduce_sum3A_403 = vector.broadcast %reduce_sum3A_402 : i1 to vector<16xi1>
    %reduce_sum3A_404 = tpu.scan <sum>, %get3A_401 masked %reduce_sum3A_403 : vector<16xf32>, vector<16xi1> -> vector<16xf32>
    %reduce_sum3A_405 = vector.extract %reduce_sum3A_404[15] : f32 from vector<16xf32>
    %eq3A_406 = arith.constant 9 : i32
    %eq3A_407 = vector.broadcast %eq3A_406 : i32 to vector<16xi32>
    %eq3A_408 = arith.cmpi eq, %iota3A, %eq3A_407 : vector<16xi32>
    %broadcast_in_dim3A_409 = vector.broadcast %reduce_sum3A_405 : f32 to vector<16xf32>
    %select_n3A_410 = arith.select %eq3A_408, %broadcast_in_dim3A_409, %select_n3A_397 : vector<16xi1>, vector<16xf32>
    %get3A_411 = arith.constant 10 : i32
    %get3A_412 = arith.index_cast %get3A_411 : i32 to index
    %get3A_413 = arith.constant 0 : index
    %get3A_414 = tpu.vector_load %arg11[%get3A_412, %get3A_413] {strides = array<i32>} : memref<64x16xf32, #tpu.memory_space<vmem>>, vector<16xf32>,
    %reduce_sum3A_415 = arith.constant true
    %reduce_sum3A_416 = vector.broadcast %reduce_sum3A_415 : i1 to vector<16xi1>
    %reduce_sum3A_417 = tpu.scan <sum>, %get3A_414 masked %reduce_sum3A_416 : vector<16xf32>, vector<16xi1> -> vector<16xf32>
    %reduce_sum3A_418 = vector.extract %reduce_sum3A_417[15] : f32 from vector<16xf32>
    %eq3A_419 = arith.constant 10 : i32
    %eq3A_420 = vector.broadcast %eq3A_419 : i32 to vector<16xi32>
    %eq3A_421 = arith.cmpi eq, %iota3A, %eq3A_420 : vector<16xi32>
    %broadcast_in_dim3A_422 = vector.broadcast %reduce_sum3A_418 : f32 to vector<16xf32>
    %select_n3A_423 = arith.select %eq3A_421, %broadcast_in_dim3A_422, %select_n3A_410 : vector<16xi1>, vector<16xf32>
    %get3A_424 = arith.constant 11 : i32
    %get3A_425 = arith.index_cast %get3A_424 : i32 to index
    %get3A_426 = arith.constant 0 : index
    %get3A_427 = tpu.vector_load %arg11[%get3A_425, %get3A_426] {strides = array<i32>} : memref<64x16xf32, #tpu.memory_space<vmem>>, vector<16xf32>,
    %reduce_sum3A_428 = arith.constant true
    %reduce_sum3A_429 = vector.broadcast %reduce_sum3A_428 : i1 to vector<16xi1>
    %reduce_sum3A_430 = tpu.scan <sum>, %get3A_427 masked %reduce_sum3A_429 : vector<16xf32>, vector<16xi1> -> vector<16xf32>
    %reduce_sum3A_431 = vector.extract %reduce_sum3A_430[15] : f32 from vector<16xf32>
    %eq3A_432 = arith.constant 11 : i32
    %eq3A_433 = vector.broadcast %eq3A_432 : i32 to vector<16xi32>
    %eq3A_434 = arith.cmpi eq, %iota3A, %eq3A_433 : vector<16xi32>
    %broadcast_in_dim3A_435 = vector.broadcast %reduce_sum3A_431 : f32 to vector<16xf32>
    %select_n3A_436 = arith.select %eq3A_434, %broadcast_in_dim3A_435, %select_n3A_423 : vector<16xi1>, vector<16xf32>
    %get3A_437 = arith.constant 12 : i32
    %get3A_438 = arith.index_cast %get3A_437 : i32 to index
    %get3A_439 = arith.constant 0 : index
    %get3A_440 = tpu.vector_load %arg11[%get3A_438, %get3A_439] {strides = array<i32>} : memref<64x16xf32, #tpu.memory_space<vmem>>, vector<16xf32>,
    %reduce_sum3A_441 = arith.constant true
    %reduce_sum3A_442 = vector.broadcast %reduce_sum3A_441 : i1 to vector<16xi1>
    %reduce_sum3A_443 = tpu.scan <sum>, %get3A_440 masked %reduce_sum3A_442 : vector<16xf32>, vector<16xi1> -> vector<16xf32>
    %reduce_sum3A_444 = vector.extract %reduce_sum3A_443[15] : f32 from vector<16xf32>
    %eq3A_445 = arith.constant 12 : i32
    %eq3A_446 = vector.broadcast %eq3A_445 : i32 to vector<16xi32>
    %eq3A_447 = arith.cmpi eq, %iota3A, %eq3A_446 : vector<16xi32>
    %broadcast_in_dim3A_448 = vector.broadcast %reduce_sum3A_444 : f32 to vector<16xf32>
    %select_n3A_449 = arith.select %eq3A_447, %broadcast_in_dim3A_448, %select_n3A_436 : vector<16xi1>, vector<16xf32>
    %get3A_450 = arith.constant 13 : i32
    %get3A_451 = arith.index_cast %get3A_450 : i32 to index
    %get3A_452 = arith.constant 0 : index
    %get3A_453 = tpu.vector_load %arg11[%get3A_451, %get3A_452] {strides = array<i32>} : memref<64x16xf32, #tpu.memory_space<vmem>>, vector<16xf32>,
    %reduce_sum3A_454 = arith.constant true
    %reduce_sum3A_455 = vector.broadcast %reduce_sum3A_454 : i1 to vector<16xi1>
    %reduce_sum3A_456 = tpu.scan <sum>, %get3A_453 masked %reduce_sum3A_455 : vector<16xf32>, vector<16xi1> -> vector<16xf32>
    %reduce_sum3A_457 = vector.extract %reduce_sum3A_456[15] : f32 from vector<16xf32>
    %eq3A_458 = arith.constant 13 : i32
    %eq3A_459 = vector.broadcast %eq3A_458 : i32 to vector<16xi32>
    %eq3A_460 = arith.cmpi eq, %iota3A, %eq3A_459 : vector<16xi32>
    %broadcast_in_dim3A_461 = vector.broadcast %reduce_sum3A_457 : f32 to vector<16xf32>
    %select_n3A_462 = arith.select %eq3A_460, %broadcast_in_dim3A_461, %select_n3A_449 : vector<16xi1>, vector<16xf32>
    %get3A_463 = arith.constant 14 : i32
    %get3A_464 = arith.index_cast %get3A_463 : i32 to index
    %get3A_465 = arith.constant 0 : index
    %get3A_466 = tpu.vector_load %arg11[%get3A_464, %get3A_465] {strides = array<i32>} : memref<64x16xf32, #tpu.memory_space<vmem>>, vector<16xf32>,
    %reduce_sum3A_467 = arith.constant true
    %reduce_sum3A_468 = vector.broadcast %reduce_sum3A_467 : i1 to vector<16xi1>
    %reduce_sum3A_469 = tpu.scan <sum>, %get3A_466 masked %reduce_sum3A_468 : vector<16xf32>, vector<16xi1> -> vector<16xf32>
    %reduce_sum3A_470 = vector.extract %reduce_sum3A_469[15] : f32 from vector<16xf32>
    %eq3A_471 = arith.constant 14 : i32
    %eq3A_472 = vector.broadcast %eq3A_471 : i32 to vector<16xi32>
    %eq3A_473 = arith.cmpi eq, %iota3A, %eq3A_472 : vector<16xi32>
    %broadcast_in_dim3A_474 = vector.broadcast %reduce_sum3A_470 : f32 to vector<16xf32>
    %select_n3A_475 = arith.select %eq3A_473, %broadcast_in_dim3A_474, %select_n3A_462 : vector<16xi1>, vector<16xf32>
    %get3A_476 = arith.constant 15 : i32
    %get3A_477 = arith.index_cast %get3A_476 : i32 to index
    %get3A_478 = arith.constant 0 : index
    %get3A_479 = tpu.vector_load %arg11[%get3A_477, %get3A_478] {strides = array<i32>} : memref<64x16xf32, #tpu.memory_space<vmem>>, vector<16xf32>,
    %reduce_sum3A_480 = arith.constant true
    %reduce_sum3A_481 = vector.broadcast %reduce_sum3A_480 : i1 to vector<16xi1>
    %reduce_sum3A_482 = tpu.scan <sum>, %get3A_479 masked %reduce_sum3A_481 : vector<16xf32>, vector<16xi1> -> vector<16xf32>
    %reduce_sum3A_483 = vector.extract %reduce_sum3A_482[15] : f32 from vector<16xf32>
    %eq3A_484 = arith.constant 15 : i32
    %eq3A_485 = vector.broadcast %eq3A_484 : i32 to vector<16xi32>
    %eq3A_486 = arith.cmpi eq, %iota3A, %eq3A_485 : vector<16xi32>
    %broadcast_in_dim3A_487 = vector.broadcast %reduce_sum3A_483 : f32 to vector<16xf32>
    %select_n3A_488 = arith.select %eq3A_486, %broadcast_in_dim3A_487, %select_n3A_475 : vector<16xi1>, vector<16xf32>
    %swap3A_489 = arith.constant 0 : index
    %swap3A_490 = tpu.vector_load %arg12[%swap3A_489] {strides = array<i32>} : memref<64xf32, #tpu.memory_space<vmem>>, vector<16xf32>,
    tpu.vector_store %arg12[%swap3A_489], %select_n3A_488 {strides = array<i32>} : memref<64xf32, #tpu.memory_space<vmem>>, vector<16xf32>,
    %get3A_491 = arith.constant 16 : i32
    %get3A_492 = arith.index_cast %get3A_491 : i32 to index
    %get3A_493 = arith.constant 0 : index
    %get3A_494 = tpu.vector_load %arg11[%get3A_492, %get3A_493] {strides = array<i32>} : memref<64x16xf32, #tpu.memory_space<vmem>>, vector<16xf32>,
    %reduce_sum3A_495 = arith.constant true
    %reduce_sum3A_496 = vector.broadcast %reduce_sum3A_495 : i1 to vector<16xi1>
    %reduce_sum3A_497 = tpu.scan <sum>, %get3A_494 masked %reduce_sum3A_496 : vector<16xf32>, vector<16xi1> -> vector<16xf32>
    %reduce_sum3A_498 = vector.extract %reduce_sum3A_497[15] : f32 from vector<16xf32>
    %eq3A_499 = arith.constant 0 : i32
    %eq3A_500 = vector.broadcast %eq3A_499 : i32 to vector<16xi32>
    %eq3A_501 = arith.cmpi eq, %iota3A, %eq3A_500 : vector<16xi32>
    %broadcast_in_dim3A_502 = vector.broadcast %reduce_sum3A_498 : f32 to vector<16xf32>
    %select_n3A_503 = arith.select %eq3A_501, %broadcast_in_dim3A_502, %broadcast_in_dim3A_1 : vector<16xi1>, vector<16xf32>
    %get3A_504 = arith.constant 17 : i32
    %get3A_505 = arith.index_cast %get3A_504 : i32 to index
    %get3A_506 = arith.constant 0 : index
    %get3A_507 = tpu.vector_load %arg11[%get3A_505, %get3A_506] {strides = array<i32>} : memref<64x16xf32, #tpu.memory_space<vmem>>, vector<16xf32>,
    %reduce_sum3A_508 = arith.constant true
    %reduce_sum3A_509 = vector.broadcast %reduce_sum3A_508 : i1 to vector<16xi1>
    %reduce_sum3A_510 = tpu.scan <sum>, %get3A_507 masked %reduce_sum3A_509 : vector<16xf32>, vector<16xi1> -> vector<16xf32>
    %reduce_sum3A_511 = vector.extract %reduce_sum3A_510[15] : f32 from vector<16xf32>
    %eq3A_512 = arith.constant 1 : i32
    %eq3A_513 = vector.broadcast %eq3A_512 : i32 to vector<16xi32>
    %eq3A_514 = arith.cmpi eq, %iota3A, %eq3A_513 : vector<16xi32>
    %broadcast_in_dim3A_515 = vector.broadcast %reduce_sum3A_511 : f32 to vector<16xf32>
    %select_n3A_516 = arith.select %eq3A_514, %broadcast_in_dim3A_515, %select_n3A_503 : vector<16xi1>, vector<16xf32>
    %get3A_517 = arith.constant 18 : i32
    %get3A_518 = arith.index_cast %get3A_517 : i32 to index
    %get3A_519 = arith.constant 0 : index
    %get3A_520 = tpu.vector_load %arg11[%get3A_518, %get3A_519] {strides = array<i32>} : memref<64x16xf32, #tpu.memory_space<vmem>>, vector<16xf32>,
    %reduce_sum3A_521 = arith.constant true
    %reduce_sum3A_522 = vector.broadcast %reduce_sum3A_521 : i1 to vector<16xi1>
    %reduce_sum3A_523 = tpu.scan <sum>, %get3A_520 masked %reduce_sum3A_522 : vector<16xf32>, vector<16xi1> -> vector<16xf32>
    %reduce_sum3A_524 = vector.extract %reduce_sum3A_523[15] : f32 from vector<16xf32>
    %eq3A_525 = arith.constant 2 : i32
    %eq3A_526 = vector.broadcast %eq3A_525 : i32 to vector<16xi32>
    %eq3A_527 = arith.cmpi eq, %iota3A, %eq3A_526 : vector<16xi32>
    %broadcast_in_dim3A_528 = vector.broadcast %reduce_sum3A_524 : f32 to vector<16xf32>
    %select_n3A_529 = arith.select %eq3A_527, %broadcast_in_dim3A_528, %select_n3A_516 : vector<16xi1>, vector<16xf32>
    %get3A_530 = arith.constant 19 : i32
    %get3A_531 = arith.index_cast %get3A_530 : i32 to index
    %get3A_532 = arith.constant 0 : index
    %get3A_533 = tpu.vector_load %arg11[%get3A_531, %get3A_532] {strides = array<i32>} : memref<64x16xf32, #tpu.memory_space<vmem>>, vector<16xf32>,
    %reduce_sum3A_534 = arith.constant true
    %reduce_sum3A_535 = vector.broadcast %reduce_sum3A_534 : i1 to vector<16xi1>
    %reduce_sum3A_536 = tpu.scan <sum>, %get3A_533 masked %reduce_sum3A_535 : vector<16xf32>, vector<16xi1> -> vector<16xf32>
    %reduce_sum3A_537 = vector.extract %reduce_sum3A_536[15] : f32 from vector<16xf32>
    %eq3A_538 = arith.constant 3 : i32
    %eq3A_539 = vector.broadcast %eq3A_538 : i32 to vector<16xi32>
    %eq3A_540 = arith.cmpi eq, %iota3A, %eq3A_539 : vector<16xi32>
    %broadcast_in_dim3A_541 = vector.broadcast %reduce_sum3A_537 : f32 to vector<16xf32>
    %select_n3A_542 = arith.select %eq3A_540, %broadcast_in_dim3A_541, %select_n3A_529 : vector<16xi1>, vector<16xf32>
    %get3A_543 = arith.constant 20 : i32
    %get3A_544 = arith.index_cast %get3A_543 : i32 to index
    %get3A_545 = arith.constant 0 : index
    %get3A_546 = tpu.vector_load %arg11[%get3A_544, %get3A_545] {strides = array<i32>} : memref<64x16xf32, #tpu.memory_space<vmem>>, vector<16xf32>,
    %reduce_sum3A_547 = arith.constant true
    %reduce_sum3A_548 = vector.broadcast %reduce_sum3A_547 : i1 to vector<16xi1>
    %reduce_sum3A_549 = tpu.scan <sum>, %get3A_546 masked %reduce_sum3A_548 : vector<16xf32>, vector<16xi1> -> vector<16xf32>
    %reduce_sum3A_550 = vector.extract %reduce_sum3A_549[15] : f32 from vector<16xf32>
    %eq3A_551 = arith.constant 4 : i32
    %eq3A_552 = vector.broadcast %eq3A_551 : i32 to vector<16xi32>
    %eq3A_553 = arith.cmpi eq, %iota3A, %eq3A_552 : vector<16xi32>
    %broadcast_in_dim3A_554 = vector.broadcast %reduce_sum3A_550 : f32 to vector<16xf32>
    %select_n3A_555 = arith.select %eq3A_553, %broadcast_in_dim3A_554, %select_n3A_542 : vector<16xi1>, vector<16xf32>
    %get3A_556 = arith.constant 21 : i32
    %get3A_557 = arith.index_cast %get3A_556 : i32 to index
    %get3A_558 = arith.constant 0 : index
    %get3A_559 = tpu.vector_load %arg11[%get3A_557, %get3A_558] {strides = array<i32>} : memref<64x16xf32, #tpu.memory_space<vmem>>, vector<16xf32>,
    %reduce_sum3A_560 = arith.constant true
    %reduce_sum3A_561 = vector.broadcast %reduce_sum3A_560 : i1 to vector<16xi1>
    %reduce_sum3A_562 = tpu.scan <sum>, %get3A_559 masked %reduce_sum3A_561 : vector<16xf32>, vector<16xi1> -> vector<16xf32>
    %reduce_sum3A_563 = vector.extract %reduce_sum3A_562[15] : f32 from vector<16xf32>
    %eq3A_564 = arith.constant 5 : i32
    %eq3A_565 = vector.broadcast %eq3A_564 : i32 to vector<16xi32>
    %eq3A_566 = arith.cmpi eq, %iota3A, %eq3A_565 : vector<16xi32>
    %broadcast_in_dim3A_567 = vector.broadcast %reduce_sum3A_563 : f32 to vector<16xf32>
    %select_n3A_568 = arith.select %eq3A_566, %broadcast_in_dim3A_567, %select_n3A_555 : vector<16xi1>, vector<16xf32>
    %get3A_569 = arith.constant 22 : i32
    %get3A_570 = arith.index_cast %get3A_569 : i32 to index
    %get3A_571 = arith.constant 0 : index
    %get3A_572 = tpu.vector_load %arg11[%get3A_570, %get3A_571] {strides = array<i32>} : memref<64x16xf32, #tpu.memory_space<vmem>>, vector<16xf32>,
    %reduce_sum3A_573 = arith.constant true
    %reduce_sum3A_574 = vector.broadcast %reduce_sum3A_573 : i1 to vector<16xi1>
    %reduce_sum3A_575 = tpu.scan <sum>, %get3A_572 masked %reduce_sum3A_574 : vector<16xf32>, vector<16xi1> -> vector<16xf32>
    %reduce_sum3A_576 = vector.extract %reduce_sum3A_575[15] : f32 from vector<16xf32>
    %eq3A_577 = arith.constant 6 : i32
    %eq3A_578 = vector.broadcast %eq3A_577 : i32 to vector<16xi32>
    %eq3A_579 = arith.cmpi eq, %iota3A, %eq3A_578 : vector<16xi32>
    %broadcast_in_dim3A_580 = vector.broadcast %reduce_sum3A_576 : f32 to vector<16xf32>
    %select_n3A_581 = arith.select %eq3A_579, %broadcast_in_dim3A_580, %select_n3A_568 : vector<16xi1>, vector<16xf32>
    %get3A_582 = arith.constant 23 : i32
    %get3A_583 = arith.index_cast %get3A_582 : i32 to index
    %get3A_584 = arith.constant 0 : index
    %get3A_585 = tpu.vector_load %arg11[%get3A_583, %get3A_584] {strides = array<i32>} : memref<64x16xf32, #tpu.memory_space<vmem>>, vector<16xf32>,
    %reduce_sum3A_586 = arith.constant true
    %reduce_sum3A_587 = vector.broadcast %reduce_sum3A_586 : i1 to vector<16xi1>
    %reduce_sum3A_588 = tpu.scan <sum>, %get3A_585 masked %reduce_sum3A_587 : vector<16xf32>, vector<16xi1> -> vector<16xf32>
    %reduce_sum3A_589 = vector.extract %reduce_sum3A_588[15] : f32 from vector<16xf32>
    %eq3A_590 = arith.constant 7 : i32
    %eq3A_591 = vector.broadcast %eq3A_590 : i32 to vector<16xi32>
    %eq3A_592 = arith.cmpi eq, %iota3A, %eq3A_591 : vector<16xi32>
    %broadcast_in_dim3A_593 = vector.broadcast %reduce_sum3A_589 : f32 to vector<16xf32>
    %select_n3A_594 = arith.select %eq3A_592, %broadcast_in_dim3A_593, %select_n3A_581 : vector<16xi1>, vector<16xf32>
    %get3A_595 = arith.constant 24 : i32
    %get3A_596 = arith.index_cast %get3A_595 : i32 to index
    %get3A_597 = arith.constant 0 : index
    %get3A_598 = tpu.vector_load %arg11[%get3A_596, %get3A_597] {strides = array<i32>} : memref<64x16xf32, #tpu.memory_space<vmem>>, vector<16xf32>,
    %reduce_sum3A_599 = arith.constant true
    %reduce_sum3A_600 = vector.broadcast %reduce_sum3A_599 : i1 to vector<16xi1>
    %reduce_sum3A_601 = tpu.scan <sum>, %get3A_598 masked %reduce_sum3A_600 : vector<16xf32>, vector<16xi1> -> vector<16xf32>
    %reduce_sum3A_602 = vector.extract %reduce_sum3A_601[15] : f32 from vector<16xf32>
    %eq3A_603 = arith.constant 8 : i32
    %eq3A_604 = vector.broadcast %eq3A_603 : i32 to vector<16xi32>
    %eq3A_605 = arith.cmpi eq, %iota3A, %eq3A_604 : vector<16xi32>
    %broadcast_in_dim3A_606 = vector.broadcast %reduce_sum3A_602 : f32 to vector<16xf32>
    %select_n3A_607 = arith.select %eq3A_605, %broadcast_in_dim3A_606, %select_n3A_594 : vector<16xi1>, vector<16xf32>
    %get3A_608 = arith.constant 25 : i32
    %get3A_609 = arith.index_cast %get3A_608 : i32 to index
    %get3A_610 = arith.constant 0 : index
    %get3A_611 = tpu.vector_load %arg11[%get3A_609, %get3A_610] {strides = array<i32>} : memref<64x16xf32, #tpu.memory_space<vmem>>, vector<16xf32>,
    %reduce_sum3A_612 = arith.constant true
    %reduce_sum3A_613 = vector.broadcast %reduce_sum3A_612 : i1 to vector<16xi1>
    %reduce_sum3A_614 = tpu.scan <sum>, %get3A_611 masked %reduce_sum3A_613 : vector<16xf32>, vector<16xi1> -> vector<16xf32>
    %reduce_sum3A_615 = vector.extract %reduce_sum3A_614[15] : f32 from vector<16xf32>
    %eq3A_616 = arith.constant 9 : i32
    %eq3A_617 = vector.broadcast %eq3A_616 : i32 to vector<16xi32>
    %eq3A_618 = arith.cmpi eq, %iota3A, %eq3A_617 : vector<16xi32>
    %broadcast_in_dim3A_619 = vector.broadcast %reduce_sum3A_615 : f32 to vector<16xf32>
    %select_n3A_620 = arith.select %eq3A_618, %broadcast_in_dim3A_619, %select_n3A_607 : vector<16xi1>, vector<16xf32>
    %get3A_621 = arith.constant 26 : i32
    %get3A_622 = arith.index_cast %get3A_621 : i32 to index
    %get3A_623 = arith.constant 0 : index
    %get3A_624 = tpu.vector_load %arg11[%get3A_622, %get3A_623] {strides = array<i32>} : memref<64x16xf32, #tpu.memory_space<vmem>>, vector<16xf32>,
    %reduce_sum3A_625 = arith.constant true
    %reduce_sum3A_626 = vector.broadcast %reduce_sum3A_625 : i1 to vector<16xi1>
    %reduce_sum3A_627 = tpu.scan <sum>, %get3A_624 masked %reduce_sum3A_626 : vector<16xf32>, vector<16xi1> -> vector<16xf32>
    %reduce_sum3A_628 = vector.extract %reduce_sum3A_627[15] : f32 from vector<16xf32>
    %eq3A_629 = arith.constant 10 : i32
    %eq3A_630 = vector.broadcast %eq3A_629 : i32 to vector<16xi32>
    %eq3A_631 = arith.cmpi eq, %iota3A, %eq3A_630 : vector<16xi32>
    %broadcast_in_dim3A_632 = vector.broadcast %reduce_sum3A_628 : f32 to vector<16xf32>
    %select_n3A_633 = arith.select %eq3A_631, %broadcast_in_dim3A_632, %select_n3A_620 : vector<16xi1>, vector<16xf32>
    %get3A_634 = arith.constant 27 : i32
    %get3A_635 = arith.index_cast %get3A_634 : i32 to index
    %get3A_636 = arith.constant 0 : index
    %get3A_637 = tpu.vector_load %arg11[%get3A_635, %get3A_636] {strides = array<i32>} : memref<64x16xf32, #tpu.memory_space<vmem>>, vector<16xf32>,
    %reduce_sum3A_638 = arith.constant true
    %reduce_sum3A_639 = vector.broadcast %reduce_sum3A_638 : i1 to vector<16xi1>
    %reduce_sum3A_640 = tpu.scan <sum>, %get3A_637 masked %reduce_sum3A_639 : vector<16xf32>, vector<16xi1> -> vector<16xf32>
    %reduce_sum3A_641 = vector.extract %reduce_sum3A_640[15] : f32 from vector<16xf32>
    %eq3A_642 = arith.constant 11 : i32
    %eq3A_643 = vector.broadcast %eq3A_642 : i32 to vector<16xi32>
    %eq3A_644 = arith.cmpi eq, %iota3A, %eq3A_643 : vector<16xi32>
    %broadcast_in_dim3A_645 = vector.broadcast %reduce_sum3A_641 : f32 to vector<16xf32>
    %select_n3A_646 = arith.select %eq3A_644, %broadcast_in_dim3A_645, %select_n3A_633 : vector<16xi1>, vector<16xf32>
    %get3A_647 = arith.constant 28 : i32
    %get3A_648 = arith.index_cast %get3A_647 : i32 to index
    %get3A_649 = arith.constant 0 : index
    %get3A_650 = tpu.vector_load %arg11[%get3A_648, %get3A_649] {strides = array<i32>} : memref<64x16xf32, #tpu.memory_space<vmem>>, vector<16xf32>,
    %reduce_sum3A_651 = arith.constant true
    %reduce_sum3A_652 = vector.broadcast %reduce_sum3A_651 : i1 to vector<16xi1>
    %reduce_sum3A_653 = tpu.scan <sum>, %get3A_650 masked %reduce_sum3A_652 : vector<16xf32>, vector<16xi1> -> vector<16xf32>
    %reduce_sum3A_654 = vector.extract %reduce_sum3A_653[15] : f32 from vector<16xf32>
    %eq3A_655 = arith.constant 12 : i32
    %eq3A_656 = vector.broadcast %eq3A_655 : i32 to vector<16xi32>
    %eq3A_657 = arith.cmpi eq, %iota3A, %eq3A_656 : vector<16xi32>
    %broadcast_in_dim3A_658 = vector.broadcast %reduce_sum3A_654 : f32 to vector<16xf32>
    %select_n3A_659 = arith.select %eq3A_657, %broadcast_in_dim3A_658, %select_n3A_646 : vector<16xi1>, vector<16xf32>
    %get3A_660 = arith.constant 29 : i32
    %get3A_661 = arith.index_cast %get3A_660 : i32 to index
    %get3A_662 = arith.constant 0 : index
    %get3A_663 = tpu.vector_load %arg11[%get3A_661, %get3A_662] {strides = array<i32>} : memref<64x16xf32, #tpu.memory_space<vmem>>, vector<16xf32>,
    %reduce_sum3A_664 = arith.constant true
    %reduce_sum3A_665 = vector.broadcast %reduce_sum3A_664 : i1 to vector<16xi1>
    %reduce_sum3A_666 = tpu.scan <sum>, %get3A_663 masked %reduce_sum3A_665 : vector<16xf32>, vector<16xi1> -> vector<16xf32>
    %reduce_sum3A_667 = vector.extract %reduce_sum3A_666[15] : f32 from vector<16xf32>
    %eq3A_668 = arith.constant 13 : i32
    %eq3A_669 = vector.broadcast %eq3A_668 : i32 to vector<16xi32>
    %eq3A_670 = arith.cmpi eq, %iota3A, %eq3A_669 : vector<16xi32>
    %broadcast_in_dim3A_671 = vector.broadcast %reduce_sum3A_667 : f32 to vector<16xf32>
    %select_n3A_672 = arith.select %eq3A_670, %broadcast_in_dim3A_671, %select_n3A_659 : vector<16xi1>, vector<16xf32>
    %get3A_673 = arith.constant 30 : i32
    %get3A_674 = arith.index_cast %get3A_673 : i32 to index
    %get3A_675 = arith.constant 0 : index
    %get3A_676 = tpu.vector_load %arg11[%get3A_674, %get3A_675] {strides = array<i32>} : memref<64x16xf32, #tpu.memory_space<vmem>>, vector<16xf32>,
    %reduce_sum3A_677 = arith.constant true
    %reduce_sum3A_678 = vector.broadcast %reduce_sum3A_677 : i1 to vector<16xi1>
    %reduce_sum3A_679 = tpu.scan <sum>, %get3A_676 masked %reduce_sum3A_678 : vector<16xf32>, vector<16xi1> -> vector<16xf32>
    %reduce_sum3A_680 = vector.extract %reduce_sum3A_679[15] : f32 from vector<16xf32>
    %eq3A_681 = arith.constant 14 : i32
    %eq3A_682 = vector.broadcast %eq3A_681 : i32 to vector<16xi32>
    %eq3A_683 = arith.cmpi eq, %iota3A, %eq3A_682 : vector<16xi32>
    %broadcast_in_dim3A_684 = vector.broadcast %reduce_sum3A_680 : f32 to vector<16xf32>
    %select_n3A_685 = arith.select %eq3A_683, %broadcast_in_dim3A_684, %select_n3A_672 : vector<16xi1>, vector<16xf32>
    %get3A_686 = arith.constant 31 : i32
    %get3A_687 = arith.index_cast %get3A_686 : i32 to index
    %get3A_688 = arith.constant 0 : index
    %get3A_689 = tpu.vector_load %arg11[%get3A_687, %get3A_688] {strides = array<i32>} : memref<64x16xf32, #tpu.memory_space<vmem>>, vector<16xf32>,
    %reduce_sum3A_690 = arith.constant true
    %reduce_sum3A_691 = vector.broadcast %reduce_sum3A_690 : i1 to vector<16xi1>
    %reduce_sum3A_692 = tpu.scan <sum>, %get3A_689 masked %reduce_sum3A_691 : vector<16xf32>, vector<16xi1> -> vector<16xf32>
    %reduce_sum3A_693 = vector.extract %reduce_sum3A_692[15] : f32 from vector<16xf32>
    %eq3A_694 = arith.constant 15 : i32
    %eq3A_695 = vector.broadcast %eq3A_694 : i32 to vector<16xi32>
    %eq3A_696 = arith.cmpi eq, %iota3A, %eq3A_695 : vector<16xi32>
    %broadcast_in_dim3A_697 = vector.broadcast %reduce_sum3A_693 : f32 to vector<16xf32>
    %select_n3A_698 = arith.select %eq3A_696, %broadcast_in_dim3A_697, %select_n3A_685 : vector<16xi1>, vector<16xf32>
    %swap3A_699 = arith.constant 16 : index
    %swap3A_700 = tpu.vector_load %arg12[%swap3A_699] {strides = array<i32>} : memref<64xf32, #tpu.memory_space<vmem>>, vector<16xf32>,
    tpu.vector_store %arg12[%swap3A_699], %select_n3A_698 {strides = array<i32>} : memref<64xf32, #tpu.memory_space<vmem>>, vector<16xf32>,
    %get3A_701 = arith.constant 32 : i32
    %get3A_702 = arith.index_cast %get3A_701 : i32 to index
    %get3A_703 = arith.constant 0 : index
    %get3A_704 = tpu.vector_load %arg11[%get3A_702, %get3A_703] {strides = array<i32>} : memref<64x16xf32, #tpu.memory_space<vmem>>, vector<16xf32>,
    %reduce_sum3A_705 = arith.constant true
    %reduce_sum3A_706 = vector.broadcast %reduce_sum3A_705 : i1 to vector<16xi1>
    %reduce_sum3A_707 = tpu.scan <sum>, %get3A_704 masked %reduce_sum3A_706 : vector<16xf32>, vector<16xi1> -> vector<16xf32>
    %reduce_sum3A_708 = vector.extract %reduce_sum3A_707[15] : f32 from vector<16xf32>
    %eq3A_709 = arith.constant 0 : i32
    %eq3A_710 = vector.broadcast %eq3A_709 : i32 to vector<16xi32>
    %eq3A_711 = arith.cmpi eq, %iota3A, %eq3A_710 : vector<16xi32>
    %broadcast_in_dim3A_712 = vector.broadcast %reduce_sum3A_708 : f32 to vector<16xf32>
    %select_n3A_713 = arith.select %eq3A_711, %broadcast_in_dim3A_712, %broadcast_in_dim3A_1 : vector<16xi1>, vector<16xf32>
    %get3A_714 = arith.constant 33 : i32
    %get3A_715 = arith.index_cast %get3A_714 : i32 to index
    %get3A_716 = arith.constant 0 : index
    %get3A_717 = tpu.vector_load %arg11[%get3A_715, %get3A_716] {strides = array<i32>} : memref<64x16xf32, #tpu.memory_space<vmem>>, vector<16xf32>,
    %reduce_sum3A_718 = arith.constant true
    %reduce_sum3A_719 = vector.broadcast %reduce_sum3A_718 : i1 to vector<16xi1>
    %reduce_sum3A_720 = tpu.scan <sum>, %get3A_717 masked %reduce_sum3A_719 : vector<16xf32>, vector<16xi1> -> vector<16xf32>
    %reduce_sum3A_721 = vector.extract %reduce_sum3A_720[15] : f32 from vector<16xf32>
    %eq3A_722 = arith.constant 1 : i32
    %eq3A_723 = vector.broadcast %eq3A_722 : i32 to vector<16xi32>
    %eq3A_724 = arith.cmpi eq, %iota3A, %eq3A_723 : vector<16xi32>
    %broadcast_in_dim3A_725 = vector.broadcast %reduce_sum3A_721 : f32 to vector<16xf32>
    %select_n3A_726 = arith.select %eq3A_724, %broadcast_in_dim3A_725, %select_n3A_713 : vector<16xi1>, vector<16xf32>
    %get3A_727 = arith.constant 34 : i32
    %get3A_728 = arith.index_cast %get3A_727 : i32 to index
    %get3A_729 = arith.constant 0 : index
    %get3A_730 = tpu.vector_load %arg11[%get3A_728, %get3A_729] {strides = array<i32>} : memref<64x16xf32, #tpu.memory_space<vmem>>, vector<16xf32>,
    %reduce_sum3A_731 = arith.constant true
    %reduce_sum3A_732 = vector.broadcast %reduce_sum3A_731 : i1 to vector<16xi1>
    %reduce_sum3A_733 = tpu.scan <sum>, %get3A_730 masked %reduce_sum3A_732 : vector<16xf32>, vector<16xi1> -> vector<16xf32>
    %reduce_sum3A_734 = vector.extract %reduce_sum3A_733[15] : f32 from vector<16xf32>
    %eq3A_735 = arith.constant 2 : i32
    %eq3A_736 = vector.broadcast %eq3A_735 : i32 to vector<16xi32>
    %eq3A_737 = arith.cmpi eq, %iota3A, %eq3A_736 : vector<16xi32>
    %broadcast_in_dim3A_738 = vector.broadcast %reduce_sum3A_734 : f32 to vector<16xf32>
    %select_n3A_739 = arith.select %eq3A_737, %broadcast_in_dim3A_738, %select_n3A_726 : vector<16xi1>, vector<16xf32>
    %get3A_740 = arith.constant 35 : i32
    %get3A_741 = arith.index_cast %get3A_740 : i32 to index
    %get3A_742 = arith.constant 0 : index
    %get3A_743 = tpu.vector_load %arg11[%get3A_741, %get3A_742] {strides = array<i32>} : memref<64x16xf32, #tpu.memory_space<vmem>>, vector<16xf32>,
    %reduce_sum3A_744 = arith.constant true
    %reduce_sum3A_745 = vector.broadcast %reduce_sum3A_744 : i1 to vector<16xi1>
    %reduce_sum3A_746 = tpu.scan <sum>, %get3A_743 masked %reduce_sum3A_745 : vector<16xf32>, vector<16xi1> -> vector<16xf32>
    %reduce_sum3A_747 = vector.extract %reduce_sum3A_746[15] : f32 from vector<16xf32>
    %eq3A_748 = arith.constant 3 : i32
    %eq3A_749 = vector.broadcast %eq3A_748 : i32 to vector<16xi32>
    %eq3A_750 = arith.cmpi eq, %iota3A, %eq3A_749 : vector<16xi32>
    %broadcast_in_dim3A_751 = vector.broadcast %reduce_sum3A_747 : f32 to vector<16xf32>
    %select_n3A_752 = arith.select %eq3A_750, %broadcast_in_dim3A_751, %select_n3A_739 : vector<16xi1>, vector<16xf32>
    %get3A_753 = arith.constant 36 : i32
    %get3A_754 = arith.index_cast %get3A_753 : i32 to index
    %get3A_755 = arith.constant 0 : index
    %get3A_756 = tpu.vector_load %arg11[%get3A_754, %get3A_755] {strides = array<i32>} : memref<64x16xf32, #tpu.memory_space<vmem>>, vector<16xf32>,
    %reduce_sum3A_757 = arith.constant true
    %reduce_sum3A_758 = vector.broadcast %reduce_sum3A_757 : i1 to vector<16xi1>
    %reduce_sum3A_759 = tpu.scan <sum>, %get3A_756 masked %reduce_sum3A_758 : vector<16xf32>, vector<16xi1> -> vector<16xf32>
    %reduce_sum3A_760 = vector.extract %reduce_sum3A_759[15] : f32 from vector<16xf32>
    %eq3A_761 = arith.constant 4 : i32
    %eq3A_762 = vector.broadcast %eq3A_761 : i32 to vector<16xi32>
    %eq3A_763 = arith.cmpi eq, %iota3A, %eq3A_762 : vector<16xi32>
    %broadcast_in_dim3A_764 = vector.broadcast %reduce_sum3A_760 : f32 to vector<16xf32>
    %select_n3A_765 = arith.select %eq3A_763, %broadcast_in_dim3A_764, %select_n3A_752 : vector<16xi1>, vector<16xf32>
    %get3A_766 = arith.constant 37 : i32
    %get3A_767 = arith.index_cast %get3A_766 : i32 to index
    %get3A_768 = arith.constant 0 : index
    %get3A_769 = tpu.vector_load %arg11[%get3A_767, %get3A_768] {strides = array<i32>} : memref<64x16xf32, #tpu.memory_space<vmem>>, vector<16xf32>,
    %reduce_sum3A_770 = arith.constant true
    %reduce_sum3A_771 = vector.broadcast %reduce_sum3A_770 : i1 to vector<16xi1>
    %reduce_sum3A_772 = tpu.scan <sum>, %get3A_769 masked %reduce_sum3A_771 : vector<16xf32>, vector<16xi1> -> vector<16xf32>
    %reduce_sum3A_773 = vector.extract %reduce_sum3A_772[15] : f32 from vector<16xf32>
    %eq3A_774 = arith.constant 5 : i32
    %eq3A_775 = vector.broadcast %eq3A_774 : i32 to vector<16xi32>
    %eq3A_776 = arith.cmpi eq, %iota3A, %eq3A_775 : vector<16xi32>
    %broadcast_in_dim3A_777 = vector.broadcast %reduce_sum3A_773 : f32 to vector<16xf32>
    %select_n3A_778 = arith.select %eq3A_776, %broadcast_in_dim3A_777, %select_n3A_765 : vector<16xi1>, vector<16xf32>
    %get3A_779 = arith.constant 38 : i32
    %get3A_780 = arith.index_cast %get3A_779 : i32 to index
    %get3A_781 = arith.constant 0 : index
    %get3A_782 = tpu.vector_load %arg11[%get3A_780, %get3A_781] {strides = array<i32>} : memref<64x16xf32, #tpu.memory_space<vmem>>, vector<16xf32>,
    %reduce_sum3A_783 = arith.constant true
    %reduce_sum3A_784 = vector.broadcast %reduce_sum3A_783 : i1 to vector<16xi1>
    %reduce_sum3A_785 = tpu.scan <sum>, %get3A_782 masked %reduce_sum3A_784 : vector<16xf32>, vector<16xi1> -> vector<16xf32>
    %reduce_sum3A_786 = vector.extract %reduce_sum3A_785[15] : f32 from vector<16xf32>
    %eq3A_787 = arith.constant 6 : i32
    %eq3A_788 = vector.broadcast %eq3A_787 : i32 to vector<16xi32>
    %eq3A_789 = arith.cmpi eq, %iota3A, %eq3A_788 : vector<16xi32>
    %broadcast_in_dim3A_790 = vector.broadcast %reduce_sum3A_786 : f32 to vector<16xf32>
    %select_n3A_791 = arith.select %eq3A_789, %broadcast_in_dim3A_790, %select_n3A_778 : vector<16xi1>, vector<16xf32>
    %get3A_792 = arith.constant 39 : i32
    %get3A_793 = arith.index_cast %get3A_792 : i32 to index
    %get3A_794 = arith.constant 0 : index
    %get3A_795 = tpu.vector_load %arg11[%get3A_793, %get3A_794] {strides = array<i32>} : memref<64x16xf32, #tpu.memory_space<vmem>>, vector<16xf32>,
    %reduce_sum3A_796 = arith.constant true
    %reduce_sum3A_797 = vector.broadcast %reduce_sum3A_796 : i1 to vector<16xi1>
    %reduce_sum3A_798 = tpu.scan <sum>, %get3A_795 masked %reduce_sum3A_797 : vector<16xf32>, vector<16xi1> -> vector<16xf32>
    %reduce_sum3A_799 = vector.extract %reduce_sum3A_798[15] : f32 from vector<16xf32>
    %eq3A_800 = arith.constant 7 : i32
    %eq3A_801 = vector.broadcast %eq3A_800 : i32 to vector<16xi32>
    %eq3A_802 = arith.cmpi eq, %iota3A, %eq3A_801 : vector<16xi32>
    %broadcast_in_dim3A_803 = vector.broadcast %reduce_sum3A_799 : f32 to vector<16xf32>
    %select_n3A_804 = arith.select %eq3A_802, %broadcast_in_dim3A_803, %select_n3A_791 : vector<16xi1>, vector<16xf32>
    %get3A_805 = arith.constant 40 : i32
    %get3A_806 = arith.index_cast %get3A_805 : i32 to index
    %get3A_807 = arith.constant 0 : index
    %get3A_808 = tpu.vector_load %arg11[%get3A_806, %get3A_807] {strides = array<i32>} : memref<64x16xf32, #tpu.memory_space<vmem>>, vector<16xf32>,
    %reduce_sum3A_809 = arith.constant true
    %reduce_sum3A_810 = vector.broadcast %reduce_sum3A_809 : i1 to vector<16xi1>
    %reduce_sum3A_811 = tpu.scan <sum>, %get3A_808 masked %reduce_sum3A_810 : vector<16xf32>, vector<16xi1> -> vector<16xf32>
    %reduce_sum3A_812 = vector.extract %reduce_sum3A_811[15] : f32 from vector<16xf32>
    %eq3A_813 = arith.constant 8 : i32
    %eq3A_814 = vector.broadcast %eq3A_813 : i32 to vector<16xi32>
    %eq3A_815 = arith.cmpi eq, %iota3A, %eq3A_814 : vector<16xi32>
    %broadcast_in_dim3A_816 = vector.broadcast %reduce_sum3A_812 : f32 to vector<16xf32>
    %select_n3A_817 = arith.select %eq3A_815, %broadcast_in_dim3A_816, %select_n3A_804 : vector<16xi1>, vector<16xf32>
    %get3A_818 = arith.constant 41 : i32
    %get3A_819 = arith.index_cast %get3A_818 : i32 to index
    %get3A_820 = arith.constant 0 : index
    %get3A_821 = tpu.vector_load %arg11[%get3A_819, %get3A_820] {strides = array<i32>} : memref<64x16xf32, #tpu.memory_space<vmem>>, vector<16xf32>,
    %reduce_sum3A_822 = arith.constant true
    %reduce_sum3A_823 = vector.broadcast %reduce_sum3A_822 : i1 to vector<16xi1>
    %reduce_sum3A_824 = tpu.scan <sum>, %get3A_821 masked %reduce_sum3A_823 : vector<16xf32>, vector<16xi1> -> vector<16xf32>
    %reduce_sum3A_825 = vector.extract %reduce_sum3A_824[15] : f32 from vector<16xf32>
    %eq3A_826 = arith.constant 9 : i32
    %eq3A_827 = vector.broadcast %eq3A_826 : i32 to vector<16xi32>
    %eq3A_828 = arith.cmpi eq, %iota3A, %eq3A_827 : vector<16xi32>
    %broadcast_in_dim3A_829 = vector.broadcast %reduce_sum3A_825 : f32 to vector<16xf32>
    %select_n3A_830 = arith.select %eq3A_828, %broadcast_in_dim3A_829, %select_n3A_817 : vector<16xi1>, vector<16xf32>
    %get3A_831 = arith.constant 42 : i32
    %get3A_832 = arith.index_cast %get3A_831 : i32 to index
    %get3A_833 = arith.constant 0 : index
    %get3A_834 = tpu.vector_load %arg11[%get3A_832, %get3A_833] {strides = array<i32>} : memref<64x16xf32, #tpu.memory_space<vmem>>, vector<16xf32>,
    %reduce_sum3A_835 = arith.constant true
    %reduce_sum3A_836 = vector.broadcast %reduce_sum3A_835 : i1 to vector<16xi1>
    %reduce_sum3A_837 = tpu.scan <sum>, %get3A_834 masked %reduce_sum3A_836 : vector<16xf32>, vector<16xi1> -> vector<16xf32>
    %reduce_sum3A_838 = vector.extract %reduce_sum3A_837[15] : f32 from vector<16xf32>
    %eq3A_839 = arith.constant 10 : i32
    %eq3A_840 = vector.broadcast %eq3A_839 : i32 to vector<16xi32>
    %eq3A_841 = arith.cmpi eq, %iota3A, %eq3A_840 : vector<16xi32>
    %broadcast_in_dim3A_842 = vector.broadcast %reduce_sum3A_838 : f32 to vector<16xf32>
    %select_n3A_843 = arith.select %eq3A_841, %broadcast_in_dim3A_842, %select_n3A_830 : vector<16xi1>, vector<16xf32>
    %get3A_844 = arith.constant 43 : i32
    %get3A_845 = arith.index_cast %get3A_844 : i32 to index
    %get3A_846 = arith.constant 0 : index
    %get3A_847 = tpu.vector_load %arg11[%get3A_845, %get3A_846] {strides = array<i32>} : memref<64x16xf32, #tpu.memory_space<vmem>>, vector<16xf32>,
    %reduce_sum3A_848 = arith.constant true
    %reduce_sum3A_849 = vector.broadcast %reduce_sum3A_848 : i1 to vector<16xi1>
    %reduce_sum3A_850 = tpu.scan <sum>, %get3A_847 masked %reduce_sum3A_849 : vector<16xf32>, vector<16xi1> -> vector<16xf32>
    %reduce_sum3A_851 = vector.extract %reduce_sum3A_850[15] : f32 from vector<16xf32>
    %eq3A_852 = arith.constant 11 : i32
    %eq3A_853 = vector.broadcast %eq3A_852 : i32 to vector<16xi32>
    %eq3A_854 = arith.cmpi eq, %iota3A, %eq3A_853 : vector<16xi32>
    %broadcast_in_dim3A_855 = vector.broadcast %reduce_sum3A_851 : f32 to vector<16xf32>
    %select_n3A_856 = arith.select %eq3A_854, %broadcast_in_dim3A_855, %select_n3A_843 : vector<16xi1>, vector<16xf32>
    %get3A_857 = arith.constant 44 : i32
    %get3A_858 = arith.index_cast %get3A_857 : i32 to index
    %get3A_859 = arith.constant 0 : index
    %get3A_860 = tpu.vector_load %arg11[%get3A_858, %get3A_859] {strides = array<i32>} : memref<64x16xf32, #tpu.memory_space<vmem>>, vector<16xf32>,
    %reduce_sum3A_861 = arith.constant true
    %reduce_sum3A_862 = vector.broadcast %reduce_sum3A_861 : i1 to vector<16xi1>
    %reduce_sum3A_863 = tpu.scan <sum>, %get3A_860 masked %reduce_sum3A_862 : vector<16xf32>, vector<16xi1> -> vector<16xf32>
    %reduce_sum3A_864 = vector.extract %reduce_sum3A_863[15] : f32 from vector<16xf32>
    %eq3A_865 = arith.constant 12 : i32
    %eq3A_866 = vector.broadcast %eq3A_865 : i32 to vector<16xi32>
    %eq3A_867 = arith.cmpi eq, %iota3A, %eq3A_866 : vector<16xi32>
    %broadcast_in_dim3A_868 = vector.broadcast %reduce_sum3A_864 : f32 to vector<16xf32>
    %select_n3A_869 = arith.select %eq3A_867, %broadcast_in_dim3A_868, %select_n3A_856 : vector<16xi1>, vector<16xf32>
    %get3A_870 = arith.constant 45 : i32
    %get3A_871 = arith.index_cast %get3A_870 : i32 to index
    %get3A_872 = arith.constant 0 : index
    %get3A_873 = tpu.vector_load %arg11[%get3A_871, %get3A_872] {strides = array<i32>} : memref<64x16xf32, #tpu.memory_space<vmem>>, vector<16xf32>,
    %reduce_sum3A_874 = arith.constant true
    %reduce_sum3A_875 = vector.broadcast %reduce_sum3A_874 : i1 to vector<16xi1>
    %reduce_sum3A_876 = tpu.scan <sum>, %get3A_873 masked %reduce_sum3A_875 : vector<16xf32>, vector<16xi1> -> vector<16xf32>
    %reduce_sum3A_877 = vector.extract %reduce_sum3A_876[15] : f32 from vector<16xf32>
    %eq3A_878 = arith.constant 13 : i32
    %eq3A_879 = vector.broadcast %eq3A_878 : i32 to vector<16xi32>
    %eq3A_880 = arith.cmpi eq, %iota3A, %eq3A_879 : vector<16xi32>
    %broadcast_in_dim3A_881 = vector.broadcast %reduce_sum3A_877 : f32 to vector<16xf32>
    %select_n3A_882 = arith.select %eq3A_880, %broadcast_in_dim3A_881, %select_n3A_869 : vector<16xi1>, vector<16xf32>
    %get3A_883 = arith.constant 46 : i32
    %get3A_884 = arith.index_cast %get3A_883 : i32 to index
    %get3A_885 = arith.constant 0 : index
    %get3A_886 = tpu.vector_load %arg11[%get3A_884, %get3A_885] {strides = array<i32>} : memref<64x16xf32, #tpu.memory_space<vmem>>, vector<16xf32>,
    %reduce_sum3A_887 = arith.constant true
    %reduce_sum3A_888 = vector.broadcast %reduce_sum3A_887 : i1 to vector<16xi1>
    %reduce_sum3A_889 = tpu.scan <sum>, %get3A_886 masked %reduce_sum3A_888 : vector<16xf32>, vector<16xi1> -> vector<16xf32>
    %reduce_sum3A_890 = vector.extract %reduce_sum3A_889[15] : f32 from vector<16xf32>
    %eq3A_891 = arith.constant 14 : i32
    %eq3A_892 = vector.broadcast %eq3A_891 : i32 to vector<16xi32>
    %eq3A_893 = arith.cmpi eq, %iota3A, %eq3A_892 : vector<16xi32>
    %broadcast_in_dim3A_894 = vector.broadcast %reduce_sum3A_890 : f32 to vector<16xf32>
    %select_n3A_895 = arith.select %eq3A_893, %broadcast_in_dim3A_894, %select_n3A_882 : vector<16xi1>, vector<16xf32>
    %get3A_896 = arith.constant 47 : i32
    %get3A_897 = arith.index_cast %get3A_896 : i32 to index
    %get3A_898 = arith.constant 0 : index
    %get3A_899 = tpu.vector_load %arg11[%get3A_897, %get3A_898] {strides = array<i32>} : memref<64x16xf32, #tpu.memory_space<vmem>>, vector<16xf32>,
    %reduce_sum3A_900 = arith.constant true
    %reduce_sum3A_901 = vector.broadcast %reduce_sum3A_900 : i1 to vector<16xi1>
    %reduce_sum3A_902 = tpu.scan <sum>, %get3A_899 masked %reduce_sum3A_901 : vector<16xf32>, vector<16xi1> -> vector<16xf32>
    %reduce_sum3A_903 = vector.extract %reduce_sum3A_902[15] : f32 from vector<16xf32>
    %eq3A_904 = arith.constant 15 : i32
    %eq3A_905 = vector.broadcast %eq3A_904 : i32 to vector<16xi32>
    %eq3A_906 = arith.cmpi eq, %iota3A, %eq3A_905 : vector<16xi32>
    %broadcast_in_dim3A_907 = vector.broadcast %reduce_sum3A_903 : f32 to vector<16xf32>
    %select_n3A_908 = arith.select %eq3A_906, %broadcast_in_dim3A_907, %select_n3A_895 : vector<16xi1>, vector<16xf32>
    %swap3A_909 = arith.constant 32 : index
    %swap3A_910 = tpu.vector_load %arg12[%swap3A_909] {strides = array<i32>} : memref<64xf32, #tpu.memory_space<vmem>>, vector<16xf32>,
    tpu.vector_store %arg12[%swap3A_909], %select_n3A_908 {strides = array<i32>} : memref<64xf32, #tpu.memory_space<vmem>>, vector<16xf32>,
    %get3A_911 = arith.constant 48 : i32
    %get3A_912 = arith.index_cast %get3A_911 : i32 to index
    %get3A_913 = arith.constant 0 : index
    %get3A_914 = tpu.vector_load %arg11[%get3A_912, %get3A_913] {strides = array<i32>} : memref<64x16xf32, #tpu.memory_space<vmem>>, vector<16xf32>,
    %reduce_sum3A_915 = arith.constant true
    %reduce_sum3A_916 = vector.broadcast %reduce_sum3A_915 : i1 to vector<16xi1>
    %reduce_sum3A_917 = tpu.scan <sum>, %get3A_914 masked %reduce_sum3A_916 : vector<16xf32>, vector<16xi1> -> vector<16xf32>
    %reduce_sum3A_918 = vector.extract %reduce_sum3A_917[15] : f32 from vector<16xf32>
    %eq3A_919 = arith.constant 0 : i32
    %eq3A_920 = vector.broadcast %eq3A_919 : i32 to vector<16xi32>
    %eq3A_921 = arith.cmpi eq, %iota3A, %eq3A_920 : vector<16xi32>
    %broadcast_in_dim3A_922 = vector.broadcast %reduce_sum3A_918 : f32 to vector<16xf32>
    %select_n3A_923 = arith.select %eq3A_921, %broadcast_in_dim3A_922, %broadcast_in_dim3A_1 : vector<16xi1>, vector<16xf32>
    %get3A_924 = arith.constant 49 : i32
    %get3A_925 = arith.index_cast %get3A_924 : i32 to index
    %get3A_926 = arith.constant 0 : index
    %get3A_927 = tpu.vector_load %arg11[%get3A_925, %get3A_926] {strides = array<i32>} : memref<64x16xf32, #tpu.memory_space<vmem>>, vector<16xf32>,
    %reduce_sum3A_928 = arith.constant true
    %reduce_sum3A_929 = vector.broadcast %reduce_sum3A_928 : i1 to vector<16xi1>
    %reduce_sum3A_930 = tpu.scan <sum>, %get3A_927 masked %reduce_sum3A_929 : vector<16xf32>, vector<16xi1> -> vector<16xf32>
    %reduce_sum3A_931 = vector.extract %reduce_sum3A_930[15] : f32 from vector<16xf32>
    %eq3A_932 = arith.constant 1 : i32
    %eq3A_933 = vector.broadcast %eq3A_932 : i32 to vector<16xi32>
    %eq3A_934 = arith.cmpi eq, %iota3A, %eq3A_933 : vector<16xi32>
    %broadcast_in_dim3A_935 = vector.broadcast %reduce_sum3A_931 : f32 to vector<16xf32>
    %select_n3A_936 = arith.select %eq3A_934, %broadcast_in_dim3A_935, %select_n3A_923 : vector<16xi1>, vector<16xf32>
    %get3A_937 = arith.constant 50 : i32
    %get3A_938 = arith.index_cast %get3A_937 : i32 to index
    %get3A_939 = arith.constant 0 : index
    %get3A_940 = tpu.vector_load %arg11[%get3A_938, %get3A_939] {strides = array<i32>} : memref<64x16xf32, #tpu.memory_space<vmem>>, vector<16xf32>,
    %reduce_sum3A_941 = arith.constant true
    %reduce_sum3A_942 = vector.broadcast %reduce_sum3A_941 : i1 to vector<16xi1>
    %reduce_sum3A_943 = tpu.scan <sum>, %get3A_940 masked %reduce_sum3A_942 : vector<16xf32>, vector<16xi1> -> vector<16xf32>
    %reduce_sum3A_944 = vector.extract %reduce_sum3A_943[15] : f32 from vector<16xf32>
    %eq3A_945 = arith.constant 2 : i32
    %eq3A_946 = vector.broadcast %eq3A_945 : i32 to vector<16xi32>
    %eq3A_947 = arith.cmpi eq, %iota3A, %eq3A_946 : vector<16xi32>
    %broadcast_in_dim3A_948 = vector.broadcast %reduce_sum3A_944 : f32 to vector<16xf32>
    %select_n3A_949 = arith.select %eq3A_947, %broadcast_in_dim3A_948, %select_n3A_936 : vector<16xi1>, vector<16xf32>
    %get3A_950 = arith.constant 51 : i32
    %get3A_951 = arith.index_cast %get3A_950 : i32 to index
    %get3A_952 = arith.constant 0 : index
    %get3A_953 = tpu.vector_load %arg11[%get3A_951, %get3A_952] {strides = array<i32>} : memref<64x16xf32, #tpu.memory_space<vmem>>, vector<16xf32>,
    %reduce_sum3A_954 = arith.constant true
    %reduce_sum3A_955 = vector.broadcast %reduce_sum3A_954 : i1 to vector<16xi1>
    %reduce_sum3A_956 = tpu.scan <sum>, %get3A_953 masked %reduce_sum3A_955 : vector<16xf32>, vector<16xi1> -> vector<16xf32>
    %reduce_sum3A_957 = vector.extract %reduce_sum3A_956[15] : f32 from vector<16xf32>
    %eq3A_958 = arith.constant 3 : i32
    %eq3A_959 = vector.broadcast %eq3A_958 : i32 to vector<16xi32>
    %eq3A_960 = arith.cmpi eq, %iota3A, %eq3A_959 : vector<16xi32>
    %broadcast_in_dim3A_961 = vector.broadcast %reduce_sum3A_957 : f32 to vector<16xf32>
    %select_n3A_962 = arith.select %eq3A_960, %broadcast_in_dim3A_961, %select_n3A_949 : vector<16xi1>, vector<16xf32>
    %get3A_963 = arith.constant 52 : i32
    %get3A_964 = arith.index_cast %get3A_963 : i32 to index
    %get3A_965 = arith.constant 0 : index
    %get3A_966 = tpu.vector_load %arg11[%get3A_964, %get3A_965] {strides = array<i32>} : memref<64x16xf32, #tpu.memory_space<vmem>>, vector<16xf32>,
    %reduce_sum3A_967 = arith.constant true
    %reduce_sum3A_968 = vector.broadcast %reduce_sum3A_967 : i1 to vector<16xi1>
    %reduce_sum3A_969 = tpu.scan <sum>, %get3A_966 masked %reduce_sum3A_968 : vector<16xf32>, vector<16xi1> -> vector<16xf32>
    %reduce_sum3A_970 = vector.extract %reduce_sum3A_969[15] : f32 from vector<16xf32>
    %eq3A_971 = arith.constant 4 : i32
    %eq3A_972 = vector.broadcast %eq3A_971 : i32 to vector<16xi32>
    %eq3A_973 = arith.cmpi eq, %iota3A, %eq3A_972 : vector<16xi32>
    %broadcast_in_dim3A_974 = vector.broadcast %reduce_sum3A_970 : f32 to vector<16xf32>
    %select_n3A_975 = arith.select %eq3A_973, %broadcast_in_dim3A_974, %select_n3A_962 : vector<16xi1>, vector<16xf32>
    %get3A_976 = arith.constant 53 : i32
    %get3A_977 = arith.index_cast %get3A_976 : i32 to index
    %get3A_978 = arith.constant 0 : index
    %get3A_979 = tpu.vector_load %arg11[%get3A_977, %get3A_978] {strides = array<i32>} : memref<64x16xf32, #tpu.memory_space<vmem>>, vector<16xf32>,
    %reduce_sum3A_980 = arith.constant true
    %reduce_sum3A_981 = vector.broadcast %reduce_sum3A_980 : i1 to vector<16xi1>
    %reduce_sum3A_982 = tpu.scan <sum>, %get3A_979 masked %reduce_sum3A_981 : vector<16xf32>, vector<16xi1> -> vector<16xf32>
    %reduce_sum3A_983 = vector.extract %reduce_sum3A_982[15] : f32 from vector<16xf32>
    %eq3A_984 = arith.constant 5 : i32
    %eq3A_985 = vector.broadcast %eq3A_984 : i32 to vector<16xi32>
    %eq3A_986 = arith.cmpi eq, %iota3A, %eq3A_985 : vector<16xi32>
    %broadcast_in_dim3A_987 = vector.broadcast %reduce_sum3A_983 : f32 to vector<16xf32>
    %select_n3A_988 = arith.select %eq3A_986, %broadcast_in_dim3A_987, %select_n3A_975 : vector<16xi1>, vector<16xf32>
    %get3A_989 = arith.constant 54 : i32
    %get3A_990 = arith.index_cast %get3A_989 : i32 to index
    %get3A_991 = arith.constant 0 : index
    %get3A_992 = tpu.vector_load %arg11[%get3A_990, %get3A_991] {strides = array<i32>} : memref<64x16xf32, #tpu.memory_space<vmem>>, vector<16xf32>,
    %reduce_sum3A_993 = arith.constant true
    %reduce_sum3A_994 = vector.broadcast %reduce_sum3A_993 : i1 to vector<16xi1>
    %reduce_sum3A_995 = tpu.scan <sum>, %get3A_992 masked %reduce_sum3A_994 : vector<16xf32>, vector<16xi1> -> vector<16xf32>
    %reduce_sum3A_996 = vector.extract %reduce_sum3A_995[15] : f32 from vector<16xf32>
    %eq3A_997 = arith.constant 6 : i32
    %eq3A_998 = vector.broadcast %eq3A_997 : i32 to vector<16xi32>
    %eq3A_999 = arith.cmpi eq, %iota3A, %eq3A_998 : vector<16xi32>
    %broadcast_in_dim3A_1000 = vector.broadcast %reduce_sum3A_996 : f32 to vector<16xf32>
    %select_n3A_1001 = arith.select %eq3A_999, %broadcast_in_dim3A_1000, %select_n3A_988 : vector<16xi1>, vector<16xf32>
    %get3A_1002 = arith.constant 55 : i32
    %get3A_1003 = arith.index_cast %get3A_1002 : i32 to index
    %get3A_1004 = arith.constant 0 : index
    %get3A_1005 = tpu.vector_load %arg11[%get3A_1003, %get3A_1004] {strides = array<i32>} : memref<64x16xf32, #tpu.memory_space<vmem>>, vector<16xf32>,
    %reduce_sum3A_1006 = arith.constant true
    %reduce_sum3A_1007 = vector.broadcast %reduce_sum3A_1006 : i1 to vector<16xi1>
    %reduce_sum3A_1008 = tpu.scan <sum>, %get3A_1005 masked %reduce_sum3A_1007 : vector<16xf32>, vector<16xi1> -> vector<16xf32>
    %reduce_sum3A_1009 = vector.extract %reduce_sum3A_1008[15] : f32 from vector<16xf32>
    %eq3A_1010 = arith.constant 7 : i32
    %eq3A_1011 = vector.broadcast %eq3A_1010 : i32 to vector<16xi32>
    %eq3A_1012 = arith.cmpi eq, %iota3A, %eq3A_1011 : vector<16xi32>
    %broadcast_in_dim3A_1013 = vector.broadcast %reduce_sum3A_1009 : f32 to vector<16xf32>
    %select_n3A_1014 = arith.select %eq3A_1012, %broadcast_in_dim3A_1013, %select_n3A_1001 : vector<16xi1>, vector<16xf32>
    %get3A_1015 = arith.constant 56 : i32
    %get3A_1016 = arith.index_cast %get3A_1015 : i32 to index
    %get3A_1017 = arith.constant 0 : index
    %get3A_1018 = tpu.vector_load %arg11[%get3A_1016, %get3A_1017] {strides = array<i32>} : memref<64x16xf32, #tpu.memory_space<vmem>>, vector<16xf32>,
    %reduce_sum3A_1019 = arith.constant true
    %reduce_sum3A_1020 = vector.broadcast %reduce_sum3A_1019 : i1 to vector<16xi1>
    %reduce_sum3A_1021 = tpu.scan <sum>, %get3A_1018 masked %reduce_sum3A_1020 : vector<16xf32>, vector<16xi1> -> vector<16xf32>
    %reduce_sum3A_1022 = vector.extract %reduce_sum3A_1021[15] : f32 from vector<16xf32>
    %eq3A_1023 = arith.constant 8 : i32
    %eq3A_1024 = vector.broadcast %eq3A_1023 : i32 to vector<16xi32>
    %eq3A_1025 = arith.cmpi eq, %iota3A, %eq3A_1024 : vector<16xi32>
    %broadcast_in_dim3A_1026 = vector.broadcast %reduce_sum3A_1022 : f32 to vector<16xf32>
    %select_n3A_1027 = arith.select %eq3A_1025, %broadcast_in_dim3A_1026, %select_n3A_1014 : vector<16xi1>, vector<16xf32>
    %get3A_1028 = arith.constant 57 : i32
    %get3A_1029 = arith.index_cast %get3A_1028 : i32 to index
    %get3A_1030 = arith.constant 0 : index
    %get3A_1031 = tpu.vector_load %arg11[%get3A_1029, %get3A_1030] {strides = array<i32>} : memref<64x16xf32, #tpu.memory_space<vmem>>, vector<16xf32>,
    %reduce_sum3A_1032 = arith.constant true
    %reduce_sum3A_1033 = vector.broadcast %reduce_sum3A_1032 : i1 to vector<16xi1>
    %reduce_sum3A_1034 = tpu.scan <sum>, %get3A_1031 masked %reduce_sum3A_1033 : vector<16xf32>, vector<16xi1> -> vector<16xf32>
    %reduce_sum3A_1035 = vector.extract %reduce_sum3A_1034[15] : f32 from vector<16xf32>
    %eq3A_1036 = arith.constant 9 : i32
    %eq3A_1037 = vector.broadcast %eq3A_1036 : i32 to vector<16xi32>
    %eq3A_1038 = arith.cmpi eq, %iota3A, %eq3A_1037 : vector<16xi32>
    %broadcast_in_dim3A_1039 = vector.broadcast %reduce_sum3A_1035 : f32 to vector<16xf32>
    %select_n3A_1040 = arith.select %eq3A_1038, %broadcast_in_dim3A_1039, %select_n3A_1027 : vector<16xi1>, vector<16xf32>
    %get3A_1041 = arith.constant 58 : i32
    %get3A_1042 = arith.index_cast %get3A_1041 : i32 to index
    %get3A_1043 = arith.constant 0 : index
    %get3A_1044 = tpu.vector_load %arg11[%get3A_1042, %get3A_1043] {strides = array<i32>} : memref<64x16xf32, #tpu.memory_space<vmem>>, vector<16xf32>,
    %reduce_sum3A_1045 = arith.constant true
    %reduce_sum3A_1046 = vector.broadcast %reduce_sum3A_1045 : i1 to vector<16xi1>
    %reduce_sum3A_1047 = tpu.scan <sum>, %get3A_1044 masked %reduce_sum3A_1046 : vector<16xf32>, vector<16xi1> -> vector<16xf32>
    %reduce_sum3A_1048 = vector.extract %reduce_sum3A_1047[15] : f32 from vector<16xf32>
    %eq3A_1049 = arith.constant 10 : i32
    %eq3A_1050 = vector.broadcast %eq3A_1049 : i32 to vector<16xi32>
    %eq3A_1051 = arith.cmpi eq, %iota3A, %eq3A_1050 : vector<16xi32>
    %broadcast_in_dim3A_1052 = vector.broadcast %reduce_sum3A_1048 : f32 to vector<16xf32>
    %select_n3A_1053 = arith.select %eq3A_1051, %broadcast_in_dim3A_1052, %select_n3A_1040 : vector<16xi1>, vector<16xf32>
    %get3A_1054 = arith.constant 59 : i32
    %get3A_1055 = arith.index_cast %get3A_1054 : i32 to index
    %get3A_1056 = arith.constant 0 : index
    %get3A_1057 = tpu.vector_load %arg11[%get3A_1055, %get3A_1056] {strides = array<i32>} : memref<64x16xf32, #tpu.memory_space<vmem>>, vector<16xf32>,
    %reduce_sum3A_1058 = arith.constant true
    %reduce_sum3A_1059 = vector.broadcast %reduce_sum3A_1058 : i1 to vector<16xi1>
    %reduce_sum3A_1060 = tpu.scan <sum>, %get3A_1057 masked %reduce_sum3A_1059 : vector<16xf32>, vector<16xi1> -> vector<16xf32>
    %reduce_sum3A_1061 = vector.extract %reduce_sum3A_1060[15] : f32 from vector<16xf32>
    %eq3A_1062 = arith.constant 11 : i32
    %eq3A_1063 = vector.broadcast %eq3A_1062 : i32 to vector<16xi32>
    %eq3A_1064 = arith.cmpi eq, %iota3A, %eq3A_1063 : vector<16xi32>
    %broadcast_in_dim3A_1065 = vector.broadcast %reduce_sum3A_1061 : f32 to vector<16xf32>
    %select_n3A_1066 = arith.select %eq3A_1064, %broadcast_in_dim3A_1065, %select_n3A_1053 : vector<16xi1>, vector<16xf32>
    %get3A_1067 = arith.constant 60 : i32
    %get3A_1068 = arith.index_cast %get3A_1067 : i32 to index
    %get3A_1069 = arith.constant 0 : index
    %get3A_1070 = tpu.vector_load %arg11[%get3A_1068, %get3A_1069] {strides = array<i32>} : memref<64x16xf32, #tpu.memory_space<vmem>>, vector<16xf32>,
    %reduce_sum3A_1071 = arith.constant true
    %reduce_sum3A_1072 = vector.broadcast %reduce_sum3A_1071 : i1 to vector<16xi1>
    %reduce_sum3A_1073 = tpu.scan <sum>, %get3A_1070 masked %reduce_sum3A_1072 : vector<16xf32>, vector<16xi1> -> vector<16xf32>
    %reduce_sum3A_1074 = vector.extract %reduce_sum3A_1073[15] : f32 from vector<16xf32>
    %eq3A_1075 = arith.constant 12 : i32
    %eq3A_1076 = vector.broadcast %eq3A_1075 : i32 to vector<16xi32>
    %eq3A_1077 = arith.cmpi eq, %iota3A, %eq3A_1076 : vector<16xi32>
    %broadcast_in_dim3A_1078 = vector.broadcast %reduce_sum3A_1074 : f32 to vector<16xf32>
    %select_n3A_1079 = arith.select %eq3A_1077, %broadcast_in_dim3A_1078, %select_n3A_1066 : vector<16xi1>, vector<16xf32>
    %get3A_1080 = arith.constant 61 : i32
    %get3A_1081 = arith.index_cast %get3A_1080 : i32 to index
    %get3A_1082 = arith.constant 0 : index
    %get3A_1083 = tpu.vector_load %arg11[%get3A_1081, %get3A_1082] {strides = array<i32>} : memref<64x16xf32, #tpu.memory_space<vmem>>, vector<16xf32>,
    %reduce_sum3A_1084 = arith.constant true
    %reduce_sum3A_1085 = vector.broadcast %reduce_sum3A_1084 : i1 to vector<16xi1>
    %reduce_sum3A_1086 = tpu.scan <sum>, %get3A_1083 masked %reduce_sum3A_1085 : vector<16xf32>, vector<16xi1> -> vector<16xf32>
    %reduce_sum3A_1087 = vector.extract %reduce_sum3A_1086[15] : f32 from vector<16xf32>
    %eq3A_1088 = arith.constant 13 : i32
    %eq3A_1089 = vector.broadcast %eq3A_1088 : i32 to vector<16xi32>
    %eq3A_1090 = arith.cmpi eq, %iota3A, %eq3A_1089 : vector<16xi32>
    %broadcast_in_dim3A_1091 = vector.broadcast %reduce_sum3A_1087 : f32 to vector<16xf32>
    %select_n3A_1092 = arith.select %eq3A_1090, %broadcast_in_dim3A_1091, %select_n3A_1079 : vector<16xi1>, vector<16xf32>
    %get3A_1093 = arith.constant 62 : i32
    %get3A_1094 = arith.index_cast %get3A_1093 : i32 to index
    %get3A_1095 = arith.constant 0 : index
    %get3A_1096 = tpu.vector_load %arg11[%get3A_1094, %get3A_1095] {strides = array<i32>} : memref<64x16xf32, #tpu.memory_space<vmem>>, vector<16xf32>,
    %reduce_sum3A_1097 = arith.constant true
    %reduce_sum3A_1098 = vector.broadcast %reduce_sum3A_1097 : i1 to vector<16xi1>
    %reduce_sum3A_1099 = tpu.scan <sum>, %get3A_1096 masked %reduce_sum3A_1098 : vector<16xf32>, vector<16xi1> -> vector<16xf32>
    %reduce_sum3A_1100 = vector.extract %reduce_sum3A_1099[15] : f32 from vector<16xf32>
    %eq3A_1101 = arith.constant 14 : i32
    %eq3A_1102 = vector.broadcast %eq3A_1101 : i32 to vector<16xi32>
    %eq3A_1103 = arith.cmpi eq, %iota3A, %eq3A_1102 : vector<16xi32>
    %broadcast_in_dim3A_1104 = vector.broadcast %reduce_sum3A_1100 : f32 to vector<16xf32>
    %select_n3A_1105 = arith.select %eq3A_1103, %broadcast_in_dim3A_1104, %select_n3A_1092 : vector<16xi1>, vector<16xf32>
    %get3A_1106 = arith.constant 63 : i32
    %get3A_1107 = arith.index_cast %get3A_1106 : i32 to index
    %get3A_1108 = arith.constant 0 : index
    %get3A_1109 = tpu.vector_load %arg11[%get3A_1107, %get3A_1108] {strides = array<i32>} : memref<64x16xf32, #tpu.memory_space<vmem>>, vector<16xf32>,
    %reduce_sum3A_1110 = arith.constant true
    %reduce_sum3A_1111 = vector.broadcast %reduce_sum3A_1110 : i1 to vector<16xi1>
    %reduce_sum3A_1112 = tpu.scan <sum>, %get3A_1109 masked %reduce_sum3A_1111 : vector<16xf32>, vector<16xi1> -> vector<16xf32>
    %reduce_sum3A_1113 = vector.extract %reduce_sum3A_1112[15] : f32 from vector<16xf32>
    %eq3A_1114 = arith.constant 15 : i32
    %eq3A_1115 = vector.broadcast %eq3A_1114 : i32 to vector<16xi32>
    %eq3A_1116 = arith.cmpi eq, %iota3A, %eq3A_1115 : vector<16xi32>
    %broadcast_in_dim3A_1117 = vector.broadcast %reduce_sum3A_1113 : f32 to vector<16xf32>
    %select_n3A_1118 = arith.select %eq3A_1116, %broadcast_in_dim3A_1117, %select_n3A_1105 : vector<16xi1>, vector<16xf32>
    %swap3A_1119 = arith.constant 48 : index
    %swap3A_1120 = tpu.vector_load %arg12[%swap3A_1119] {strides = array<i32>} : memref<64xf32, #tpu.memory_space<vmem>>, vector<16xf32>,
    tpu.vector_store %arg12[%swap3A_1119], %select_n3A_1118 {strides = array<i32>} : memref<64xf32, #tpu.memory_space<vmem>>, vector<16xf32>,
    "tpu.region"() ({
      %run_scoped3A = tpu.sem_alloc : memref<!tpu.dma_semaphore, #tpu.memory_space<semaphore_mem>>
      %dma_start3A_1121 = arith.constant 0 : i32
      %dma_start3A_1122 = tpu.memref_slice %arg5[%add3A, %dma_start3A_1121] : memref<32x64xf32, #tpu.memory_space<hbm>> -> memref<1x64xf32, #tpu.memory_space<hbm>>
      %dma_start3A_1123 = tpu.memref_squeeze %dma_start3A_1122 : memref<1x64xf32, #tpu.memory_space<hbm>> -> memref<64xf32, #tpu.memory_space<hbm>>
      %dma_start3A_1124 = arith.constant 0 : i32
      %dma_start3A_1125 = tpu.memref_slice %arg5[%add3A, %dma_start3A_1124] : memref<32x64xf32, #tpu.memory_space<hbm>> -> memref<1x64xf32, #tpu.memory_space<hbm>>
      %dma_start3A_1126 = tpu.memref_squeeze %dma_start3A_1125 : memref<1x64xf32, #tpu.memory_space<hbm>> -> memref<64xf32, #tpu.memory_space<hbm>>
      tpu.enqueue_dma source(%arg12 : memref<64xf32, #tpu.memory_space<vmem>>) target(%dma_start3A_1126 : memref<64xf32, #tpu.memory_space<hbm>>) target_semaphore(%run_scoped3A : memref<!tpu.dma_semaphore, #tpu.memory_space<semaphore_mem>>)
      %dma_wait3A_1127 = arith.constant 0 : i32
      %dma_wait3A_1128 = tpu.memref_slice %arg5[%add3A, %dma_wait3A_1127] : memref<32x64xf32, #tpu.memory_space<hbm>> -> memref<1x64xf32, #tpu.memory_space<hbm>>
      %dma_wait3A_1129 = tpu.memref_squeeze %dma_wait3A_1128 : memref<1x64xf32, #tpu.memory_space<hbm>> -> memref<64xf32, #tpu.memory_space<hbm>>
      %dma_wait3A_1130 = arith.constant 0 : i32
      %dma_wait3A_1131 = tpu.memref_slice %arg5[%add3A, %dma_wait3A_1130] : memref<32x64xf32, #tpu.memory_space<hbm>> -> memref<1x64xf32, #tpu.memory_space<hbm>>
      %dma_wait3A_1132 = tpu.memref_squeeze %dma_wait3A_1131 : memref<1x64xf32, #tpu.memory_space<hbm>> -> memref<64xf32, #tpu.memory_space<hbm>>
      tpu.wait_dma2 semaphore(%run_scoped3A : memref<!tpu.dma_semaphore, #tpu.memory_space<semaphore_mem>>) src(%arg12 : memref<64xf32, #tpu.memory_space<vmem>>) dst(%dma_wait3A_1132 : memref<64xf32, #tpu.memory_space<hbm>>)
      tpu.yield
    }) : () -> ()
    return
  }
}

#map = affine_map<(d0, d1) -> (0)>
#map1 = affine_map<(d0, d1) -> (0, 0)>
module attributes {stable_mosaic.version = 14 : i64} {
  func.func @_sc_bin_body(%arg0: i32, %arg1: i32, %arg2: memref<3200000xf32, #tpu.memory_space<hbm>>, %arg3: memref<6400000xi32, #tpu.memory_space<hbm>>, %arg4: memref<100000xi32, #tpu.memory_space<hbm>>, %arg5: memref<32x64xf32, #tpu.memory_space<hbm>>, %arg6: memref<100000xi32, #tpu.memory_space<vmem>>, %arg7: memref<4000xf32, #tpu.memory_space<vmem>>, %arg8: memref<4000xi32, #tpu.memory_space<vmem>>, %arg9: memref<4000xf32, #tpu.memory_space<vmem>>, %arg10: memref<4000xi32, #tpu.memory_space<vmem>>, %arg11: memref<64x16xf32, #tpu.memory_space<vmem>>, %arg12: memref<64xf32, #tpu.memory_space<vmem>>, %arg13: memref<!tpu.dma_semaphore, #tpu.memory_space<semaphore_mem>>, %arg14: memref<!tpu.dma_semaphore, #tpu.memory_space<semaphore_mem>>, %arg15: memref<!tpu.dma_semaphore, #tpu.memory_space<semaphore_mem>>, %arg16: memref<!tpu.dma_semaphore, #tpu.memory_space<semaphore_mem>>) attributes {dimension_semantics = [#tpu.dimension_semantics<core_parallel>, #tpu.dimension_semantics<subcore_parallel>], iteration_bounds = array<i64: 2, 16>, scalar_prefetch = 0 : i64, scratch_operands = 11 : i64, tpu.core_type = #tpu.core_type<sc_vector_subcore>, window_params = [{transform_indices = #map}, {transform_indices = #map}, {transform_indices = #map}, {transform_indices = #map1}]} {
    %mul3A = arith.constant 2 : i32
    %mul3A_0 = arith.muli %arg1, %mul3A : i32
    %add3A = arith.addi %mul3A_0, %arg0 : i32
    %iota3A = tpu.iota {dimensions = array<i32: 0>} : vector<16xi32>
    %broadcast_in_dim3A = arith.constant 0.000000e+00 : f32
    %broadcast_in_dim3A_1 = vector.broadcast %broadcast_in_dim3A : f32 to vector<16xf32>
    %mul3A_2 = arith.constant 100000 : i32
    %mul3A_3 = arith.muli %add3A, %mul3A_2 : i32
    %multiple_of3A = tpu.assume_multiple %mul3A_3, 4000 : i32
    %mul3A_4 = arith.constant 100000 : i32
    %mul3A_5 = arith.muli %add3A, %mul3A_4 : i32
    %add3A_6 = arith.constant 0 : i32
    %add3A_7 = arith.addi %add3A_6, %mul3A_5 : i32
    %multiple_of3A_8 = tpu.assume_multiple %add3A_7, 4000 : i32
    "tpu.region"() ({
      %run_scoped3A = tpu.sem_alloc : memref<!tpu.dma_semaphore, #tpu.memory_space<semaphore_mem>>
      tpu.enqueue_dma source(%arg4 : memref<100000xi32, #tpu.memory_space<hbm>>) target(%arg6 : memref<100000xi32, #tpu.memory_space<vmem>>) target_semaphore(%run_scoped3A : memref<!tpu.dma_semaphore, #tpu.memory_space<semaphore_mem>>)
      tpu.wait_dma2 semaphore(%run_scoped3A : memref<!tpu.dma_semaphore, #tpu.memory_space<semaphore_mem>>) src(%arg4 : memref<100000xi32, #tpu.memory_space<hbm>>) dst(%arg6 : memref<100000xi32, #tpu.memory_space<vmem>>)
      tpu.yield
    }) : () -> ()
    %swap3A = arith.constant 0 : i32
    %swap3A_9 = arith.index_cast %swap3A : i32 to index
    %swap3A_10 = arith.constant 0 : index
    %swap3A_11 = tpu.vector_load %arg11[%swap3A_9, %swap3A_10] {strides = array<i32>} : memref<64x16xf32, #tpu.memory_space<vmem>>, vector<16xf32>,
    tpu.vector_store %arg11[%swap3A_9, %swap3A_10], %broadcast_in_dim3A_1 {strides = array<i32>} : memref<64x16xf32, #tpu.memory_space<vmem>>, vector<16xf32>,
    %swap3A_12 = arith.constant 1 : i32
    %swap3A_13 = arith.index_cast %swap3A_12 : i32 to index
    %swap3A_14 = arith.constant 0 : index
    %swap3A_15 = tpu.vector_load %arg11[%swap3A_13, %swap3A_14] {strides = array<i32>} : memref<64x16xf32, #tpu.memory_space<vmem>>, vector<16xf32>,
    tpu.vector_store %arg11[%swap3A_13, %swap3A_14], %broadcast_in_dim3A_1 {strides = array<i32>} : memref<64x16xf32, #tpu.memory_space<vmem>>, vector<16xf32>,
    %swap3A_16 = arith.constant 2 : i32
    %swap3A_17 = arith.index_cast %swap3A_16 : i32 to index
    %swap3A_18 = arith.constant 0 : index
    %swap3A_19 = tpu.vector_load %arg11[%swap3A_17, %swap3A_18] {strides = array<i32>} : memref<64x16xf32, #tpu.memory_space<vmem>>, vector<16xf32>,
    tpu.vector_store %arg11[%swap3A_17, %swap3A_18], %broadcast_in_dim3A_1 {strides = array<i32>} : memref<64x16xf32, #tpu.memory_space<vmem>>, vector<16xf32>,
    %swap3A_20 = arith.constant 3 : i32
    %swap3A_21 = arith.index_cast %swap3A_20 : i32 to index
    %swap3A_22 = arith.constant 0 : index
    %swap3A_23 = tpu.vector_load %arg11[%swap3A_21, %swap3A_22] {strides = array<i32>} : memref<64x16xf32, #tpu.memory_space<vmem>>, vector<16xf32>,
    tpu.vector_store %arg11[%swap3A_21, %swap3A_22], %broadcast_in_dim3A_1 {strides = array<i32>} : memref<64x16xf32, #tpu.memory_space<vmem>>, vector<16xf32>,
    %swap3A_24 = arith.constant 4 : i32
    %swap3A_25 = arith.index_cast %swap3A_24 : i32 to index
    %swap3A_26 = arith.constant 0 : index
    %swap3A_27 = tpu.vector_load %arg11[%swap3A_25, %swap3A_26] {strides = array<i32>} : memref<64x16xf32, #tpu.memory_space<vmem>>, vector<16xf32>,
    tpu.vector_store %arg11[%swap3A_25, %swap3A_26], %broadcast_in_dim3A_1 {strides = array<i32>} : memref<64x16xf32, #tpu.memory_space<vmem>>, vector<16xf32>,
    %swap3A_28 = arith.constant 5 : i32
    %swap3A_29 = arith.index_cast %swap3A_28 : i32 to index
    %swap3A_30 = arith.constant 0 : index
    %swap3A_31 = tpu.vector_load %arg11[%swap3A_29, %swap3A_30] {strides = array<i32>} : memref<64x16xf32, #tpu.memory_space<vmem>>, vector<16xf32>,
    tpu.vector_store %arg11[%swap3A_29, %swap3A_30], %broadcast_in_dim3A_1 {strides = array<i32>} : memref<64x16xf32, #tpu.memory_space<vmem>>, vector<16xf32>,
    %swap3A_32 = arith.constant 6 : i32
    %swap3A_33 = arith.index_cast %swap3A_32 : i32 to index
    %swap3A_34 = arith.constant 0 : index
    %swap3A_35 = tpu.vector_load %arg11[%swap3A_33, %swap3A_34] {strides = array<i32>} : memref<64x16xf32, #tpu.memory_space<vmem>>, vector<16xf32>,
    tpu.vector_store %arg11[%swap3A_33, %swap3A_34], %broadcast_in_dim3A_1 {strides = array<i32>} : memref<64x16xf32, #tpu.memory_space<vmem>>, vector<16xf32>,
    %swap3A_36 = arith.constant 7 : i32
    %swap3A_37 = arith.index_cast %swap3A_36 : i32 to index
    %swap3A_38 = arith.constant 0 : index
    %swap3A_39 = tpu.vector_load %arg11[%swap3A_37, %swap3A_38] {strides = array<i32>} : memref<64x16xf32, #tpu.memory_space<vmem>>, vector<16xf32>,
    tpu.vector_store %arg11[%swap3A_37, %swap3A_38], %broadcast_in_dim3A_1 {strides = array<i32>} : memref<64x16xf32, #tpu.memory_space<vmem>>, vector<16xf32>,
    %swap3A_40 = arith.constant 8 : i32
    %swap3A_41 = arith.index_cast %swap3A_40 : i32 to index
    %swap3A_42 = arith.constant 0 : index
    %swap3A_43 = tpu.vector_load %arg11[%swap3A_41, %swap3A_42] {strides = array<i32>} : memref<64x16xf32, #tpu.memory_space<vmem>>, vector<16xf32>,
    tpu.vector_store %arg11[%swap3A_41, %swap3A_42], %broadcast_in_dim3A_1 {strides = array<i32>} : memref<64x16xf32, #tpu.memory_space<vmem>>, vector<16xf32>,
    %swap3A_44 = arith.constant 9 : i32
    %swap3A_45 = arith.index_cast %swap3A_44 : i32 to index
    %swap3A_46 = arith.constant 0 : index
    %swap3A_47 = tpu.vector_load %arg11[%swap3A_45, %swap3A_46] {strides = array<i32>} : memref<64x16xf32, #tpu.memory_space<vmem>>, vector<16xf32>,
    tpu.vector_store %arg11[%swap3A_45, %swap3A_46], %broadcast_in_dim3A_1 {strides = array<i32>} : memref<64x16xf32, #tpu.memory_space<vmem>>, vector<16xf32>,
    %swap3A_48 = arith.constant 10 : i32
    %swap3A_49 = arith.index_cast %swap3A_48 : i32 to index
    %swap3A_50 = arith.constant 0 : index
    %swap3A_51 = tpu.vector_load %arg11[%swap3A_49, %swap3A_50] {strides = array<i32>} : memref<64x16xf32, #tpu.memory_space<vmem>>, vector<16xf32>,
    tpu.vector_store %arg11[%swap3A_49, %swap3A_50], %broadcast_in_dim3A_1 {strides = array<i32>} : memref<64x16xf32, #tpu.memory_space<vmem>>, vector<16xf32>,
    %swap3A_52 = arith.constant 11 : i32
    %swap3A_53 = arith.index_cast %swap3A_52 : i32 to index
    %swap3A_54 = arith.constant 0 : index
    %swap3A_55 = tpu.vector_load %arg11[%swap3A_53, %swap3A_54] {strides = array<i32>} : memref<64x16xf32, #tpu.memory_space<vmem>>, vector<16xf32>,
    tpu.vector_store %arg11[%swap3A_53, %swap3A_54], %broadcast_in_dim3A_1 {strides = array<i32>} : memref<64x16xf32, #tpu.memory_space<vmem>>, vector<16xf32>,
    %swap3A_56 = arith.constant 12 : i32
    %swap3A_57 = arith.index_cast %swap3A_56 : i32 to index
    %swap3A_58 = arith.constant 0 : index
    %swap3A_59 = tpu.vector_load %arg11[%swap3A_57, %swap3A_58] {strides = array<i32>} : memref<64x16xf32, #tpu.memory_space<vmem>>, vector<16xf32>,
    tpu.vector_store %arg11[%swap3A_57, %swap3A_58], %broadcast_in_dim3A_1 {strides = array<i32>} : memref<64x16xf32, #tpu.memory_space<vmem>>, vector<16xf32>,
    %swap3A_60 = arith.constant 13 : i32
    %swap3A_61 = arith.index_cast %swap3A_60 : i32 to index
    %swap3A_62 = arith.constant 0 : index
    %swap3A_63 = tpu.vector_load %arg11[%swap3A_61, %swap3A_62] {strides = array<i32>} : memref<64x16xf32, #tpu.memory_space<vmem>>, vector<16xf32>,
    tpu.vector_store %arg11[%swap3A_61, %swap3A_62], %broadcast_in_dim3A_1 {strides = array<i32>} : memref<64x16xf32, #tpu.memory_space<vmem>>, vector<16xf32>,
    %swap3A_64 = arith.constant 14 : i32
    %swap3A_65 = arith.index_cast %swap3A_64 : i32 to index
    %swap3A_66 = arith.constant 0 : index
    %swap3A_67 = tpu.vector_load %arg11[%swap3A_65, %swap3A_66] {strides = array<i32>} : memref<64x16xf32, #tpu.memory_space<vmem>>, vector<16xf32>,
    tpu.vector_store %arg11[%swap3A_65, %swap3A_66], %broadcast_in_dim3A_1 {strides = array<i32>} : memref<64x16xf32, #tpu.memory_space<vmem>>, vector<16xf32>,
    %swap3A_68 = arith.constant 15 : i32
    %swap3A_69 = arith.index_cast %swap3A_68 : i32 to index
    %swap3A_70 = arith.constant 0 : index
    %swap3A_71 = tpu.vector_load %arg11[%swap3A_69, %swap3A_70] {strides = array<i32>} : memref<64x16xf32, #tpu.memory_space<vmem>>, vector<16xf32>,
    tpu.vector_store %arg11[%swap3A_69, %swap3A_70], %broadcast_in_dim3A_1 {strides = array<i32>} : memref<64x16xf32, #tpu.memory_space<vmem>>, vector<16xf32>,
    %swap3A_72 = arith.constant 16 : i32
    %swap3A_73 = arith.index_cast %swap3A_72 : i32 to index
    %swap3A_74 = arith.constant 0 : index
    %swap3A_75 = tpu.vector_load %arg11[%swap3A_73, %swap3A_74] {strides = array<i32>} : memref<64x16xf32, #tpu.memory_space<vmem>>, vector<16xf32>,
    tpu.vector_store %arg11[%swap3A_73, %swap3A_74], %broadcast_in_dim3A_1 {strides = array<i32>} : memref<64x16xf32, #tpu.memory_space<vmem>>, vector<16xf32>,
    %swap3A_76 = arith.constant 17 : i32
    %swap3A_77 = arith.index_cast %swap3A_76 : i32 to index
    %swap3A_78 = arith.constant 0 : index
    %swap3A_79 = tpu.vector_load %arg11[%swap3A_77, %swap3A_78] {strides = array<i32>} : memref<64x16xf32, #tpu.memory_space<vmem>>, vector<16xf32>,
    tpu.vector_store %arg11[%swap3A_77, %swap3A_78], %broadcast_in_dim3A_1 {strides = array<i32>} : memref<64x16xf32, #tpu.memory_space<vmem>>, vector<16xf32>,
    %swap3A_80 = arith.constant 18 : i32
    %swap3A_81 = arith.index_cast %swap3A_80 : i32 to index
    %swap3A_82 = arith.constant 0 : index
    %swap3A_83 = tpu.vector_load %arg11[%swap3A_81, %swap3A_82] {strides = array<i32>} : memref<64x16xf32, #tpu.memory_space<vmem>>, vector<16xf32>,
    tpu.vector_store %arg11[%swap3A_81, %swap3A_82], %broadcast_in_dim3A_1 {strides = array<i32>} : memref<64x16xf32, #tpu.memory_space<vmem>>, vector<16xf32>,
    %swap3A_84 = arith.constant 19 : i32
    %swap3A_85 = arith.index_cast %swap3A_84 : i32 to index
    %swap3A_86 = arith.constant 0 : index
    %swap3A_87 = tpu.vector_load %arg11[%swap3A_85, %swap3A_86] {strides = array<i32>} : memref<64x16xf32, #tpu.memory_space<vmem>>, vector<16xf32>,
    tpu.vector_store %arg11[%swap3A_85, %swap3A_86], %broadcast_in_dim3A_1 {strides = array<i32>} : memref<64x16xf32, #tpu.memory_space<vmem>>, vector<16xf32>,
    %swap3A_88 = arith.constant 20 : i32
    %swap3A_89 = arith.index_cast %swap3A_88 : i32 to index
    %swap3A_90 = arith.constant 0 : index
    %swap3A_91 = tpu.vector_load %arg11[%swap3A_89, %swap3A_90] {strides = array<i32>} : memref<64x16xf32, #tpu.memory_space<vmem>>, vector<16xf32>,
    tpu.vector_store %arg11[%swap3A_89, %swap3A_90], %broadcast_in_dim3A_1 {strides = array<i32>} : memref<64x16xf32, #tpu.memory_space<vmem>>, vector<16xf32>,
    %swap3A_92 = arith.constant 21 : i32
    %swap3A_93 = arith.index_cast %swap3A_92 : i32 to index
    %swap3A_94 = arith.constant 0 : index
    %swap3A_95 = tpu.vector_load %arg11[%swap3A_93, %swap3A_94] {strides = array<i32>} : memref<64x16xf32, #tpu.memory_space<vmem>>, vector<16xf32>,
    tpu.vector_store %arg11[%swap3A_93, %swap3A_94], %broadcast_in_dim3A_1 {strides = array<i32>} : memref<64x16xf32, #tpu.memory_space<vmem>>, vector<16xf32>,
    %swap3A_96 = arith.constant 22 : i32
    %swap3A_97 = arith.index_cast %swap3A_96 : i32 to index
    %swap3A_98 = arith.constant 0 : index
    %swap3A_99 = tpu.vector_load %arg11[%swap3A_97, %swap3A_98] {strides = array<i32>} : memref<64x16xf32, #tpu.memory_space<vmem>>, vector<16xf32>,
    tpu.vector_store %arg11[%swap3A_97, %swap3A_98], %broadcast_in_dim3A_1 {strides = array<i32>} : memref<64x16xf32, #tpu.memory_space<vmem>>, vector<16xf32>,
    %swap3A_100 = arith.constant 23 : i32
    %swap3A_101 = arith.index_cast %swap3A_100 : i32 to index
    %swap3A_102 = arith.constant 0 : index
    %swap3A_103 = tpu.vector_load %arg11[%swap3A_101, %swap3A_102] {strides = array<i32>} : memref<64x16xf32, #tpu.memory_space<vmem>>, vector<16xf32>,
    tpu.vector_store %arg11[%swap3A_101, %swap3A_102], %broadcast_in_dim3A_1 {strides = array<i32>} : memref<64x16xf32, #tpu.memory_space<vmem>>, vector<16xf32>,
    %swap3A_104 = arith.constant 24 : i32
    %swap3A_105 = arith.index_cast %swap3A_104 : i32 to index
    %swap3A_106 = arith.constant 0 : index
    %swap3A_107 = tpu.vector_load %arg11[%swap3A_105, %swap3A_106] {strides = array<i32>} : memref<64x16xf32, #tpu.memory_space<vmem>>, vector<16xf32>,
    tpu.vector_store %arg11[%swap3A_105, %swap3A_106], %broadcast_in_dim3A_1 {strides = array<i32>} : memref<64x16xf32, #tpu.memory_space<vmem>>, vector<16xf32>,
    %swap3A_108 = arith.constant 25 : i32
    %swap3A_109 = arith.index_cast %swap3A_108 : i32 to index
    %swap3A_110 = arith.constant 0 : index
    %swap3A_111 = tpu.vector_load %arg11[%swap3A_109, %swap3A_110] {strides = array<i32>} : memref<64x16xf32, #tpu.memory_space<vmem>>, vector<16xf32>,
    tpu.vector_store %arg11[%swap3A_109, %swap3A_110], %broadcast_in_dim3A_1 {strides = array<i32>} : memref<64x16xf32, #tpu.memory_space<vmem>>, vector<16xf32>,
    %swap3A_112 = arith.constant 26 : i32
    %swap3A_113 = arith.index_cast %swap3A_112 : i32 to index
    %swap3A_114 = arith.constant 0 : index
    %swap3A_115 = tpu.vector_load %arg11[%swap3A_113, %swap3A_114] {strides = array<i32>} : memref<64x16xf32, #tpu.memory_space<vmem>>, vector<16xf32>,
    tpu.vector_store %arg11[%swap3A_113, %swap3A_114], %broadcast_in_dim3A_1 {strides = array<i32>} : memref<64x16xf32, #tpu.memory_space<vmem>>, vector<16xf32>,
    %swap3A_116 = arith.constant 27 : i32
    %swap3A_117 = arith.index_cast %swap3A_116 : i32 to index
    %swap3A_118 = arith.constant 0 : index
    %swap3A_119 = tpu.vector_load %arg11[%swap3A_117, %swap3A_118] {strides = array<i32>} : memref<64x16xf32, #tpu.memory_space<vmem>>, vector<16xf32>,
    tpu.vector_store %arg11[%swap3A_117, %swap3A_118], %broadcast_in_dim3A_1 {strides = array<i32>} : memref<64x16xf32, #tpu.memory_space<vmem>>, vector<16xf32>,
    %swap3A_120 = arith.constant 28 : i32
    %swap3A_121 = arith.index_cast %swap3A_120 : i32 to index
    %swap3A_122 = arith.constant 0 : index
    %swap3A_123 = tpu.vector_load %arg11[%swap3A_121, %swap3A_122] {strides = array<i32>} : memref<64x16xf32, #tpu.memory_space<vmem>>, vector<16xf32>,
    tpu.vector_store %arg11[%swap3A_121, %swap3A_122], %broadcast_in_dim3A_1 {strides = array<i32>} : memref<64x16xf32, #tpu.memory_space<vmem>>, vector<16xf32>,
    %swap3A_124 = arith.constant 29 : i32
    %swap3A_125 = arith.index_cast %swap3A_124 : i32 to index
    %swap3A_126 = arith.constant 0 : index
    %swap3A_127 = tpu.vector_load %arg11[%swap3A_125, %swap3A_126] {strides = array<i32>} : memref<64x16xf32, #tpu.memory_space<vmem>>, vector<16xf32>,
    tpu.vector_store %arg11[%swap3A_125, %swap3A_126], %broadcast_in_dim3A_1 {strides = array<i32>} : memref<64x16xf32, #tpu.memory_space<vmem>>, vector<16xf32>,
    %swap3A_128 = arith.constant 30 : i32
    %swap3A_129 = arith.index_cast %swap3A_128 : i32 to index
    %swap3A_130 = arith.constant 0 : index
    %swap3A_131 = tpu.vector_load %arg11[%swap3A_129, %swap3A_130] {strides = array<i32>} : memref<64x16xf32, #tpu.memory_space<vmem>>, vector<16xf32>,
    tpu.vector_store %arg11[%swap3A_129, %swap3A_130], %broadcast_in_dim3A_1 {strides = array<i32>} : memref<64x16xf32, #tpu.memory_space<vmem>>, vector<16xf32>,
    %swap3A_132 = arith.constant 31 : i32
    %swap3A_133 = arith.index_cast %swap3A_132 : i32 to index
    %swap3A_134 = arith.constant 0 : index
    %swap3A_135 = tpu.vector_load %arg11[%swap3A_133, %swap3A_134] {strides = array<i32>} : memref<64x16xf32, #tpu.memory_space<vmem>>, vector<16xf32>,
    tpu.vector_store %arg11[%swap3A_133, %swap3A_134], %broadcast_in_dim3A_1 {strides = array<i32>} : memref<64x16xf32, #tpu.memory_space<vmem>>, vector<16xf32>,
    %swap3A_136 = arith.constant 32 : i32
    %swap3A_137 = arith.index_cast %swap3A_136 : i32 to index
    %swap3A_138 = arith.constant 0 : index
    %swap3A_139 = tpu.vector_load %arg11[%swap3A_137, %swap3A_138] {strides = array<i32>} : memref<64x16xf32, #tpu.memory_space<vmem>>, vector<16xf32>,
    tpu.vector_store %arg11[%swap3A_137, %swap3A_138], %broadcast_in_dim3A_1 {strides = array<i32>} : memref<64x16xf32, #tpu.memory_space<vmem>>, vector<16xf32>,
    %swap3A_140 = arith.constant 33 : i32
    %swap3A_141 = arith.index_cast %swap3A_140 : i32 to index
    %swap3A_142 = arith.constant 0 : index
    %swap3A_143 = tpu.vector_load %arg11[%swap3A_141, %swap3A_142] {strides = array<i32>} : memref<64x16xf32, #tpu.memory_space<vmem>>, vector<16xf32>,
    tpu.vector_store %arg11[%swap3A_141, %swap3A_142], %broadcast_in_dim3A_1 {strides = array<i32>} : memref<64x16xf32, #tpu.memory_space<vmem>>, vector<16xf32>,
    %swap3A_144 = arith.constant 34 : i32
    %swap3A_145 = arith.index_cast %swap3A_144 : i32 to index
    %swap3A_146 = arith.constant 0 : index
    %swap3A_147 = tpu.vector_load %arg11[%swap3A_145, %swap3A_146] {strides = array<i32>} : memref<64x16xf32, #tpu.memory_space<vmem>>, vector<16xf32>,
    tpu.vector_store %arg11[%swap3A_145, %swap3A_146], %broadcast_in_dim3A_1 {strides = array<i32>} : memref<64x16xf32, #tpu.memory_space<vmem>>, vector<16xf32>,
    %swap3A_148 = arith.constant 35 : i32
    %swap3A_149 = arith.index_cast %swap3A_148 : i32 to index
    %swap3A_150 = arith.constant 0 : index
    %swap3A_151 = tpu.vector_load %arg11[%swap3A_149, %swap3A_150] {strides = array<i32>} : memref<64x16xf32, #tpu.memory_space<vmem>>, vector<16xf32>,
    tpu.vector_store %arg11[%swap3A_149, %swap3A_150], %broadcast_in_dim3A_1 {strides = array<i32>} : memref<64x16xf32, #tpu.memory_space<vmem>>, vector<16xf32>,
    %swap3A_152 = arith.constant 36 : i32
    %swap3A_153 = arith.index_cast %swap3A_152 : i32 to index
    %swap3A_154 = arith.constant 0 : index
    %swap3A_155 = tpu.vector_load %arg11[%swap3A_153, %swap3A_154] {strides = array<i32>} : memref<64x16xf32, #tpu.memory_space<vmem>>, vector<16xf32>,
    tpu.vector_store %arg11[%swap3A_153, %swap3A_154], %broadcast_in_dim3A_1 {strides = array<i32>} : memref<64x16xf32, #tpu.memory_space<vmem>>, vector<16xf32>,
    %swap3A_156 = arith.constant 37 : i32
    %swap3A_157 = arith.index_cast %swap3A_156 : i32 to index
    %swap3A_158 = arith.constant 0 : index
    %swap3A_159 = tpu.vector_load %arg11[%swap3A_157, %swap3A_158] {strides = array<i32>} : memref<64x16xf32, #tpu.memory_space<vmem>>, vector<16xf32>,
    tpu.vector_store %arg11[%swap3A_157, %swap3A_158], %broadcast_in_dim3A_1 {strides = array<i32>} : memref<64x16xf32, #tpu.memory_space<vmem>>, vector<16xf32>,
    %swap3A_160 = arith.constant 38 : i32
    %swap3A_161 = arith.index_cast %swap3A_160 : i32 to index
    %swap3A_162 = arith.constant 0 : index
    %swap3A_163 = tpu.vector_load %arg11[%swap3A_161, %swap3A_162] {strides = array<i32>} : memref<64x16xf32, #tpu.memory_space<vmem>>, vector<16xf32>,
    tpu.vector_store %arg11[%swap3A_161, %swap3A_162], %broadcast_in_dim3A_1 {strides = array<i32>} : memref<64x16xf32, #tpu.memory_space<vmem>>, vector<16xf32>,
    %swap3A_164 = arith.constant 39 : i32
    %swap3A_165 = arith.index_cast %swap3A_164 : i32 to index
    %swap3A_166 = arith.constant 0 : index
    %swap3A_167 = tpu.vector_load %arg11[%swap3A_165, %swap3A_166] {strides = array<i32>} : memref<64x16xf32, #tpu.memory_space<vmem>>, vector<16xf32>,
    tpu.vector_store %arg11[%swap3A_165, %swap3A_166], %broadcast_in_dim3A_1 {strides = array<i32>} : memref<64x16xf32, #tpu.memory_space<vmem>>, vector<16xf32>,
    %swap3A_168 = arith.constant 40 : i32
    %swap3A_169 = arith.index_cast %swap3A_168 : i32 to index
    %swap3A_170 = arith.constant 0 : index
    %swap3A_171 = tpu.vector_load %arg11[%swap3A_169, %swap3A_170] {strides = array<i32>} : memref<64x16xf32, #tpu.memory_space<vmem>>, vector<16xf32>,
    tpu.vector_store %arg11[%swap3A_169, %swap3A_170], %broadcast_in_dim3A_1 {strides = array<i32>} : memref<64x16xf32, #tpu.memory_space<vmem>>, vector<16xf32>,
    %swap3A_172 = arith.constant 41 : i32
    %swap3A_173 = arith.index_cast %swap3A_172 : i32 to index
    %swap3A_174 = arith.constant 0 : index
    %swap3A_175 = tpu.vector_load %arg11[%swap3A_173, %swap3A_174] {strides = array<i32>} : memref<64x16xf32, #tpu.memory_space<vmem>>, vector<16xf32>,
    tpu.vector_store %arg11[%swap3A_173, %swap3A_174], %broadcast_in_dim3A_1 {strides = array<i32>} : memref<64x16xf32, #tpu.memory_space<vmem>>, vector<16xf32>,
    %swap3A_176 = arith.constant 42 : i32
    %swap3A_177 = arith.index_cast %swap3A_176 : i32 to index
    %swap3A_178 = arith.constant 0 : index
    %swap3A_179 = tpu.vector_load %arg11[%swap3A_177, %swap3A_178] {strides = array<i32>} : memref<64x16xf32, #tpu.memory_space<vmem>>, vector<16xf32>,
    tpu.vector_store %arg11[%swap3A_177, %swap3A_178], %broadcast_in_dim3A_1 {strides = array<i32>} : memref<64x16xf32, #tpu.memory_space<vmem>>, vector<16xf32>,
    %swap3A_180 = arith.constant 43 : i32
    %swap3A_181 = arith.index_cast %swap3A_180 : i32 to index
    %swap3A_182 = arith.constant 0 : index
    %swap3A_183 = tpu.vector_load %arg11[%swap3A_181, %swap3A_182] {strides = array<i32>} : memref<64x16xf32, #tpu.memory_space<vmem>>, vector<16xf32>,
    tpu.vector_store %arg11[%swap3A_181, %swap3A_182], %broadcast_in_dim3A_1 {strides = array<i32>} : memref<64x16xf32, #tpu.memory_space<vmem>>, vector<16xf32>,
    %swap3A_184 = arith.constant 44 : i32
    %swap3A_185 = arith.index_cast %swap3A_184 : i32 to index
    %swap3A_186 = arith.constant 0 : index
    %swap3A_187 = tpu.vector_load %arg11[%swap3A_185, %swap3A_186] {strides = array<i32>} : memref<64x16xf32, #tpu.memory_space<vmem>>, vector<16xf32>,
    tpu.vector_store %arg11[%swap3A_185, %swap3A_186], %broadcast_in_dim3A_1 {strides = array<i32>} : memref<64x16xf32, #tpu.memory_space<vmem>>, vector<16xf32>,
    %swap3A_188 = arith.constant 45 : i32
    %swap3A_189 = arith.index_cast %swap3A_188 : i32 to index
    %swap3A_190 = arith.constant 0 : index
    %swap3A_191 = tpu.vector_load %arg11[%swap3A_189, %swap3A_190] {strides = array<i32>} : memref<64x16xf32, #tpu.memory_space<vmem>>, vector<16xf32>,
    tpu.vector_store %arg11[%swap3A_189, %swap3A_190], %broadcast_in_dim3A_1 {strides = array<i32>} : memref<64x16xf32, #tpu.memory_space<vmem>>, vector<16xf32>,
    %swap3A_192 = arith.constant 46 : i32
    %swap3A_193 = arith.index_cast %swap3A_192 : i32 to index
    %swap3A_194 = arith.constant 0 : index
    %swap3A_195 = tpu.vector_load %arg11[%swap3A_193, %swap3A_194] {strides = array<i32>} : memref<64x16xf32, #tpu.memory_space<vmem>>, vector<16xf32>,
    tpu.vector_store %arg11[%swap3A_193, %swap3A_194], %broadcast_in_dim3A_1 {strides = array<i32>} : memref<64x16xf32, #tpu.memory_space<vmem>>, vector<16xf32>,
    %swap3A_196 = arith.constant 47 : i32
    %swap3A_197 = arith.index_cast %swap3A_196 : i32 to index
    %swap3A_198 = arith.constant 0 : index
    %swap3A_199 = tpu.vector_load %arg11[%swap3A_197, %swap3A_198] {strides = array<i32>} : memref<64x16xf32, #tpu.memory_space<vmem>>, vector<16xf32>,
    tpu.vector_store %arg11[%swap3A_197, %swap3A_198], %broadcast_in_dim3A_1 {strides = array<i32>} : memref<64x16xf32, #tpu.memory_space<vmem>>, vector<16xf32>,
    %swap3A_200 = arith.constant 48 : i32
    %swap3A_201 = arith.index_cast %swap3A_200 : i32 to index
    %swap3A_202 = arith.constant 0 : index
    %swap3A_203 = tpu.vector_load %arg11[%swap3A_201, %swap3A_202] {strides = array<i32>} : memref<64x16xf32, #tpu.memory_space<vmem>>, vector<16xf32>,
    tpu.vector_store %arg11[%swap3A_201, %swap3A_202], %broadcast_in_dim3A_1 {strides = array<i32>} : memref<64x16xf32, #tpu.memory_space<vmem>>, vector<16xf32>,
    %swap3A_204 = arith.constant 49 : i32
    %swap3A_205 = arith.index_cast %swap3A_204 : i32 to index
    %swap3A_206 = arith.constant 0 : index
    %swap3A_207 = tpu.vector_load %arg11[%swap3A_205, %swap3A_206] {strides = array<i32>} : memref<64x16xf32, #tpu.memory_space<vmem>>, vector<16xf32>,
    tpu.vector_store %arg11[%swap3A_205, %swap3A_206], %broadcast_in_dim3A_1 {strides = array<i32>} : memref<64x16xf32, #tpu.memory_space<vmem>>, vector<16xf32>,
    %swap3A_208 = arith.constant 50 : i32
    %swap3A_209 = arith.index_cast %swap3A_208 : i32 to index
    %swap3A_210 = arith.constant 0 : index
    %swap3A_211 = tpu.vector_load %arg11[%swap3A_209, %swap3A_210] {strides = array<i32>} : memref<64x16xf32, #tpu.memory_space<vmem>>, vector<16xf32>,
    tpu.vector_store %arg11[%swap3A_209, %swap3A_210], %broadcast_in_dim3A_1 {strides = array<i32>} : memref<64x16xf32, #tpu.memory_space<vmem>>, vector<16xf32>,
    %swap3A_212 = arith.constant 51 : i32
    %swap3A_213 = arith.index_cast %swap3A_212 : i32 to index
    %swap3A_214 = arith.constant 0 : index
    %swap3A_215 = tpu.vector_load %arg11[%swap3A_213, %swap3A_214] {strides = array<i32>} : memref<64x16xf32, #tpu.memory_space<vmem>>, vector<16xf32>,
    tpu.vector_store %arg11[%swap3A_213, %swap3A_214], %broadcast_in_dim3A_1 {strides = array<i32>} : memref<64x16xf32, #tpu.memory_space<vmem>>, vector<16xf32>,
    %swap3A_216 = arith.constant 52 : i32
    %swap3A_217 = arith.index_cast %swap3A_216 : i32 to index
    %swap3A_218 = arith.constant 0 : index
    %swap3A_219 = tpu.vector_load %arg11[%swap3A_217, %swap3A_218] {strides = array<i32>} : memref<64x16xf32, #tpu.memory_space<vmem>>, vector<16xf32>,
    tpu.vector_store %arg11[%swap3A_217, %swap3A_218], %broadcast_in_dim3A_1 {strides = array<i32>} : memref<64x16xf32, #tpu.memory_space<vmem>>, vector<16xf32>,
    %swap3A_220 = arith.constant 53 : i32
    %swap3A_221 = arith.index_cast %swap3A_220 : i32 to index
    %swap3A_222 = arith.constant 0 : index
    %swap3A_223 = tpu.vector_load %arg11[%swap3A_221, %swap3A_222] {strides = array<i32>} : memref<64x16xf32, #tpu.memory_space<vmem>>, vector<16xf32>,
    tpu.vector_store %arg11[%swap3A_221, %swap3A_222], %broadcast_in_dim3A_1 {strides = array<i32>} : memref<64x16xf32, #tpu.memory_space<vmem>>, vector<16xf32>,
    %swap3A_224 = arith.constant 54 : i32
    %swap3A_225 = arith.index_cast %swap3A_224 : i32 to index
    %swap3A_226 = arith.constant 0 : index
    %swap3A_227 = tpu.vector_load %arg11[%swap3A_225, %swap3A_226] {strides = array<i32>} : memref<64x16xf32, #tpu.memory_space<vmem>>, vector<16xf32>,
    tpu.vector_store %arg11[%swap3A_225, %swap3A_226], %broadcast_in_dim3A_1 {strides = array<i32>} : memref<64x16xf32, #tpu.memory_space<vmem>>, vector<16xf32>,
    %swap3A_228 = arith.constant 55 : i32
    %swap3A_229 = arith.index_cast %swap3A_228 : i32 to index
    %swap3A_230 = arith.constant 0 : index
    %swap3A_231 = tpu.vector_load %arg11[%swap3A_229, %swap3A_230] {strides = array<i32>} : memref<64x16xf32, #tpu.memory_space<vmem>>, vector<16xf32>,
    tpu.vector_store %arg11[%swap3A_229, %swap3A_230], %broadcast_in_dim3A_1 {strides = array<i32>} : memref<64x16xf32, #tpu.memory_space<vmem>>, vector<16xf32>,
    %swap3A_232 = arith.constant 56 : i32
    %swap3A_233 = arith.index_cast %swap3A_232 : i32 to index
    %swap3A_234 = arith.constant 0 : index
    %swap3A_235 = tpu.vector_load %arg11[%swap3A_233, %swap3A_234] {strides = array<i32>} : memref<64x16xf32, #tpu.memory_space<vmem>>, vector<16xf32>,
    tpu.vector_store %arg11[%swap3A_233, %swap3A_234], %broadcast_in_dim3A_1 {strides = array<i32>} : memref<64x16xf32, #tpu.memory_space<vmem>>, vector<16xf32>,
    %swap3A_236 = arith.constant 57 : i32
    %swap3A_237 = arith.index_cast %swap3A_236 : i32 to index
    %swap3A_238 = arith.constant 0 : index
    %swap3A_239 = tpu.vector_load %arg11[%swap3A_237, %swap3A_238] {strides = array<i32>} : memref<64x16xf32, #tpu.memory_space<vmem>>, vector<16xf32>,
    tpu.vector_store %arg11[%swap3A_237, %swap3A_238], %broadcast_in_dim3A_1 {strides = array<i32>} : memref<64x16xf32, #tpu.memory_space<vmem>>, vector<16xf32>,
    %swap3A_240 = arith.constant 58 : i32
    %swap3A_241 = arith.index_cast %swap3A_240 : i32 to index
    %swap3A_242 = arith.constant 0 : index
    %swap3A_243 = tpu.vector_load %arg11[%swap3A_241, %swap3A_242] {strides = array<i32>} : memref<64x16xf32, #tpu.memory_space<vmem>>, vector<16xf32>,
    tpu.vector_store %arg11[%swap3A_241, %swap3A_242], %broadcast_in_dim3A_1 {strides = array<i32>} : memref<64x16xf32, #tpu.memory_space<vmem>>, vector<16xf32>,
    %swap3A_244 = arith.constant 59 : i32
    %swap3A_245 = arith.index_cast %swap3A_244 : i32 to index
    %swap3A_246 = arith.constant 0 : index
    %swap3A_247 = tpu.vector_load %arg11[%swap3A_245, %swap3A_246] {strides = array<i32>} : memref<64x16xf32, #tpu.memory_space<vmem>>, vector<16xf32>,
    tpu.vector_store %arg11[%swap3A_245, %swap3A_246], %broadcast_in_dim3A_1 {strides = array<i32>} : memref<64x16xf32, #tpu.memory_space<vmem>>, vector<16xf32>,
    %swap3A_248 = arith.constant 60 : i32
    %swap3A_249 = arith.index_cast %swap3A_248 : i32 to index
    %swap3A_250 = arith.constant 0 : index
    %swap3A_251 = tpu.vector_load %arg11[%swap3A_249, %swap3A_250] {strides = array<i32>} : memref<64x16xf32, #tpu.memory_space<vmem>>, vector<16xf32>,
    tpu.vector_store %arg11[%swap3A_249, %swap3A_250], %broadcast_in_dim3A_1 {strides = array<i32>} : memref<64x16xf32, #tpu.memory_space<vmem>>, vector<16xf32>,
    %swap3A_252 = arith.constant 61 : i32
    %swap3A_253 = arith.index_cast %swap3A_252 : i32 to index
    %swap3A_254 = arith.constant 0 : index
    %swap3A_255 = tpu.vector_load %arg11[%swap3A_253, %swap3A_254] {strides = array<i32>} : memref<64x16xf32, #tpu.memory_space<vmem>>, vector<16xf32>,
    tpu.vector_store %arg11[%swap3A_253, %swap3A_254], %broadcast_in_dim3A_1 {strides = array<i32>} : memref<64x16xf32, #tpu.memory_space<vmem>>, vector<16xf32>,
    %swap3A_256 = arith.constant 62 : i32
    %swap3A_257 = arith.index_cast %swap3A_256 : i32 to index
    %swap3A_258 = arith.constant 0 : index
    %swap3A_259 = tpu.vector_load %arg11[%swap3A_257, %swap3A_258] {strides = array<i32>} : memref<64x16xf32, #tpu.memory_space<vmem>>, vector<16xf32>,
    tpu.vector_store %arg11[%swap3A_257, %swap3A_258], %broadcast_in_dim3A_1 {strides = array<i32>} : memref<64x16xf32, #tpu.memory_space<vmem>>, vector<16xf32>,
    %swap3A_260 = arith.constant 63 : i32
    %swap3A_261 = arith.index_cast %swap3A_260 : i32 to index
    %swap3A_262 = arith.constant 0 : index
    %swap3A_263 = tpu.vector_load %arg11[%swap3A_261, %swap3A_262] {strides = array<i32>} : memref<64x16xf32, #tpu.memory_space<vmem>>, vector<16xf32>,
    tpu.vector_store %arg11[%swap3A_261, %swap3A_262], %broadcast_in_dim3A_1 {strides = array<i32>} : memref<64x16xf32, #tpu.memory_space<vmem>>, vector<16xf32>,
    %add3A_264 = arith.constant 0 : i32
    %add3A_265 = arith.addi %multiple_of3A, %add3A_264 : i32
    %dma_start3A = tpu.memref_slice %arg2[%add3A_265] : memref<3200000xf32, #tpu.memory_space<hbm>> -> memref<4000xf32, #tpu.memory_space<hbm>>
    %dma_start3A_266 = tpu.memref_slice %arg2[%add3A_265] : memref<3200000xf32, #tpu.memory_space<hbm>> -> memref<4000xf32, #tpu.memory_space<hbm>>
    tpu.enqueue_dma source(%dma_start3A_266 : memref<4000xf32, #tpu.memory_space<hbm>>) target(%arg7 : memref<4000xf32, #tpu.memory_space<vmem>>) target_semaphore(%arg13 : memref<!tpu.dma_semaphore, #tpu.memory_space<semaphore_mem>>)
    %add3A_267 = arith.constant 0 : i32
    %add3A_268 = arith.addi %multiple_of3A_8, %add3A_267 : i32
    %dma_start3A_269 = tpu.memref_slice %arg3[%add3A_268] : memref<6400000xi32, #tpu.memory_space<hbm>> -> memref<4000xi32, #tpu.memory_space<hbm>>
    %dma_start3A_270 = tpu.memref_slice %arg3[%add3A_268] : memref<6400000xi32, #tpu.memory_space<hbm>> -> memref<4000xi32, #tpu.memory_space<hbm>>
    tpu.enqueue_dma source(%dma_start3A_270 : memref<4000xi32, #tpu.memory_space<hbm>>) target(%arg8 : memref<4000xi32, #tpu.memory_space<vmem>>) target_semaphore(%arg14 : memref<!tpu.dma_semaphore, #tpu.memory_space<semaphore_mem>>)
    %scan3A = arith.constant 0 : i32
    %scan3A_271 = arith.constant 0 : i32
    %scan3A_272 = arith.constant 12 : i32
    %scan3A_273 = arith.addi %scan3A_271, %scan3A_272 : i32
    %scan3A_274 = arith.constant 1 : i32
    scf.for %scan3A_1121 = %scan3A_271 to %scan3A_273 step %scan3A_274  : i32 {
      %mul3A_1122 = arith.constant 2 : i32
      %mul3A_1123 = arith.muli %scan3A_1121, %mul3A_1122 : i32
      %add3A_1124 = arith.constant 1 : i32
      %add3A_1125 = arith.addi %mul3A_1123, %add3A_1124 : i32
      %mul3A_1126 = arith.constant 4000 : i32
      %mul3A_1127 = arith.muli %add3A_1125, %mul3A_1126 : i32
      %add3A_1128 = arith.addi %multiple_of3A, %mul3A_1127 : i32
      %dma_start3A_1129 = tpu.memref_slice %arg2[%add3A_1128] : memref<3200000xf32, #tpu.memory_space<hbm>> -> memref<4000xf32, #tpu.memory_space<hbm>>
      %dma_start3A_1130 = tpu.memref_slice %arg2[%add3A_1128] : memref<3200000xf32, #tpu.memory_space<hbm>> -> memref<4000xf32, #tpu.memory_space<hbm>>
      tpu.enqueue_dma source(%dma_start3A_1130 : memref<4000xf32, #tpu.memory_space<hbm>>) target(%arg9 : memref<4000xf32, #tpu.memory_space<vmem>>) target_semaphore(%arg15 : memref<!tpu.dma_semaphore, #tpu.memory_space<semaphore_mem>>)
      %add3A_1131 = arith.addi %multiple_of3A_8, %mul3A_1127 : i32
      %dma_start3A_1132 = tpu.memref_slice %arg3[%add3A_1131] : memref<6400000xi32, #tpu.memory_space<hbm>> -> memref<4000xi32, #tpu.memory_space<hbm>>
      %dma_start3A_1133 = tpu.memref_slice %arg3[%add3A_1131] : memref<6400000xi32, #tpu.memory_space<hbm>> -> memref<4000xi32, #tpu.memory_space<hbm>>
      tpu.enqueue_dma source(%dma_start3A_1133 : memref<4000xi32, #tpu.memory_space<hbm>>) target(%arg10 : memref<4000xi32, #tpu.memory_space<vmem>>) target_semaphore(%arg16 : memref<!tpu.dma_semaphore, #tpu.memory_space<semaphore_mem>>)
      %mul3A_1134 = arith.constant 4000 : i32
      %mul3A_1135 = arith.muli %mul3A_1123, %mul3A_1134 : i32
      %add3A_1136 = arith.addi %multiple_of3A, %mul3A_1135 : i32
      %dma_wait3A_1137 = tpu.memref_slice %arg2[%add3A_1136] : memref<3200000xf32, #tpu.memory_space<hbm>> -> memref<4000xf32, #tpu.memory_space<hbm>>
      %dma_wait3A_1138 = tpu.memref_slice %arg2[%add3A_1136] : memref<3200000xf32, #tpu.memory_space<hbm>> -> memref<4000xf32, #tpu.memory_space<hbm>>
      tpu.wait_dma2 semaphore(%arg13 : memref<!tpu.dma_semaphore, #tpu.memory_space<semaphore_mem>>) src(%dma_wait3A_1138 : memref<4000xf32, #tpu.memory_space<hbm>>) dst(%arg7 : memref<4000xf32, #tpu.memory_space<vmem>>)
      %add3A_1139 = arith.addi %multiple_of3A_8, %mul3A_1135 : i32
      %dma_wait3A_1140 = tpu.memref_slice %arg3[%add3A_1139] : memref<6400000xi32, #tpu.memory_space<hbm>> -> memref<4000xi32, #tpu.memory_space<hbm>>
      %dma_wait3A_1141 = tpu.memref_slice %arg3[%add3A_1139] : memref<6400000xi32, #tpu.memory_space<hbm>> -> memref<4000xi32, #tpu.memory_space<hbm>>
      tpu.wait_dma2 semaphore(%arg14 : memref<!tpu.dma_semaphore, #tpu.memory_space<semaphore_mem>>) src(%dma_wait3A_1141 : memref<4000xi32, #tpu.memory_space<hbm>>) dst(%arg8 : memref<4000xi32, #tpu.memory_space<vmem>>)
      %parallel_loop3A_1142 = arith.constant 0 : i32
      %parallel_loop3A_1143 = arith.constant 4000 : i32
      %parallel_loop3A_1144 = arith.constant 16 : i32
      scf.for %parallel_loop3A_1162 = %parallel_loop3A_1142 to %parallel_loop3A_1143 step %parallel_loop3A_1144  : i32 {
        %parallel_loop3A_1163 = arith.index_cast %parallel_loop3A_1162 : i32 to index
        %parallel_loop3A_1164 = tpu.vector_load %arg8[%parallel_loop3A_1163] {strides = array<i32>} : memref<4000xi32, #tpu.memory_space<vmem>>, vector<16xi32>,
        %parallel_loop3A_1165 = arith.index_cast %parallel_loop3A_1162 : i32 to index
        %parallel_loop3A_1166 = tpu.vector_load %arg7[%parallel_loop3A_1165] {strides = array<i32>} : memref<4000xf32, #tpu.memory_space<vmem>>, vector<16xf32>,
        %parallel_loop3A_1167 = tpu.vector_load_idx %arg6[%parallel_loop3A_1164] : memref<100000xi32, #tpu.memory_space<vmem>>[vector<16xi32>], vector<16xi32>,
        tpu.vector_store_idx %arg11[%parallel_loop3A_1167, %iota3A], %parallel_loop3A_1166 {add = true} : memref<64x16xf32, #tpu.memory_space<vmem>>[vector<16xi32>, vector<16xi32>], vector<16xf32>,
      } {sc.loop_unroll_factor = 4 : i64, sc.parallel_access}
      %add3A_1145 = arith.constant 2 : i32
      %add3A_1146 = arith.addi %mul3A_1123, %add3A_1145 : i32
      %lt3A = arith.constant 25 : i32
      %lt3A_1147 = arith.cmpi slt, %add3A_1146, %lt3A : i32
      %convert_element_type3A = arith.extui %lt3A_1147 : i1 to i32
      %cond3A = arith.constant 0 : i32
      %cond3A_1148 = arith.cmpi ne, %convert_element_type3A, %cond3A : i32
      scf.if %cond3A_1148 {
        %add3A_1162 = arith.constant 2 : i32
        %add3A_1163 = arith.addi %mul3A_1123, %add3A_1162 : i32
        %mul3A_1164 = arith.constant 4000 : i32
        %mul3A_1165 = arith.muli %add3A_1163, %mul3A_1164 : i32
        %add3A_1166 = arith.addi %multiple_of3A, %mul3A_1165 : i32
        %dma_start3A_1167 = tpu.memref_slice %arg2[%add3A_1166] : memref<3200000xf32, #tpu.memory_space<hbm>> -> memref<4000xf32, #tpu.memory_space<hbm>>
        %dma_start3A_1168 = tpu.memref_slice %arg2[%add3A_1166] : memref<3200000xf32, #tpu.memory_space<hbm>> -> memref<4000xf32, #tpu.memory_space<hbm>>
        tpu.enqueue_dma source(%dma_start3A_1168 : memref<4000xf32, #tpu.memory_space<hbm>>) target(%arg7 : memref<4000xf32, #tpu.memory_space<vmem>>) target_semaphore(%arg13 : memref<!tpu.dma_semaphore, #tpu.memory_space<semaphore_mem>>)
        %add3A_1169 = arith.addi %multiple_of3A_8, %mul3A_1165 : i32
        %dma_start3A_1170 = tpu.memref_slice %arg3[%add3A_1169] : memref<6400000xi32, #tpu.memory_space<hbm>> -> memref<4000xi32, #tpu.memory_space<hbm>>
        %dma_start3A_1171 = tpu.memref_slice %arg3[%add3A_1169] : memref<6400000xi32, #tpu.memory_space<hbm>> -> memref<4000xi32, #tpu.memory_space<hbm>>
        tpu.enqueue_dma source(%dma_start3A_1171 : memref<4000xi32, #tpu.memory_space<hbm>>) target(%arg8 : memref<4000xi32, #tpu.memory_space<vmem>>) target_semaphore(%arg14 : memref<!tpu.dma_semaphore, #tpu.memory_space<semaphore_mem>>)
      } else {
      }
      %add3A_1149 = arith.constant 1 : i32
      %add3A_1150 = arith.addi %mul3A_1123, %add3A_1149 : i32
      %mul3A_1151 = arith.constant 4000 : i32
      %mul3A_1152 = arith.muli %add3A_1150, %mul3A_1151 : i32
      %add3A_1153 = arith.addi %multiple_of3A, %mul3A_1152 : i32
      %dma_wait3A_1154 = tpu.memref_slice %arg2[%add3A_1153] : memref<3200000xf32, #tpu.memory_space<hbm>> -> memref<4000xf32, #tpu.memory_space<hbm>>
      %dma_wait3A_1155 = tpu.memref_slice %arg2[%add3A_1153] : memref<3200000xf32, #tpu.memory_space<hbm>> -> memref<4000xf32, #tpu.memory_space<hbm>>
      tpu.wait_dma2 semaphore(%arg15 : memref<!tpu.dma_semaphore, #tpu.memory_space<semaphore_mem>>) src(%dma_wait3A_1155 : memref<4000xf32, #tpu.memory_space<hbm>>) dst(%arg9 : memref<4000xf32, #tpu.memory_space<vmem>>)
      %add3A_1156 = arith.addi %multiple_of3A_8, %mul3A_1152 : i32
      %dma_wait3A_1157 = tpu.memref_slice %arg3[%add3A_1156] : memref<6400000xi32, #tpu.memory_space<hbm>> -> memref<4000xi32, #tpu.memory_space<hbm>>
      %dma_wait3A_1158 = tpu.memref_slice %arg3[%add3A_1156] : memref<6400000xi32, #tpu.memory_space<hbm>> -> memref<4000xi32, #tpu.memory_space<hbm>>
      tpu.wait_dma2 semaphore(%arg16 : memref<!tpu.dma_semaphore, #tpu.memory_space<semaphore_mem>>) src(%dma_wait3A_1158 : memref<4000xi32, #tpu.memory_space<hbm>>) dst(%arg10 : memref<4000xi32, #tpu.memory_space<vmem>>)
      %parallel_loop3A_1159 = arith.constant 0 : i32
      %parallel_loop3A_1160 = arith.constant 4000 : i32
      %parallel_loop3A_1161 = arith.constant 16 : i32
      scf.for %parallel_loop3A_1162 = %parallel_loop3A_1159 to %parallel_loop3A_1160 step %parallel_loop3A_1161  : i32 {
        %parallel_loop3A_1163 = arith.index_cast %parallel_loop3A_1162 : i32 to index
        %parallel_loop3A_1164 = tpu.vector_load %arg10[%parallel_loop3A_1163] {strides = array<i32>} : memref<4000xi32, #tpu.memory_space<vmem>>, vector<16xi32>,
        %parallel_loop3A_1165 = arith.index_cast %parallel_loop3A_1162 : i32 to index
        %parallel_loop3A_1166 = tpu.vector_load %arg9[%parallel_loop3A_1165] {strides = array<i32>} : memref<4000xf32, #tpu.memory_space<vmem>>, vector<16xf32>,
        %parallel_loop3A_1167 = tpu.vector_load_idx %arg6[%parallel_loop3A_1164] : memref<100000xi32, #tpu.memory_space<vmem>>[vector<16xi32>], vector<16xi32>,
        tpu.vector_store_idx %arg11[%parallel_loop3A_1167, %iota3A], %parallel_loop3A_1166 {add = true} : memref<64x16xf32, #tpu.memory_space<vmem>>[vector<16xi32>, vector<16xi32>], vector<16xf32>,
      } {sc.loop_unroll_factor = 4 : i64, sc.parallel_access}
    }
    %scan3A_275 = arith.constant 12 : i32
    %add3A_276 = arith.constant 96000 : i32
    %add3A_277 = arith.addi %multiple_of3A, %add3A_276 : i32
    %dma_wait3A = tpu.memref_slice %arg2[%add3A_277] : memref<3200000xf32, #tpu.memory_space<hbm>> -> memref<4000xf32, #tpu.memory_space<hbm>>
    %dma_wait3A_278 = tpu.memref_slice %arg2[%add3A_277] : memref<3200000xf32, #tpu.memory_space<hbm>> -> memref<4000xf32, #tpu.memory_space<hbm>>
    tpu.wait_dma2 semaphore(%arg13 : memref<!tpu.dma_semaphore, #tpu.memory_space<semaphore_mem>>) src(%dma_wait3A_278 : memref<4000xf32, #tpu.memory_space<hbm>>) dst(%arg7 : memref<4000xf32, #tpu.memory_space<vmem>>)
    %add3A_279 = arith.constant 96000 : i32
    %add3A_280 = arith.addi %multiple_of3A_8, %add3A_279 : i32
    %dma_wait3A_281 = tpu.memref_slice %arg3[%add3A_280] : memref<6400000xi32, #tpu.memory_space<hbm>> -> memref<4000xi32, #tpu.memory_space<hbm>>
    %dma_wait3A_282 = tpu.memref_slice %arg3[%add3A_280] : memref<6400000xi32, #tpu.memory_space<hbm>> -> memref<4000xi32, #tpu.memory_space<hbm>>
    tpu.wait_dma2 semaphore(%arg14 : memref<!tpu.dma_semaphore, #tpu.memory_space<semaphore_mem>>) src(%dma_wait3A_282 : memref<4000xi32, #tpu.memory_space<hbm>>) dst(%arg8 : memref<4000xi32, #tpu.memory_space<vmem>>)
    %parallel_loop3A = arith.constant 0 : i32
    %parallel_loop3A_283 = arith.constant 4000 : i32
    %parallel_loop3A_284 = arith.constant 16 : i32
    scf.for %parallel_loop3A_1121 = %parallel_loop3A to %parallel_loop3A_283 step %parallel_loop3A_284  : i32 {
      %parallel_loop3A_1122 = arith.index_cast %parallel_loop3A_1121 : i32 to index
      %parallel_loop3A_1123 = tpu.vector_load %arg8[%parallel_loop3A_1122] {strides = array<i32>} : memref<4000xi32, #tpu.memory_space<vmem>>, vector<16xi32>,
      %parallel_loop3A_1124 = arith.index_cast %parallel_loop3A_1121 : i32 to index
      %parallel_loop3A_1125 = tpu.vector_load %arg7[%parallel_loop3A_1124] {strides = array<i32>} : memref<4000xf32, #tpu.memory_space<vmem>>, vector<16xf32>,
      %parallel_loop3A_1126 = tpu.vector_load_idx %arg6[%parallel_loop3A_1123] : memref<100000xi32, #tpu.memory_space<vmem>>[vector<16xi32>], vector<16xi32>,
      tpu.vector_store_idx %arg11[%parallel_loop3A_1126, %iota3A], %parallel_loop3A_1125 {add = true} : memref<64x16xf32, #tpu.memory_space<vmem>>[vector<16xi32>, vector<16xi32>], vector<16xf32>,
    } {sc.loop_unroll_factor = 4 : i64, sc.parallel_access}
    %get3A = arith.constant 0 : i32
    %get3A_285 = arith.index_cast %get3A : i32 to index
    %get3A_286 = arith.constant 0 : index
    %get3A_287 = tpu.vector_load %arg11[%get3A_285, %get3A_286] {strides = array<i32>} : memref<64x16xf32, #tpu.memory_space<vmem>>, vector<16xf32>,
    %reduce_sum3A = arith.constant true
    %reduce_sum3A_288 = vector.broadcast %reduce_sum3A : i1 to vector<16xi1>
    %reduce_sum3A_289 = tpu.scan <sum>, %get3A_287 masked %reduce_sum3A_288 : vector<16xf32>, vector<16xi1> -> vector<16xf32>
    %reduce_sum3A_290 = vector.extract %reduce_sum3A_289[15] : f32 from vector<16xf32>
    %eq3A = arith.constant 0 : i32
    %eq3A_291 = vector.broadcast %eq3A : i32 to vector<16xi32>
    %eq3A_292 = arith.cmpi eq, %iota3A, %eq3A_291 : vector<16xi32>
    %broadcast_in_dim3A_293 = vector.broadcast %reduce_sum3A_290 : f32 to vector<16xf32>
    %select_n3A = arith.select %eq3A_292, %broadcast_in_dim3A_293, %broadcast_in_dim3A_1 : vector<16xi1>, vector<16xf32>
    %get3A_294 = arith.constant 1 : i32
    %get3A_295 = arith.index_cast %get3A_294 : i32 to index
    %get3A_296 = arith.constant 0 : index
    %get3A_297 = tpu.vector_load %arg11[%get3A_295, %get3A_296] {strides = array<i32>} : memref<64x16xf32, #tpu.memory_space<vmem>>, vector<16xf32>,
    %reduce_sum3A_298 = arith.constant true
    %reduce_sum3A_299 = vector.broadcast %reduce_sum3A_298 : i1 to vector<16xi1>
    %reduce_sum3A_300 = tpu.scan <sum>, %get3A_297 masked %reduce_sum3A_299 : vector<16xf32>, vector<16xi1> -> vector<16xf32>
    %reduce_sum3A_301 = vector.extract %reduce_sum3A_300[15] : f32 from vector<16xf32>
    %eq3A_302 = arith.constant 1 : i32
    %eq3A_303 = vector.broadcast %eq3A_302 : i32 to vector<16xi32>
    %eq3A_304 = arith.cmpi eq, %iota3A, %eq3A_303 : vector<16xi32>
    %broadcast_in_dim3A_305 = vector.broadcast %reduce_sum3A_301 : f32 to vector<16xf32>
    %select_n3A_306 = arith.select %eq3A_304, %broadcast_in_dim3A_305, %select_n3A : vector<16xi1>, vector<16xf32>
    %get3A_307 = arith.constant 2 : i32
    %get3A_308 = arith.index_cast %get3A_307 : i32 to index
    %get3A_309 = arith.constant 0 : index
    %get3A_310 = tpu.vector_load %arg11[%get3A_308, %get3A_309] {strides = array<i32>} : memref<64x16xf32, #tpu.memory_space<vmem>>, vector<16xf32>,
    %reduce_sum3A_311 = arith.constant true
    %reduce_sum3A_312 = vector.broadcast %reduce_sum3A_311 : i1 to vector<16xi1>
    %reduce_sum3A_313 = tpu.scan <sum>, %get3A_310 masked %reduce_sum3A_312 : vector<16xf32>, vector<16xi1> -> vector<16xf32>
    %reduce_sum3A_314 = vector.extract %reduce_sum3A_313[15] : f32 from vector<16xf32>
    %eq3A_315 = arith.constant 2 : i32
    %eq3A_316 = vector.broadcast %eq3A_315 : i32 to vector<16xi32>
    %eq3A_317 = arith.cmpi eq, %iota3A, %eq3A_316 : vector<16xi32>
    %broadcast_in_dim3A_318 = vector.broadcast %reduce_sum3A_314 : f32 to vector<16xf32>
    %select_n3A_319 = arith.select %eq3A_317, %broadcast_in_dim3A_318, %select_n3A_306 : vector<16xi1>, vector<16xf32>
    %get3A_320 = arith.constant 3 : i32
    %get3A_321 = arith.index_cast %get3A_320 : i32 to index
    %get3A_322 = arith.constant 0 : index
    %get3A_323 = tpu.vector_load %arg11[%get3A_321, %get3A_322] {strides = array<i32>} : memref<64x16xf32, #tpu.memory_space<vmem>>, vector<16xf32>,
    %reduce_sum3A_324 = arith.constant true
    %reduce_sum3A_325 = vector.broadcast %reduce_sum3A_324 : i1 to vector<16xi1>
    %reduce_sum3A_326 = tpu.scan <sum>, %get3A_323 masked %reduce_sum3A_325 : vector<16xf32>, vector<16xi1> -> vector<16xf32>
    %reduce_sum3A_327 = vector.extract %reduce_sum3A_326[15] : f32 from vector<16xf32>
    %eq3A_328 = arith.constant 3 : i32
    %eq3A_329 = vector.broadcast %eq3A_328 : i32 to vector<16xi32>
    %eq3A_330 = arith.cmpi eq, %iota3A, %eq3A_329 : vector<16xi32>
    %broadcast_in_dim3A_331 = vector.broadcast %reduce_sum3A_327 : f32 to vector<16xf32>
    %select_n3A_332 = arith.select %eq3A_330, %broadcast_in_dim3A_331, %select_n3A_319 : vector<16xi1>, vector<16xf32>
    %get3A_333 = arith.constant 4 : i32
    %get3A_334 = arith.index_cast %get3A_333 : i32 to index
    %get3A_335 = arith.constant 0 : index
    %get3A_336 = tpu.vector_load %arg11[%get3A_334, %get3A_335] {strides = array<i32>} : memref<64x16xf32, #tpu.memory_space<vmem>>, vector<16xf32>,
    %reduce_sum3A_337 = arith.constant true
    %reduce_sum3A_338 = vector.broadcast %reduce_sum3A_337 : i1 to vector<16xi1>
    %reduce_sum3A_339 = tpu.scan <sum>, %get3A_336 masked %reduce_sum3A_338 : vector<16xf32>, vector<16xi1> -> vector<16xf32>
    %reduce_sum3A_340 = vector.extract %reduce_sum3A_339[15] : f32 from vector<16xf32>
    %eq3A_341 = arith.constant 4 : i32
    %eq3A_342 = vector.broadcast %eq3A_341 : i32 to vector<16xi32>
    %eq3A_343 = arith.cmpi eq, %iota3A, %eq3A_342 : vector<16xi32>
    %broadcast_in_dim3A_344 = vector.broadcast %reduce_sum3A_340 : f32 to vector<16xf32>
    %select_n3A_345 = arith.select %eq3A_343, %broadcast_in_dim3A_344, %select_n3A_332 : vector<16xi1>, vector<16xf32>
    %get3A_346 = arith.constant 5 : i32
    %get3A_347 = arith.index_cast %get3A_346 : i32 to index
    %get3A_348 = arith.constant 0 : index
    %get3A_349 = tpu.vector_load %arg11[%get3A_347, %get3A_348] {strides = array<i32>} : memref<64x16xf32, #tpu.memory_space<vmem>>, vector<16xf32>,
    %reduce_sum3A_350 = arith.constant true
    %reduce_sum3A_351 = vector.broadcast %reduce_sum3A_350 : i1 to vector<16xi1>
    %reduce_sum3A_352 = tpu.scan <sum>, %get3A_349 masked %reduce_sum3A_351 : vector<16xf32>, vector<16xi1> -> vector<16xf32>
    %reduce_sum3A_353 = vector.extract %reduce_sum3A_352[15] : f32 from vector<16xf32>
    %eq3A_354 = arith.constant 5 : i32
    %eq3A_355 = vector.broadcast %eq3A_354 : i32 to vector<16xi32>
    %eq3A_356 = arith.cmpi eq, %iota3A, %eq3A_355 : vector<16xi32>
    %broadcast_in_dim3A_357 = vector.broadcast %reduce_sum3A_353 : f32 to vector<16xf32>
    %select_n3A_358 = arith.select %eq3A_356, %broadcast_in_dim3A_357, %select_n3A_345 : vector<16xi1>, vector<16xf32>
    %get3A_359 = arith.constant 6 : i32
    %get3A_360 = arith.index_cast %get3A_359 : i32 to index
    %get3A_361 = arith.constant 0 : index
    %get3A_362 = tpu.vector_load %arg11[%get3A_360, %get3A_361] {strides = array<i32>} : memref<64x16xf32, #tpu.memory_space<vmem>>, vector<16xf32>,
    %reduce_sum3A_363 = arith.constant true
    %reduce_sum3A_364 = vector.broadcast %reduce_sum3A_363 : i1 to vector<16xi1>
    %reduce_sum3A_365 = tpu.scan <sum>, %get3A_362 masked %reduce_sum3A_364 : vector<16xf32>, vector<16xi1> -> vector<16xf32>
    %reduce_sum3A_366 = vector.extract %reduce_sum3A_365[15] : f32 from vector<16xf32>
    %eq3A_367 = arith.constant 6 : i32
    %eq3A_368 = vector.broadcast %eq3A_367 : i32 to vector<16xi32>
    %eq3A_369 = arith.cmpi eq, %iota3A, %eq3A_368 : vector<16xi32>
    %broadcast_in_dim3A_370 = vector.broadcast %reduce_sum3A_366 : f32 to vector<16xf32>
    %select_n3A_371 = arith.select %eq3A_369, %broadcast_in_dim3A_370, %select_n3A_358 : vector<16xi1>, vector<16xf32>
    %get3A_372 = arith.constant 7 : i32
    %get3A_373 = arith.index_cast %get3A_372 : i32 to index
    %get3A_374 = arith.constant 0 : index
    %get3A_375 = tpu.vector_load %arg11[%get3A_373, %get3A_374] {strides = array<i32>} : memref<64x16xf32, #tpu.memory_space<vmem>>, vector<16xf32>,
    %reduce_sum3A_376 = arith.constant true
    %reduce_sum3A_377 = vector.broadcast %reduce_sum3A_376 : i1 to vector<16xi1>
    %reduce_sum3A_378 = tpu.scan <sum>, %get3A_375 masked %reduce_sum3A_377 : vector<16xf32>, vector<16xi1> -> vector<16xf32>
    %reduce_sum3A_379 = vector.extract %reduce_sum3A_378[15] : f32 from vector<16xf32>
    %eq3A_380 = arith.constant 7 : i32
    %eq3A_381 = vector.broadcast %eq3A_380 : i32 to vector<16xi32>
    %eq3A_382 = arith.cmpi eq, %iota3A, %eq3A_381 : vector<16xi32>
    %broadcast_in_dim3A_383 = vector.broadcast %reduce_sum3A_379 : f32 to vector<16xf32>
    %select_n3A_384 = arith.select %eq3A_382, %broadcast_in_dim3A_383, %select_n3A_371 : vector<16xi1>, vector<16xf32>
    %get3A_385 = arith.constant 8 : i32
    %get3A_386 = arith.index_cast %get3A_385 : i32 to index
    %get3A_387 = arith.constant 0 : index
    %get3A_388 = tpu.vector_load %arg11[%get3A_386, %get3A_387] {strides = array<i32>} : memref<64x16xf32, #tpu.memory_space<vmem>>, vector<16xf32>,
    %reduce_sum3A_389 = arith.constant true
    %reduce_sum3A_390 = vector.broadcast %reduce_sum3A_389 : i1 to vector<16xi1>
    %reduce_sum3A_391 = tpu.scan <sum>, %get3A_388 masked %reduce_sum3A_390 : vector<16xf32>, vector<16xi1> -> vector<16xf32>
    %reduce_sum3A_392 = vector.extract %reduce_sum3A_391[15] : f32 from vector<16xf32>
    %eq3A_393 = arith.constant 8 : i32
    %eq3A_394 = vector.broadcast %eq3A_393 : i32 to vector<16xi32>
    %eq3A_395 = arith.cmpi eq, %iota3A, %eq3A_394 : vector<16xi32>
    %broadcast_in_dim3A_396 = vector.broadcast %reduce_sum3A_392 : f32 to vector<16xf32>
    %select_n3A_397 = arith.select %eq3A_395, %broadcast_in_dim3A_396, %select_n3A_384 : vector<16xi1>, vector<16xf32>
    %get3A_398 = arith.constant 9 : i32
    %get3A_399 = arith.index_cast %get3A_398 : i32 to index
    %get3A_400 = arith.constant 0 : index
    %get3A_401 = tpu.vector_load %arg11[%get3A_399, %get3A_400] {strides = array<i32>} : memref<64x16xf32, #tpu.memory_space<vmem>>, vector<16xf32>,
    %reduce_sum3A_402 = arith.constant true
    %reduce_sum3A_403 = vector.broadcast %reduce_sum3A_402 : i1 to vector<16xi1>
    %reduce_sum3A_404 = tpu.scan <sum>, %get3A_401 masked %reduce_sum3A_403 : vector<16xf32>, vector<16xi1> -> vector<16xf32>
    %reduce_sum3A_405 = vector.extract %reduce_sum3A_404[15] : f32 from vector<16xf32>
    %eq3A_406 = arith.constant 9 : i32
    %eq3A_407 = vector.broadcast %eq3A_406 : i32 to vector<16xi32>
    %eq3A_408 = arith.cmpi eq, %iota3A, %eq3A_407 : vector<16xi32>
    %broadcast_in_dim3A_409 = vector.broadcast %reduce_sum3A_405 : f32 to vector<16xf32>
    %select_n3A_410 = arith.select %eq3A_408, %broadcast_in_dim3A_409, %select_n3A_397 : vector<16xi1>, vector<16xf32>
    %get3A_411 = arith.constant 10 : i32
    %get3A_412 = arith.index_cast %get3A_411 : i32 to index
    %get3A_413 = arith.constant 0 : index
    %get3A_414 = tpu.vector_load %arg11[%get3A_412, %get3A_413] {strides = array<i32>} : memref<64x16xf32, #tpu.memory_space<vmem>>, vector<16xf32>,
    %reduce_sum3A_415 = arith.constant true
    %reduce_sum3A_416 = vector.broadcast %reduce_sum3A_415 : i1 to vector<16xi1>
    %reduce_sum3A_417 = tpu.scan <sum>, %get3A_414 masked %reduce_sum3A_416 : vector<16xf32>, vector<16xi1> -> vector<16xf32>
    %reduce_sum3A_418 = vector.extract %reduce_sum3A_417[15] : f32 from vector<16xf32>
    %eq3A_419 = arith.constant 10 : i32
    %eq3A_420 = vector.broadcast %eq3A_419 : i32 to vector<16xi32>
    %eq3A_421 = arith.cmpi eq, %iota3A, %eq3A_420 : vector<16xi32>
    %broadcast_in_dim3A_422 = vector.broadcast %reduce_sum3A_418 : f32 to vector<16xf32>
    %select_n3A_423 = arith.select %eq3A_421, %broadcast_in_dim3A_422, %select_n3A_410 : vector<16xi1>, vector<16xf32>
    %get3A_424 = arith.constant 11 : i32
    %get3A_425 = arith.index_cast %get3A_424 : i32 to index
    %get3A_426 = arith.constant 0 : index
    %get3A_427 = tpu.vector_load %arg11[%get3A_425, %get3A_426] {strides = array<i32>} : memref<64x16xf32, #tpu.memory_space<vmem>>, vector<16xf32>,
    %reduce_sum3A_428 = arith.constant true
    %reduce_sum3A_429 = vector.broadcast %reduce_sum3A_428 : i1 to vector<16xi1>
    %reduce_sum3A_430 = tpu.scan <sum>, %get3A_427 masked %reduce_sum3A_429 : vector<16xf32>, vector<16xi1> -> vector<16xf32>
    %reduce_sum3A_431 = vector.extract %reduce_sum3A_430[15] : f32 from vector<16xf32>
    %eq3A_432 = arith.constant 11 : i32
    %eq3A_433 = vector.broadcast %eq3A_432 : i32 to vector<16xi32>
    %eq3A_434 = arith.cmpi eq, %iota3A, %eq3A_433 : vector<16xi32>
    %broadcast_in_dim3A_435 = vector.broadcast %reduce_sum3A_431 : f32 to vector<16xf32>
    %select_n3A_436 = arith.select %eq3A_434, %broadcast_in_dim3A_435, %select_n3A_423 : vector<16xi1>, vector<16xf32>
    %get3A_437 = arith.constant 12 : i32
    %get3A_438 = arith.index_cast %get3A_437 : i32 to index
    %get3A_439 = arith.constant 0 : index
    %get3A_440 = tpu.vector_load %arg11[%get3A_438, %get3A_439] {strides = array<i32>} : memref<64x16xf32, #tpu.memory_space<vmem>>, vector<16xf32>,
    %reduce_sum3A_441 = arith.constant true
    %reduce_sum3A_442 = vector.broadcast %reduce_sum3A_441 : i1 to vector<16xi1>
    %reduce_sum3A_443 = tpu.scan <sum>, %get3A_440 masked %reduce_sum3A_442 : vector<16xf32>, vector<16xi1> -> vector<16xf32>
    %reduce_sum3A_444 = vector.extract %reduce_sum3A_443[15] : f32 from vector<16xf32>
    %eq3A_445 = arith.constant 12 : i32
    %eq3A_446 = vector.broadcast %eq3A_445 : i32 to vector<16xi32>
    %eq3A_447 = arith.cmpi eq, %iota3A, %eq3A_446 : vector<16xi32>
    %broadcast_in_dim3A_448 = vector.broadcast %reduce_sum3A_444 : f32 to vector<16xf32>
    %select_n3A_449 = arith.select %eq3A_447, %broadcast_in_dim3A_448, %select_n3A_436 : vector<16xi1>, vector<16xf32>
    %get3A_450 = arith.constant 13 : i32
    %get3A_451 = arith.index_cast %get3A_450 : i32 to index
    %get3A_452 = arith.constant 0 : index
    %get3A_453 = tpu.vector_load %arg11[%get3A_451, %get3A_452] {strides = array<i32>} : memref<64x16xf32, #tpu.memory_space<vmem>>, vector<16xf32>,
    %reduce_sum3A_454 = arith.constant true
    %reduce_sum3A_455 = vector.broadcast %reduce_sum3A_454 : i1 to vector<16xi1>
    %reduce_sum3A_456 = tpu.scan <sum>, %get3A_453 masked %reduce_sum3A_455 : vector<16xf32>, vector<16xi1> -> vector<16xf32>
    %reduce_sum3A_457 = vector.extract %reduce_sum3A_456[15] : f32 from vector<16xf32>
    %eq3A_458 = arith.constant 13 : i32
    %eq3A_459 = vector.broadcast %eq3A_458 : i32 to vector<16xi32>
    %eq3A_460 = arith.cmpi eq, %iota3A, %eq3A_459 : vector<16xi32>
    %broadcast_in_dim3A_461 = vector.broadcast %reduce_sum3A_457 : f32 to vector<16xf32>
    %select_n3A_462 = arith.select %eq3A_460, %broadcast_in_dim3A_461, %select_n3A_449 : vector<16xi1>, vector<16xf32>
    %get3A_463 = arith.constant 14 : i32
    %get3A_464 = arith.index_cast %get3A_463 : i32 to index
    %get3A_465 = arith.constant 0 : index
    %get3A_466 = tpu.vector_load %arg11[%get3A_464, %get3A_465] {strides = array<i32>} : memref<64x16xf32, #tpu.memory_space<vmem>>, vector<16xf32>,
    %reduce_sum3A_467 = arith.constant true
    %reduce_sum3A_468 = vector.broadcast %reduce_sum3A_467 : i1 to vector<16xi1>
    %reduce_sum3A_469 = tpu.scan <sum>, %get3A_466 masked %reduce_sum3A_468 : vector<16xf32>, vector<16xi1> -> vector<16xf32>
    %reduce_sum3A_470 = vector.extract %reduce_sum3A_469[15] : f32 from vector<16xf32>
    %eq3A_471 = arith.constant 14 : i32
    %eq3A_472 = vector.broadcast %eq3A_471 : i32 to vector<16xi32>
    %eq3A_473 = arith.cmpi eq, %iota3A, %eq3A_472 : vector<16xi32>
    %broadcast_in_dim3A_474 = vector.broadcast %reduce_sum3A_470 : f32 to vector<16xf32>
    %select_n3A_475 = arith.select %eq3A_473, %broadcast_in_dim3A_474, %select_n3A_462 : vector<16xi1>, vector<16xf32>
    %get3A_476 = arith.constant 15 : i32
    %get3A_477 = arith.index_cast %get3A_476 : i32 to index
    %get3A_478 = arith.constant 0 : index
    %get3A_479 = tpu.vector_load %arg11[%get3A_477, %get3A_478] {strides = array<i32>} : memref<64x16xf32, #tpu.memory_space<vmem>>, vector<16xf32>,
    %reduce_sum3A_480 = arith.constant true
    %reduce_sum3A_481 = vector.broadcast %reduce_sum3A_480 : i1 to vector<16xi1>
    %reduce_sum3A_482 = tpu.scan <sum>, %get3A_479 masked %reduce_sum3A_481 : vector<16xf32>, vector<16xi1> -> vector<16xf32>
    %reduce_sum3A_483 = vector.extract %reduce_sum3A_482[15] : f32 from vector<16xf32>
    %eq3A_484 = arith.constant 15 : i32
    %eq3A_485 = vector.broadcast %eq3A_484 : i32 to vector<16xi32>
    %eq3A_486 = arith.cmpi eq, %iota3A, %eq3A_485 : vector<16xi32>
    %broadcast_in_dim3A_487 = vector.broadcast %reduce_sum3A_483 : f32 to vector<16xf32>
    %select_n3A_488 = arith.select %eq3A_486, %broadcast_in_dim3A_487, %select_n3A_475 : vector<16xi1>, vector<16xf32>
    %swap3A_489 = arith.constant 0 : index
    %swap3A_490 = tpu.vector_load %arg12[%swap3A_489] {strides = array<i32>} : memref<64xf32, #tpu.memory_space<vmem>>, vector<16xf32>,
    tpu.vector_store %arg12[%swap3A_489], %select_n3A_488 {strides = array<i32>} : memref<64xf32, #tpu.memory_space<vmem>>, vector<16xf32>,
    %get3A_491 = arith.constant 16 : i32
    %get3A_492 = arith.index_cast %get3A_491 : i32 to index
    %get3A_493 = arith.constant 0 : index
    %get3A_494 = tpu.vector_load %arg11[%get3A_492, %get3A_493] {strides = array<i32>} : memref<64x16xf32, #tpu.memory_space<vmem>>, vector<16xf32>,
    %reduce_sum3A_495 = arith.constant true
    %reduce_sum3A_496 = vector.broadcast %reduce_sum3A_495 : i1 to vector<16xi1>
    %reduce_sum3A_497 = tpu.scan <sum>, %get3A_494 masked %reduce_sum3A_496 : vector<16xf32>, vector<16xi1> -> vector<16xf32>
    %reduce_sum3A_498 = vector.extract %reduce_sum3A_497[15] : f32 from vector<16xf32>
    %eq3A_499 = arith.constant 0 : i32
    %eq3A_500 = vector.broadcast %eq3A_499 : i32 to vector<16xi32>
    %eq3A_501 = arith.cmpi eq, %iota3A, %eq3A_500 : vector<16xi32>
    %broadcast_in_dim3A_502 = vector.broadcast %reduce_sum3A_498 : f32 to vector<16xf32>
    %select_n3A_503 = arith.select %eq3A_501, %broadcast_in_dim3A_502, %broadcast_in_dim3A_1 : vector<16xi1>, vector<16xf32>
    %get3A_504 = arith.constant 17 : i32
    %get3A_505 = arith.index_cast %get3A_504 : i32 to index
    %get3A_506 = arith.constant 0 : index
    %get3A_507 = tpu.vector_load %arg11[%get3A_505, %get3A_506] {strides = array<i32>} : memref<64x16xf32, #tpu.memory_space<vmem>>, vector<16xf32>,
    %reduce_sum3A_508 = arith.constant true
    %reduce_sum3A_509 = vector.broadcast %reduce_sum3A_508 : i1 to vector<16xi1>
    %reduce_sum3A_510 = tpu.scan <sum>, %get3A_507 masked %reduce_sum3A_509 : vector<16xf32>, vector<16xi1> -> vector<16xf32>
    %reduce_sum3A_511 = vector.extract %reduce_sum3A_510[15] : f32 from vector<16xf32>
    %eq3A_512 = arith.constant 1 : i32
    %eq3A_513 = vector.broadcast %eq3A_512 : i32 to vector<16xi32>
    %eq3A_514 = arith.cmpi eq, %iota3A, %eq3A_513 : vector<16xi32>
    %broadcast_in_dim3A_515 = vector.broadcast %reduce_sum3A_511 : f32 to vector<16xf32>
    %select_n3A_516 = arith.select %eq3A_514, %broadcast_in_dim3A_515, %select_n3A_503 : vector<16xi1>, vector<16xf32>
    %get3A_517 = arith.constant 18 : i32
    %get3A_518 = arith.index_cast %get3A_517 : i32 to index
    %get3A_519 = arith.constant 0 : index
    %get3A_520 = tpu.vector_load %arg11[%get3A_518, %get3A_519] {strides = array<i32>} : memref<64x16xf32, #tpu.memory_space<vmem>>, vector<16xf32>,
    %reduce_sum3A_521 = arith.constant true
    %reduce_sum3A_522 = vector.broadcast %reduce_sum3A_521 : i1 to vector<16xi1>
    %reduce_sum3A_523 = tpu.scan <sum>, %get3A_520 masked %reduce_sum3A_522 : vector<16xf32>, vector<16xi1> -> vector<16xf32>
    %reduce_sum3A_524 = vector.extract %reduce_sum3A_523[15] : f32 from vector<16xf32>
    %eq3A_525 = arith.constant 2 : i32
    %eq3A_526 = vector.broadcast %eq3A_525 : i32 to vector<16xi32>
    %eq3A_527 = arith.cmpi eq, %iota3A, %eq3A_526 : vector<16xi32>
    %broadcast_in_dim3A_528 = vector.broadcast %reduce_sum3A_524 : f32 to vector<16xf32>
    %select_n3A_529 = arith.select %eq3A_527, %broadcast_in_dim3A_528, %select_n3A_516 : vector<16xi1>, vector<16xf32>
    %get3A_530 = arith.constant 19 : i32
    %get3A_531 = arith.index_cast %get3A_530 : i32 to index
    %get3A_532 = arith.constant 0 : index
    %get3A_533 = tpu.vector_load %arg11[%get3A_531, %get3A_532] {strides = array<i32>} : memref<64x16xf32, #tpu.memory_space<vmem>>, vector<16xf32>,
    %reduce_sum3A_534 = arith.constant true
    %reduce_sum3A_535 = vector.broadcast %reduce_sum3A_534 : i1 to vector<16xi1>
    %reduce_sum3A_536 = tpu.scan <sum>, %get3A_533 masked %reduce_sum3A_535 : vector<16xf32>, vector<16xi1> -> vector<16xf32>
    %reduce_sum3A_537 = vector.extract %reduce_sum3A_536[15] : f32 from vector<16xf32>
    %eq3A_538 = arith.constant 3 : i32
    %eq3A_539 = vector.broadcast %eq3A_538 : i32 to vector<16xi32>
    %eq3A_540 = arith.cmpi eq, %iota3A, %eq3A_539 : vector<16xi32>
    %broadcast_in_dim3A_541 = vector.broadcast %reduce_sum3A_537 : f32 to vector<16xf32>
    %select_n3A_542 = arith.select %eq3A_540, %broadcast_in_dim3A_541, %select_n3A_529 : vector<16xi1>, vector<16xf32>
    %get3A_543 = arith.constant 20 : i32
    %get3A_544 = arith.index_cast %get3A_543 : i32 to index
    %get3A_545 = arith.constant 0 : index
    %get3A_546 = tpu.vector_load %arg11[%get3A_544, %get3A_545] {strides = array<i32>} : memref<64x16xf32, #tpu.memory_space<vmem>>, vector<16xf32>,
    %reduce_sum3A_547 = arith.constant true
    %reduce_sum3A_548 = vector.broadcast %reduce_sum3A_547 : i1 to vector<16xi1>
    %reduce_sum3A_549 = tpu.scan <sum>, %get3A_546 masked %reduce_sum3A_548 : vector<16xf32>, vector<16xi1> -> vector<16xf32>
    %reduce_sum3A_550 = vector.extract %reduce_sum3A_549[15] : f32 from vector<16xf32>
    %eq3A_551 = arith.constant 4 : i32
    %eq3A_552 = vector.broadcast %eq3A_551 : i32 to vector<16xi32>
    %eq3A_553 = arith.cmpi eq, %iota3A, %eq3A_552 : vector<16xi32>
    %broadcast_in_dim3A_554 = vector.broadcast %reduce_sum3A_550 : f32 to vector<16xf32>
    %select_n3A_555 = arith.select %eq3A_553, %broadcast_in_dim3A_554, %select_n3A_542 : vector<16xi1>, vector<16xf32>
    %get3A_556 = arith.constant 21 : i32
    %get3A_557 = arith.index_cast %get3A_556 : i32 to index
    %get3A_558 = arith.constant 0 : index
    %get3A_559 = tpu.vector_load %arg11[%get3A_557, %get3A_558] {strides = array<i32>} : memref<64x16xf32, #tpu.memory_space<vmem>>, vector<16xf32>,
    %reduce_sum3A_560 = arith.constant true
    %reduce_sum3A_561 = vector.broadcast %reduce_sum3A_560 : i1 to vector<16xi1>
    %reduce_sum3A_562 = tpu.scan <sum>, %get3A_559 masked %reduce_sum3A_561 : vector<16xf32>, vector<16xi1> -> vector<16xf32>
    %reduce_sum3A_563 = vector.extract %reduce_sum3A_562[15] : f32 from vector<16xf32>
    %eq3A_564 = arith.constant 5 : i32
    %eq3A_565 = vector.broadcast %eq3A_564 : i32 to vector<16xi32>
    %eq3A_566 = arith.cmpi eq, %iota3A, %eq3A_565 : vector<16xi32>
    %broadcast_in_dim3A_567 = vector.broadcast %reduce_sum3A_563 : f32 to vector<16xf32>
    %select_n3A_568 = arith.select %eq3A_566, %broadcast_in_dim3A_567, %select_n3A_555 : vector<16xi1>, vector<16xf32>
    %get3A_569 = arith.constant 22 : i32
    %get3A_570 = arith.index_cast %get3A_569 : i32 to index
    %get3A_571 = arith.constant 0 : index
    %get3A_572 = tpu.vector_load %arg11[%get3A_570, %get3A_571] {strides = array<i32>} : memref<64x16xf32, #tpu.memory_space<vmem>>, vector<16xf32>,
    %reduce_sum3A_573 = arith.constant true
    %reduce_sum3A_574 = vector.broadcast %reduce_sum3A_573 : i1 to vector<16xi1>
    %reduce_sum3A_575 = tpu.scan <sum>, %get3A_572 masked %reduce_sum3A_574 : vector<16xf32>, vector<16xi1> -> vector<16xf32>
    %reduce_sum3A_576 = vector.extract %reduce_sum3A_575[15] : f32 from vector<16xf32>
    %eq3A_577 = arith.constant 6 : i32
    %eq3A_578 = vector.broadcast %eq3A_577 : i32 to vector<16xi32>
    %eq3A_579 = arith.cmpi eq, %iota3A, %eq3A_578 : vector<16xi32>
    %broadcast_in_dim3A_580 = vector.broadcast %reduce_sum3A_576 : f32 to vector<16xf32>
    %select_n3A_581 = arith.select %eq3A_579, %broadcast_in_dim3A_580, %select_n3A_568 : vector<16xi1>, vector<16xf32>
    %get3A_582 = arith.constant 23 : i32
    %get3A_583 = arith.index_cast %get3A_582 : i32 to index
    %get3A_584 = arith.constant 0 : index
    %get3A_585 = tpu.vector_load %arg11[%get3A_583, %get3A_584] {strides = array<i32>} : memref<64x16xf32, #tpu.memory_space<vmem>>, vector<16xf32>,
    %reduce_sum3A_586 = arith.constant true
    %reduce_sum3A_587 = vector.broadcast %reduce_sum3A_586 : i1 to vector<16xi1>
    %reduce_sum3A_588 = tpu.scan <sum>, %get3A_585 masked %reduce_sum3A_587 : vector<16xf32>, vector<16xi1> -> vector<16xf32>
    %reduce_sum3A_589 = vector.extract %reduce_sum3A_588[15] : f32 from vector<16xf32>
    %eq3A_590 = arith.constant 7 : i32
    %eq3A_591 = vector.broadcast %eq3A_590 : i32 to vector<16xi32>
    %eq3A_592 = arith.cmpi eq, %iota3A, %eq3A_591 : vector<16xi32>
    %broadcast_in_dim3A_593 = vector.broadcast %reduce_sum3A_589 : f32 to vector<16xf32>
    %select_n3A_594 = arith.select %eq3A_592, %broadcast_in_dim3A_593, %select_n3A_581 : vector<16xi1>, vector<16xf32>
    %get3A_595 = arith.constant 24 : i32
    %get3A_596 = arith.index_cast %get3A_595 : i32 to index
    %get3A_597 = arith.constant 0 : index
    %get3A_598 = tpu.vector_load %arg11[%get3A_596, %get3A_597] {strides = array<i32>} : memref<64x16xf32, #tpu.memory_space<vmem>>, vector<16xf32>,
    %reduce_sum3A_599 = arith.constant true
    %reduce_sum3A_600 = vector.broadcast %reduce_sum3A_599 : i1 to vector<16xi1>
    %reduce_sum3A_601 = tpu.scan <sum>, %get3A_598 masked %reduce_sum3A_600 : vector<16xf32>, vector<16xi1> -> vector<16xf32>
    %reduce_sum3A_602 = vector.extract %reduce_sum3A_601[15] : f32 from vector<16xf32>
    %eq3A_603 = arith.constant 8 : i32
    %eq3A_604 = vector.broadcast %eq3A_603 : i32 to vector<16xi32>
    %eq3A_605 = arith.cmpi eq, %iota3A, %eq3A_604 : vector<16xi32>
    %broadcast_in_dim3A_606 = vector.broadcast %reduce_sum3A_602 : f32 to vector<16xf32>
    %select_n3A_607 = arith.select %eq3A_605, %broadcast_in_dim3A_606, %select_n3A_594 : vector<16xi1>, vector<16xf32>
    %get3A_608 = arith.constant 25 : i32
    %get3A_609 = arith.index_cast %get3A_608 : i32 to index
    %get3A_610 = arith.constant 0 : index
    %get3A_611 = tpu.vector_load %arg11[%get3A_609, %get3A_610] {strides = array<i32>} : memref<64x16xf32, #tpu.memory_space<vmem>>, vector<16xf32>,
    %reduce_sum3A_612 = arith.constant true
    %reduce_sum3A_613 = vector.broadcast %reduce_sum3A_612 : i1 to vector<16xi1>
    %reduce_sum3A_614 = tpu.scan <sum>, %get3A_611 masked %reduce_sum3A_613 : vector<16xf32>, vector<16xi1> -> vector<16xf32>
    %reduce_sum3A_615 = vector.extract %reduce_sum3A_614[15] : f32 from vector<16xf32>
    %eq3A_616 = arith.constant 9 : i32
    %eq3A_617 = vector.broadcast %eq3A_616 : i32 to vector<16xi32>
    %eq3A_618 = arith.cmpi eq, %iota3A, %eq3A_617 : vector<16xi32>
    %broadcast_in_dim3A_619 = vector.broadcast %reduce_sum3A_615 : f32 to vector<16xf32>
    %select_n3A_620 = arith.select %eq3A_618, %broadcast_in_dim3A_619, %select_n3A_607 : vector<16xi1>, vector<16xf32>
    %get3A_621 = arith.constant 26 : i32
    %get3A_622 = arith.index_cast %get3A_621 : i32 to index
    %get3A_623 = arith.constant 0 : index
    %get3A_624 = tpu.vector_load %arg11[%get3A_622, %get3A_623] {strides = array<i32>} : memref<64x16xf32, #tpu.memory_space<vmem>>, vector<16xf32>,
    %reduce_sum3A_625 = arith.constant true
    %reduce_sum3A_626 = vector.broadcast %reduce_sum3A_625 : i1 to vector<16xi1>
    %reduce_sum3A_627 = tpu.scan <sum>, %get3A_624 masked %reduce_sum3A_626 : vector<16xf32>, vector<16xi1> -> vector<16xf32>
    %reduce_sum3A_628 = vector.extract %reduce_sum3A_627[15] : f32 from vector<16xf32>
    %eq3A_629 = arith.constant 10 : i32
    %eq3A_630 = vector.broadcast %eq3A_629 : i32 to vector<16xi32>
    %eq3A_631 = arith.cmpi eq, %iota3A, %eq3A_630 : vector<16xi32>
    %broadcast_in_dim3A_632 = vector.broadcast %reduce_sum3A_628 : f32 to vector<16xf32>
    %select_n3A_633 = arith.select %eq3A_631, %broadcast_in_dim3A_632, %select_n3A_620 : vector<16xi1>, vector<16xf32>
    %get3A_634 = arith.constant 27 : i32
    %get3A_635 = arith.index_cast %get3A_634 : i32 to index
    %get3A_636 = arith.constant 0 : index
    %get3A_637 = tpu.vector_load %arg11[%get3A_635, %get3A_636] {strides = array<i32>} : memref<64x16xf32, #tpu.memory_space<vmem>>, vector<16xf32>,
    %reduce_sum3A_638 = arith.constant true
    %reduce_sum3A_639 = vector.broadcast %reduce_sum3A_638 : i1 to vector<16xi1>
    %reduce_sum3A_640 = tpu.scan <sum>, %get3A_637 masked %reduce_sum3A_639 : vector<16xf32>, vector<16xi1> -> vector<16xf32>
    %reduce_sum3A_641 = vector.extract %reduce_sum3A_640[15] : f32 from vector<16xf32>
    %eq3A_642 = arith.constant 11 : i32
    %eq3A_643 = vector.broadcast %eq3A_642 : i32 to vector<16xi32>
    %eq3A_644 = arith.cmpi eq, %iota3A, %eq3A_643 : vector<16xi32>
    %broadcast_in_dim3A_645 = vector.broadcast %reduce_sum3A_641 : f32 to vector<16xf32>
    %select_n3A_646 = arith.select %eq3A_644, %broadcast_in_dim3A_645, %select_n3A_633 : vector<16xi1>, vector<16xf32>
    %get3A_647 = arith.constant 28 : i32
    %get3A_648 = arith.index_cast %get3A_647 : i32 to index
    %get3A_649 = arith.constant 0 : index
    %get3A_650 = tpu.vector_load %arg11[%get3A_648, %get3A_649] {strides = array<i32>} : memref<64x16xf32, #tpu.memory_space<vmem>>, vector<16xf32>,
    %reduce_sum3A_651 = arith.constant true
    %reduce_sum3A_652 = vector.broadcast %reduce_sum3A_651 : i1 to vector<16xi1>
    %reduce_sum3A_653 = tpu.scan <sum>, %get3A_650 masked %reduce_sum3A_652 : vector<16xf32>, vector<16xi1> -> vector<16xf32>
    %reduce_sum3A_654 = vector.extract %reduce_sum3A_653[15] : f32 from vector<16xf32>
    %eq3A_655 = arith.constant 12 : i32
    %eq3A_656 = vector.broadcast %eq3A_655 : i32 to vector<16xi32>
    %eq3A_657 = arith.cmpi eq, %iota3A, %eq3A_656 : vector<16xi32>
    %broadcast_in_dim3A_658 = vector.broadcast %reduce_sum3A_654 : f32 to vector<16xf32>
    %select_n3A_659 = arith.select %eq3A_657, %broadcast_in_dim3A_658, %select_n3A_646 : vector<16xi1>, vector<16xf32>
    %get3A_660 = arith.constant 29 : i32
    %get3A_661 = arith.index_cast %get3A_660 : i32 to index
    %get3A_662 = arith.constant 0 : index
    %get3A_663 = tpu.vector_load %arg11[%get3A_661, %get3A_662] {strides = array<i32>} : memref<64x16xf32, #tpu.memory_space<vmem>>, vector<16xf32>,
    %reduce_sum3A_664 = arith.constant true
    %reduce_sum3A_665 = vector.broadcast %reduce_sum3A_664 : i1 to vector<16xi1>
    %reduce_sum3A_666 = tpu.scan <sum>, %get3A_663 masked %reduce_sum3A_665 : vector<16xf32>, vector<16xi1> -> vector<16xf32>
    %reduce_sum3A_667 = vector.extract %reduce_sum3A_666[15] : f32 from vector<16xf32>
    %eq3A_668 = arith.constant 13 : i32
    %eq3A_669 = vector.broadcast %eq3A_668 : i32 to vector<16xi32>
    %eq3A_670 = arith.cmpi eq, %iota3A, %eq3A_669 : vector<16xi32>
    %broadcast_in_dim3A_671 = vector.broadcast %reduce_sum3A_667 : f32 to vector<16xf32>
    %select_n3A_672 = arith.select %eq3A_670, %broadcast_in_dim3A_671, %select_n3A_659 : vector<16xi1>, vector<16xf32>
    %get3A_673 = arith.constant 30 : i32
    %get3A_674 = arith.index_cast %get3A_673 : i32 to index
    %get3A_675 = arith.constant 0 : index
    %get3A_676 = tpu.vector_load %arg11[%get3A_674, %get3A_675] {strides = array<i32>} : memref<64x16xf32, #tpu.memory_space<vmem>>, vector<16xf32>,
    %reduce_sum3A_677 = arith.constant true
    %reduce_sum3A_678 = vector.broadcast %reduce_sum3A_677 : i1 to vector<16xi1>
    %reduce_sum3A_679 = tpu.scan <sum>, %get3A_676 masked %reduce_sum3A_678 : vector<16xf32>, vector<16xi1> -> vector<16xf32>
    %reduce_sum3A_680 = vector.extract %reduce_sum3A_679[15] : f32 from vector<16xf32>
    %eq3A_681 = arith.constant 14 : i32
    %eq3A_682 = vector.broadcast %eq3A_681 : i32 to vector<16xi32>
    %eq3A_683 = arith.cmpi eq, %iota3A, %eq3A_682 : vector<16xi32>
    %broadcast_in_dim3A_684 = vector.broadcast %reduce_sum3A_680 : f32 to vector<16xf32>
    %select_n3A_685 = arith.select %eq3A_683, %broadcast_in_dim3A_684, %select_n3A_672 : vector<16xi1>, vector<16xf32>
    %get3A_686 = arith.constant 31 : i32
    %get3A_687 = arith.index_cast %get3A_686 : i32 to index
    %get3A_688 = arith.constant 0 : index
    %get3A_689 = tpu.vector_load %arg11[%get3A_687, %get3A_688] {strides = array<i32>} : memref<64x16xf32, #tpu.memory_space<vmem>>, vector<16xf32>,
    %reduce_sum3A_690 = arith.constant true
    %reduce_sum3A_691 = vector.broadcast %reduce_sum3A_690 : i1 to vector<16xi1>
    %reduce_sum3A_692 = tpu.scan <sum>, %get3A_689 masked %reduce_sum3A_691 : vector<16xf32>, vector<16xi1> -> vector<16xf32>
    %reduce_sum3A_693 = vector.extract %reduce_sum3A_692[15] : f32 from vector<16xf32>
    %eq3A_694 = arith.constant 15 : i32
    %eq3A_695 = vector.broadcast %eq3A_694 : i32 to vector<16xi32>
    %eq3A_696 = arith.cmpi eq, %iota3A, %eq3A_695 : vector<16xi32>
    %broadcast_in_dim3A_697 = vector.broadcast %reduce_sum3A_693 : f32 to vector<16xf32>
    %select_n3A_698 = arith.select %eq3A_696, %broadcast_in_dim3A_697, %select_n3A_685 : vector<16xi1>, vector<16xf32>
    %swap3A_699 = arith.constant 16 : index
    %swap3A_700 = tpu.vector_load %arg12[%swap3A_699] {strides = array<i32>} : memref<64xf32, #tpu.memory_space<vmem>>, vector<16xf32>,
    tpu.vector_store %arg12[%swap3A_699], %select_n3A_698 {strides = array<i32>} : memref<64xf32, #tpu.memory_space<vmem>>, vector<16xf32>,
    %get3A_701 = arith.constant 32 : i32
    %get3A_702 = arith.index_cast %get3A_701 : i32 to index
    %get3A_703 = arith.constant 0 : index
    %get3A_704 = tpu.vector_load %arg11[%get3A_702, %get3A_703] {strides = array<i32>} : memref<64x16xf32, #tpu.memory_space<vmem>>, vector<16xf32>,
    %reduce_sum3A_705 = arith.constant true
    %reduce_sum3A_706 = vector.broadcast %reduce_sum3A_705 : i1 to vector<16xi1>
    %reduce_sum3A_707 = tpu.scan <sum>, %get3A_704 masked %reduce_sum3A_706 : vector<16xf32>, vector<16xi1> -> vector<16xf32>
    %reduce_sum3A_708 = vector.extract %reduce_sum3A_707[15] : f32 from vector<16xf32>
    %eq3A_709 = arith.constant 0 : i32
    %eq3A_710 = vector.broadcast %eq3A_709 : i32 to vector<16xi32>
    %eq3A_711 = arith.cmpi eq, %iota3A, %eq3A_710 : vector<16xi32>
    %broadcast_in_dim3A_712 = vector.broadcast %reduce_sum3A_708 : f32 to vector<16xf32>
    %select_n3A_713 = arith.select %eq3A_711, %broadcast_in_dim3A_712, %broadcast_in_dim3A_1 : vector<16xi1>, vector<16xf32>
    %get3A_714 = arith.constant 33 : i32
    %get3A_715 = arith.index_cast %get3A_714 : i32 to index
    %get3A_716 = arith.constant 0 : index
    %get3A_717 = tpu.vector_load %arg11[%get3A_715, %get3A_716] {strides = array<i32>} : memref<64x16xf32, #tpu.memory_space<vmem>>, vector<16xf32>,
    %reduce_sum3A_718 = arith.constant true
    %reduce_sum3A_719 = vector.broadcast %reduce_sum3A_718 : i1 to vector<16xi1>
    %reduce_sum3A_720 = tpu.scan <sum>, %get3A_717 masked %reduce_sum3A_719 : vector<16xf32>, vector<16xi1> -> vector<16xf32>
    %reduce_sum3A_721 = vector.extract %reduce_sum3A_720[15] : f32 from vector<16xf32>
    %eq3A_722 = arith.constant 1 : i32
    %eq3A_723 = vector.broadcast %eq3A_722 : i32 to vector<16xi32>
    %eq3A_724 = arith.cmpi eq, %iota3A, %eq3A_723 : vector<16xi32>
    %broadcast_in_dim3A_725 = vector.broadcast %reduce_sum3A_721 : f32 to vector<16xf32>
    %select_n3A_726 = arith.select %eq3A_724, %broadcast_in_dim3A_725, %select_n3A_713 : vector<16xi1>, vector<16xf32>
    %get3A_727 = arith.constant 34 : i32
    %get3A_728 = arith.index_cast %get3A_727 : i32 to index
    %get3A_729 = arith.constant 0 : index
    %get3A_730 = tpu.vector_load %arg11[%get3A_728, %get3A_729] {strides = array<i32>} : memref<64x16xf32, #tpu.memory_space<vmem>>, vector<16xf32>,
    %reduce_sum3A_731 = arith.constant true
    %reduce_sum3A_732 = vector.broadcast %reduce_sum3A_731 : i1 to vector<16xi1>
    %reduce_sum3A_733 = tpu.scan <sum>, %get3A_730 masked %reduce_sum3A_732 : vector<16xf32>, vector<16xi1> -> vector<16xf32>
    %reduce_sum3A_734 = vector.extract %reduce_sum3A_733[15] : f32 from vector<16xf32>
    %eq3A_735 = arith.constant 2 : i32
    %eq3A_736 = vector.broadcast %eq3A_735 : i32 to vector<16xi32>
    %eq3A_737 = arith.cmpi eq, %iota3A, %eq3A_736 : vector<16xi32>
    %broadcast_in_dim3A_738 = vector.broadcast %reduce_sum3A_734 : f32 to vector<16xf32>
    %select_n3A_739 = arith.select %eq3A_737, %broadcast_in_dim3A_738, %select_n3A_726 : vector<16xi1>, vector<16xf32>
    %get3A_740 = arith.constant 35 : i32
    %get3A_741 = arith.index_cast %get3A_740 : i32 to index
    %get3A_742 = arith.constant 0 : index
    %get3A_743 = tpu.vector_load %arg11[%get3A_741, %get3A_742] {strides = array<i32>} : memref<64x16xf32, #tpu.memory_space<vmem>>, vector<16xf32>,
    %reduce_sum3A_744 = arith.constant true
    %reduce_sum3A_745 = vector.broadcast %reduce_sum3A_744 : i1 to vector<16xi1>
    %reduce_sum3A_746 = tpu.scan <sum>, %get3A_743 masked %reduce_sum3A_745 : vector<16xf32>, vector<16xi1> -> vector<16xf32>
    %reduce_sum3A_747 = vector.extract %reduce_sum3A_746[15] : f32 from vector<16xf32>
    %eq3A_748 = arith.constant 3 : i32
    %eq3A_749 = vector.broadcast %eq3A_748 : i32 to vector<16xi32>
    %eq3A_750 = arith.cmpi eq, %iota3A, %eq3A_749 : vector<16xi32>
    %broadcast_in_dim3A_751 = vector.broadcast %reduce_sum3A_747 : f32 to vector<16xf32>
    %select_n3A_752 = arith.select %eq3A_750, %broadcast_in_dim3A_751, %select_n3A_739 : vector<16xi1>, vector<16xf32>
    %get3A_753 = arith.constant 36 : i32
    %get3A_754 = arith.index_cast %get3A_753 : i32 to index
    %get3A_755 = arith.constant 0 : index
    %get3A_756 = tpu.vector_load %arg11[%get3A_754, %get3A_755] {strides = array<i32>} : memref<64x16xf32, #tpu.memory_space<vmem>>, vector<16xf32>,
    %reduce_sum3A_757 = arith.constant true
    %reduce_sum3A_758 = vector.broadcast %reduce_sum3A_757 : i1 to vector<16xi1>
    %reduce_sum3A_759 = tpu.scan <sum>, %get3A_756 masked %reduce_sum3A_758 : vector<16xf32>, vector<16xi1> -> vector<16xf32>
    %reduce_sum3A_760 = vector.extract %reduce_sum3A_759[15] : f32 from vector<16xf32>
    %eq3A_761 = arith.constant 4 : i32
    %eq3A_762 = vector.broadcast %eq3A_761 : i32 to vector<16xi32>
    %eq3A_763 = arith.cmpi eq, %iota3A, %eq3A_762 : vector<16xi32>
    %broadcast_in_dim3A_764 = vector.broadcast %reduce_sum3A_760 : f32 to vector<16xf32>
    %select_n3A_765 = arith.select %eq3A_763, %broadcast_in_dim3A_764, %select_n3A_752 : vector<16xi1>, vector<16xf32>
    %get3A_766 = arith.constant 37 : i32
    %get3A_767 = arith.index_cast %get3A_766 : i32 to index
    %get3A_768 = arith.constant 0 : index
    %get3A_769 = tpu.vector_load %arg11[%get3A_767, %get3A_768] {strides = array<i32>} : memref<64x16xf32, #tpu.memory_space<vmem>>, vector<16xf32>,
    %reduce_sum3A_770 = arith.constant true
    %reduce_sum3A_771 = vector.broadcast %reduce_sum3A_770 : i1 to vector<16xi1>
    %reduce_sum3A_772 = tpu.scan <sum>, %get3A_769 masked %reduce_sum3A_771 : vector<16xf32>, vector<16xi1> -> vector<16xf32>
    %reduce_sum3A_773 = vector.extract %reduce_sum3A_772[15] : f32 from vector<16xf32>
    %eq3A_774 = arith.constant 5 : i32
    %eq3A_775 = vector.broadcast %eq3A_774 : i32 to vector<16xi32>
    %eq3A_776 = arith.cmpi eq, %iota3A, %eq3A_775 : vector<16xi32>
    %broadcast_in_dim3A_777 = vector.broadcast %reduce_sum3A_773 : f32 to vector<16xf32>
    %select_n3A_778 = arith.select %eq3A_776, %broadcast_in_dim3A_777, %select_n3A_765 : vector<16xi1>, vector<16xf32>
    %get3A_779 = arith.constant 38 : i32
    %get3A_780 = arith.index_cast %get3A_779 : i32 to index
    %get3A_781 = arith.constant 0 : index
    %get3A_782 = tpu.vector_load %arg11[%get3A_780, %get3A_781] {strides = array<i32>} : memref<64x16xf32, #tpu.memory_space<vmem>>, vector<16xf32>,
    %reduce_sum3A_783 = arith.constant true
    %reduce_sum3A_784 = vector.broadcast %reduce_sum3A_783 : i1 to vector<16xi1>
    %reduce_sum3A_785 = tpu.scan <sum>, %get3A_782 masked %reduce_sum3A_784 : vector<16xf32>, vector<16xi1> -> vector<16xf32>
    %reduce_sum3A_786 = vector.extract %reduce_sum3A_785[15] : f32 from vector<16xf32>
    %eq3A_787 = arith.constant 6 : i32
    %eq3A_788 = vector.broadcast %eq3A_787 : i32 to vector<16xi32>
    %eq3A_789 = arith.cmpi eq, %iota3A, %eq3A_788 : vector<16xi32>
    %broadcast_in_dim3A_790 = vector.broadcast %reduce_sum3A_786 : f32 to vector<16xf32>
    %select_n3A_791 = arith.select %eq3A_789, %broadcast_in_dim3A_790, %select_n3A_778 : vector<16xi1>, vector<16xf32>
    %get3A_792 = arith.constant 39 : i32
    %get3A_793 = arith.index_cast %get3A_792 : i32 to index
    %get3A_794 = arith.constant 0 : index
    %get3A_795 = tpu.vector_load %arg11[%get3A_793, %get3A_794] {strides = array<i32>} : memref<64x16xf32, #tpu.memory_space<vmem>>, vector<16xf32>,
    %reduce_sum3A_796 = arith.constant true
    %reduce_sum3A_797 = vector.broadcast %reduce_sum3A_796 : i1 to vector<16xi1>
    %reduce_sum3A_798 = tpu.scan <sum>, %get3A_795 masked %reduce_sum3A_797 : vector<16xf32>, vector<16xi1> -> vector<16xf32>
    %reduce_sum3A_799 = vector.extract %reduce_sum3A_798[15] : f32 from vector<16xf32>
    %eq3A_800 = arith.constant 7 : i32
    %eq3A_801 = vector.broadcast %eq3A_800 : i32 to vector<16xi32>
    %eq3A_802 = arith.cmpi eq, %iota3A, %eq3A_801 : vector<16xi32>
    %broadcast_in_dim3A_803 = vector.broadcast %reduce_sum3A_799 : f32 to vector<16xf32>
    %select_n3A_804 = arith.select %eq3A_802, %broadcast_in_dim3A_803, %select_n3A_791 : vector<16xi1>, vector<16xf32>
    %get3A_805 = arith.constant 40 : i32
    %get3A_806 = arith.index_cast %get3A_805 : i32 to index
    %get3A_807 = arith.constant 0 : index
    %get3A_808 = tpu.vector_load %arg11[%get3A_806, %get3A_807] {strides = array<i32>} : memref<64x16xf32, #tpu.memory_space<vmem>>, vector<16xf32>,
    %reduce_sum3A_809 = arith.constant true
    %reduce_sum3A_810 = vector.broadcast %reduce_sum3A_809 : i1 to vector<16xi1>
    %reduce_sum3A_811 = tpu.scan <sum>, %get3A_808 masked %reduce_sum3A_810 : vector<16xf32>, vector<16xi1> -> vector<16xf32>
    %reduce_sum3A_812 = vector.extract %reduce_sum3A_811[15] : f32 from vector<16xf32>
    %eq3A_813 = arith.constant 8 : i32
    %eq3A_814 = vector.broadcast %eq3A_813 : i32 to vector<16xi32>
    %eq3A_815 = arith.cmpi eq, %iota3A, %eq3A_814 : vector<16xi32>
    %broadcast_in_dim3A_816 = vector.broadcast %reduce_sum3A_812 : f32 to vector<16xf32>
    %select_n3A_817 = arith.select %eq3A_815, %broadcast_in_dim3A_816, %select_n3A_804 : vector<16xi1>, vector<16xf32>
    %get3A_818 = arith.constant 41 : i32
    %get3A_819 = arith.index_cast %get3A_818 : i32 to index
    %get3A_820 = arith.constant 0 : index
    %get3A_821 = tpu.vector_load %arg11[%get3A_819, %get3A_820] {strides = array<i32>} : memref<64x16xf32, #tpu.memory_space<vmem>>, vector<16xf32>,
    %reduce_sum3A_822 = arith.constant true
    %reduce_sum3A_823 = vector.broadcast %reduce_sum3A_822 : i1 to vector<16xi1>
    %reduce_sum3A_824 = tpu.scan <sum>, %get3A_821 masked %reduce_sum3A_823 : vector<16xf32>, vector<16xi1> -> vector<16xf32>
    %reduce_sum3A_825 = vector.extract %reduce_sum3A_824[15] : f32 from vector<16xf32>
    %eq3A_826 = arith.constant 9 : i32
    %eq3A_827 = vector.broadcast %eq3A_826 : i32 to vector<16xi32>
    %eq3A_828 = arith.cmpi eq, %iota3A, %eq3A_827 : vector<16xi32>
    %broadcast_in_dim3A_829 = vector.broadcast %reduce_sum3A_825 : f32 to vector<16xf32>
    %select_n3A_830 = arith.select %eq3A_828, %broadcast_in_dim3A_829, %select_n3A_817 : vector<16xi1>, vector<16xf32>
    %get3A_831 = arith.constant 42 : i32
    %get3A_832 = arith.index_cast %get3A_831 : i32 to index
    %get3A_833 = arith.constant 0 : index
    %get3A_834 = tpu.vector_load %arg11[%get3A_832, %get3A_833] {strides = array<i32>} : memref<64x16xf32, #tpu.memory_space<vmem>>, vector<16xf32>,
    %reduce_sum3A_835 = arith.constant true
    %reduce_sum3A_836 = vector.broadcast %reduce_sum3A_835 : i1 to vector<16xi1>
    %reduce_sum3A_837 = tpu.scan <sum>, %get3A_834 masked %reduce_sum3A_836 : vector<16xf32>, vector<16xi1> -> vector<16xf32>
    %reduce_sum3A_838 = vector.extract %reduce_sum3A_837[15] : f32 from vector<16xf32>
    %eq3A_839 = arith.constant 10 : i32
    %eq3A_840 = vector.broadcast %eq3A_839 : i32 to vector<16xi32>
    %eq3A_841 = arith.cmpi eq, %iota3A, %eq3A_840 : vector<16xi32>
    %broadcast_in_dim3A_842 = vector.broadcast %reduce_sum3A_838 : f32 to vector<16xf32>
    %select_n3A_843 = arith.select %eq3A_841, %broadcast_in_dim3A_842, %select_n3A_830 : vector<16xi1>, vector<16xf32>
    %get3A_844 = arith.constant 43 : i32
    %get3A_845 = arith.index_cast %get3A_844 : i32 to index
    %get3A_846 = arith.constant 0 : index
    %get3A_847 = tpu.vector_load %arg11[%get3A_845, %get3A_846] {strides = array<i32>} : memref<64x16xf32, #tpu.memory_space<vmem>>, vector<16xf32>,
    %reduce_sum3A_848 = arith.constant true
    %reduce_sum3A_849 = vector.broadcast %reduce_sum3A_848 : i1 to vector<16xi1>
    %reduce_sum3A_850 = tpu.scan <sum>, %get3A_847 masked %reduce_sum3A_849 : vector<16xf32>, vector<16xi1> -> vector<16xf32>
    %reduce_sum3A_851 = vector.extract %reduce_sum3A_850[15] : f32 from vector<16xf32>
    %eq3A_852 = arith.constant 11 : i32
    %eq3A_853 = vector.broadcast %eq3A_852 : i32 to vector<16xi32>
    %eq3A_854 = arith.cmpi eq, %iota3A, %eq3A_853 : vector<16xi32>
    %broadcast_in_dim3A_855 = vector.broadcast %reduce_sum3A_851 : f32 to vector<16xf32>
    %select_n3A_856 = arith.select %eq3A_854, %broadcast_in_dim3A_855, %select_n3A_843 : vector<16xi1>, vector<16xf32>
    %get3A_857 = arith.constant 44 : i32
    %get3A_858 = arith.index_cast %get3A_857 : i32 to index
    %get3A_859 = arith.constant 0 : index
    %get3A_860 = tpu.vector_load %arg11[%get3A_858, %get3A_859] {strides = array<i32>} : memref<64x16xf32, #tpu.memory_space<vmem>>, vector<16xf32>,
    %reduce_sum3A_861 = arith.constant true
    %reduce_sum3A_862 = vector.broadcast %reduce_sum3A_861 : i1 to vector<16xi1>
    %reduce_sum3A_863 = tpu.scan <sum>, %get3A_860 masked %reduce_sum3A_862 : vector<16xf32>, vector<16xi1> -> vector<16xf32>
    %reduce_sum3A_864 = vector.extract %reduce_sum3A_863[15] : f32 from vector<16xf32>
    %eq3A_865 = arith.constant 12 : i32
    %eq3A_866 = vector.broadcast %eq3A_865 : i32 to vector<16xi32>
    %eq3A_867 = arith.cmpi eq, %iota3A, %eq3A_866 : vector<16xi32>
    %broadcast_in_dim3A_868 = vector.broadcast %reduce_sum3A_864 : f32 to vector<16xf32>
    %select_n3A_869 = arith.select %eq3A_867, %broadcast_in_dim3A_868, %select_n3A_856 : vector<16xi1>, vector<16xf32>
    %get3A_870 = arith.constant 45 : i32
    %get3A_871 = arith.index_cast %get3A_870 : i32 to index
    %get3A_872 = arith.constant 0 : index
    %get3A_873 = tpu.vector_load %arg11[%get3A_871, %get3A_872] {strides = array<i32>} : memref<64x16xf32, #tpu.memory_space<vmem>>, vector<16xf32>,
    %reduce_sum3A_874 = arith.constant true
    %reduce_sum3A_875 = vector.broadcast %reduce_sum3A_874 : i1 to vector<16xi1>
    %reduce_sum3A_876 = tpu.scan <sum>, %get3A_873 masked %reduce_sum3A_875 : vector<16xf32>, vector<16xi1> -> vector<16xf32>
    %reduce_sum3A_877 = vector.extract %reduce_sum3A_876[15] : f32 from vector<16xf32>
    %eq3A_878 = arith.constant 13 : i32
    %eq3A_879 = vector.broadcast %eq3A_878 : i32 to vector<16xi32>
    %eq3A_880 = arith.cmpi eq, %iota3A, %eq3A_879 : vector<16xi32>
    %broadcast_in_dim3A_881 = vector.broadcast %reduce_sum3A_877 : f32 to vector<16xf32>
    %select_n3A_882 = arith.select %eq3A_880, %broadcast_in_dim3A_881, %select_n3A_869 : vector<16xi1>, vector<16xf32>
    %get3A_883 = arith.constant 46 : i32
    %get3A_884 = arith.index_cast %get3A_883 : i32 to index
    %get3A_885 = arith.constant 0 : index
    %get3A_886 = tpu.vector_load %arg11[%get3A_884, %get3A_885] {strides = array<i32>} : memref<64x16xf32, #tpu.memory_space<vmem>>, vector<16xf32>,
    %reduce_sum3A_887 = arith.constant true
    %reduce_sum3A_888 = vector.broadcast %reduce_sum3A_887 : i1 to vector<16xi1>
    %reduce_sum3A_889 = tpu.scan <sum>, %get3A_886 masked %reduce_sum3A_888 : vector<16xf32>, vector<16xi1> -> vector<16xf32>
    %reduce_sum3A_890 = vector.extract %reduce_sum3A_889[15] : f32 from vector<16xf32>
    %eq3A_891 = arith.constant 14 : i32
    %eq3A_892 = vector.broadcast %eq3A_891 : i32 to vector<16xi32>
    %eq3A_893 = arith.cmpi eq, %iota3A, %eq3A_892 : vector<16xi32>
    %broadcast_in_dim3A_894 = vector.broadcast %reduce_sum3A_890 : f32 to vector<16xf32>
    %select_n3A_895 = arith.select %eq3A_893, %broadcast_in_dim3A_894, %select_n3A_882 : vector<16xi1>, vector<16xf32>
    %get3A_896 = arith.constant 47 : i32
    %get3A_897 = arith.index_cast %get3A_896 : i32 to index
    %get3A_898 = arith.constant 0 : index
    %get3A_899 = tpu.vector_load %arg11[%get3A_897, %get3A_898] {strides = array<i32>} : memref<64x16xf32, #tpu.memory_space<vmem>>, vector<16xf32>,
    %reduce_sum3A_900 = arith.constant true
    %reduce_sum3A_901 = vector.broadcast %reduce_sum3A_900 : i1 to vector<16xi1>
    %reduce_sum3A_902 = tpu.scan <sum>, %get3A_899 masked %reduce_sum3A_901 : vector<16xf32>, vector<16xi1> -> vector<16xf32>
    %reduce_sum3A_903 = vector.extract %reduce_sum3A_902[15] : f32 from vector<16xf32>
    %eq3A_904 = arith.constant 15 : i32
    %eq3A_905 = vector.broadcast %eq3A_904 : i32 to vector<16xi32>
    %eq3A_906 = arith.cmpi eq, %iota3A, %eq3A_905 : vector<16xi32>
    %broadcast_in_dim3A_907 = vector.broadcast %reduce_sum3A_903 : f32 to vector<16xf32>
    %select_n3A_908 = arith.select %eq3A_906, %broadcast_in_dim3A_907, %select_n3A_895 : vector<16xi1>, vector<16xf32>
    %swap3A_909 = arith.constant 32 : index
    %swap3A_910 = tpu.vector_load %arg12[%swap3A_909] {strides = array<i32>} : memref<64xf32, #tpu.memory_space<vmem>>, vector<16xf32>,
    tpu.vector_store %arg12[%swap3A_909], %select_n3A_908 {strides = array<i32>} : memref<64xf32, #tpu.memory_space<vmem>>, vector<16xf32>,
    %get3A_911 = arith.constant 48 : i32
    %get3A_912 = arith.index_cast %get3A_911 : i32 to index
    %get3A_913 = arith.constant 0 : index
    %get3A_914 = tpu.vector_load %arg11[%get3A_912, %get3A_913] {strides = array<i32>} : memref<64x16xf32, #tpu.memory_space<vmem>>, vector<16xf32>,
    %reduce_sum3A_915 = arith.constant true
    %reduce_sum3A_916 = vector.broadcast %reduce_sum3A_915 : i1 to vector<16xi1>
    %reduce_sum3A_917 = tpu.scan <sum>, %get3A_914 masked %reduce_sum3A_916 : vector<16xf32>, vector<16xi1> -> vector<16xf32>
    %reduce_sum3A_918 = vector.extract %reduce_sum3A_917[15] : f32 from vector<16xf32>
    %eq3A_919 = arith.constant 0 : i32
    %eq3A_920 = vector.broadcast %eq3A_919 : i32 to vector<16xi32>
    %eq3A_921 = arith.cmpi eq, %iota3A, %eq3A_920 : vector<16xi32>
    %broadcast_in_dim3A_922 = vector.broadcast %reduce_sum3A_918 : f32 to vector<16xf32>
    %select_n3A_923 = arith.select %eq3A_921, %broadcast_in_dim3A_922, %broadcast_in_dim3A_1 : vector<16xi1>, vector<16xf32>
    %get3A_924 = arith.constant 49 : i32
    %get3A_925 = arith.index_cast %get3A_924 : i32 to index
    %get3A_926 = arith.constant 0 : index
    %get3A_927 = tpu.vector_load %arg11[%get3A_925, %get3A_926] {strides = array<i32>} : memref<64x16xf32, #tpu.memory_space<vmem>>, vector<16xf32>,
    %reduce_sum3A_928 = arith.constant true
    %reduce_sum3A_929 = vector.broadcast %reduce_sum3A_928 : i1 to vector<16xi1>
    %reduce_sum3A_930 = tpu.scan <sum>, %get3A_927 masked %reduce_sum3A_929 : vector<16xf32>, vector<16xi1> -> vector<16xf32>
    %reduce_sum3A_931 = vector.extract %reduce_sum3A_930[15] : f32 from vector<16xf32>
    %eq3A_932 = arith.constant 1 : i32
    %eq3A_933 = vector.broadcast %eq3A_932 : i32 to vector<16xi32>
    %eq3A_934 = arith.cmpi eq, %iota3A, %eq3A_933 : vector<16xi32>
    %broadcast_in_dim3A_935 = vector.broadcast %reduce_sum3A_931 : f32 to vector<16xf32>
    %select_n3A_936 = arith.select %eq3A_934, %broadcast_in_dim3A_935, %select_n3A_923 : vector<16xi1>, vector<16xf32>
    %get3A_937 = arith.constant 50 : i32
    %get3A_938 = arith.index_cast %get3A_937 : i32 to index
    %get3A_939 = arith.constant 0 : index
    %get3A_940 = tpu.vector_load %arg11[%get3A_938, %get3A_939] {strides = array<i32>} : memref<64x16xf32, #tpu.memory_space<vmem>>, vector<16xf32>,
    %reduce_sum3A_941 = arith.constant true
    %reduce_sum3A_942 = vector.broadcast %reduce_sum3A_941 : i1 to vector<16xi1>
    %reduce_sum3A_943 = tpu.scan <sum>, %get3A_940 masked %reduce_sum3A_942 : vector<16xf32>, vector<16xi1> -> vector<16xf32>
    %reduce_sum3A_944 = vector.extract %reduce_sum3A_943[15] : f32 from vector<16xf32>
    %eq3A_945 = arith.constant 2 : i32
    %eq3A_946 = vector.broadcast %eq3A_945 : i32 to vector<16xi32>
    %eq3A_947 = arith.cmpi eq, %iota3A, %eq3A_946 : vector<16xi32>
    %broadcast_in_dim3A_948 = vector.broadcast %reduce_sum3A_944 : f32 to vector<16xf32>
    %select_n3A_949 = arith.select %eq3A_947, %broadcast_in_dim3A_948, %select_n3A_936 : vector<16xi1>, vector<16xf32>
    %get3A_950 = arith.constant 51 : i32
    %get3A_951 = arith.index_cast %get3A_950 : i32 to index
    %get3A_952 = arith.constant 0 : index
    %get3A_953 = tpu.vector_load %arg11[%get3A_951, %get3A_952] {strides = array<i32>} : memref<64x16xf32, #tpu.memory_space<vmem>>, vector<16xf32>,
    %reduce_sum3A_954 = arith.constant true
    %reduce_sum3A_955 = vector.broadcast %reduce_sum3A_954 : i1 to vector<16xi1>
    %reduce_sum3A_956 = tpu.scan <sum>, %get3A_953 masked %reduce_sum3A_955 : vector<16xf32>, vector<16xi1> -> vector<16xf32>
    %reduce_sum3A_957 = vector.extract %reduce_sum3A_956[15] : f32 from vector<16xf32>
    %eq3A_958 = arith.constant 3 : i32
    %eq3A_959 = vector.broadcast %eq3A_958 : i32 to vector<16xi32>
    %eq3A_960 = arith.cmpi eq, %iota3A, %eq3A_959 : vector<16xi32>
    %broadcast_in_dim3A_961 = vector.broadcast %reduce_sum3A_957 : f32 to vector<16xf32>
    %select_n3A_962 = arith.select %eq3A_960, %broadcast_in_dim3A_961, %select_n3A_949 : vector<16xi1>, vector<16xf32>
    %get3A_963 = arith.constant 52 : i32
    %get3A_964 = arith.index_cast %get3A_963 : i32 to index
    %get3A_965 = arith.constant 0 : index
    %get3A_966 = tpu.vector_load %arg11[%get3A_964, %get3A_965] {strides = array<i32>} : memref<64x16xf32, #tpu.memory_space<vmem>>, vector<16xf32>,
    %reduce_sum3A_967 = arith.constant true
    %reduce_sum3A_968 = vector.broadcast %reduce_sum3A_967 : i1 to vector<16xi1>
    %reduce_sum3A_969 = tpu.scan <sum>, %get3A_966 masked %reduce_sum3A_968 : vector<16xf32>, vector<16xi1> -> vector<16xf32>
    %reduce_sum3A_970 = vector.extract %reduce_sum3A_969[15] : f32 from vector<16xf32>
    %eq3A_971 = arith.constant 4 : i32
    %eq3A_972 = vector.broadcast %eq3A_971 : i32 to vector<16xi32>
    %eq3A_973 = arith.cmpi eq, %iota3A, %eq3A_972 : vector<16xi32>
    %broadcast_in_dim3A_974 = vector.broadcast %reduce_sum3A_970 : f32 to vector<16xf32>
    %select_n3A_975 = arith.select %eq3A_973, %broadcast_in_dim3A_974, %select_n3A_962 : vector<16xi1>, vector<16xf32>
    %get3A_976 = arith.constant 53 : i32
    %get3A_977 = arith.index_cast %get3A_976 : i32 to index
    %get3A_978 = arith.constant 0 : index
    %get3A_979 = tpu.vector_load %arg11[%get3A_977, %get3A_978] {strides = array<i32>} : memref<64x16xf32, #tpu.memory_space<vmem>>, vector<16xf32>,
    %reduce_sum3A_980 = arith.constant true
    %reduce_sum3A_981 = vector.broadcast %reduce_sum3A_980 : i1 to vector<16xi1>
    %reduce_sum3A_982 = tpu.scan <sum>, %get3A_979 masked %reduce_sum3A_981 : vector<16xf32>, vector<16xi1> -> vector<16xf32>
    %reduce_sum3A_983 = vector.extract %reduce_sum3A_982[15] : f32 from vector<16xf32>
    %eq3A_984 = arith.constant 5 : i32
    %eq3A_985 = vector.broadcast %eq3A_984 : i32 to vector<16xi32>
    %eq3A_986 = arith.cmpi eq, %iota3A, %eq3A_985 : vector<16xi32>
    %broadcast_in_dim3A_987 = vector.broadcast %reduce_sum3A_983 : f32 to vector<16xf32>
    %select_n3A_988 = arith.select %eq3A_986, %broadcast_in_dim3A_987, %select_n3A_975 : vector<16xi1>, vector<16xf32>
    %get3A_989 = arith.constant 54 : i32
    %get3A_990 = arith.index_cast %get3A_989 : i32 to index
    %get3A_991 = arith.constant 0 : index
    %get3A_992 = tpu.vector_load %arg11[%get3A_990, %get3A_991] {strides = array<i32>} : memref<64x16xf32, #tpu.memory_space<vmem>>, vector<16xf32>,
    %reduce_sum3A_993 = arith.constant true
    %reduce_sum3A_994 = vector.broadcast %reduce_sum3A_993 : i1 to vector<16xi1>
    %reduce_sum3A_995 = tpu.scan <sum>, %get3A_992 masked %reduce_sum3A_994 : vector<16xf32>, vector<16xi1> -> vector<16xf32>
    %reduce_sum3A_996 = vector.extract %reduce_sum3A_995[15] : f32 from vector<16xf32>
    %eq3A_997 = arith.constant 6 : i32
    %eq3A_998 = vector.broadcast %eq3A_997 : i32 to vector<16xi32>
    %eq3A_999 = arith.cmpi eq, %iota3A, %eq3A_998 : vector<16xi32>
    %broadcast_in_dim3A_1000 = vector.broadcast %reduce_sum3A_996 : f32 to vector<16xf32>
    %select_n3A_1001 = arith.select %eq3A_999, %broadcast_in_dim3A_1000, %select_n3A_988 : vector<16xi1>, vector<16xf32>
    %get3A_1002 = arith.constant 55 : i32
    %get3A_1003 = arith.index_cast %get3A_1002 : i32 to index
    %get3A_1004 = arith.constant 0 : index
    %get3A_1005 = tpu.vector_load %arg11[%get3A_1003, %get3A_1004] {strides = array<i32>} : memref<64x16xf32, #tpu.memory_space<vmem>>, vector<16xf32>,
    %reduce_sum3A_1006 = arith.constant true
    %reduce_sum3A_1007 = vector.broadcast %reduce_sum3A_1006 : i1 to vector<16xi1>
    %reduce_sum3A_1008 = tpu.scan <sum>, %get3A_1005 masked %reduce_sum3A_1007 : vector<16xf32>, vector<16xi1> -> vector<16xf32>
    %reduce_sum3A_1009 = vector.extract %reduce_sum3A_1008[15] : f32 from vector<16xf32>
    %eq3A_1010 = arith.constant 7 : i32
    %eq3A_1011 = vector.broadcast %eq3A_1010 : i32 to vector<16xi32>
    %eq3A_1012 = arith.cmpi eq, %iota3A, %eq3A_1011 : vector<16xi32>
    %broadcast_in_dim3A_1013 = vector.broadcast %reduce_sum3A_1009 : f32 to vector<16xf32>
    %select_n3A_1014 = arith.select %eq3A_1012, %broadcast_in_dim3A_1013, %select_n3A_1001 : vector<16xi1>, vector<16xf32>
    %get3A_1015 = arith.constant 56 : i32
    %get3A_1016 = arith.index_cast %get3A_1015 : i32 to index
    %get3A_1017 = arith.constant 0 : index
    %get3A_1018 = tpu.vector_load %arg11[%get3A_1016, %get3A_1017] {strides = array<i32>} : memref<64x16xf32, #tpu.memory_space<vmem>>, vector<16xf32>,
    %reduce_sum3A_1019 = arith.constant true
    %reduce_sum3A_1020 = vector.broadcast %reduce_sum3A_1019 : i1 to vector<16xi1>
    %reduce_sum3A_1021 = tpu.scan <sum>, %get3A_1018 masked %reduce_sum3A_1020 : vector<16xf32>, vector<16xi1> -> vector<16xf32>
    %reduce_sum3A_1022 = vector.extract %reduce_sum3A_1021[15] : f32 from vector<16xf32>
    %eq3A_1023 = arith.constant 8 : i32
    %eq3A_1024 = vector.broadcast %eq3A_1023 : i32 to vector<16xi32>
    %eq3A_1025 = arith.cmpi eq, %iota3A, %eq3A_1024 : vector<16xi32>
    %broadcast_in_dim3A_1026 = vector.broadcast %reduce_sum3A_1022 : f32 to vector<16xf32>
    %select_n3A_1027 = arith.select %eq3A_1025, %broadcast_in_dim3A_1026, %select_n3A_1014 : vector<16xi1>, vector<16xf32>
    %get3A_1028 = arith.constant 57 : i32
    %get3A_1029 = arith.index_cast %get3A_1028 : i32 to index
    %get3A_1030 = arith.constant 0 : index
    %get3A_1031 = tpu.vector_load %arg11[%get3A_1029, %get3A_1030] {strides = array<i32>} : memref<64x16xf32, #tpu.memory_space<vmem>>, vector<16xf32>,
    %reduce_sum3A_1032 = arith.constant true
    %reduce_sum3A_1033 = vector.broadcast %reduce_sum3A_1032 : i1 to vector<16xi1>
    %reduce_sum3A_1034 = tpu.scan <sum>, %get3A_1031 masked %reduce_sum3A_1033 : vector<16xf32>, vector<16xi1> -> vector<16xf32>
    %reduce_sum3A_1035 = vector.extract %reduce_sum3A_1034[15] : f32 from vector<16xf32>
    %eq3A_1036 = arith.constant 9 : i32
    %eq3A_1037 = vector.broadcast %eq3A_1036 : i32 to vector<16xi32>
    %eq3A_1038 = arith.cmpi eq, %iota3A, %eq3A_1037 : vector<16xi32>
    %broadcast_in_dim3A_1039 = vector.broadcast %reduce_sum3A_1035 : f32 to vector<16xf32>
    %select_n3A_1040 = arith.select %eq3A_1038, %broadcast_in_dim3A_1039, %select_n3A_1027 : vector<16xi1>, vector<16xf32>
    %get3A_1041 = arith.constant 58 : i32
    %get3A_1042 = arith.index_cast %get3A_1041 : i32 to index
    %get3A_1043 = arith.constant 0 : index
    %get3A_1044 = tpu.vector_load %arg11[%get3A_1042, %get3A_1043] {strides = array<i32>} : memref<64x16xf32, #tpu.memory_space<vmem>>, vector<16xf32>,
    %reduce_sum3A_1045 = arith.constant true
    %reduce_sum3A_1046 = vector.broadcast %reduce_sum3A_1045 : i1 to vector<16xi1>
    %reduce_sum3A_1047 = tpu.scan <sum>, %get3A_1044 masked %reduce_sum3A_1046 : vector<16xf32>, vector<16xi1> -> vector<16xf32>
    %reduce_sum3A_1048 = vector.extract %reduce_sum3A_1047[15] : f32 from vector<16xf32>
    %eq3A_1049 = arith.constant 10 : i32
    %eq3A_1050 = vector.broadcast %eq3A_1049 : i32 to vector<16xi32>
    %eq3A_1051 = arith.cmpi eq, %iota3A, %eq3A_1050 : vector<16xi32>
    %broadcast_in_dim3A_1052 = vector.broadcast %reduce_sum3A_1048 : f32 to vector<16xf32>
    %select_n3A_1053 = arith.select %eq3A_1051, %broadcast_in_dim3A_1052, %select_n3A_1040 : vector<16xi1>, vector<16xf32>
    %get3A_1054 = arith.constant 59 : i32
    %get3A_1055 = arith.index_cast %get3A_1054 : i32 to index
    %get3A_1056 = arith.constant 0 : index
    %get3A_1057 = tpu.vector_load %arg11[%get3A_1055, %get3A_1056] {strides = array<i32>} : memref<64x16xf32, #tpu.memory_space<vmem>>, vector<16xf32>,
    %reduce_sum3A_1058 = arith.constant true
    %reduce_sum3A_1059 = vector.broadcast %reduce_sum3A_1058 : i1 to vector<16xi1>
    %reduce_sum3A_1060 = tpu.scan <sum>, %get3A_1057 masked %reduce_sum3A_1059 : vector<16xf32>, vector<16xi1> -> vector<16xf32>
    %reduce_sum3A_1061 = vector.extract %reduce_sum3A_1060[15] : f32 from vector<16xf32>
    %eq3A_1062 = arith.constant 11 : i32
    %eq3A_1063 = vector.broadcast %eq3A_1062 : i32 to vector<16xi32>
    %eq3A_1064 = arith.cmpi eq, %iota3A, %eq3A_1063 : vector<16xi32>
    %broadcast_in_dim3A_1065 = vector.broadcast %reduce_sum3A_1061 : f32 to vector<16xf32>
    %select_n3A_1066 = arith.select %eq3A_1064, %broadcast_in_dim3A_1065, %select_n3A_1053 : vector<16xi1>, vector<16xf32>
    %get3A_1067 = arith.constant 60 : i32
    %get3A_1068 = arith.index_cast %get3A_1067 : i32 to index
    %get3A_1069 = arith.constant 0 : index
    %get3A_1070 = tpu.vector_load %arg11[%get3A_1068, %get3A_1069] {strides = array<i32>} : memref<64x16xf32, #tpu.memory_space<vmem>>, vector<16xf32>,
    %reduce_sum3A_1071 = arith.constant true
    %reduce_sum3A_1072 = vector.broadcast %reduce_sum3A_1071 : i1 to vector<16xi1>
    %reduce_sum3A_1073 = tpu.scan <sum>, %get3A_1070 masked %reduce_sum3A_1072 : vector<16xf32>, vector<16xi1> -> vector<16xf32>
    %reduce_sum3A_1074 = vector.extract %reduce_sum3A_1073[15] : f32 from vector<16xf32>
    %eq3A_1075 = arith.constant 12 : i32
    %eq3A_1076 = vector.broadcast %eq3A_1075 : i32 to vector<16xi32>
    %eq3A_1077 = arith.cmpi eq, %iota3A, %eq3A_1076 : vector<16xi32>
    %broadcast_in_dim3A_1078 = vector.broadcast %reduce_sum3A_1074 : f32 to vector<16xf32>
    %select_n3A_1079 = arith.select %eq3A_1077, %broadcast_in_dim3A_1078, %select_n3A_1066 : vector<16xi1>, vector<16xf32>
    %get3A_1080 = arith.constant 61 : i32
    %get3A_1081 = arith.index_cast %get3A_1080 : i32 to index
    %get3A_1082 = arith.constant 0 : index
    %get3A_1083 = tpu.vector_load %arg11[%get3A_1081, %get3A_1082] {strides = array<i32>} : memref<64x16xf32, #tpu.memory_space<vmem>>, vector<16xf32>,
    %reduce_sum3A_1084 = arith.constant true
    %reduce_sum3A_1085 = vector.broadcast %reduce_sum3A_1084 : i1 to vector<16xi1>
    %reduce_sum3A_1086 = tpu.scan <sum>, %get3A_1083 masked %reduce_sum3A_1085 : vector<16xf32>, vector<16xi1> -> vector<16xf32>
    %reduce_sum3A_1087 = vector.extract %reduce_sum3A_1086[15] : f32 from vector<16xf32>
    %eq3A_1088 = arith.constant 13 : i32
    %eq3A_1089 = vector.broadcast %eq3A_1088 : i32 to vector<16xi32>
    %eq3A_1090 = arith.cmpi eq, %iota3A, %eq3A_1089 : vector<16xi32>
    %broadcast_in_dim3A_1091 = vector.broadcast %reduce_sum3A_1087 : f32 to vector<16xf32>
    %select_n3A_1092 = arith.select %eq3A_1090, %broadcast_in_dim3A_1091, %select_n3A_1079 : vector<16xi1>, vector<16xf32>
    %get3A_1093 = arith.constant 62 : i32
    %get3A_1094 = arith.index_cast %get3A_1093 : i32 to index
    %get3A_1095 = arith.constant 0 : index
    %get3A_1096 = tpu.vector_load %arg11[%get3A_1094, %get3A_1095] {strides = array<i32>} : memref<64x16xf32, #tpu.memory_space<vmem>>, vector<16xf32>,
    %reduce_sum3A_1097 = arith.constant true
    %reduce_sum3A_1098 = vector.broadcast %reduce_sum3A_1097 : i1 to vector<16xi1>
    %reduce_sum3A_1099 = tpu.scan <sum>, %get3A_1096 masked %reduce_sum3A_1098 : vector<16xf32>, vector<16xi1> -> vector<16xf32>
    %reduce_sum3A_1100 = vector.extract %reduce_sum3A_1099[15] : f32 from vector<16xf32>
    %eq3A_1101 = arith.constant 14 : i32
    %eq3A_1102 = vector.broadcast %eq3A_1101 : i32 to vector<16xi32>
    %eq3A_1103 = arith.cmpi eq, %iota3A, %eq3A_1102 : vector<16xi32>
    %broadcast_in_dim3A_1104 = vector.broadcast %reduce_sum3A_1100 : f32 to vector<16xf32>
    %select_n3A_1105 = arith.select %eq3A_1103, %broadcast_in_dim3A_1104, %select_n3A_1092 : vector<16xi1>, vector<16xf32>
    %get3A_1106 = arith.constant 63 : i32
    %get3A_1107 = arith.index_cast %get3A_1106 : i32 to index
    %get3A_1108 = arith.constant 0 : index
    %get3A_1109 = tpu.vector_load %arg11[%get3A_1107, %get3A_1108] {strides = array<i32>} : memref<64x16xf32, #tpu.memory_space<vmem>>, vector<16xf32>,
    %reduce_sum3A_1110 = arith.constant true
    %reduce_sum3A_1111 = vector.broadcast %reduce_sum3A_1110 : i1 to vector<16xi1>
    %reduce_sum3A_1112 = tpu.scan <sum>, %get3A_1109 masked %reduce_sum3A_1111 : vector<16xf32>, vector<16xi1> -> vector<16xf32>
    %reduce_sum3A_1113 = vector.extract %reduce_sum3A_1112[15] : f32 from vector<16xf32>
    %eq3A_1114 = arith.constant 15 : i32
    %eq3A_1115 = vector.broadcast %eq3A_1114 : i32 to vector<16xi32>
    %eq3A_1116 = arith.cmpi eq, %iota3A, %eq3A_1115 : vector<16xi32>
    %broadcast_in_dim3A_1117 = vector.broadcast %reduce_sum3A_1113 : f32 to vector<16xf32>
    %select_n3A_1118 = arith.select %eq3A_1116, %broadcast_in_dim3A_1117, %select_n3A_1105 : vector<16xi1>, vector<16xf32>
    %swap3A_1119 = arith.constant 48 : index
    %swap3A_1120 = tpu.vector_load %arg12[%swap3A_1119] {strides = array<i32>} : memref<64xf32, #tpu.memory_space<vmem>>, vector<16xf32>,
    tpu.vector_store %arg12[%swap3A_1119], %select_n3A_1118 {strides = array<i32>} : memref<64xf32, #tpu.memory_space<vmem>>, vector<16xf32>,
    "tpu.region"() ({
      %run_scoped3A = tpu.sem_alloc : memref<!tpu.dma_semaphore, #tpu.memory_space<semaphore_mem>>
      %dma_start3A_1121 = arith.constant 0 : i32
      %dma_start3A_1122 = tpu.memref_slice %arg5[%add3A, %dma_start3A_1121] : memref<32x64xf32, #tpu.memory_space<hbm>> -> memref<1x64xf32, #tpu.memory_space<hbm>>
      %dma_start3A_1123 = tpu.memref_squeeze %dma_start3A_1122 : memref<1x64xf32, #tpu.memory_space<hbm>> -> memref<64xf32, #tpu.memory_space<hbm>>
      %dma_start3A_1124 = arith.constant 0 : i32
      %dma_start3A_1125 = tpu.memref_slice %arg5[%add3A, %dma_start3A_1124] : memref<32x64xf32, #tpu.memory_space<hbm>> -> memref<1x64xf32, #tpu.memory_space<hbm>>
      %dma_start3A_1126 = tpu.memref_squeeze %dma_start3A_1125 : memref<1x64xf32, #tpu.memory_space<hbm>> -> memref<64xf32, #tpu.memory_space<hbm>>
      tpu.enqueue_dma source(%arg12 : memref<64xf32, #tpu.memory_space<vmem>>) target(%dma_start3A_1126 : memref<64xf32, #tpu.memory_space<hbm>>) target_semaphore(%run_scoped3A : memref<!tpu.dma_semaphore, #tpu.memory_space<semaphore_mem>>)
      %dma_wait3A_1127 = arith.constant 0 : i32
      %dma_wait3A_1128 = tpu.memref_slice %arg5[%add3A, %dma_wait3A_1127] : memref<32x64xf32, #tpu.memory_space<hbm>> -> memref<1x64xf32, #tpu.memory_space<hbm>>
      %dma_wait3A_1129 = tpu.memref_squeeze %dma_wait3A_1128 : memref<1x64xf32, #tpu.memory_space<hbm>> -> memref<64xf32, #tpu.memory_space<hbm>>
      %dma_wait3A_1130 = arith.constant 0 : i32
      %dma_wait3A_1131 = tpu.memref_slice %arg5[%add3A, %dma_wait3A_1130] : memref<32x64xf32, #tpu.memory_space<hbm>> -> memref<1x64xf32, #tpu.memory_space<hbm>>
      %dma_wait3A_1132 = tpu.memref_squeeze %dma_wait3A_1131 : memref<1x64xf32, #tpu.memory_space<hbm>> -> memref<64xf32, #tpu.memory_space<hbm>>
      tpu.wait_dma2 semaphore(%run_scoped3A : memref<!tpu.dma_semaphore, #tpu.memory_space<semaphore_mem>>) src(%arg12 : memref<64xf32, #tpu.memory_space<vmem>>) dst(%dma_wait3A_1132 : memref<64xf32, #tpu.memory_space<hbm>>)
      tpu.yield
    }) : () -> ()
    return
  }
}

module attributes {stable_mosaic.version = 14 : i64} {
  func.func @_finish_body(%arg0: memref<32x64xf32, #tpu.memory_space<vmem>>, %arg1: memref<32x64xf32, #tpu.memory_space<vmem>>, %arg2: memref<1x64xf32, #tpu.memory_space<vmem>>) attributes {dimension_semantics = [], scalar_prefetch = 0 : i64, scratch_operands = 0 : i64, tpu.core_type = #tpu.core_type<tc>} {
    %get3A = arith.constant 0 : index
    %get3A_0 = arith.constant 0 : index
    %get3A_1 = vector.load %arg0[%get3A, %get3A_0] : memref<32x64xf32, #tpu.memory_space<vmem>>, vector<32x64xf32>
    %reduce_sum3A = arith.constant dense<0.000000e+00> : vector<64xf32>
    %reduce_sum3A_2 = vector.multi_reduction <add>, %get3A_1, %reduce_sum3A [0] : vector<32x64xf32> to vector<64xf32>
    %broadcast_in_dim3A = vector.shape_cast %reduce_sum3A_2 : vector<64xf32> to vector<1x64xf32>
    %get3A_3 = arith.constant 0 : index
    %get3A_4 = arith.constant 0 : index
    %get3A_5 = vector.load %arg1[%get3A_3, %get3A_4] : memref<32x64xf32, #tpu.memory_space<vmem>>, vector<32x64xf32>
    %reduce_sum3A_6 = arith.constant dense<0.000000e+00> : vector<64xf32>
    %reduce_sum3A_7 = vector.multi_reduction <add>, %get3A_5, %reduce_sum3A_6 [0] : vector<32x64xf32> to vector<64xf32>
    %broadcast_in_dim3A_8 = vector.shape_cast %reduce_sum3A_7 : vector<64xf32> to vector<1x64xf32>
    %add3A = arith.addf %broadcast_in_dim3A, %broadcast_in_dim3A_8 : vector<1x64xf32>
    %mul3A = arith.constant 1.190000e-01 : f32
    %mul3A_9 = vector.broadcast %mul3A : f32 to vector<1x64xf32>
    %mul3A_10 = arith.mulf %add3A, %mul3A_9 : vector<1x64xf32>
    %swap3A = arith.constant 0 : index
    %swap3A_11 = arith.constant 0 : index
    %swap3A_12 = vector.load %arg2[%swap3A, %swap3A_11] : memref<1x64xf32, #tpu.memory_space<vmem>>, vector<1x64xf32>
    tpu.vector_store %arg2[%swap3A, %swap3A_11], %mul3A_10 {strides = array<i32>} : memref<1x64xf32, #tpu.memory_space<vmem>>, vector<1x64xf32>,
    return
  }
}

module attributes {stable_mosaic.version = 14 : i64} {
  func.func @_lj_body(%arg0: i32, %arg1: memref<3x640000xf32, #tpu.memory_space<vmem>>, %arg2: memref<640000xf32, #tpu.memory_space<vmem>>) attributes {dimension_semantics = [#tpu.dimension_semantics<arbitrary>], iteration_bounds = array<i64: 5>, scalar_prefetch = 0 : i64, scratch_operands = 0 : i64, tpu.core_type = #tpu.core_type<tc>, window_params = [{transform_indices = @transform_0, window_bounds = array<i64: 3, 640000>}, {transform_indices = @transform_1, window_bounds = array<i64: 640000>}]} {
    %get3A = arith.constant 0 : index
    %get3A_0 = arith.constant 0 : index
    %get3A_1 = vector.load %arg1[%get3A, %get3A_0] : memref<3x640000xf32, #tpu.memory_space<vmem>>, vector<1x640000xf32>
    %get3A_2 = vector.shape_cast %get3A_1 : vector<1x640000xf32> to vector<640000xf32>
    %get3A_3 = arith.constant 1 : index
    %get3A_4 = arith.constant 0 : index
    %get3A_5 = vector.load %arg1[%get3A_3, %get3A_4] : memref<3x640000xf32, #tpu.memory_space<vmem>>, vector<1x640000xf32>
    %get3A_6 = vector.shape_cast %get3A_5 : vector<1x640000xf32> to vector<640000xf32>
    %get3A_7 = arith.constant 2 : index
    %get3A_8 = arith.constant 0 : index
    %get3A_9 = vector.load %arg1[%get3A_7, %get3A_8] : memref<3x640000xf32, #tpu.memory_space<vmem>>, vector<1x640000xf32>
    %get3A_10 = vector.shape_cast %get3A_9 : vector<1x640000xf32> to vector<640000xf32>
    %mul3A = arith.mulf %get3A_2, %get3A_2 : vector<640000xf32>
    %mul3A_11 = arith.mulf %get3A_6, %get3A_6 : vector<640000xf32>
    %add3A = arith.addf %mul3A, %mul3A_11 : vector<640000xf32>
    %mul3A_12 = arith.mulf %get3A_10, %get3A_10 : vector<640000xf32>
    %add3A_13 = arith.addf %add3A, %mul3A_12 : vector<640000xf32>
    %sqrt3A = math.sqrt %add3A_13 : vector<640000xf32>
    %div3A = arith.constant 1.000000e+00 : f32
    %div3A_14 = vector.broadcast %div3A : f32 to vector<640000xf32>
    %div3A_15 = arith.divf %div3A_14, %add3A_13 : vector<640000xf32>
    %mul3A_16 = arith.constant 1.562500e-02 : f32
    %mul3A_17 = vector.broadcast %mul3A_16 : f32 to vector<640000xf32>
    %mul3A_18 = arith.mulf %mul3A_17, %div3A_15 : vector<640000xf32>
    %mul3A_19 = arith.mulf %mul3A_18, %div3A_15 : vector<640000xf32>
    %mul3A_20 = arith.mulf %mul3A_19, %div3A_15 : vector<640000xf32>
    %mul3A_21 = arith.mulf %mul3A_20, %mul3A_20 : vector<640000xf32>
    %sub3A = arith.subf %mul3A_21, %mul3A_20 : vector<640000xf32>
    %mul3A_22 = arith.constant 2.000000e+00 : f32
    %mul3A_23 = vector.broadcast %mul3A_22 : f32 to vector<640000xf32>
    %mul3A_24 = arith.mulf %mul3A_23, %sqrt3A : vector<640000xf32>
    %sub3A_25 = arith.constant 3.000000e+00 : f32
    %sub3A_26 = vector.broadcast %sub3A_25 : f32 to vector<640000xf32>
    %sub3A_27 = arith.subf %mul3A_24, %sub3A_26 : vector<640000xf32>
    %mul3A_28 = arith.mulf %sub3A_27, %sub3A_27 : vector<640000xf32>
    %mul3A_29 = arith.constant 2.000000e+00 : f32
    %mul3A_30 = vector.broadcast %mul3A_29 : f32 to vector<640000xf32>
    %mul3A_31 = arith.mulf %mul3A_30, %sub3A_27 : vector<640000xf32>
    %sub3A_32 = arith.constant 3.000000e+00 : f32
    %sub3A_33 = vector.broadcast %sub3A_32 : f32 to vector<640000xf32>
    %sub3A_34 = arith.subf %mul3A_31, %sub3A_33 : vector<640000xf32>
    %mul3A_35 = arith.mulf %mul3A_28, %sub3A_34 : vector<640000xf32>
    %add3A_36 = arith.constant 1.000000e+00 : f32
    %add3A_37 = vector.broadcast %add3A_36 : f32 to vector<640000xf32>
    %add3A_38 = arith.addf %add3A_37, %mul3A_35 : vector<640000xf32>
    %gt3A = arith.constant 1.500000e+00 : f32
    %gt3A_39 = vector.broadcast %gt3A : f32 to vector<640000xf32>
    %gt3A_40 = arith.cmpf ogt, %sqrt3A, %gt3A_39 : vector<640000xf32>
    %jit3A = arith.constant 1.000000e+00 : f32
    %broadcast_in_dim3A = vector.broadcast %jit3A : f32 to vector<640000xf32>
    %select_n3A = arith.select %gt3A_40, %add3A_38, %broadcast_in_dim3A : vector<640000xi1>, vector<640000xf32>
    %gt3A_41 = arith.constant 2.000000e+00 : f32
    %gt3A_42 = vector.broadcast %gt3A_41 : f32 to vector<640000xf32>
    %gt3A_43 = arith.cmpf ogt, %sqrt3A, %gt3A_42 : vector<640000xf32>
    %jit3A_44 = arith.constant 0.000000e+00 : f32
    %broadcast_in_dim3A_45 = vector.broadcast %jit3A_44 : f32 to vector<640000xf32>
    %select_n3A_46 = arith.select %gt3A_43, %broadcast_in_dim3A_45, %select_n3A : vector<640000xi1>, vector<640000xf32>
    %mul3A_47 = arith.mulf %sub3A, %select_n3A_46 : vector<640000xf32>
    %swap3A = arith.constant 0 : index
    %swap3A_48 = vector.load %arg2[%swap3A] : memref<640000xf32, #tpu.memory_space<vmem>>, vector<640000xf32>
    tpu.vector_store %arg2[%swap3A], %mul3A_47 {strides = array<i32>} : memref<640000xf32, #tpu.memory_space<vmem>>, vector<640000xf32>,
    return
  }
  func.func @transform_0(%arg0: i32) -> (i32, i32) {
    %add3A = arith.constant 0 : i32
    %add3A_0 = arith.addi %add3A, %arg0 : i32
    %c0_i32 = arith.constant 0 : i32
    %c0_i32_1 = arith.constant 0 : i32
    return %c0_i32, %add3A_0 : i32, i32
  }
  func.func @transform_1(%arg0: i32) -> i32 {
    %c0_i32 = arith.constant 0 : i32
    return %arg0 : i32
  }
}

module attributes {stable_mosaic.version = 14 : i64} {
  func.func @_lj_body(%arg0: i32, %arg1: memref<3x640000xf32, #tpu.memory_space<vmem>>, %arg2: memref<640000xf32, #tpu.memory_space<vmem>>) attributes {dimension_semantics = [#tpu.dimension_semantics<arbitrary>], iteration_bounds = array<i64: 5>, scalar_prefetch = 0 : i64, scratch_operands = 0 : i64, tpu.core_type = #tpu.core_type<tc>, window_params = [{transform_indices = @transform_0, window_bounds = array<i64: 3, 640000>}, {transform_indices = @transform_1, window_bounds = array<i64: 640000>}]} {
    %get3A = arith.constant 0 : index
    %get3A_0 = arith.constant 0 : index
    %get3A_1 = vector.load %arg1[%get3A, %get3A_0] : memref<3x640000xf32, #tpu.memory_space<vmem>>, vector<1x640000xf32>
    %get3A_2 = vector.shape_cast %get3A_1 : vector<1x640000xf32> to vector<640000xf32>
    %get3A_3 = arith.constant 1 : index
    %get3A_4 = arith.constant 0 : index
    %get3A_5 = vector.load %arg1[%get3A_3, %get3A_4] : memref<3x640000xf32, #tpu.memory_space<vmem>>, vector<1x640000xf32>
    %get3A_6 = vector.shape_cast %get3A_5 : vector<1x640000xf32> to vector<640000xf32>
    %get3A_7 = arith.constant 2 : index
    %get3A_8 = arith.constant 0 : index
    %get3A_9 = vector.load %arg1[%get3A_7, %get3A_8] : memref<3x640000xf32, #tpu.memory_space<vmem>>, vector<1x640000xf32>
    %get3A_10 = vector.shape_cast %get3A_9 : vector<1x640000xf32> to vector<640000xf32>
    %mul3A = arith.mulf %get3A_2, %get3A_2 : vector<640000xf32>
    %mul3A_11 = arith.mulf %get3A_6, %get3A_6 : vector<640000xf32>
    %add3A = arith.addf %mul3A, %mul3A_11 : vector<640000xf32>
    %mul3A_12 = arith.mulf %get3A_10, %get3A_10 : vector<640000xf32>
    %add3A_13 = arith.addf %add3A, %mul3A_12 : vector<640000xf32>
    %sqrt3A = math.sqrt %add3A_13 : vector<640000xf32>
    %div3A = arith.constant 1.000000e+00 : f32
    %div3A_14 = vector.broadcast %div3A : f32 to vector<640000xf32>
    %div3A_15 = arith.divf %div3A_14, %add3A_13 : vector<640000xf32>
    %mul3A_16 = arith.constant 1.562500e-02 : f32
    %mul3A_17 = vector.broadcast %mul3A_16 : f32 to vector<640000xf32>
    %mul3A_18 = arith.mulf %mul3A_17, %div3A_15 : vector<640000xf32>
    %mul3A_19 = arith.mulf %mul3A_18, %div3A_15 : vector<640000xf32>
    %mul3A_20 = arith.mulf %mul3A_19, %div3A_15 : vector<640000xf32>
    %mul3A_21 = arith.mulf %mul3A_20, %mul3A_20 : vector<640000xf32>
    %sub3A = arith.subf %mul3A_21, %mul3A_20 : vector<640000xf32>
    %mul3A_22 = arith.constant 2.000000e+00 : f32
    %mul3A_23 = vector.broadcast %mul3A_22 : f32 to vector<640000xf32>
    %mul3A_24 = arith.mulf %mul3A_23, %sqrt3A : vector<640000xf32>
    %sub3A_25 = arith.constant 3.000000e+00 : f32
    %sub3A_26 = vector.broadcast %sub3A_25 : f32 to vector<640000xf32>
    %sub3A_27 = arith.subf %mul3A_24, %sub3A_26 : vector<640000xf32>
    %mul3A_28 = arith.mulf %sub3A_27, %sub3A_27 : vector<640000xf32>
    %mul3A_29 = arith.constant 2.000000e+00 : f32
    %mul3A_30 = vector.broadcast %mul3A_29 : f32 to vector<640000xf32>
    %mul3A_31 = arith.mulf %mul3A_30, %sub3A_27 : vector<640000xf32>
    %sub3A_32 = arith.constant 3.000000e+00 : f32
    %sub3A_33 = vector.broadcast %sub3A_32 : f32 to vector<640000xf32>
    %sub3A_34 = arith.subf %mul3A_31, %sub3A_33 : vector<640000xf32>
    %mul3A_35 = arith.mulf %mul3A_28, %sub3A_34 : vector<640000xf32>
    %add3A_36 = arith.constant 1.000000e+00 : f32
    %add3A_37 = vector.broadcast %add3A_36 : f32 to vector<640000xf32>
    %add3A_38 = arith.addf %add3A_37, %mul3A_35 : vector<640000xf32>
    %gt3A = arith.constant 1.500000e+00 : f32
    %gt3A_39 = vector.broadcast %gt3A : f32 to vector<640000xf32>
    %gt3A_40 = arith.cmpf ogt, %sqrt3A, %gt3A_39 : vector<640000xf32>
    %jit3A = arith.constant 1.000000e+00 : f32
    %broadcast_in_dim3A = vector.broadcast %jit3A : f32 to vector<640000xf32>
    %select_n3A = arith.select %gt3A_40, %add3A_38, %broadcast_in_dim3A : vector<640000xi1>, vector<640000xf32>
    %gt3A_41 = arith.constant 2.000000e+00 : f32
    %gt3A_42 = vector.broadcast %gt3A_41 : f32 to vector<640000xf32>
    %gt3A_43 = arith.cmpf ogt, %sqrt3A, %gt3A_42 : vector<640000xf32>
    %jit3A_44 = arith.constant 0.000000e+00 : f32
    %broadcast_in_dim3A_45 = vector.broadcast %jit3A_44 : f32 to vector<640000xf32>
    %select_n3A_46 = arith.select %gt3A_43, %broadcast_in_dim3A_45, %select_n3A : vector<640000xi1>, vector<640000xf32>
    %mul3A_47 = arith.mulf %sub3A, %select_n3A_46 : vector<640000xf32>
    %swap3A = arith.constant 0 : index
    %swap3A_48 = vector.load %arg2[%swap3A] : memref<640000xf32, #tpu.memory_space<vmem>>, vector<640000xf32>
    tpu.vector_store %arg2[%swap3A], %mul3A_47 {strides = array<i32>} : memref<640000xf32, #tpu.memory_space<vmem>>, vector<640000xf32>,
    return
  }
  func.func @transform_0(%arg0: i32) -> (i32, i32) {
    %add3A = arith.constant 5 : i32
    %add3A_0 = arith.addi %add3A, %arg0 : i32
    %c0_i32 = arith.constant 0 : i32
    %c0_i32_1 = arith.constant 0 : i32
    return %c0_i32, %add3A_0 : i32, i32
  }
  func.func @transform_1(%arg0: i32) -> i32 {
    %c0_i32 = arith.constant 0 : i32
    return %arg0 : i32
  }
}

</mosaic_0001>

<sc_bundles>
// kernel: kernel.10.cloned.1.call-start
scs
__scs_entry_jumppad:
0x0: {  	(pc) =	sbr.rel $0x88, $3  }
0x1: {  	(tag) =	ssettag $0x0;
	lr =	simm.s32 $0x1  }
0x2: {  	[smem:$0x3F9E] =	sst lr;
	_ =	strace $0xD0000000  }
0x3: {  	_ = 	snop  }
0x4: {  	_ = 	snop  }
0x5: {  	_ = 	snop  }
0x6: {  	_ = 	snop  }
0x7: {  	_ = 	snop  }
__scs_overlays_trampoline_lowered:
0x8: {  	[smem:$0x3FAD] =	sst s0  }
0x9: {  	[smem:$0x3FAE] =	sst s1  }
0xa: {  	[smem:$0x3FAF] =	sst s2  }
0xb: {  	[smem:$0x3FB0] =	sst s3  }
0xc: {  	[smem:$0x3FB1] =	sst s4  }
0xd: {  	[smem:$0x3FB2] =	sst s5  }
0xe: {  	[smem:$0x3FB3] =	sst s6  }
0xf: {  	[smem:$0x3FB4] =	sst s7  }
0x10: {  	[smem:$0x3FB5] =	sst s8  }
0x11: {  	[smem:$0x3FB6] =	sst s9;
	s0 =	simm.s32 @!p0 $0x0  }
0x12: {  	s1 =	sld [smem:$0x3F9C];
	s0 =	simm.s32 @p0 $0x1  }
0x13: {  	[smem:$0x3FB7] =	sst s0;
	s0 =	simm.s32 @!p1 $0x0  }
0x14: {  	s2 =	sld [smem:$0x3F9B];
	s0 =	simm.s32 @p1 $0x1  }
0x15: {  	[smem:$0x3FB8] =	sst s0;
	s0 =	simm.s32 @!p2 $0x0  }
0x16: {  	s3 =	sld [smem:$0x3FDB];
	s0 =	simm.s32 @p2 $0x1  }
0x17: {  	s4 =	simm.s32 $0x1BF5;
	[smem:$0x3FBA] =	sst s0  }
0x18: {  	s0 =	sld [smem:$0x3F9D];
	_ =	swait.ge [sflag:s4], $0x0  }
0x19: {  	s7 =	sld [smem:$0x3F9E]  }
0x1a: {  	s8 =	sadd.s32 $0xFFFFE003, lr  }
0x1b: {  	s9 =	sadd.s32 $0xFFFFFEF7, lr;
	s5 =	simm.s32 $0xFFFFFFFF;
	p2 =	slt.u32 s8, $0xFFFFF086  }
0x1c: {  	p1 =	slt.u32 s9, $0xF7A;
	s5 =	simm.s32 @!p2 $0x0  }
0x1d: {  	s5 =	simm.s32 @p1 $0x1;
	p0 =	seq.s32 s7, s2  }
0x1e: {  	s7 =	smul.u32 @!p0 $0xF7A, s2;
	p2 =	seq.s32 @!p0 s5, $0x0  }
0x1f: {  	s9 =	smul.u32 $0xF7A, s1;
	s8 =	simm.s32 @!p0 $0x1BF5;
	p2 =	por !p2, p0  }
0x20: {  	[sflag:s8] =	ssyncset.s32 @!p0 $0xFFFFF086;
	s6 =	sadd.s32 @!p0 s3, s7;
	s7 =	simm.s32 @!p0 $0x108  }
0x21: {  	s3 =	sadd.s32 s3, s9;
	s6 =	sadd.s32 @!p0 $0x88, s6;
	s7 =	simm.s32 @p2 $0x1082  }
0x22: {  	[simem:s7], [sflag:s8] =	dma.local @!p0 [hbm:s6], $0xF7A  }
0x23: {  	s9 =	sor.u32 $0xD0000000, s2;
	s6 =	simm.s32 $0x108;
	_ =	swait.ge @!p0 [sflag:s8], $0x0  }
0x24: {  	s3 =	sadd.s32 $0x88, s3;
	s6 =	simm.s32 @!p1 $0x1082;
	[sflag:s4] =	ssyncset.s32 $0xFFFFF086  }
0x25: {  	[simem:s6], [sflag:s4] =	dma.local [hbm:s3], $0xF7A  }
0x26: {  	[smem:$0x3F9E] =	sst s1;
	(tag) =	ssettag s2;
	_ =	strace s9  }
0x27: {  	s1 =	sld [smem:$0x3FAE]  }
0x28: {  	s2 =	sld [smem:$0x3FAF]  }
0x29: {  	s4 =	sld [smem:$0x3FB1]  }
0x2a: {  	p0 =	seq.s32 s5, $0x0;
	s5 =	sld [smem:$0x3FB2]  }
0x2b: {  	s6 =	sld [smem:$0x3FB3]  }
0x2c: {  	s7 =	sld [smem:$0x3FB4]  }
0x2d: {  	s3 =	simm.s32 $0x108;
	s8 =	sld [smem:$0x3FB5]  }
0x2e: {  	s3 =	simm.s32 @!p0 $0x1082;
	s9 =	sld [smem:$0x3FB6]  }
0x2f: {  	lr =	sadd.s32 s0, s3;
	s0 =	sld [smem:$0x3FAD]  }
0x30: {  	s3 =	sld [smem:$0x3FB0]  }
0x31: {  	[smem:$0x3FB9] =	sst s10  }
0x32: {  	s10 =	sld [smem:$0x3FB7];
	_ =	sdelay $0x3  }
0x33: {  	p0 =	seq.s32 s10, $0x1;
	s10 =	sld [smem:$0x3FB9];
	_ =	sdelay $0x3  }
0x34: {  	[smem:$0x3FB9] =	sst s10  }
0x35: {  	s10 =	sld [smem:$0x3FB8];
	_ =	sdelay $0x3  }
0x36: {  	p1 =	seq.s32 s10, $0x1;
	s10 =	sld [smem:$0x3FB9];
	_ =	sdelay $0x3  }
0x37: {  	[smem:$0x3FB9] =	sst s10  }
0x38: {  	s10 =	sld [smem:$0x3FBA]  }
0x39: {  	_ = 	snop;
	(pc) =	sbr.ind lr, $3  }
0x3a: {  	_ = 	snop  }
0x3b: {  	_ = 	snop  }
0x3c: {  	p2 =	seq.s32 s10, $0x1;
	s10 =	sld [smem:$0x3FB9]  }
0x3d: {  	_ =	shalt  }
0x3e: {  	_ =	shalt  }
0x3f: {  	_ =	shalt  }
0x40: {  	_ =	shalt  }
0x41: {  	_ =	shalt  }
0x42: {  	_ =	shalt  }
0x43: {  	_ =	shalt  }
0x44: {  	_ =	shalt  }
0x45: {  	_ =	shalt  }
0x46: {  	_ =	shalt  }
0x47: {  	_ =	shalt  }
0x48: {  	_ =	shalt  }
0x49: {  	_ =	shalt  }
0x4a: {  	_ =	shalt  }
0x4b: {  	_ =	shalt  }
0x4c: {  	_ =	shalt  }
0x4d: {  	_ =	shalt  }
0x4e: {  	_ =	shalt  }
0x4f: {  	_ =	shalt  }
0x50: {  	_ =	shalt  }
0x51: {  	_ =	shalt  }
0x52: {  	_ =	shalt  }
0x53: {  	_ =	shalt  }
0x54: {  	_ =	shalt  }
0x55: {  	_ =	shalt  }
0x56: {  	_ =	shalt  }
0x57: {  	_ =	shalt  }
0x58: {  	_ =	shalt  }
0x59: {  	_ =	shalt  }
0x5a: {  	_ =	shalt  }
0x5b: {  	_ =	shalt  }
0x5c: {  	_ =	shalt  }
0x5d: {  	_ =	shalt  }
0x5e: {  	_ =	shalt  }
0x5f: {  	_ =	shalt  }
0x60: {  	_ =	shalt  }
0x61: {  	_ =	shalt  }
0x62: {  	_ =	shalt  }
0x63: {  	_ =	shalt  }
0x64: {  	_ =	shalt  }
0x65: {  	_ =	shalt  }
0x66: {  	_ =	shalt  }
0x67: {  	_ =	shalt  }
0x68: {  	_ =	shalt  }
0x69: {  	_ =	shalt  }
0x6a: {  	_ =	shalt  }
0x6b: {  	_ =	shalt  }
0x6c: {  	_ =	shalt  }
0x6d: {  	_ =	shalt  }
0x6e: {  	_ =	shalt  }
0x6f: {  	_ =	shalt  }
0x70: {  	_ =	shalt  }
0x71: {  	_ =	shalt  }
0x72: {  	_ =	shalt  }
0x73: {  	_ =	shalt  }
0x74: {  	_ =	shalt  }
0x75: {  	_ =	shalt  }
0x76: {  	_ =	shalt  }
0x77: {  	_ =	shalt  }
0x78: {  	_ =	shalt  }
0x79: {  	_ =	shalt  }
0x7a: {  	_ =	shalt  }
0x7b: {  	_ =	shalt  }
0x7c: {  	_ =	shalt  }
0x7d: {  	_ =	shalt  }
0x7e: {  	_ =	shalt  }
0x7f: {  	_ =	shalt  }
0x80: {  	_ =	shalt  }
0x81: {  	_ =	shalt  }
0x82: {  	_ =	shalt  }
0x83: {  	_ =	shalt  }
0x84: {  	_ =	shalt  }
0x85: {  	_ =	shalt  }
0x86: {  	_ =	shalt  }
0x87: {  	_ =	shalt  }
.Lfunc_end0:
.L_simem_size_0:
called_computation.1_lowered:
.L_overlay_start_0:
0x88: {  	s2 =	sld [smem:$0x3FD9]  }
0x89: {  	s3 =	sld [smem:$0x3FFE];
	_ =	sdelay $0x1  }
0x8a: {  	s1 =	srdreg.scid  }
0x8b: {  	s0 =	sand.u32 $0x1, s1  }
0x8c: {  	s17 =	sshll.u32 s0, $0xA;
	s2 =	sadd.s32 s3, s2  }
0x8d: {  	s2 =	sadd.s32 s2, s17  }
0x8e: {  	[smem:$0x3FC5] =	sst s2  }
0x8f: {  	_ = 	snop  }
0x90: {  	s2 =	sld [smem:$0x3FC8]  }
0x91: {  	s18 =	sld [smem:$0x3FC7];
	(tm) =	ssettm $0x1  }
0x92: {  	s4 =	sld [smem:$0x3FFB];
	_ =	sdelay $0x3  }
0x93: {  	_ =	strace s4  }
0x94: {  	s4 =	sld [smem:$0x3FFC];
	_ =	sdelay $0x3  }
0x95: {  	_ =	strace s4  }
0x96: {  	s4 =	sld [smem:$0x3FFD];
	_ =	sdelay $0x3  }
0x97: {  	_ =	strace s4  }
0x98: {  	_ =	strace $0x8FFFFFFF  }
0x99: {  	s19 =	sld [smem:$0x3FDB];
	_ =	sdelay $0x1  }
0x9a: {  	s5 =	simm.s32 $_scs_section_size  }
0x9b: {  	s6 =	simm.s32 $_size__tile_overlayer_lowered;
	s7 =	simm.s32 $_tile_overlayer_lowered  }
0x9c: {  	s22 =	simm.s32 $0x1BFF;
	s21 =	sshll.u32 s7, $0x1;
	s4 =	sadd.s32 s5, s19  }
0x9d: {  	s8 =	simm.s32 $0x0;
	s20 =	sshll.u32 s6, $0x1;
	s6 =	sadd.s32 s21, s4  }
0x9e: {  	[timem:s8], [sflag:s22] =	dma.local [hbm:s6], s20  }
0x9f: {  	_ =	swait.ge [sflag:s22], s20  }
0xa0: {  	s5 =	ssub.s32 $0x0, s20;
	[sflag:s22] =	ssyncset.done $0x0  }
0xa1: {  	[sflag:s22] =	ssyncadd.s32 s5;
	_ =	sdelay $0x1  }
0xa2: {  	s23 =	simm.s32 $0x1B8B  }
0xa3: {  	_ =	swait.ge [sflag:s23], $0x1  }
0xa4: {  	[sflag:s23] =	ssyncset.done $0x0  }
0xa5: {  	s25 =	simm.s32 $0x1B8E;
	s24 =	sld [smem:$0x3FFE];
	[sflag:s23] =	ssyncadd.s32 $0xFFFFFFFF  }
0xa6: {  	s26 =	simm.s32 $execute0_lowered;
	[smem:$0x3FD2] =	sst s25  }
0xa7: {  	s6 =	sshll.u32 s26, $0x1;
	_ =	strace $0x80000046;
	[dreg:$0x1] =	wrdreg $0xFFFFFFFF  }
0xa8: {  	s28 =	simm.s32 $_size_execute0_lowered;
	s4 =	sadd.s32 s4, s6;
	[dreg:$0x0] =	wrdreg $0x0  }
0xa9: {  	s6 =	sshll.u32 s28, $0x1;
	[dreg:$0x2] =	wrdreg s4  }
0xaa: {  	[dreg:$0x3] =	wrdreg s6  }
0xab: {  	[dreg:$0x4] =	wrdreg $0xC0  }
0xac: {  	_ =	task [dreg:s8], $0x5FFFF  }
0xad: {  	[dreg:$0x1] =	wrdreg $0xFFFFFFFF  }
0xae: {  	[dreg:$0x0] =	wrdreg $0x60  }
0xaf: {  	[dreg:$0x2] =	wrdreg s24  }
0xb0: {  	[dreg:$0x3] =	wrdreg s2  }
0xb1: {  	[dreg:$0x4] =	wrdreg s18  }
0xb2: {  	[dreg:$0x5] =	wrdreg $0xA  }
0xb3: {  	_ =	task.clear_ibuf [dreg:s8], $0x6FFFF;
	_ =	strace $0x90000046  }
0xb4: {  	s29 =	simm.s32 $0xA;
	_ =	strace $0x80000048  }
0xb5: {  	_ =	swait.ge [sflag:s29], $0x1  }
0xb6: {  	[sflag:s29] =	ssyncadd.s32 $0xFFFFFFFF  }
0xb7: {  	_ =	strace $0x90000048  }
0xb8: {  	_ =	sfence  }
0xb9: {  	s30 =	sld [smem:$0x0];
	_ =	sdelay $0x2  }
0xba: {  	s31 =	sshll.u32 s1, $0xD;
	s1 =	sshrl.u32 s1, $0x2  }
0xbb: {  	s3 =	sand.u32 $0x4000, s31;
	s1 =	sadd.s32 s1, s30  }
0xbc: {  	s0 =	sor.u32 s3, s0;
	s1 =	sshll.u32 s1, $0x11  }
0xbd: {  	s0 =	sor.u32 s1, s0  }
0xbe: {  	s0 =	sadd.s32 $0x8F2B, s0  }
0xbf: {  	[sflag:s0] =	ssyncadd.remote.s32 $0x1  }
0xc0: {  	_ =	sfence.sel $0xFFFF  }
0xc1: {  	[dreg:$0x0] =	wrdreg $0xFFFFFFFF;
	(pc) =	sbr.abs _section_cstart, $3  }
0xc2: {  	[dreg:$0x1] =	wrdreg $0xFFFFFFFF  }
0xc3: {  	_ =	task.clear_ibuf [dreg:s8], $0x2FFFF;
	_ =	strace $0x9FFFFFFF  }
0xc4: {  	(tm) =	ssettm $0x7FFFFFFF  }
0xc5: {  	_ =	shalt  }
tec
execute0_lowered:
.L_overlay_start_1:
0x0: {  	(tag) =	ssettag $0x1  }
0x1: {  	s0 =	rddreg [dreg:$0x0]  }
0x2: {  	s2 =	rddreg [dreg:$0x1]  }
0x3: {  	s3 =	rddreg [dreg:$0x2];
	s5 =	srdreg.scid  }
0x4: {  	s1 =	stileid.u32;
	s4 =	simm.s32 $0x0;
	s12 =	simm.s32 $0x5  }
0x5: {  	s13 =	simm.s32 $0x18700;
	s14 =	simm.s32 $0x19700;
	s15 =	simm.s32 $0x1A700  }
0x6: {  	s16 =	simm.s32 $0x1B700;
	s17 =	simm.s32 $0x1;
	s18 =	simm.s32 $0x2  }
0x7: {  	s19 =	simm.s32 $0x1C700;
	s20 =	simm.s32 $0x3;
	s21 =	simm.s32 $0x4  }
0x8: {  	s22 =	simm.s32 $0x1E700;
	s7 =	sand.u32 $0x1, s5;
	s29 =	sshll.u32 s1, $0x1  }
0x9: {  	v0 =	vimm.f32 $0.0e+00;
	v1 =	vlaneseq.u32;
	s23 =	simm.s32 $0x0;
	[smem:$0x7FF] =	sst s4;
	s5 =	sor.u32 s7, s29  }
0xa: {  	vm0 =	vmmov $0x1;
	vm1 =	vmmov $0x3;
	vm2 =	vmmov $0x7;
	s30 =	ssub.s32 $0x2, s7;
	s8 =	sshll.u32 s5, $0x4;
	s5 =	smul.u32 $0x186A0, s5  }
0xb: {  	vm3 =	vmmov $0xf;
	vm4 =	vmmov $0x1f;
	vm5 =	vmmov $0x3f;
	s6 =	sadd.s32 $0x1000, s0;
	_ =	strace $0x80000047;
	s9 =	sshrl.u32 s30, $0x1  }
0xc: {  	vm6 =	vmmov $0x7f;
	vm7 =	vmmov $0xff;
	vm8 =	vmmov $0x1ff;
	s0 =	sadd.s32 s8, s0;
	s11 =	ssub.s32 s30, s9;
	s7 =	sadd.s32 $0x30D400, s5  }
0xd: {  	vm9 =	vmmov $0x3ff;
	vm10 =	vmmov $0x7ff;
	vm11 =	vmmov $0xfff;
	s10 =	sshrl.u32 s5, $0x3;
	s11 =	smax.u32 s11, $0x1;
	s31 =	sshrl.u32 s7, $0x3  }
0xe: {  	vm12 =	vmmov $0x1fff;
	vm13 =	vmmov $0x3fff;
	vm14 =	vmmov $0x7fff;
	s8 =	sadd.s32 s6, s10;
	s10 =	sadd.s32 $0x62C00, s0;
	s9 =	sadd.s32 s2, s31  }
.LBB2_1:
0xf: {  	[tilespmem:s4], [sflag:$0x5] =	stream.linear.gather [hbm4b:s3+s4], $0x18700, $0x38;
	[tilespmem:$0x1E780] =	vst v63  }
0x10: {  	_ =	swait.ge [sflag:s12], $0x18700  }
0x11: {  	[sflag:s12] =	ssyncset.done $0x0  }
0x12: {  	[sflag:s12] =	ssyncadd.s32 $0xFFFE7900  }
0x13: {  	[tilespmem:$0x1C700] =	vst v0  }
0x14: {  	[tilespmem:$0x1C780] =	vst v0  }
0x15: {  	[tilespmem:$0x1C800] =	vst v0  }
0x16: {  	[tilespmem:$0x1C880] =	vst v0  }
0x17: {  	[tilespmem:$0x1C900] =	vst v0  }
0x18: {  	[tilespmem:$0x1C980] =	vst v0  }
0x19: {  	[tilespmem:$0x1CA00] =	vst v0  }
0x1a: {  	[tilespmem:$0x1CA80] =	vst v0  }
0x1b: {  	[tilespmem:$0x1CB00] =	vst v0  }
0x1c: {  	[tilespmem:$0x1CB80] =	vst v0  }
0x1d: {  	[tilespmem:$0x1CC00] =	vst v0  }
0x1e: {  	[tilespmem:$0x1CC80] =	vst v0  }
0x1f: {  	[tilespmem:$0x1CD00] =	vst v0  }
0x20: {  	[tilespmem:$0x1CD80] =	vst v0  }
0x21: {  	[tilespmem:$0x1CE00] =	vst v0  }
0x22: {  	[tilespmem:$0x1CE80] =	vst v0  }
0x23: {  	[tilespmem:$0x1CF00] =	vst v0  }
0x24: {  	[tilespmem:$0x1CF80] =	vst v0  }
0x25: {  	[tilespmem:$0x1D000] =	vst v0  }
0x26: {  	[tilespmem:$0x1D080] =	vst v0  }
0x27: {  	[tilespmem:$0x1D100] =	vst v0  }
0x28: {  	[tilespmem:$0x1D180] =	vst v0  }
0x29: {  	[tilespmem:$0x1D200] =	vst v0  }
0x2a: {  	[tilespmem:$0x1D280] =	vst v0  }
0x2b: {  	[tilespmem:$0x1D300] =	vst v0  }
0x2c: {  	[tilespmem:$0x1D380] =	vst v0  }
0x2d: {  	[tilespmem:$0x1D400] =	vst v0  }
0x2e: {  	[tilespmem:$0x1D480] =	vst v0  }
0x2f: {  	[tilespmem:$0x1D500] =	vst v0  }
0x30: {  	[tilespmem:$0x1D580] =	vst v0  }
0x31: {  	[tilespmem:$0x1D600] =	vst v0  }
0x32: {  	[tilespmem:$0x1D680] =	vst v0  }
0x33: {  	[tilespmem:$0x1D700] =	vst v0  }
0x34: {  	[tilespmem:$0x1D780] =	vst v0  }
0x35: {  	[tilespmem:$0x1D800] =	vst v0  }
0x36: {  	[tilespmem:$0x1D880] =	vst v0  }
0x37: {  	[tilespmem:$0x1D900] =	vst v0  }
0x38: {  	[tilespmem:$0x1D980] =	vst v0  }
0x39: {  	[tilespmem:$0x1DA00] =	vst v0  }
0x3a: {  	[tilespmem:$0x1DA80] =	vst v0  }
0x3b: {  	[tilespmem:$0x1DB00] =	vst v0  }
0x3c: {  	[tilespmem:$0x1DB80] =	vst v0  }
0x3d: {  	[tilespmem:$0x1DC00] =	vst v0  }
0x3e: {  	[tilespmem:$0x1DC80] =	vst v0  }
0x3f: {  	[tilespmem:$0x1DD00] =	vst v0  }
0x40: {  	[tilespmem:$0x1DD80] =	vst v0  }
0x41: {  	[tilespmem:$0x1DE00] =	vst v0  }
0x42: {  	[tilespmem:$0x1DE80] =	vst v0  }
0x43: {  	[tilespmem:$0x1DF00] =	vst v0  }
0x44: {  	[tilespmem:$0x1DF80] =	vst v0  }
0x45: {  	[tilespmem:$0x1E000] =	vst v0  }
0x46: {  	[tilespmem:$0x1E080] =	vst v0  }
0x47: {  	[tilespmem:$0x1E100] =	vst v0  }
0x48: {  	[tilespmem:$0x1E180] =	vst v0  }
0x49: {  	[tilespmem:$0x1E200] =	vst v0  }
0x4a: {  	[tilespmem:$0x1E280] =	vst v0  }
0x4b: {  	[tilespmem:$0x1E300] =	vst v0  }
0x4c: {  	[tilespmem:$0x1E380] =	vst v0  }
0x4d: {  	[tilespmem:$0x1E400] =	vst v0  }
0x4e: {  	[tilespmem:$0x1E480] =	vst v0  }
0x4f: {  	[tilespmem:$0x1E500] =	vst v0  }
0x50: {  	[tilespmem:$0x1E580] =	vst v0  }
0x51: {  	[tilespmem:$0x1E600] =	vst v0  }
0x52: {  	[tilespmem:$0x1E680] =	vst v0  }
0x53: {  	[tilespmem:s13], [sflag:$0x1] =	stream.linear.gather [hbm4b:s8+s4], $0xFA0, $0x38;
	[tilespmem:$0x1E780] =	vst v63  }
0x54: {  	s24 =	simm.s32 $0x0  }
0x55: {  	[tilespmem:s14], [sflag:$0x2] =	stream.linear.gather [hbm4b:s9+s4], $0xFA0, $0x38;
	[tilespmem:$0x1E780] =	vst v63  }
.LBB2_2:
0x56: {  	s25 =	smul.u32 $0x1F40, s24;
	_ =	sdelay $0x1  }
0x57: {  	s0 =	sadd.s32 $0xFA0, s25  }
0x58: {  	s26 =	sadd.s32 s5, s0  }
0x59: {  	s0 =	sadd.s32 s7, s0;
	s26 =	sshrl.u32 s26, $0x3  }
0x5a: {  	s0 =	sshrl.u32 s0, $0x3;
	s26 =	sadd.s32 s6, s26  }
0x5b: {  	[tilespmem:s15], [sflag:$0x3] =	stream.linear.gather [hbm4b:s26+s4], $0xFA0, $0x38;
	[tilespmem:$0x1E780] =	vst v63  }
0x5c: {  	s0 =	sadd.s32 s2, s0  }
0x5d: {  	[tilespmem:s16], [sflag:$0x4] =	stream.linear.gather [hbm4b:s0+s4], $0xFA0, $0x38;
	[tilespmem:$0x1E780] =	vst v63  }
0x5e: {  	_ =	swait.ge [sflag:s17], $0xFA0  }
0x5f: {  	[sflag:s17] =	ssyncset.done $0x0  }
0x60: {  	[sflag:s17] =	ssyncadd.s32 $0xFFFFF060  }
0x61: {  	_ =	swait.ge [sflag:s18], $0xFA0  }
0x62: {  	[sflag:s18] =	ssyncset.done $0x0  }
0x63: {  	s30 =	simm.s32 $0x19720;
	[sflag:s18] =	ssyncadd.s32 $0xFFFFF060  }
0x64: {  	v2 =	vld [tilespmem:s30+$0x10]  }
0x65: {  	v3 =	vld [tilespmem:s30+$0xFFFFFFF0]  }
0x66: {  	v4 =	vld [tilespmem:s30+$0x0]  }
0x67: {  	v5 =	vld [tilespmem:s30+$0xFFFFFFE0];
	_ =	sdelay $0x4  }
0x68: {  	v6 =	vld.idx.msk [tilespmem:v2+s4+$0x0], $0xffff  }
0x69: {  	v3 =	vld.idx.msk [tilespmem:v3+s4+$0x0], $0xffff  }
0x6a: {  	v2 =	vld.idx.msk [tilespmem:v4+s4+$0x0], $0xffff  }
0x6b: {  	v4 =	vld.idx.msk [tilespmem:v5+s4+$0x0], $0xffff;
	_ =	sdelay $0x1  }
0x6c: {  	s26 =	simm.s32 $0x18720;
	v5 =	vshll.u32 v6, $0x7  }
0x6d: {  	s31 =	simm.s32 $0x0;
	s0 =	simm.s32 $0x19760;
	v6 =	vshll.u32 v3, $0x7;
	v3 =	vld [tilespmem:s26+$0x10];
	v5 =	vor.u32 v1, v5  }
.LBB2_3:
0x6e: {  	v7 =	vld [tilespmem:s0+$0x10];
	s31 =	sadd.s32 $0x40, s31;
	v6 =	vor.u32 v1, v6;
	v2 =	vshll.u32 v2, $0x7  }
0x6f: {  	v4 =	vshll.u32 v4, $0x7;
	v8 =	vld [tilespmem:s0+$0xFFFFFFF0];
	p0 =	slt.u32 s31, $0xF40;
	v9 =	vor.u32 v1, v2  }
0x70: {  	v10 =	vor.u32 v1, v4;
	v2 =	vld [tilespmem:s0+$0x0]  }
0x71: {  	v4 =	vld [tilespmem:s0+$0xFFFFFFE0]  }
0x72: {  	s28 =	simm.s32 $0xF70;
	s29 =	simm.s32 $0x19680;
	s30 =	simm.s32 $0x1A680;
	[tilespmem:v5+s19+$0x0] =	vst.idx.add.f32.msk $0xffff, v3  }
0x73: {  	v3 =	vld [tilespmem:s26+$0xFFFFFFE0]  }
0x74: {  	v5 =	vld [tilespmem:s26+$0xFFFFFFF0]  }
0x75: {  	v11 =	vld [tilespmem:s26+$0x0]  }
0x76: {  	v7 =	vld.idx.msk [tilespmem:v7+s4+$0x0], $0xffff  }
0x77: {  	v8 =	vld.idx.msk [tilespmem:v8+s4+$0x0], $0xffff  }
0x78: {  	v2 =	vld.idx.msk [tilespmem:v2+s4+$0x0], $0xffff  }
.Ltmp0:
0x79: {  	v4 =	vld.idx.msk [tilespmem:v4+s4+$0x0], $0xffff;
	(pc) =	sbr.rel @p0 .LBB2_3-.Ltmp0, $4  }
0x7a: {  	[tilespmem:v10+s19+$0x0] =	vst.idx.add.f32.msk $0xffff, v3  }
0x7b: {  	[tilespmem:v6+s19+$0x0] =	vst.idx.add.f32.msk $0xffff, v5  }
0x7c: {  	s26 =	sadd.s32 $0x40, s26;
	v5 =	vshll.u32 v7, $0x7;
	[tilespmem:v9+s19+$0x0] =	vst.idx.add.f32.msk $0xffff, v11  }
0x7d: {  	s0 =	sadd.s32 $0x40, s0;
	v6 =	vshll.u32 v8, $0x7;
	v5 =	vor.u32 v1, v5;
	v3 =	vld [tilespmem:s26+$0x10]  }
0x7e: {  	v4 =	vshll.u32 v4, $0x7;
	v6 =	vor.u32 v1, v6;
	v8 =	vld [tilespmem:s26+$0xFFFFFFF0]  }
0x7f: {  	v7 =	vld [tilespmem:s26+$0xFFFFFFE0];
	v2 =	vshll.u32 v2, $0x7;
	v4 =	vor.u32 v1, v4  }
0x80: {  	v9 =	vld [tilespmem:s26+$0x0];
	v2 =	vor.u32 v1, v2;
	_ =	sdelay $0x1  }
0x81: {  	[tilespmem:v5+s19+$0x0] =	vst.idx.add.f32.msk $0xffff, v3  }
0x82: {  	[tilespmem:v6+s19+$0x0] =	vst.idx.add.f32.msk $0xffff, v8  }
0x83: {  	[tilespmem:v4+s19+$0x0] =	vst.idx.add.f32.msk $0xffff, v7  }
0x84: {  	[tilespmem:v2+s19+$0x0] =	vst.idx.add.f32.msk $0xffff, v9  }
.LBB2_5:
0x85: {  	v2 =	vld [tilespmem:s30+$0x0];
	_ =	sdelay $0x7  }
0x86: {  	v2 =	vld.idx.msk [tilespmem:v2+s4+$0x0], $0xffff;
	_ =	sdelay $0x4  }
0x87: {  	s28 =	sadd.s32 $0x10, s28;
	v2 =	vshll.u32 v2, $0x7  }
0x88: {  	v3 =	vld [tilespmem:s29+$0x0];
	p0 =	slt.u32 s28, $0xF90;
	v2 =	vor.u32 v1, v2  }
.Ltmp1:
0x89: {  	_ = 	snop;
	(pc) =	sbr.rel @p0 .LBB2_5-.Ltmp1, $2  }
0x8a: {  	_ =	sdelay $0x2  }
0x8b: {  	s29 =	sadd.s32 $0x10, s29;
	s30 =	sadd.s32 $0x10, s30;
	[tilespmem:v2+s19+$0x0] =	vst.idx.add.f32.msk $0xffff, v3  }
0x8c: {  	s0 =	sadd.s32 $0x1F40, s25  }
0x8d: {  	s25 =	sadd.s32 s5, s0  }
0x8e: {  	s0 =	sadd.s32 s7, s0;
	s25 =	sshrl.u32 s25, $0x3  }
0x8f: {  	s0 =	sshrl.u32 s0, $0x3;
	s25 =	sadd.s32 s6, s25  }
0x90: {  	[tilespmem:s13], [sflag:$0x1] =	stream.linear.gather [hbm4b:s25+s4], $0xFA0, $0x38;
	[tilespmem:$0x1E780] =	vst v63  }
0x91: {  	s0 =	sadd.s32 s2, s0  }
0x92: {  	[tilespmem:s14], [sflag:$0x2] =	stream.linear.gather [hbm4b:s0+s4], $0xFA0, $0x38;
	[tilespmem:$0x1E780] =	vst v63  }
0x93: {  	_ =	swait.ge [sflag:s20], $0xFA0  }
0x94: {  	[sflag:s20] =	ssyncset.done $0x0  }
0x95: {  	[sflag:s20] =	ssyncadd.s32 $0xFFFFF060  }
0x96: {  	_ =	swait.ge [sflag:s21], $0xFA0  }
0x97: {  	[sflag:s21] =	ssyncset.done $0x0  }
0x98: {  	s31 =	simm.s32 $0x1B720;
	[sflag:s21] =	ssyncadd.s32 $0xFFFFF060  }
0x99: {  	v2 =	vld [tilespmem:s31+$0x10]  }
0x9a: {  	v3 =	vld [tilespmem:s31+$0xFFFFFFF0]  }
0x9b: {  	v4 =	vld [tilespmem:s31+$0x0]  }
0x9c: {  	v5 =	vld [tilespmem:s31+$0xFFFFFFE0];
	_ =	sdelay $0x4  }
0x9d: {  	v6 =	vld.idx.msk [tilespmem:v2+s4+$0x0], $0xffff  }
0x9e: {  	v3 =	vld.idx.msk [tilespmem:v3+s4+$0x0], $0xffff  }
0x9f: {  	v2 =	vld.idx.msk [tilespmem:v4+s4+$0x0], $0xffff  }
0xa0: {  	v4 =	vld.idx.msk [tilespmem:v5+s4+$0x0], $0xffff;
	_ =	sdelay $0x1  }
0xa1: {  	s25 =	simm.s32 $0x1A720;
	v5 =	vshll.u32 v6, $0x7  }
0xa2: {  	s29 =	simm.s32 $0x0;
	s0 =	simm.s32 $0x1B760;
	v6 =	vshll.u32 v3, $0x7;
	v3 =	vld [tilespmem:s25+$0x10];
	v5 =	vor.u32 v1, v5  }
.LBB2_7:
0xa3: {  	v7 =	vld [tilespmem:s0+$0x10];
	s29 =	sadd.s32 $0x40, s29;
	v6 =	vor.u32 v1, v6;
	v2 =	vshll.u32 v2, $0x7  }
0xa4: {  	v4 =	vshll.u32 v4, $0x7;
	v8 =	vld [tilespmem:s0+$0xFFFFFFF0];
	p0 =	slt.u32 s29, $0xF40;
	v9 =	vor.u32 v1, v2  }
0xa5: {  	v10 =	vor.u32 v1, v4;
	v2 =	vld [tilespmem:s0+$0x0]  }
0xa6: {  	v4 =	vld [tilespmem:s0+$0xFFFFFFE0]  }
0xa7: {  	s26 =	simm.s32 $0x1B680;
	s28 =	simm.s32 $0x1C680;
	[tilespmem:v5+s19+$0x0] =	vst.idx.add.f32.msk $0xffff, v3  }
0xa8: {  	v3 =	vld [tilespmem:s25+$0xFFFFFFE0]  }
0xa9: {  	v5 =	vld [tilespmem:s25+$0xFFFFFFF0]  }
0xaa: {  	v11 =	vld [tilespmem:s25+$0x0]  }
0xab: {  	v7 =	vld.idx.msk [tilespmem:v7+s4+$0x0], $0xffff  }
0xac: {  	v8 =	vld.idx.msk [tilespmem:v8+s4+$0x0], $0xffff  }
0xad: {  	v2 =	vld.idx.msk [tilespmem:v2+s4+$0x0], $0xffff  }
.Ltmp2:
0xae: {  	v4 =	vld.idx.msk [tilespmem:v4+s4+$0x0], $0xffff;
	(pc) =	sbr.rel @p0 .LBB2_7-.Ltmp2, $4  }
0xaf: {  	[tilespmem:v10+s19+$0x0] =	vst.idx.add.f32.msk $0xffff, v3  }
0xb0: {  	[tilespmem:v6+s19+$0x0] =	vst.idx.add.f32.msk $0xffff, v5  }
0xb1: {  	s25 =	sadd.s32 $0x40, s25;
	v5 =	vshll.u32 v7, $0x7;
	[tilespmem:v9+s19+$0x0] =	vst.idx.add.f32.msk $0xffff, v11  }
0xb2: {  	s0 =	sadd.s32 $0x40, s0;
	v6 =	vshll.u32 v8, $0x7;
	v5 =	vor.u32 v1, v5;
	v3 =	vld [tilespmem:s25+$0x10]  }
0xb3: {  	v4 =	vshll.u32 v4, $0x7;
	v6 =	vor.u32 v1, v6;
	v8 =	vld [tilespmem:s25+$0xFFFFFFF0]  }
0xb4: {  	v7 =	vld [tilespmem:s25+$0xFFFFFFE0];
	v2 =	vshll.u32 v2, $0x7;
	v4 =	vor.u32 v1, v4  }
0xb5: {  	v9 =	vld [tilespmem:s25+$0x0];
	v2 =	vor.u32 v1, v2;
	_ =	sdelay $0x1  }
0xb6: {  	[tilespmem:v5+s19+$0x0] =	vst.idx.add.f32.msk $0xffff, v3  }
0xb7: {  	[tilespmem:v6+s19+$0x0] =	vst.idx.add.f32.msk $0xffff, v8  }
0xb8: {  	[tilespmem:v4+s19+$0x0] =	vst.idx.add.f32.msk $0xffff, v7  }
0xb9: {  	s0 =	simm.s32 $0xF70;
	[tilespmem:v2+s19+$0x0] =	vst.idx.add.f32.msk $0xffff, v9  }
.LBB2_9:
0xba: {  	v2 =	vld [tilespmem:s28+$0x0];
	_ =	sdelay $0x7  }
0xbb: {  	v2 =	vld.idx.msk [tilespmem:v2+s4+$0x0], $0xffff;
	_ =	sdelay $0x4  }
0xbc: {  	s0 =	sadd.s32 $0x10, s0;
	v2 =	vshll.u32 v2, $0x7  }
0xbd: {  	v3 =	vld [tilespmem:s26+$0x0];
	p0 =	slt.u32 s0, $0xF90;
	v2 =	vor.u32 v1, v2  }
.Ltmp3:
0xbe: {  	_ = 	snop;
	(pc) =	sbr.rel @p0 .LBB2_9-.Ltmp3, $2  }
0xbf: {  	_ =	sdelay $0x2  }
0xc0: {  	s26 =	sadd.s32 $0x10, s26;
	s28 =	sadd.s32 $0x10, s28;
	[tilespmem:v2+s19+$0x0] =	vst.idx.add.f32.msk $0xffff, v3  }
0xc1: {  	s24 =	sadd.s32 $0x1, s24  }
0xc2: {  	p0 =	sne.s32 s24, $0xC  }
.Ltmp4:
0xc3: {  	_ = 	snop;
	(pc) =	sbr.rel @p0 .LBB2_2-.Ltmp4, $1  }
0xc4: {  	_ =	sdelay $0x3  }
0xc5: {  	_ =	swait.ge [sflag:s17], $0xFA0  }
0xc6: {  	[sflag:s17] =	ssyncset.done $0x0  }
0xc7: {  	[sflag:s17] =	ssyncadd.s32 $0xFFFFF060  }
0xc8: {  	_ =	swait.ge [sflag:s18], $0xFA0  }
0xc9: {  	[sflag:s18] =	ssyncset.done $0x0  }
0xca: {  	s0 =	simm.s32 $0x19720;
	[sflag:s18] =	ssyncadd.s32 $0xFFFFF060  }
0xcb: {  	v2 =	vld [tilespmem:s0+$0x10]  }
0xcc: {  	v3 =	vld [tilespmem:s0+$0xFFFFFFF0]  }
0xcd: {  	v4 =	vld [tilespmem:s0+$0x0]  }
0xce: {  	v5 =	vld [tilespmem:s0+$0xFFFFFFE0];
	_ =	sdelay $0x4  }
0xcf: {  	v6 =	vld.idx.msk [tilespmem:v2+s4+$0x0], $0xffff  }
0xd0: {  	v3 =	vld.idx.msk [tilespmem:v3+s4+$0x0], $0xffff  }
0xd1: {  	v2 =	vld.idx.msk [tilespmem:v4+s4+$0x0], $0xffff  }
0xd2: {  	v4 =	vld.idx.msk [tilespmem:v5+s4+$0x0], $0xffff;
	_ =	sdelay $0x1  }
0xd3: {  	s24 =	simm.s32 $0x18720;
	v5 =	vshll.u32 v6, $0x7  }
0xd4: {  	s25 =	simm.s32 $0x0;
	s0 =	simm.s32 $0x19760;
	v6 =	vshll.u32 v3, $0x7;
	v3 =	vld [tilespmem:s24+$0x10];
	v5 =	vor.u32 v1, v5  }
.LBB2_12:
0xd5: {  	v7 =	vld [tilespmem:s0+$0x10];
	s25 =	sadd.s32 $0x40, s25;
	v6 =	vor.u32 v1, v6;
	v2 =	vshll.u32 v2, $0x7  }
0xd6: {  	v4 =	vshll.u32 v4, $0x7;
	v8 =	vld [tilespmem:s0+$0xFFFFFFF0];
	p0 =	slt.u32 s25, $0xF40;
	v9 =	vor.u32 v1, v2  }
0xd7: {  	v10 =	vor.u32 v1, v4;
	v2 =	vld [tilespmem:s0+$0x0]  }
0xd8: {  	v4 =	vld [tilespmem:s0+$0xFFFFFFE0]  }
0xd9: {  	[tilespmem:v5+s19+$0x0] =	vst.idx.add.f32.msk $0xffff, v3  }
0xda: {  	v3 =	vld [tilespmem:s24+$0xFFFFFFE0]  }
0xdb: {  	v5 =	vld [tilespmem:s24+$0xFFFFFFF0]  }
0xdc: {  	v11 =	vld [tilespmem:s24+$0x0]  }
0xdd: {  	v7 =	vld.idx.msk [tilespmem:v7+s4+$0x0], $0xffff  }
0xde: {  	v8 =	vld.idx.msk [tilespmem:v8+s4+$0x0], $0xffff  }
0xdf: {  	v2 =	vld.idx.msk [tilespmem:v2+s4+$0x0], $0xffff  }
.Ltmp5:
0xe0: {  	v4 =	vld.idx.msk [tilespmem:v4+s4+$0x0], $0xffff;
	(pc) =	sbr.rel @p0 .LBB2_12-.Ltmp5, $4  }
0xe1: {  	[tilespmem:v10+s19+$0x0] =	vst.idx.add.f32.msk $0xffff, v3  }
0xe2: {  	[tilespmem:v6+s19+$0x0] =	vst.idx.add.f32.msk $0xffff, v5  }
0xe3: {  	s24 =	sadd.s32 $0x40, s24;
	v5 =	vshll.u32 v7, $0x7;
	[tilespmem:v9+s19+$0x0] =	vst.idx.add.f32.msk $0xffff, v11  }
0xe4: {  	s0 =	sadd.s32 $0x40, s0;
	v6 =	vshll.u32 v8, $0x7;
	v5 =	vor.u32 v1, v5;
	v3 =	vld [tilespmem:s24+$0x10]  }
0xe5: {  	v4 =	vshll.u32 v4, $0x7;
	v6 =	vor.u32 v1, v6;
	v8 =	vld [tilespmem:s24+$0xFFFFFFF0]  }
0xe6: {  	v7 =	vld [tilespmem:s24+$0xFFFFFFE0];
	v2 =	vshll.u32 v2, $0x7;
	v4 =	vor.u32 v1, v4  }
0xe7: {  	v9 =	vld [tilespmem:s24+$0x0];
	v2 =	vor.u32 v1, v2;
	_ =	sdelay $0x1  }
0xe8: {  	[tilespmem:v5+s19+$0x0] =	vst.idx.add.f32.msk $0xffff, v3  }
0xe9: {  	[tilespmem:v6+s19+$0x0] =	vst.idx.add.f32.msk $0xffff, v8  }
0xea: {  	[tilespmem:v4+s19+$0x0] =	vst.idx.add.f32.msk $0xffff, v7  }
0xeb: {  	s0 =	simm.s32 $0xF70;
	s24 =	simm.s32 $0x19680;
	s25 =	simm.s32 $0x1A680;
	[tilespmem:v2+s19+$0x0] =	vst.idx.add.f32.msk $0xffff, v9  }
.LBB2_14:
0xec: {  	v2 =	vld [tilespmem:s25+$0x0];
	_ =	sdelay $0x7  }
0xed: {  	v2 =	vld.idx.msk [tilespmem:v2+s4+$0x0], $0xffff;
	_ =	sdelay $0x4  }
0xee: {  	s0 =	sadd.s32 $0x10, s0;
	v2 =	vshll.u32 v2, $0x7  }
0xef: {  	v3 =	vld [tilespmem:s24+$0x0];
	p0 =	slt.u32 s0, $0xF90;
	v2 =	vor.u32 v1, v2  }
.Ltmp6:
0xf0: {  	_ = 	snop;
	(pc) =	sbr.rel @p0 .LBB2_14-.Ltmp6, $2  }
0xf1: {  	_ =	sdelay $0x2  }
0xf2: {  	s24 =	sadd.s32 $0x10, s24;
	s25 =	sadd.s32 $0x10, s25;
	[tilespmem:v2+s19+$0x0] =	vst.idx.add.f32.msk $0xffff, v3  }
0xf3: {  	v2 =	vld [tilespmem:$0x1C700]  }
0xf4: {  	v3 =	vld [tilespmem:$0x1C780]  }
0xf5: {  	v4 =	vld [tilespmem:$0x1C800]  }
0xf6: {  	v5 =	vld [tilespmem:$0x1C880]  }
0xf7: {  	v6 =	vld [tilespmem:$0x1C900]  }
0xf8: {  	(xrf2) =	vadd.scan.msk.f32 $0xffff, v2;
	v2 =	vld [tilespmem:$0x1C980]  }
0xf9: {  	(xrf2) =	vadd.scan.msk.f32 $0xffff, v3;
	v3 =	vld [tilespmem:$0x1CA00]  }
0xfa: {  	v43 =	vld [tilespmem:$0x1CA80];
	(xrf2) =	vadd.scan.msk.f32 $0xffff, v4  }
0xfb: {  	v44 =	vld [tilespmem:$0x1CB00];
	(xrf2) =	vadd.scan.msk.f32 $0xffff, v5  }
0xfc: {  	v45 =	vld [tilespmem:$0x1CB80];
	(xrf2) =	vadd.scan.msk.f32 $0xffff, v6  }
0xfd: {  	(xrf2) =	vadd.scan.msk.f32 $0xffff, v2;
	v2 =	vld [tilespmem:$0x1CC00]  }
0xfe: {  	(xrf2) =	vadd.scan.msk.f32 $0xffff, v3;
	v3 =	vld [tilespmem:$0x1CC80]  }
0xff: {  	v46 =	vld [tilespmem:$0x1CD00];
	(xrf2) =	vadd.scan.msk.f32 $0xffff, v43  }
0x100: {  	v47 =	vld [tilespmem:$0x1CD80];
	(xrf2) =	vadd.scan.msk.f32 $0xffff, v44  }
0x101: {  	v48 =	vld [tilespmem:$0x1CE00];
	(xrf2) =	vadd.scan.msk.f32 $0xffff, v45  }
0x102: {  	v7, _, _ =	vpop (xrf2);
	(xrf2) =	vadd.scan.msk.f32 $0xffff, v2;
	v2 =	vld [tilespmem:$0x1CE80]  }
0x103: {  	v8, _, _ =	vpop (xrf2);
	(xrf2) =	vadd.scan.msk.f32 $0xffff, v3;
	v3 =	vld [tilespmem:$0x1CF00]  }
0x104: {  	v49 =	vld [tilespmem:$0x1CF80];
	v9, _, _ =	vpop (xrf2);
	(xrf2) =	vadd.scan.msk.f32 $0xffff, v46  }
0x105: {  	v50 =	vld [tilespmem:$0x1D000];
	v10, _, _ =	vpop (xrf2);
	(xrf2) =	vadd.scan.msk.f32 $0xffff, v47  }
0x106: {  	v51 =	vld [tilespmem:$0x1D080];
	v11, _, _ =	vpop (xrf2);
	(xrf2) =	vadd.scan.msk.f32 $0xffff, v48  }
0x107: {  	v12, _, _ =	vpop (xrf2);
	(xrf2) =	vadd.scan.msk.f32 $0xffff, v2;
	v2 =	vld [tilespmem:$0x1D100]  }
0x108: {  	v13, _, _ =	vpop (xrf2);
	(xrf2) =	vadd.scan.msk.f32 $0xffff, v3;
	v3 =	vld [tilespmem:$0x1D180]  }
0x109: {  	v52 =	vld [tilespmem:$0x1D200];
	v14, _, _ =	vpop (xrf2);
	(xrf2) =	vadd.scan.msk.f32 $0xffff, v49  }
0x10a: {  	v53 =	vld [tilespmem:$0x1D280];
	v15, _, _ =	vpop (xrf2);
	(xrf2) =	vadd.scan.msk.f32 $0xffff, v50  }
0x10b: {  	v54 =	vld [tilespmem:$0x1D300];
	v16, _, _ =	vpop (xrf2);
	(xrf2) =	vadd.scan.msk.f32 $0xffff, v51  }
0x10c: {  	v17, _, _ =	vpop (xrf2);
	(xrf2) =	vadd.scan.msk.f32 $0xffff, v2;
	v2 =	vld [tilespmem:$0x1D380]  }
0x10d: {  	v19 =	vld [tilespmem:$0x1D400];
	v18, _, _ =	vpop (xrf2);
	(xrf2) =	vadd.scan.msk.f32 $0xffff, v3  }
0x10e: {  	v55 =	vld [tilespmem:$0x1D480];
	v20, _, _ =	vpop (xrf2);
	(xrf2) =	vadd.scan.msk.f32 $0xffff, v52  }
0x10f: {  	v56 =	vld [tilespmem:$0x1D500];
	v21, _, _ =	vpop (xrf2);
	(xrf2) =	vadd.scan.msk.f32 $0xffff, v53  }
0x110: {  	v57 =	vld [tilespmem:$0x1D580];
	v22, _, _ =	vpop (xrf2);
	(xrf2) =	vadd.scan.msk.f32 $0xffff, v54  }
0x111: {  	v3, _, _ =	vpop (xrf2);
	(xrf2) =	vadd.scan.msk.f32 $0xffff, v2;
	v2 =	vld [tilespmem:$0x1D600]  }
0x112: {  	v58 =	vld [tilespmem:$0x1D680];
	v23, _, _ =	vpop (xrf2);
	(xrf2) =	vadd.scan.msk.f32 $0xffff, v19  }
0x113: {  	v59 =	vld [tilespmem:$0x1D700];
	v24, _, _ =	vpop (xrf2);
	(xrf2) =	vadd.scan.msk.f32 $0xffff, v55  }
0x114: {  	v60 =	vld [tilespmem:$0x1D780];
	v25, _, _ =	vpop (xrf2);
	(xrf2) =	vadd.scan.msk.f32 $0xffff, v56  }
0x115: {  	v61 =	vld [tilespmem:$0x1D800];
	v26, _, _ =	vpop (xrf2);
	(xrf2) =	vadd.scan.msk.f32 $0xffff, v57  }
0x116: {  	v27, _, _ =	vpop (xrf2);
	(xrf2) =	vadd.scan.msk.f32 $0xffff, v2;
	v2 =	vld [tilespmem:$0x1D880]  }
0x117: {  	v62 =	vld [tilespmem:$0x1D900];
	v28, _, _ =	vpop (xrf2);
	(xrf2) =	vadd.scan.msk.f32 $0xffff, v58  }
0x118: {  	v63 =	vld [tilespmem:$0x1D980];
	v7 =	vbroadcast v7, $0xF;
	v8 =	vbroadcast v8, $0xF;
	v29, _, _ =	vpop (xrf2);
	(xrf2) =	vadd.scan.msk.f32 $0xffff, v59  }
0x119: {  	v32 =	vld [tilespmem:$0x1DA00];
	v9 =	vbroadcast v9, $0xF;
	v30, _, _ =	vpop (xrf2);
	(xrf2) =	vadd.scan.msk.f32 $0xffff, v60  }
0x11a: {  	v34 =	vld [tilespmem:$0x1DA80];
	v7 =	vsel vm0, v7, v8;
	v33 =	vbroadcast v10, $0xF;
	v10, _, _ =	vpop (xrf2);
	(xrf2) =	vadd.scan.msk.f32 $0xffff, v61  }
0x11b: {  	v7 =	vsel vm1, v7, v9;
	v35 =	vbroadcast v11, $0xF;
	v11, _, _ =	vpop (xrf2);
	(xrf2) =	vadd.scan.msk.f32 $0xffff, v2;
	v2 =	vld [tilespmem:$0x1DB00]  }
0x11c: {  	v37 =	vld [tilespmem:$0x1DB80];
	v7 =	vsel vm2, v7, v33;
	v36 =	vbroadcast v12, $0xF;
	v12, _, _ =	vpop (xrf2);
	(xrf2) =	vadd.scan.msk.f32 $0xffff, v62  }
0x11d: {  	v39 =	vld [tilespmem:$0x1DC00];
	v7 =	vsel vm3, v7, v35;
	v38 =	vbroadcast v13, $0xF;
	v13, _, _ =	vpop (xrf2);
	(xrf2) =	vadd.scan.msk.f32 $0xffff, v63  }
0x11e: {  	v41 =	vld [tilespmem:$0x1DC80];
	v7 =	vsel vm4, v7, v36;
	v40 =	vbroadcast v14, $0xF;
	v14, _, _ =	vpop (xrf2);
	(xrf2) =	vadd.scan.msk.f32 $0xffff, v32  }
0x11f: {  	v43 =	vld [tilespmem:$0x1DD00];
	v7 =	vsel vm5, v7, v38;
	v42 =	vbroadcast v15, $0xF;
	v15, _, _ =	vpop (xrf2);
	(xrf2) =	vadd.scan.msk.f32 $0xffff, v34  }
0x120: {  	v31 =	vld [tilespmem:$0x1DD80];
	v7 =	vsel vm6, v7, v40;
	v44 =	vbroadcast v16, $0xF;
	v16, _, _ =	vpop (xrf2);
	(xrf2) =	vadd.scan.msk.f32 $0xffff, v2  }
0x121: {  	v46 =	vld [tilespmem:$0x1DE00];
	v7 =	vsel vm7, v7, v42;
	v45 =	vbroadcast v17, $0xF;
	v2, _, _ =	vpop (xrf2);
	(xrf2) =	vadd.scan.msk.f32 $0xffff, v37  }
0x122: {  	v50 =	vld [tilespmem:$0x1DE80];
	v7 =	vsel vm8, v7, v44;
	v18 =	vbroadcast v18, $0xF;
	v49, _, _ =	vpop (xrf2);
	(xrf2) =	vadd.scan.msk.f32 $0xffff, v39  }
0x123: {  	v7 =	vsel vm9, v7, v45;
	v53 =	vld [tilespmem:$0x1DF00];
	v20 =	vbroadcast v20, $0xF;
	v21 =	vbroadcast v21, $0xF;
	v52, _, _ =	vpop (xrf2);
	(xrf2) =	vadd.scan.msk.f32 $0xffff, v41  }
0x124: {  	v7 =	vsel vm10, v7, v18;
	v47 =	vbroadcast v23, $0xF;
	v48 =	vbroadcast v24, $0xF;
	v56 =	vld [tilespmem:$0x1DF80];
	v55, _, _ =	vpop (xrf2);
	(xrf2) =	vadd.scan.msk.f32 $0xffff, v43  }
0x125: {  	v7 =	vsel vm11, v7, v20;
	v22 =	vbroadcast v22, $0xF;
	v51 =	vbroadcast v25, $0xF;
	v59 =	vld [tilespmem:$0x1E000];
	v58, _, _ =	vpop (xrf2);
	(xrf2) =	vadd.scan.msk.f32 $0xffff, v31  }
0x126: {  	v7 =	vsel vm12, v7, v21;
	v8 =	vsel vm0, v47, v48;
	v54 =	vbroadcast v26, $0xF;
	v62 =	vld [tilespmem:$0x1E080];
	v61, _, _ =	vpop (xrf2);
	(xrf2) =	vadd.scan.msk.f32 $0xffff, v46  }
0x127: {  	v33 =	vld [tilespmem:$0x1E100];
	v7 =	vsel vm13, v7, v22;
	v8 =	vsel vm1, v8, v51;
	v57 =	vbroadcast v27, $0xF;
	v32, _, _ =	vpop (xrf2);
	(xrf2) =	vadd.scan.msk.f32 $0xffff, v50  }
0x128: {  	v36 =	vld [tilespmem:$0x1E180];
	v3 =	vsel vm14, v7, v3;
	v8 =	vsel vm2, v8, v54;
	v60 =	vbroadcast v28, $0xF;
	v35, _, _ =	vpop (xrf2);
	(xrf2) =	vadd.scan.msk.f32 $0xffff, v53  }
0x129: {  	v8 =	vsel vm3, v8, v57;
	v11 =	vbroadcast v11, $0xF;
	v63 =	vbroadcast v29, $0xF;
	v39 =	vld [tilespmem:$0x1E200];
	v38, _, _ =	vpop (xrf2);
	(xrf2) =	vadd.scan.msk.f32 $0xffff, v56  }
0x12a: {  	v8 =	vsel vm4, v8, v60;
	v42 =	vbroadcast v12, $0xF;
	v34 =	vbroadcast v30, $0xF;
	v41 =	vld [tilespmem:$0x1E280];
	v40, _, _ =	vpop (xrf2);
	(xrf2) =	vadd.scan.msk.f32 $0xffff, v59  }
0x12b: {  	v44 =	vld [tilespmem:$0x1E300];
	v8 =	vsel vm5, v8, v63;
	v15 =	vbroadcast v15, $0xF;
	v37 =	vbroadcast v10, $0xF;
	v43, _, _ =	vpop (xrf2);
	(xrf2) =	vadd.scan.msk.f32 $0xffff, v62  }
0x12c: {  	v48 =	vld [tilespmem:$0x1E380];
	v8 =	vsel vm6, v8, v34;
	v29 =	vbroadcast v16, $0xF;
	v49 =	vbroadcast v49, $0xF;
	v47, _, _ =	vpop (xrf2);
	(xrf2) =	vadd.scan.msk.f32 $0xffff, v33  }
0x12d: {  	v8 =	vsel vm7, v8, v37;
	v54 =	vbroadcast v55, $0xF;
	v50 =	vbroadcast v52, $0xF;
	v52 =	vld [tilespmem:$0x1E400];
	v51, _, _ =	vpop (xrf2);
	(xrf2) =	vadd.scan.msk.f32 $0xffff, v36  }
0x12e: {  	v45 =	vsel vm8, v8, v11;
	v46 =	vbroadcast v13, $0xF;
	v57 =	vbroadcast v58, $0xF;
	v56 =	vld [tilespmem:$0x1E480];
	v55, _, _ =	vpop (xrf2);
	(xrf2) =	vadd.scan.msk.f32 $0xffff, v39  }
0x12f: {  	v7 =	vsel vm9, v45, v42;
	v61 =	vbroadcast v61, $0xF;
	v53 =	vbroadcast v14, $0xF;
	v59 =	vld [tilespmem:$0x1E500];
	v58, _, _ =	vpop (xrf2);
	(xrf2) =	vadd.scan.msk.f32 $0xffff, v41  }
0x130: {  	v63 =	vld [tilespmem:$0x1E580];
	v7 =	vsel vm10, v7, v46;
	v20 =	vbroadcast v32, $0xF;
	v9 =	vsel vm0, v49, v50;
	v62, _, _ =	vpop (xrf2);
	(xrf2) =	vadd.scan.msk.f32 $0xffff, v44  }
0x131: {  	v26 =	vld [tilespmem:$0x1E600];
	v30 =	vbroadcast v35, $0xF;
	v7 =	vsel vm11, v7, v53;
	v60 =	vsel vm1, v9, v54;
	v25, _, _ =	vpop (xrf2);
	(xrf2) =	vadd.scan.msk.f32 $0xffff, v48  }
0x132: {  	v32 =	vbroadcast v38, $0xF;
	v7 =	vsel vm12, v7, v15;
	v8 =	vsel vm2, v60, v57;
	v27, _, _ =	vpop (xrf2);
	(xrf2) =	vadd.scan.msk.f32 $0xffff, v52  }
0x133: {  	v8 =	vsel vm3, v8, v61;
	v33 =	vbroadcast v40, $0xF;
	v12 =	vbroadcast v43, $0xF;
	v31, _, _ =	vpop (xrf2);
	(xrf2) =	vadd.scan.msk.f32 $0xffff, v56  }
0x134: {  	v35 =	vld [tilespmem:$0x1E680];
	v5 =	vsel vm13, v7, v29;
	v9 =	vbroadcast v27, $0xF;
	v13 =	vbroadcast v31, $0xF;
	v34, _, _ =	vpop (xrf2);
	(xrf2) =	vadd.scan.msk.f32 $0xffff, v59  }
0x135: {  	v8 =	vsel vm4, v8, v20;
	v42 =	vbroadcast v47, $0xF;
	v36, _, _ =	vpop (xrf2);
	(xrf2) =	vadd.scan.msk.f32 $0xffff, v63;
	v37 =	vbroadcast v34, $0xF  }
0x136: {  	v8 =	vsel vm5, v8, v30;
	v9 =	vsel vm0, v9, v13;
	v7 =	vbroadcast v36, $0xF;
	v38, _, _ =	vpop (xrf2);
	(xrf2) =	vadd.scan.msk.f32 $0xffff, v26  }
0x137: {  	v6 =	vsel vm6, v8, v32;
	v39, _, _ =	vpop (xrf2);
	v8 =	vsel vm1, v9, v37;
	v40 =	vbroadcast v38, $0xF  }
0x138: {  	v6 =	vsel vm7, v6, v33;
	v41, _, _ =	vpop (xrf2);
	v7 =	vsel vm2, v8, v7;
	v4 =	vbroadcast v39, $0xF  }
0x139: {  	v58 =	vbroadcast v58, $0xF;
	(xrf2) =	vadd.scan.msk.f32 $0xffff, v35;
	v7 =	vsel vm3, v7, v40;
	v43 =	vbroadcast v41, $0xF;
	v44, _, _ =	vpop (xrf2)  }
0x13a: {  	v6 =	vsel vm8, v6, v12;
	v45, _, _ =	vpop (xrf2);
	v4 =	vsel vm4, v7, v4;
	v46 =	vbroadcast v44, $0xF  }
0x13b: {  	v48 =	vbroadcast v51, $0xF;
	v47, _, _ =	vpop (xrf2);
	v4 =	vsel vm5, v4, v43;
	v49 =	vbroadcast v45, $0xF  }
0x13c: {  	v51 =	vbroadcast v55, $0xF;
	v50, _, _ =	vpop (xrf2);
	v4 =	vsel vm6, v4, v46;
	v52 =	vbroadcast v47, $0xF  }
0x13d: {  	v61 =	vbroadcast v62, $0xF;
	v53, _, _ =	vpop (xrf2);
	v4 =	vsel vm7, v4, v49;
	v54 =	vbroadcast v50, $0xF  }
0x13e: {  	v6 =	vsel vm9, v6, v42;
	v55, _, _ =	vpop (xrf2);
	v4 =	vsel vm8, v4, v52;
	v56 =	vbroadcast v53, $0xF  }
0x13f: {  	v6 =	vsel vm10, v6, v48;
	v57, _, _ =	vpop (xrf2);
	v4 =	vsel vm9, v4, v54;
	v59 =	vbroadcast v55, $0xF  }
0x140: {  	v6 =	vsel vm11, v6, v51;
	v60, _, _ =	vpop (xrf2);
	v4 =	vsel vm10, v4, v56;
	v8 =	vbroadcast v57, $0xF  }
0x141: {  	v6 =	vsel vm12, v6, v58;
	v4 =	vsel vm11, v4, v59;
	v62 =	vbroadcast v60, $0xF  }
0x142: {  	[tilespmem:$0x1E700] =	vst v3;
	v2 =	vsel vm14, v5, v2;
	v3 =	vsel vm13, v6, v61;
	v4 =	vsel vm12, v4, v8  }
0x143: {  	s23 =	sadd.s32 $0x1, s23;
	[tilespmem:$0x1E710] =	vst v2;
	v2 =	vsel vm14, v3, v25;
	v63, _, _ =	vpop (xrf2);
	v3 =	vsel vm13, v4, v62  }
0x144: {  	p0 =	sne.s32 s23, s11;
	[tilespmem:$0x1E720] =	vst v2;
	v2 =	vsel vm14, v3, v63  }
.Ltmp7:
0x145: {  	[tilespmem:$0x1E730] =	vst v2;
	(pc) =	sbr.rel @p0 .LBB2_1-.Ltmp7, $4  }
0x146: {  	[hbm4b:s10+s4] =	stream.linear.scatter [tilespmem:s22], [sflag:$0x5], $0x80, $0x38;
	[tilespmem:$0x1E780] =	vst v63  }
0x147: {  	_ =	swait.ge [sflag:s12], $0x80  }
0x148: {  	[sflag:s12] =	ssyncset.done $0x0  }
0x149: {  	[sflag:s12] =	ssyncadd.s32 $0xFFFFFF80  }
0x14a: {  	_ =	sfence.sel $0x180000  }
0x14b: {  	[bflag:$0x0] =	sbarrier.arrive $0xFFFF  }
0x14c: {  	_ =	strace $0x90000047  }
0x14d: {  	[bflag:$0x2] =	sbarrier.arrive $0xFFFF  }
0x14e: {  	p0 =	sne.s32 s1, $0x0;
	s0 =	rddreg [dreg:$0x3]  }
0x14f: {  	s0 =	sadd.s32 @!p0 $0x100000, s0  }
0x150: {  	[sflag:s0] =	ssyncadd.tile.s32 @!p0 $0x1;
	_ =	shalt  }
.Lfunc_end2:
_tile_overlayer_lowered:
.L_overlay_start_2:
0x151: {  	(tag) =	ssettag $0x2  }
0x152: {  	s0 =	rddreg [dreg:$0x0];
	s2 =	stileid.u32  }
0x153: {  	s1 =	rddreg [dreg:$0x1];
	p0 =	sne.s32 s2, $0x0  }
0x154: {  	s3 =	rddreg [dreg:$0x2];
	[bflag:$0x3] =	sbarrier.arrive $0xFFFF;
	s2 =	simm.s32 @!p0 $0x1C05  }
0x155: {  	[timem:s3], [sflag:s2] =	dma.local @!p0 [hbm:s0], s1  }
0x156: {  	s0 =	simm.s32 @!p0 $0x5  }
0x157: {  	_ =	swait.ge @!p0 [sflag:s0], s1  }
0x158: {  	s1 =	ssub.s32 @!p0 $0x0, s1;
	[sflag:s0] =	ssyncset.done @!p0 $0x0  }
0x159: {  	[sflag:s0] =	ssyncadd.s32 @!p0 s1  }
0x15a: {  	[bflag:$0x3] =	sbarrier.arrive $0xFFFF  }
0x15b: {  	_ =	shalt  }

// kernel: kernel.7.cloned.1.call-start
scs
__scs_entry_jumppad:
0x0: {  	(pc) =	sbr.rel $0x88, $3  }
0x1: {  	(tag) =	ssettag $0x0;
	lr =	simm.s32 $0x1  }
0x2: {  	[smem:$0x3F9E] =	sst lr;
	_ =	strace $0xD0000000  }
0x3: {  	_ = 	snop  }
0x4: {  	_ = 	snop  }
0x5: {  	_ = 	snop  }
0x6: {  	_ = 	snop  }
0x7: {  	_ = 	snop  }
__scs_overlays_trampoline_lowered:
0x8: {  	[smem:$0x3FAD] =	sst s0  }
0x9: {  	[smem:$0x3FAE] =	sst s1  }
0xa: {  	[smem:$0x3FAF] =	sst s2  }
0xb: {  	[smem:$0x3FB0] =	sst s3  }
0xc: {  	[smem:$0x3FB1] =	sst s4  }
0xd: {  	[smem:$0x3FB2] =	sst s5  }
0xe: {  	[smem:$0x3FB3] =	sst s6  }
0xf: {  	[smem:$0x3FB4] =	sst s7  }
0x10: {  	[smem:$0x3FB5] =	sst s8  }
0x11: {  	[smem:$0x3FB6] =	sst s9;
	s0 =	simm.s32 @!p0 $0x0  }
0x12: {  	s1 =	sld [smem:$0x3F9C];
	s0 =	simm.s32 @p0 $0x1  }
0x13: {  	[smem:$0x3FB7] =	sst s0;
	s0 =	simm.s32 @!p1 $0x0  }
0x14: {  	s2 =	sld [smem:$0x3F9B];
	s0 =	simm.s32 @p1 $0x1  }
0x15: {  	[smem:$0x3FB8] =	sst s0;
	s0 =	simm.s32 @!p2 $0x0  }
0x16: {  	s3 =	sld [smem:$0x3FDB];
	s0 =	simm.s32 @p2 $0x1  }
0x17: {  	s4 =	simm.s32 $0x1BF5;
	[smem:$0x3FBA] =	sst s0  }
0x18: {  	s0 =	sld [smem:$0x3F9D];
	_ =	swait.ge [sflag:s4], $0x0  }
0x19: {  	s7 =	sld [smem:$0x3F9E]  }
0x1a: {  	s8 =	sadd.s32 $0xFFFFE003, lr  }
0x1b: {  	s9 =	sadd.s32 $0xFFFFFEF7, lr;
	s5 =	simm.s32 $0xFFFFFFFF;
	p2 =	slt.u32 s8, $0xFFFFF086  }
0x1c: {  	p1 =	slt.u32 s9, $0xF7A;
	s5 =	simm.s32 @!p2 $0x0  }
0x1d: {  	s5 =	simm.s32 @p1 $0x1;
	p0 =	seq.s32 s7, s2  }
0x1e: {  	s7 =	smul.u32 @!p0 $0xF7A, s2;
	p2 =	seq.s32 @!p0 s5, $0x0  }
0x1f: {  	s9 =	smul.u32 $0xF7A, s1;
	s8 =	simm.s32 @!p0 $0x1BF5;
	p2 =	por !p2, p0  }
0x20: {  	[sflag:s8] =	ssyncset.s32 @!p0 $0xFFFFF086;
	s6 =	sadd.s32 @!p0 s3, s7;
	s7 =	simm.s32 @!p0 $0x108  }
0x21: {  	s3 =	sadd.s32 s3, s9;
	s6 =	sadd.s32 @!p0 $0x88, s6;
	s7 =	simm.s32 @p2 $0x1082  }
0x22: {  	[simem:s7], [sflag:s8] =	dma.local @!p0 [hbm:s6], $0xF7A  }
0x23: {  	s9 =	sor.u32 $0xD0000000, s2;
	s6 =	simm.s32 $0x108;
	_ =	swait.ge @!p0 [sflag:s8], $0x0  }
0x24: {  	s3 =	sadd.s32 $0x88, s3;
	s6 =	simm.s32 @!p1 $0x1082;
	[sflag:s4] =	ssyncset.s32 $0xFFFFF086  }
0x25: {  	[simem:s6], [sflag:s4] =	dma.local [hbm:s3], $0xF7A  }
0x26: {  	[smem:$0x3F9E] =	sst s1;
	(tag) =	ssettag s2;
	_ =	strace s9  }
0x27: {  	s1 =	sld [smem:$0x3FAE]  }
0x28: {  	s2 =	sld [smem:$0x3FAF]  }
0x29: {  	s4 =	sld [smem:$0x3FB1]  }
0x2a: {  	p0 =	seq.s32 s5, $0x0;
	s5 =	sld [smem:$0x3FB2]  }
0x2b: {  	s6 =	sld [smem:$0x3FB3]  }
0x2c: {  	s7 =	sld [smem:$0x3FB4]  }
0x2d: {  	s3 =	simm.s32 $0x108;
	s8 =	sld [smem:$0x3FB5]  }
0x2e: {  	s3 =	simm.s32 @!p0 $0x1082;
	s9 =	sld [smem:$0x3FB6]  }
0x2f: {  	lr =	sadd.s32 s0, s3;
	s0 =	sld [smem:$0x3FAD]  }
0x30: {  	s3 =	sld [smem:$0x3FB0]  }
0x31: {  	[smem:$0x3FB9] =	sst s10  }
0x32: {  	s10 =	sld [smem:$0x3FB7];
	_ =	sdelay $0x3  }
0x33: {  	p0 =	seq.s32 s10, $0x1;
	s10 =	sld [smem:$0x3FB9];
	_ =	sdelay $0x3  }
0x34: {  	[smem:$0x3FB9] =	sst s10  }
0x35: {  	s10 =	sld [smem:$0x3FB8];
	_ =	sdelay $0x3  }
0x36: {  	p1 =	seq.s32 s10, $0x1;
	s10 =	sld [smem:$0x3FB9];
	_ =	sdelay $0x3  }
0x37: {  	[smem:$0x3FB9] =	sst s10  }
0x38: {  	s10 =	sld [smem:$0x3FBA]  }
0x39: {  	_ = 	snop;
	(pc) =	sbr.ind lr, $3  }
0x3a: {  	_ = 	snop  }
0x3b: {  	_ = 	snop  }
0x3c: {  	p2 =	seq.s32 s10, $0x1;
	s10 =	sld [smem:$0x3FB9]  }
0x3d: {  	_ =	shalt  }
0x3e: {  	_ =	shalt  }
0x3f: {  	_ =	shalt  }
0x40: {  	_ =	shalt  }
0x41: {  	_ =	shalt  }
0x42: {  	_ =	shalt  }
0x43: {  	_ =	shalt  }
0x44: {  	_ =	shalt  }
0x45: {  	_ =	shalt  }
0x46: {  	_ =	shalt  }
0x47: {  	_ =	shalt  }
0x48: {  	_ =	shalt  }
0x49: {  	_ =	shalt  }
0x4a: {  	_ =	shalt  }
0x4b: {  	_ =	shalt  }
0x4c: {  	_ =	shalt  }
0x4d: {  	_ =	shalt  }
0x4e: {  	_ =	shalt  }
0x4f: {  	_ =	shalt  }
0x50: {  	_ =	shalt  }
0x51: {  	_ =	shalt  }
0x52: {  	_ =	shalt  }
0x53: {  	_ =	shalt  }
0x54: {  	_ =	shalt  }
0x55: {  	_ =	shalt  }
0x56: {  	_ =	shalt  }
0x57: {  	_ =	shalt  }
0x58: {  	_ =	shalt  }
0x59: {  	_ =	shalt  }
0x5a: {  	_ =	shalt  }
0x5b: {  	_ =	shalt  }
0x5c: {  	_ =	shalt  }
0x5d: {  	_ =	shalt  }
0x5e: {  	_ =	shalt  }
0x5f: {  	_ =	shalt  }
0x60: {  	_ =	shalt  }
0x61: {  	_ =	shalt  }
0x62: {  	_ =	shalt  }
0x63: {  	_ =	shalt  }
0x64: {  	_ =	shalt  }
0x65: {  	_ =	shalt  }
0x66: {  	_ =	shalt  }
0x67: {  	_ =	shalt  }
0x68: {  	_ =	shalt  }
0x69: {  	_ =	shalt  }
0x6a: {  	_ =	shalt  }
0x6b: {  	_ =	shalt  }
0x6c: {  	_ =	shalt  }
0x6d: {  	_ =	shalt  }
0x6e: {  	_ =	shalt  }
0x6f: {  	_ =	shalt  }
0x70: {  	_ =	shalt  }
0x71: {  	_ =	shalt  }
0x72: {  	_ =	shalt  }
0x73: {  	_ =	shalt  }
0x74: {  	_ =	shalt  }
0x75: {  	_ =	shalt  }
0x76: {  	_ =	shalt  }
0x77: {  	_ =	shalt  }
0x78: {  	_ =	shalt  }
0x79: {  	_ =	shalt  }
0x7a: {  	_ =	shalt  }
0x7b: {  	_ =	shalt  }
0x7c: {  	_ =	shalt  }
0x7d: {  	_ =	shalt  }
0x7e: {  	_ =	shalt  }
0x7f: {  	_ =	shalt  }
0x80: {  	_ =	shalt  }
0x81: {  	_ =	shalt  }
0x82: {  	_ =	shalt  }
0x83: {  	_ =	shalt  }
0x84: {  	_ =	shalt  }
0x85: {  	_ =	shalt  }
0x86: {  	_ =	shalt  }
0x87: {  	_ =	shalt  }
.Lfunc_end0:
.L_simem_size_0:
called_computation_lowered:
.L_overlay_start_0:
0x88: {  	s2 =	sld [smem:$0x3FD9]  }
0x89: {  	s3 =	sld [smem:$0x3FFE];
	_ =	sdelay $0x1  }
0x8a: {  	s1 =	srdreg.scid  }
0x8b: {  	s0 =	sand.u32 $0x1, s1  }
0x8c: {  	s17 =	sshll.u32 s0, $0xA;
	s2 =	sadd.s32 s3, s2  }
0x8d: {  	s2 =	sadd.s32 s2, s17  }
0x8e: {  	[smem:$0x3FC5] =	sst s2  }
0x8f: {  	_ = 	snop  }
0x90: {  	s18 =	sld [smem:$0x3FC8]  }
0x91: {  	s4 =	sld [smem:$0x3FC7];
	(tm) =	ssettm $0x1  }
0x92: {  	s19 =	sld [smem:$0x3FFB];
	_ =	sdelay $0x3  }
0x93: {  	_ =	strace s19  }
0x94: {  	s2 =	sld [smem:$0x3FFC];
	_ =	sdelay $0x3  }
0x95: {  	_ =	strace s2  }
0x96: {  	s2 =	sld [smem:$0x3FFD];
	_ =	sdelay $0x3  }
0x97: {  	_ =	strace s2  }
0x98: {  	_ =	strace $0x8FFFFFFF  }
0x99: {  	s20 =	sld [smem:$0x3FDB];
	_ =	sdelay $0x1  }
0x9a: {  	s5 =	simm.s32 $_scs_section_size  }
0x9b: {  	s6 =	simm.s32 $_size__tile_overlayer_lowered;
	s7 =	simm.s32 $_tile_overlayer_lowered  }
0x9c: {  	s8 =	simm.s32 $0x1BFF;
	s21 =	sshll.u32 s7, $0x1;
	s5 =	sadd.s32 s5, s20  }
0x9d: {  	s22 =	simm.s32 $0x0;
	s6 =	sshll.u32 s6, $0x1;
	s7 =	sadd.s32 s21, s5  }
0x9e: {  	[timem:s22], [sflag:s8] =	dma.local [hbm:s7], s6  }
0x9f: {  	_ =	swait.ge [sflag:s8], s6  }
0xa0: {  	s6 =	ssub.s32 $0x0, s6;
	[sflag:s8] =	ssyncset.done $0x0  }
0xa1: {  	[sflag:s8] =	ssyncadd.s32 s6;
	_ =	sdelay $0x1  }
0xa2: {  	s23 =	simm.s32 $0x1B8B  }
0xa3: {  	_ =	swait.ge [sflag:s23], $0x1  }
0xa4: {  	[sflag:s23] =	ssyncset.done $0x0  }
0xa5: {  	[sflag:s23] =	ssyncadd.s32 $0xFFFFFFFF  }
0xa6: {  	s6 =	sld [smem:$0x0]  }
0xa7: {  	s7 =	sand.u32 $0xFFFFFFFE, s1  }
0xa8: {  	p0 =	sne.s32 s1, s7  }
0xa9: {  	s7 =	sshll.u32 @p0 s7, $0xE  }
0xaa: {  	s7 =	sadd.s32 @p0 $0x11B8D, s7;
	s8 =	sshll.u32 @p0 s6, $0x11  }
0xab: {  	s7 =	sor.u32 @p0 s8, s7  }
0xac: {  	[sflag:s7] =	ssyncadd.remote.s32 @p0 $0x1;
	_ =	sdelay $0x1  }
0xad: {  	s7 =	simm.s32 @p0 $0x1B8D  }
0xae: {  	_ =	swait.eq @p0 [sflag:s7], $0x1  }
0xaf: {  	[sflag:s7] =	ssyncadd.s32 @p0 $0xFFFFFFFF  }
0xb0: {  	s8 =	sshll.u32 @!p0 s1, $0xE  }
0xb1: {  	s8 =	sor.u32 @!p0 $0x4000, s8;
	s7 =	simm.s32 @!p0 $0x1B8D  }
0xb2: {  	s6 =	sshll.u32 @!p0 s6, $0x11;
	s8 =	sadd.s32 @!p0 $0x11B8D, s8;
	_ =	swait.eq @!p0 [sflag:s7], $0x1  }
0xb3: {  	s6 =	sor.u32 @!p0 s6, s8;
	[sflag:s7] =	ssyncadd.s32 @!p0 $0xFFFFFFFF  }
0xb4: {  	s25 =	simm.s32 $0x1B8E;
	s24 =	sld [smem:$0x3FFE];
	[sflag:s6] =	ssyncadd.remote.s32 @!p0 $0x1  }
0xb5: {  	s26 =	simm.s32 $execute0_lowered;
	[smem:$0x3FD2] =	sst s25  }
0xb6: {  	s7 =	sshll.u32 s26, $0x1;
	_ =	strace $0x80000049;
	[dreg:$0x1] =	wrdreg $0xFFFFFFFF  }
0xb7: {  	s28 =	simm.s32 $_size_execute0_lowered;
	s5 =	sadd.s32 s5, s7;
	[dreg:$0x0] =	wrdreg $0x0  }
0xb8: {  	s7 =	sshll.u32 s28, $0x1;
	[dreg:$0x2] =	wrdreg s5  }
0xb9: {  	[dreg:$0x3] =	wrdreg s7  }
0xba: {  	[dreg:$0x4] =	wrdreg $0xC0  }
0xbb: {  	_ =	task [dreg:s22], $0x5FFFF  }
0xbc: {  	[dreg:$0x1] =	wrdreg $0xFFFFFFFF  }
0xbd: {  	[dreg:$0x0] =	wrdreg $0x60  }
0xbe: {  	[dreg:$0x2] =	wrdreg s24  }
0xbf: {  	[dreg:$0x3] =	wrdreg s18  }
0xc0: {  	[dreg:$0x4] =	wrdreg s4  }
0xc1: {  	[dreg:$0x5] =	wrdreg $0x9  }
0xc2: {  	_ =	task.clear_ibuf [dreg:s22], $0x6FFFF;
	_ =	strace $0x90000049  }
0xc3: {  	s29 =	simm.s32 $0x9;
	_ =	strace $0x8000004B  }
0xc4: {  	_ =	swait.ge [sflag:s29], $0x1  }
0xc5: {  	[sflag:s29] =	ssyncadd.s32 $0xFFFFFFFF  }
0xc6: {  	_ =	strace $0x9000004B  }
0xc7: {  	_ =	sfence  }
0xc8: {  	s30 =	sld [smem:$0x0];
	_ =	sdelay $0x2  }
0xc9: {  	s31 =	sshll.u32 s1, $0xD;
	s1 =	sshrl.u32 s1, $0x2  }
0xca: {  	s4 =	sand.u32 $0x4000, s31;
	s1 =	sadd.s32 s1, s30  }
0xcb: {  	s0 =	sor.u32 s4, s0;
	s1 =	sshll.u32 s1, $0x11  }
0xcc: {  	s0 =	sor.u32 s1, s0  }
0xcd: {  	s0 =	sadd.s32 $0x8F2B, s0  }
0xce: {  	[sflag:s0] =	ssyncadd.remote.s32 $0x1  }
0xcf: {  	_ =	sfence.sel $0xFFFF  }
0xd0: {  	[dreg:$0x0] =	wrdreg $0xFFFFFFFF;
	(pc) =	sbr.abs _section_cstart, $3  }
0xd1: {  	[dreg:$0x1] =	wrdreg $0xFFFFFFFF  }
0xd2: {  	_ =	task.clear_ibuf [dreg:s22], $0x2FFFF;
	_ =	strace $0x9FFFFFFF  }
0xd3: {  	(tm) =	ssettm $0x7FFFFFFF  }
tec
execute0_lowered:
.L_overlay_start_1:
0x0: {  	(tag) =	ssettag $0x1  }
0x1: {  	s0 =	rddreg [dreg:$0x0]  }
0x2: {  	s2 =	rddreg [dreg:$0x1]  }
0x3: {  	s3 =	rddreg [dreg:$0x2];
	s5 =	srdreg.scid  }
0x4: {  	s1 =	stileid.u32;
	s4 =	simm.s32 $0x0;
	s12 =	simm.s32 $0x5  }
0x5: {  	s13 =	simm.s32 $0x18700;
	s14 =	simm.s32 $0x19700;
	s15 =	simm.s32 $0x1A700  }
0x6: {  	s16 =	simm.s32 $0x1B700;
	s17 =	simm.s32 $0x1;
	s18 =	simm.s32 $0x2  }
0x7: {  	s19 =	simm.s32 $0x1C700;
	s20 =	simm.s32 $0x3;
	s21 =	simm.s32 $0x4  }
0x8: {  	s22 =	simm.s32 $0x1E700;
	s5 =	sand.u32 $0x1, s5;
	s6 =	sshll.u32 s1, $0x1  }
0x9: {  	v0 =	vimm.f32 $0.0e+00;
	v1 =	vlaneseq.u32;
	s23 =	simm.s32 $0x0;
	[smem:$0x7FF] =	sst s4;
	s6 =	sor.u32 s5, s6  }
0xa: {  	vm0 =	vmmov $0x1;
	vm1 =	vmmov $0x3;
	vm2 =	vmmov $0x7;
	_ =	strace $0x8000004A;
	s7 =	ssub.s32 $0x2, s5;
	s9 =	smul.u32 $0x186A0, s6  }
0xb: {  	vm3 =	vmmov $0xf;
	vm4 =	vmmov $0x1f;
	vm5 =	vmmov $0x3f;
	s5 =	sadd.s32 $0x62E00, s0;
	s6 =	sshll.u32 s6, $0x4;
	s8 =	sshrl.u32 s7, $0x1  }
0xc: {  	vm6 =	vmmov $0x7f;
	vm7 =	vmmov $0xff;
	vm8 =	vmmov $0x1ff;
	s0 =	sadd.s32 s6, s0;
	s11 =	ssub.s32 s7, s8;
	s31 =	sshrl.u32 s9, $0x3  }
0xd: {  	vm9 =	vmmov $0x3ff;
	vm10 =	vmmov $0x7ff;
	vm11 =	vmmov $0xfff;
	s8 =	sadd.s32 $0xFA0, s9;
	s9 =	sadd.s32 $0x1F40, s9;
	s10 =	sadd.s32 $0xC4A00, s0  }
0xe: {  	vm12 =	vmmov $0x1fff;
	vm13 =	vmmov $0x3fff;
	vm14 =	vmmov $0x7fff;
	s11 =	smax.u32 s11, $0x1;
	s6 =	sadd.s32 s5, s31;
	s7 =	sadd.s32 s2, s31  }
.LBB2_1:
0xf: {  	[tilespmem:s4], [sflag:$0x5] =	stream.linear.gather [hbm4b:s3+s4], $0x18700, $0x38;
	[tilespmem:$0x1E780] =	vst v63  }
0x10: {  	_ =	swait.ge [sflag:s12], $0x18700  }
0x11: {  	[sflag:s12] =	ssyncset.done $0x0  }
0x12: {  	[sflag:s12] =	ssyncadd.s32 $0xFFFE7900  }
0x13: {  	[tilespmem:$0x1C700] =	vst v0  }
0x14: {  	[tilespmem:$0x1C780] =	vst v0  }
0x15: {  	[tilespmem:$0x1C800] =	vst v0  }
0x16: {  	[tilespmem:$0x1C880] =	vst v0  }
0x17: {  	[tilespmem:$0x1C900] =	vst v0  }
0x18: {  	[tilespmem:$0x1C980] =	vst v0  }
0x19: {  	[tilespmem:$0x1CA00] =	vst v0  }
0x1a: {  	[tilespmem:$0x1CA80] =	vst v0  }
0x1b: {  	[tilespmem:$0x1CB00] =	vst v0  }
0x1c: {  	[tilespmem:$0x1CB80] =	vst v0  }
0x1d: {  	[tilespmem:$0x1CC00] =	vst v0  }
0x1e: {  	[tilespmem:$0x1CC80] =	vst v0  }
0x1f: {  	[tilespmem:$0x1CD00] =	vst v0  }
0x20: {  	[tilespmem:$0x1CD80] =	vst v0  }
0x21: {  	[tilespmem:$0x1CE00] =	vst v0  }
0x22: {  	[tilespmem:$0x1CE80] =	vst v0  }
0x23: {  	[tilespmem:$0x1CF00] =	vst v0  }
0x24: {  	[tilespmem:$0x1CF80] =	vst v0  }
0x25: {  	[tilespmem:$0x1D000] =	vst v0  }
0x26: {  	[tilespmem:$0x1D080] =	vst v0  }
0x27: {  	[tilespmem:$0x1D100] =	vst v0  }
0x28: {  	[tilespmem:$0x1D180] =	vst v0  }
0x29: {  	[tilespmem:$0x1D200] =	vst v0  }
0x2a: {  	[tilespmem:$0x1D280] =	vst v0  }
0x2b: {  	[tilespmem:$0x1D300] =	vst v0  }
0x2c: {  	[tilespmem:$0x1D380] =	vst v0  }
0x2d: {  	[tilespmem:$0x1D400] =	vst v0  }
0x2e: {  	[tilespmem:$0x1D480] =	vst v0  }
0x2f: {  	[tilespmem:$0x1D500] =	vst v0  }
0x30: {  	[tilespmem:$0x1D580] =	vst v0  }
0x31: {  	[tilespmem:$0x1D600] =	vst v0  }
0x32: {  	[tilespmem:$0x1D680] =	vst v0  }
0x33: {  	[tilespmem:$0x1D700] =	vst v0  }
0x34: {  	[tilespmem:$0x1D780] =	vst v0  }
0x35: {  	[tilespmem:$0x1D800] =	vst v0  }
0x36: {  	[tilespmem:$0x1D880] =	vst v0  }
0x37: {  	[tilespmem:$0x1D900] =	vst v0  }
0x38: {  	[tilespmem:$0x1D980] =	vst v0  }
0x39: {  	[tilespmem:$0x1DA00] =	vst v0  }
0x3a: {  	[tilespmem:$0x1DA80] =	vst v0  }
0x3b: {  	[tilespmem:$0x1DB00] =	vst v0  }
0x3c: {  	[tilespmem:$0x1DB80] =	vst v0  }
0x3d: {  	[tilespmem:$0x1DC00] =	vst v0  }
0x3e: {  	[tilespmem:$0x1DC80] =	vst v0  }
0x3f: {  	[tilespmem:$0x1DD00] =	vst v0  }
0x40: {  	[tilespmem:$0x1DD80] =	vst v0  }
0x41: {  	[tilespmem:$0x1DE00] =	vst v0  }
0x42: {  	[tilespmem:$0x1DE80] =	vst v0  }
0x43: {  	[tilespmem:$0x1DF00] =	vst v0  }
0x44: {  	[tilespmem:$0x1DF80] =	vst v0  }
0x45: {  	[tilespmem:$0x1E000] =	vst v0  }
0x46: {  	[tilespmem:$0x1E080] =	vst v0  }
0x47: {  	[tilespmem:$0x1E100] =	vst v0  }
0x48: {  	[tilespmem:$0x1E180] =	vst v0  }
0x49: {  	[tilespmem:$0x1E200] =	vst v0  }
0x4a: {  	[tilespmem:$0x1E280] =	vst v0  }
0x4b: {  	[tilespmem:$0x1E300] =	vst v0  }
0x4c: {  	[tilespmem:$0x1E380] =	vst v0  }
0x4d: {  	[tilespmem:$0x1E400] =	vst v0  }
0x4e: {  	[tilespmem:$0x1E480] =	vst v0  }
0x4f: {  	[tilespmem:$0x1E500] =	vst v0  }
0x50: {  	[tilespmem:$0x1E580] =	vst v0  }
0x51: {  	[tilespmem:$0x1E600] =	vst v0  }
0x52: {  	[tilespmem:$0x1E680] =	vst v0  }
0x53: {  	[tilespmem:s13], [sflag:$0x1] =	stream.linear.gather [hbm4b:s6+s4], $0xFA0, $0x38;
	[tilespmem:$0x1E780] =	vst v63  }
0x54: {  	s24 =	simm.s32 $0x0  }
0x55: {  	[tilespmem:s14], [sflag:$0x2] =	stream.linear.gather [hbm4b:s7+s4], $0xFA0, $0x38;
	[tilespmem:$0x1E780] =	vst v63  }
.LBB2_2:
0x56: {  	s25 =	smul.u32 $0x1F40, s24;
	_ =	sdelay $0x1  }
0x57: {  	s0 =	sadd.s32 s25, s8  }
0x58: {  	s0 =	sshrl.u32 s0, $0x3  }
0x59: {  	s26 =	sadd.s32 s5, s0  }
0x5a: {  	[tilespmem:s15], [sflag:$0x3] =	stream.linear.gather [hbm4b:s26+s4], $0xFA0, $0x38;
	[tilespmem:$0x1E780] =	vst v63  }
0x5b: {  	s0 =	sadd.s32 s2, s0  }
0x5c: {  	[tilespmem:s16], [sflag:$0x4] =	stream.linear.gather [hbm4b:s0+s4], $0xFA0, $0x38;
	[tilespmem:$0x1E780] =	vst v63  }
0x5d: {  	_ =	swait.ge [sflag:s17], $0xFA0  }
0x5e: {  	[sflag:s17] =	ssyncset.done $0x0  }
0x5f: {  	[sflag:s17] =	ssyncadd.s32 $0xFFFFF060  }
0x60: {  	_ =	swait.ge [sflag:s18], $0xFA0  }
0x61: {  	[sflag:s18] =	ssyncset.done $0x0  }
0x62: {  	s30 =	simm.s32 $0x19720;
	[sflag:s18] =	ssyncadd.s32 $0xFFFFF060  }
0x63: {  	v2 =	vld [tilespmem:s30+$0x10]  }
0x64: {  	v3 =	vld [tilespmem:s30+$0xFFFFFFF0]  }
0x65: {  	v4 =	vld [tilespmem:s30+$0x0]  }
0x66: {  	v5 =	vld [tilespmem:s30+$0xFFFFFFE0];
	_ =	sdelay $0x4  }
0x67: {  	v6 =	vld.idx.msk [tilespmem:v2+s4+$0x0], $0xffff  }
0x68: {  	v3 =	vld.idx.msk [tilespmem:v3+s4+$0x0], $0xffff  }
0x69: {  	v2 =	vld.idx.msk [tilespmem:v4+s4+$0x0], $0xffff  }
0x6a: {  	v4 =	vld.idx.msk [tilespmem:v5+s4+$0x0], $0xffff;
	_ =	sdelay $0x1  }
0x6b: {  	s26 =	simm.s32 $0x18720;
	v5 =	vshll.u32 v6, $0x7  }
0x6c: {  	s31 =	simm.s32 $0x0;
	s0 =	simm.s32 $0x19760;
	v6 =	vshll.u32 v3, $0x7;
	v3 =	vld [tilespmem:s26+$0x10];
	v5 =	vor.u32 v1, v5  }
.LBB2_3:
0x6d: {  	v7 =	vld [tilespmem:s0+$0x10];
	s31 =	sadd.s32 $0x40, s31;
	v6 =	vor.u32 v1, v6;
	v2 =	vshll.u32 v2, $0x7  }
0x6e: {  	v4 =	vshll.u32 v4, $0x7;
	v8 =	vld [tilespmem:s0+$0xFFFFFFF0];
	p0 =	slt.u32 s31, $0xF40;
	v9 =	vor.u32 v1, v2  }
0x6f: {  	v10 =	vor.u32 v1, v4;
	v2 =	vld [tilespmem:s0+$0x0]  }
0x70: {  	v4 =	vld [tilespmem:s0+$0xFFFFFFE0]  }
0x71: {  	s28 =	simm.s32 $0xF70;
	s29 =	simm.s32 $0x19680;
	s30 =	simm.s32 $0x1A680;
	[tilespmem:v5+s19+$0x0] =	vst.idx.add.f32.msk $0xffff, v3  }
0x72: {  	v3 =	vld [tilespmem:s26+$0xFFFFFFE0]  }
0x73: {  	v5 =	vld [tilespmem:s26+$0xFFFFFFF0]  }
0x74: {  	v11 =	vld [tilespmem:s26+$0x0]  }
0x75: {  	v7 =	vld.idx.msk [tilespmem:v7+s4+$0x0], $0xffff  }
0x76: {  	v8 =	vld.idx.msk [tilespmem:v8+s4+$0x0], $0xffff  }
0x77: {  	v2 =	vld.idx.msk [tilespmem:v2+s4+$0x0], $0xffff  }
.Ltmp0:
0x78: {  	v4 =	vld.idx.msk [tilespmem:v4+s4+$0x0], $0xffff;
	(pc) =	sbr.rel @p0 .LBB2_3-.Ltmp0, $4  }
0x79: {  	[tilespmem:v10+s19+$0x0] =	vst.idx.add.f32.msk $0xffff, v3  }
0x7a: {  	[tilespmem:v6+s19+$0x0] =	vst.idx.add.f32.msk $0xffff, v5  }
0x7b: {  	s26 =	sadd.s32 $0x40, s26;
	v5 =	vshll.u32 v7, $0x7;
	[tilespmem:v9+s19+$0x0] =	vst.idx.add.f32.msk $0xffff, v11  }
0x7c: {  	s0 =	sadd.s32 $0x40, s0;
	v6 =	vshll.u32 v8, $0x7;
	v5 =	vor.u32 v1, v5;
	v3 =	vld [tilespmem:s26+$0x10]  }
0x7d: {  	v4 =	vshll.u32 v4, $0x7;
	v6 =	vor.u32 v1, v6;
	v8 =	vld [tilespmem:s26+$0xFFFFFFF0]  }
0x7e: {  	v7 =	vld [tilespmem:s26+$0xFFFFFFE0];
	v2 =	vshll.u32 v2, $0x7;
	v4 =	vor.u32 v1, v4  }
0x7f: {  	v9 =	vld [tilespmem:s26+$0x0];
	v2 =	vor.u32 v1, v2;
	_ =	sdelay $0x1  }
0x80: {  	[tilespmem:v5+s19+$0x0] =	vst.idx.add.f32.msk $0xffff, v3  }
0x81: {  	[tilespmem:v6+s19+$0x0] =	vst.idx.add.f32.msk $0xffff, v8  }
0x82: {  	[tilespmem:v4+s19+$0x0] =	vst.idx.add.f32.msk $0xffff, v7  }
0x83: {  	[tilespmem:v2+s19+$0x0] =	vst.idx.add.f32.msk $0xffff, v9  }
.LBB2_5:
0x84: {  	v2 =	vld [tilespmem:s30+$0x0];
	_ =	sdelay $0x7  }
0x85: {  	v2 =	vld.idx.msk [tilespmem:v2+s4+$0x0], $0xffff;
	_ =	sdelay $0x4  }
0x86: {  	s28 =	sadd.s32 $0x10, s28;
	v2 =	vshll.u32 v2, $0x7  }
0x87: {  	v3 =	vld [tilespmem:s29+$0x0];
	p0 =	slt.u32 s28, $0xF90;
	v2 =	vor.u32 v1, v2  }
.Ltmp1:
0x88: {  	_ = 	snop;
	(pc) =	sbr.rel @p0 .LBB2_5-.Ltmp1, $2  }
0x89: {  	_ =	sdelay $0x2  }
0x8a: {  	s29 =	sadd.s32 $0x10, s29;
	s30 =	sadd.s32 $0x10, s30;
	[tilespmem:v2+s19+$0x0] =	vst.idx.add.f32.msk $0xffff, v3  }
0x8b: {  	s0 =	sadd.s32 s25, s9  }
0x8c: {  	s0 =	sshrl.u32 s0, $0x3  }
0x8d: {  	s30 =	sadd.s32 s5, s0  }
0x8e: {  	[tilespmem:s13], [sflag:$0x1] =	stream.linear.gather [hbm4b:s30+s4], $0xFA0, $0x38;
	[tilespmem:$0x1E780] =	vst v63  }
0x8f: {  	s0 =	sadd.s32 s2, s0  }
0x90: {  	[tilespmem:s14], [sflag:$0x2] =	stream.linear.gather [hbm4b:s0+s4], $0xFA0, $0x38;
	[tilespmem:$0x1E780] =	vst v63  }
0x91: {  	_ =	swait.ge [sflag:s20], $0xFA0  }
0x92: {  	[sflag:s20] =	ssyncset.done $0x0  }
0x93: {  	[sflag:s20] =	ssyncadd.s32 $0xFFFFF060  }
0x94: {  	_ =	swait.ge [sflag:s21], $0xFA0  }
0x95: {  	[sflag:s21] =	ssyncset.done $0x0  }
0x96: {  	s31 =	simm.s32 $0x1B720;
	[sflag:s21] =	ssyncadd.s32 $0xFFFFF060  }
0x97: {  	v2 =	vld [tilespmem:s31+$0x10]  }
0x98: {  	v3 =	vld [tilespmem:s31+$0xFFFFFFF0]  }
0x99: {  	v4 =	vld [tilespmem:s31+$0x0]  }
0x9a: {  	v5 =	vld [tilespmem:s31+$0xFFFFFFE0];
	_ =	sdelay $0x4  }
0x9b: {  	v6 =	vld.idx.msk [tilespmem:v2+s4+$0x0], $0xffff  }
0x9c: {  	v3 =	vld.idx.msk [tilespmem:v3+s4+$0x0], $0xffff  }
0x9d: {  	v2 =	vld.idx.msk [tilespmem:v4+s4+$0x0], $0xffff  }
0x9e: {  	v4 =	vld.idx.msk [tilespmem:v5+s4+$0x0], $0xffff;
	_ =	sdelay $0x1  }
0x9f: {  	s25 =	simm.s32 $0x1A720;
	v5 =	vshll.u32 v6, $0x7  }
0xa0: {  	s29 =	simm.s32 $0x0;
	s0 =	simm.s32 $0x1B760;
	v6 =	vshll.u32 v3, $0x7;
	v3 =	vld [tilespmem:s25+$0x10];
	v5 =	vor.u32 v1, v5  }
.LBB2_7:
0xa1: {  	v7 =	vld [tilespmem:s0+$0x10];
	s29 =	sadd.s32 $0x40, s29;
	v6 =	vor.u32 v1, v6;
	v2 =	vshll.u32 v2, $0x7  }
0xa2: {  	v4 =	vshll.u32 v4, $0x7;
	v8 =	vld [tilespmem:s0+$0xFFFFFFF0];
	p0 =	slt.u32 s29, $0xF40;
	v9 =	vor.u32 v1, v2  }
0xa3: {  	v10 =	vor.u32 v1, v4;
	v2 =	vld [tilespmem:s0+$0x0]  }
0xa4: {  	v4 =	vld [tilespmem:s0+$0xFFFFFFE0]  }
0xa5: {  	s26 =	simm.s32 $0x1B680;
	s28 =	simm.s32 $0x1C680;
	[tilespmem:v5+s19+$0x0] =	vst.idx.add.f32.msk $0xffff, v3  }
0xa6: {  	v3 =	vld [tilespmem:s25+$0xFFFFFFE0]  }
0xa7: {  	v5 =	vld [tilespmem:s25+$0xFFFFFFF0]  }
0xa8: {  	v11 =	vld [tilespmem:s25+$0x0]  }
0xa9: {  	v7 =	vld.idx.msk [tilespmem:v7+s4+$0x0], $0xffff  }
0xaa: {  	v8 =	vld.idx.msk [tilespmem:v8+s4+$0x0], $0xffff  }
0xab: {  	v2 =	vld.idx.msk [tilespmem:v2+s4+$0x0], $0xffff  }
.Ltmp2:
0xac: {  	v4 =	vld.idx.msk [tilespmem:v4+s4+$0x0], $0xffff;
	(pc) =	sbr.rel @p0 .LBB2_7-.Ltmp2, $4  }
0xad: {  	[tilespmem:v10+s19+$0x0] =	vst.idx.add.f32.msk $0xffff, v3  }
0xae: {  	[tilespmem:v6+s19+$0x0] =	vst.idx.add.f32.msk $0xffff, v5  }
0xaf: {  	s25 =	sadd.s32 $0x40, s25;
	v5 =	vshll.u32 v7, $0x7;
	[tilespmem:v9+s19+$0x0] =	vst.idx.add.f32.msk $0xffff, v11  }
0xb0: {  	s0 =	sadd.s32 $0x40, s0;
	v6 =	vshll.u32 v8, $0x7;
	v5 =	vor.u32 v1, v5;
	v3 =	vld [tilespmem:s25+$0x10]  }
0xb1: {  	v4 =	vshll.u32 v4, $0x7;
	v6 =	vor.u32 v1, v6;
	v8 =	vld [tilespmem:s25+$0xFFFFFFF0]  }
0xb2: {  	v7 =	vld [tilespmem:s25+$0xFFFFFFE0];
	v2 =	vshll.u32 v2, $0x7;
	v4 =	vor.u32 v1, v4  }
0xb3: {  	v9 =	vld [tilespmem:s25+$0x0];
	v2 =	vor.u32 v1, v2;
	_ =	sdelay $0x1  }
0xb4: {  	[tilespmem:v5+s19+$0x0] =	vst.idx.add.f32.msk $0xffff, v3  }
0xb5: {  	[tilespmem:v6+s19+$0x0] =	vst.idx.add.f32.msk $0xffff, v8  }
0xb6: {  	[tilespmem:v4+s19+$0x0] =	vst.idx.add.f32.msk $0xffff, v7  }
0xb7: {  	s0 =	simm.s32 $0xF70;
	[tilespmem:v2+s19+$0x0] =	vst.idx.add.f32.msk $0xffff, v9  }
.LBB2_9:
0xb8: {  	v2 =	vld [tilespmem:s28+$0x0];
	_ =	sdelay $0x7  }
0xb9: {  	v2 =	vld.idx.msk [tilespmem:v2+s4+$0x0], $0xffff;
	_ =	sdelay $0x4  }
0xba: {  	s0 =	sadd.s32 $0x10, s0;
	v2 =	vshll.u32 v2, $0x7  }
0xbb: {  	v3 =	vld [tilespmem:s26+$0x0];
	p0 =	slt.u32 s0, $0xF90;
	v2 =	vor.u32 v1, v2  }
.Ltmp3:
0xbc: {  	_ = 	snop;
	(pc) =	sbr.rel @p0 .LBB2_9-.Ltmp3, $2  }
0xbd: {  	_ =	sdelay $0x2  }
0xbe: {  	s26 =	sadd.s32 $0x10, s26;
	s28 =	sadd.s32 $0x10, s28;
	[tilespmem:v2+s19+$0x0] =	vst.idx.add.f32.msk $0xffff, v3  }
0xbf: {  	s24 =	sadd.s32 $0x1, s24  }
0xc0: {  	p0 =	sne.s32 s24, $0xC  }
.Ltmp4:
0xc1: {  	_ = 	snop;
	(pc) =	sbr.rel @p0 .LBB2_2-.Ltmp4, $1  }
0xc2: {  	_ =	sdelay $0x3  }
0xc3: {  	_ =	swait.ge [sflag:s17], $0xFA0  }
0xc4: {  	[sflag:s17] =	ssyncset.done $0x0  }
0xc5: {  	[sflag:s17] =	ssyncadd.s32 $0xFFFFF060  }
0xc6: {  	_ =	swait.ge [sflag:s18], $0xFA0  }
0xc7: {  	[sflag:s18] =	ssyncset.done $0x0  }
0xc8: {  	s0 =	simm.s32 $0x19720;
	[sflag:s18] =	ssyncadd.s32 $0xFFFFF060  }
0xc9: {  	v2 =	vld [tilespmem:s0+$0x10]  }
0xca: {  	v3 =	vld [tilespmem:s0+$0xFFFFFFF0]  }
0xcb: {  	v4 =	vld [tilespmem:s0+$0x0]  }
0xcc: {  	v5 =	vld [tilespmem:s0+$0xFFFFFFE0];
	_ =	sdelay $0x4  }
0xcd: {  	v6 =	vld.idx.msk [tilespmem:v2+s4+$0x0], $0xffff  }
0xce: {  	v3 =	vld.idx.msk [tilespmem:v3+s4+$0x0], $0xffff  }
0xcf: {  	v2 =	vld.idx.msk [tilespmem:v4+s4+$0x0], $0xffff  }
0xd0: {  	v4 =	vld.idx.msk [tilespmem:v5+s4+$0x0], $0xffff;
	_ =	sdelay $0x1  }
0xd1: {  	s24 =	simm.s32 $0x18720;
	v5 =	vshll.u32 v6, $0x7  }
0xd2: {  	s25 =	simm.s32 $0x0;
	s0 =	simm.s32 $0x19760;
	v6 =	vshll.u32 v3, $0x7;
	v3 =	vld [tilespmem:s24+$0x10];
	v5 =	vor.u32 v1, v5  }
.LBB2_12:
0xd3: {  	v7 =	vld [tilespmem:s0+$0x10];
	s25 =	sadd.s32 $0x40, s25;
	v6 =	vor.u32 v1, v6;
	v2 =	vshll.u32 v2, $0x7  }
0xd4: {  	v4 =	vshll.u32 v4, $0x7;
	v8 =	vld [tilespmem:s0+$0xFFFFFFF0];
	p0 =	slt.u32 s25, $0xF40;
	v9 =	vor.u32 v1, v2  }
0xd5: {  	v10 =	vor.u32 v1, v4;
	v2 =	vld [tilespmem:s0+$0x0]  }
0xd6: {  	v4 =	vld [tilespmem:s0+$0xFFFFFFE0]  }
0xd7: {  	[tilespmem:v5+s19+$0x0] =	vst.idx.add.f32.msk $0xffff, v3  }
0xd8: {  	v3 =	vld [tilespmem:s24+$0xFFFFFFE0]  }
0xd9: {  	v5 =	vld [tilespmem:s24+$0xFFFFFFF0]  }
0xda: {  	v11 =	vld [tilespmem:s24+$0x0]  }
0xdb: {  	v7 =	vld.idx.msk [tilespmem:v7+s4+$0x0], $0xffff  }
0xdc: {  	v8 =	vld.idx.msk [tilespmem:v8+s4+$0x0], $0xffff  }
0xdd: {  	v2 =	vld.idx.msk [tilespmem:v2+s4+$0x0], $0xffff  }
.Ltmp5:
0xde: {  	v4 =	vld.idx.msk [tilespmem:v4+s4+$0x0], $0xffff;
	(pc) =	sbr.rel @p0 .LBB2_12-.Ltmp5, $4  }
0xdf: {  	[tilespmem:v10+s19+$0x0] =	vst.idx.add.f32.msk $0xffff, v3  }
0xe0: {  	[tilespmem:v6+s19+$0x0] =	vst.idx.add.f32.msk $0xffff, v5  }
0xe1: {  	s24 =	sadd.s32 $0x40, s24;
	v5 =	vshll.u32 v7, $0x7;
	[tilespmem:v9+s19+$0x0] =	vst.idx.add.f32.msk $0xffff, v11  }
0xe2: {  	s0 =	sadd.s32 $0x40, s0;
	v6 =	vshll.u32 v8, $0x7;
	v5 =	vor.u32 v1, v5;
	v3 =	vld [tilespmem:s24+$0x10]  }
0xe3: {  	v4 =	vshll.u32 v4, $0x7;
	v6 =	vor.u32 v1, v6;
	v8 =	vld [tilespmem:s24+$0xFFFFFFF0]  }
0xe4: {  	v7 =	vld [tilespmem:s24+$0xFFFFFFE0];
	v2 =	vshll.u32 v2, $0x7;
	v4 =	vor.u32 v1, v4  }
0xe5: {  	v9 =	vld [tilespmem:s24+$0x0];
	v2 =	vor.u32 v1, v2;
	_ =	sdelay $0x1  }
0xe6: {  	[tilespmem:v5+s19+$0x0] =	vst.idx.add.f32.msk $0xffff, v3  }
0xe7: {  	[tilespmem:v6+s19+$0x0] =	vst.idx.add.f32.msk $0xffff, v8  }
0xe8: {  	[tilespmem:v4+s19+$0x0] =	vst.idx.add.f32.msk $0xffff, v7  }
0xe9: {  	s0 =	simm.s32 $0xF70;
	s24 =	simm.s32 $0x19680;
	s25 =	simm.s32 $0x1A680;
	[tilespmem:v2+s19+$0x0] =	vst.idx.add.f32.msk $0xffff, v9  }
.LBB2_14:
0xea: {  	v2 =	vld [tilespmem:s25+$0x0];
	_ =	sdelay $0x7  }
0xeb: {  	v2 =	vld.idx.msk [tilespmem:v2+s4+$0x0], $0xffff;
	_ =	sdelay $0x4  }
0xec: {  	s0 =	sadd.s32 $0x10, s0;
	v2 =	vshll.u32 v2, $0x7  }
0xed: {  	v3 =	vld [tilespmem:s24+$0x0];
	p0 =	slt.u32 s0, $0xF90;
	v2 =	vor.u32 v1, v2  }
.Ltmp6:
0xee: {  	_ = 	snop;
	(pc) =	sbr.rel @p0 .LBB2_14-.Ltmp6, $2  }
0xef: {  	_ =	sdelay $0x2  }
0xf0: {  	s24 =	sadd.s32 $0x10, s24;
	s25 =	sadd.s32 $0x10, s25;
	[tilespmem:v2+s19+$0x0] =	vst.idx.add.f32.msk $0xffff, v3  }
0xf1: {  	v2 =	vld [tilespmem:$0x1C700]  }
0xf2: {  	v3 =	vld [tilespmem:$0x1C780]  }
0xf3: {  	v4 =	vld [tilespmem:$0x1C800]  }
0xf4: {  	v5 =	vld [tilespmem:$0x1C880]  }
0xf5: {  	v6 =	vld [tilespmem:$0x1C900]  }
0xf6: {  	(xrf2) =	vadd.scan.msk.f32 $0xffff, v2;
	v2 =	vld [tilespmem:$0x1C980]  }
0xf7: {  	(xrf2) =	vadd.scan.msk.f32 $0xffff, v3;
	v3 =	vld [tilespmem:$0x1CA00]  }
0xf8: {  	v43 =	vld [tilespmem:$0x1CA80];
	(xrf2) =	vadd.scan.msk.f32 $0xffff, v4  }
0xf9: {  	v44 =	vld [tilespmem:$0x1CB00];
	(xrf2) =	vadd.scan.msk.f32 $0xffff, v5  }
0xfa: {  	v45 =	vld [tilespmem:$0x1CB80];
	(xrf2) =	vadd.scan.msk.f32 $0xffff, v6  }
0xfb: {  	(xrf2) =	vadd.scan.msk.f32 $0xffff, v2;
	v2 =	vld [tilespmem:$0x1CC00]  }
0xfc: {  	(xrf2) =	vadd.scan.msk.f32 $0xffff, v3;
	v3 =	vld [tilespmem:$0x1CC80]  }
0xfd: {  	v46 =	vld [tilespmem:$0x1CD00];
	(xrf2) =	vadd.scan.msk.f32 $0xffff, v43  }
0xfe: {  	v47 =	vld [tilespmem:$0x1CD80];
	(xrf2) =	vadd.scan.msk.f32 $0xffff, v44  }
0xff: {  	v48 =	vld [tilespmem:$0x1CE00];
	(xrf2) =	vadd.scan.msk.f32 $0xffff, v45  }
0x100: {  	v7, _, _ =	vpop (xrf2);
	(xrf2) =	vadd.scan.msk.f32 $0xffff, v2;
	v2 =	vld [tilespmem:$0x1CE80]  }
0x101: {  	v8, _, _ =	vpop (xrf2);
	(xrf2) =	vadd.scan.msk.f32 $0xffff, v3;
	v3 =	vld [tilespmem:$0x1CF00]  }
0x102: {  	v49 =	vld [tilespmem:$0x1CF80];
	v9, _, _ =	vpop (xrf2);
	(xrf2) =	vadd.scan.msk.f32 $0xffff, v46  }
0x103: {  	v50 =	vld [tilespmem:$0x1D000];
	v10, _, _ =	vpop (xrf2);
	(xrf2) =	vadd.scan.msk.f32 $0xffff, v47  }
0x104: {  	v51 =	vld [tilespmem:$0x1D080];
	v11, _, _ =	vpop (xrf2);
	(xrf2) =	vadd.scan.msk.f32 $0xffff, v48  }
0x105: {  	v12, _, _ =	vpop (xrf2);
	(xrf2) =	vadd.scan.msk.f32 $0xffff, v2;
	v2 =	vld [tilespmem:$0x1D100]  }
0x106: {  	v13, _, _ =	vpop (xrf2);
	(xrf2) =	vadd.scan.msk.f32 $0xffff, v3;
	v3 =	vld [tilespmem:$0x1D180]  }
0x107: {  	v52 =	vld [tilespmem:$0x1D200];
	v14, _, _ =	vpop (xrf2);
	(xrf2) =	vadd.scan.msk.f32 $0xffff, v49  }
0x108: {  	v53 =	vld [tilespmem:$0x1D280];
	v15, _, _ =	vpop (xrf2);
	(xrf2) =	vadd.scan.msk.f32 $0xffff, v50  }
0x109: {  	v54 =	vld [tilespmem:$0x1D300];
	v16, _, _ =	vpop (xrf2);
	(xrf2) =	vadd.scan.msk.f32 $0xffff, v51  }
0x10a: {  	v17, _, _ =	vpop (xrf2);
	(xrf2) =	vadd.scan.msk.f32 $0xffff, v2;
	v2 =	vld [tilespmem:$0x1D380]  }
0x10b: {  	v19 =	vld [tilespmem:$0x1D400];
	v18, _, _ =	vpop (xrf2);
	(xrf2) =	vadd.scan.msk.f32 $0xffff, v3  }
0x10c: {  	v55 =	vld [tilespmem:$0x1D480];
	v20, _, _ =	vpop (xrf2);
	(xrf2) =	vadd.scan.msk.f32 $0xffff, v52  }
0x10d: {  	v56 =	vld [tilespmem:$0x1D500];
	v21, _, _ =	vpop (xrf2);
	(xrf2) =	vadd.scan.msk.f32 $0xffff, v53  }
0x10e: {  	v57 =	vld [tilespmem:$0x1D580];
	v22, _, _ =	vpop (xrf2);
	(xrf2) =	vadd.scan.msk.f32 $0xffff, v54  }
0x10f: {  	v3, _, _ =	vpop (xrf2);
	(xrf2) =	vadd.scan.msk.f32 $0xffff, v2;
	v2 =	vld [tilespmem:$0x1D600]  }
0x110: {  	v58 =	vld [tilespmem:$0x1D680];
	v23, _, _ =	vpop (xrf2);
	(xrf2) =	vadd.scan.msk.f32 $0xffff, v19  }
0x111: {  	v59 =	vld [tilespmem:$0x1D700];
	v24, _, _ =	vpop (xrf2);
	(xrf2) =	vadd.scan.msk.f32 $0xffff, v55  }
0x112: {  	v60 =	vld [tilespmem:$0x1D780];
	v25, _, _ =	vpop (xrf2);
	(xrf2) =	vadd.scan.msk.f32 $0xffff, v56  }
0x113: {  	v61 =	vld [tilespmem:$0x1D800];
	v26, _, _ =	vpop (xrf2);
	(xrf2) =	vadd.scan.msk.f32 $0xffff, v57  }
0x114: {  	v27, _, _ =	vpop (xrf2);
	(xrf2) =	vadd.scan.msk.f32 $0xffff, v2;
	v2 =	vld [tilespmem:$0x1D880]  }
0x115: {  	v62 =	vld [tilespmem:$0x1D900];
	v28, _, _ =	vpop (xrf2);
	(xrf2) =	vadd.scan.msk.f32 $0xffff, v58  }
0x116: {  	v63 =	vld [tilespmem:$0x1D980];
	v7 =	vbroadcast v7, $0xF;
	v8 =	vbroadcast v8, $0xF;
	v29, _, _ =	vpop (xrf2);
	(xrf2) =	vadd.scan.msk.f32 $0xffff, v59  }
0x117: {  	v32 =	vld [tilespmem:$0x1DA00];
	v9 =	vbroadcast v9, $0xF;
	v30, _, _ =	vpop (xrf2);
	(xrf2) =	vadd.scan.msk.f32 $0xffff, v60  }
0x118: {  	v34 =	vld [tilespmem:$0x1DA80];
	v7 =	vsel vm0, v7, v8;
	v33 =	vbroadcast v10, $0xF;
	v10, _, _ =	vpop (xrf2);
	(xrf2) =	vadd.scan.msk.f32 $0xffff, v61  }
0x119: {  	v7 =	vsel vm1, v7, v9;
	v35 =	vbroadcast v11, $0xF;
	v11, _, _ =	vpop (xrf2);
	(xrf2) =	vadd.scan.msk.f32 $0xffff, v2;
	v2 =	vld [tilespmem:$0x1DB00]  }
0x11a: {  	v37 =	vld [tilespmem:$0x1DB80];
	v7 =	vsel vm2, v7, v33;
	v36 =	vbroadcast v12, $0xF;
	v12, _, _ =	vpop (xrf2);
	(xrf2) =	vadd.scan.msk.f32 $0xffff, v62  }
0x11b: {  	v39 =	vld [tilespmem:$0x1DC00];
	v7 =	vsel vm3, v7, v35;
	v38 =	vbroadcast v13, $0xF;
	v13, _, _ =	vpop (xrf2);
	(xrf2) =	vadd.scan.msk.f32 $0xffff, v63  }
0x11c: {  	v41 =	vld [tilespmem:$0x1DC80];
	v7 =	vsel vm4, v7, v36;
	v40 =	vbroadcast v14, $0xF;
	v14, _, _ =	vpop (xrf2);
	(xrf2) =	vadd.scan.msk.f32 $0xffff, v32  }
0x11d: {  	v43 =	vld [tilespmem:$0x1DD00];
	v7 =	vsel vm5, v7, v38;
	v42 =	vbroadcast v15, $0xF;
	v15, _, _ =	vpop (xrf2);
	(xrf2) =	vadd.scan.msk.f32 $0xffff, v34  }
0x11e: {  	v31 =	vld [tilespmem:$0x1DD80];
	v7 =	vsel vm6, v7, v40;
	v44 =	vbroadcast v16, $0xF;
	v16, _, _ =	vpop (xrf2);
	(xrf2) =	vadd.scan.msk.f32 $0xffff, v2  }
0x11f: {  	v46 =	vld [tilespmem:$0x1DE00];
	v7 =	vsel vm7, v7, v42;
	v45 =	vbroadcast v17, $0xF;
	v2, _, _ =	vpop (xrf2);
	(xrf2) =	vadd.scan.msk.f32 $0xffff, v37  }
0x120: {  	v50 =	vld [tilespmem:$0x1DE80];
	v7 =	vsel vm8, v7, v44;
	v18 =	vbroadcast v18, $0xF;
	v49, _, _ =	vpop (xrf2);
	(xrf2) =	vadd.scan.msk.f32 $0xffff, v39  }
0x121: {  	v7 =	vsel vm9, v7, v45;
	v53 =	vld [tilespmem:$0x1DF00];
	v20 =	vbroadcast v20, $0xF;
	v21 =	vbroadcast v21, $0xF;
	v52, _, _ =	vpop (xrf2);
	(xrf2) =	vadd.scan.msk.f32 $0xffff, v41  }
0x122: {  	v7 =	vsel vm10, v7, v18;
	v47 =	vbroadcast v23, $0xF;
	v48 =	vbroadcast v24, $0xF;
	v56 =	vld [tilespmem:$0x1DF80];
	v55, _, _ =	vpop (xrf2);
	(xrf2) =	vadd.scan.msk.f32 $0xffff, v43  }
0x123: {  	v7 =	vsel vm11, v7, v20;
	v22 =	vbroadcast v22, $0xF;
	v51 =	vbroadcast v25, $0xF;
	v59 =	vld [tilespmem:$0x1E000];
	v58, _, _ =	vpop (xrf2);
	(xrf2) =	vadd.scan.msk.f32 $0xffff, v31  }
0x124: {  	v7 =	vsel vm12, v7, v21;
	v8 =	vsel vm0, v47, v48;
	v54 =	vbroadcast v26, $0xF;
	v62 =	vld [tilespmem:$0x1E080];
	v61, _, _ =	vpop (xrf2);
	(xrf2) =	vadd.scan.msk.f32 $0xffff, v46  }
0x125: {  	v33 =	vld [tilespmem:$0x1E100];
	v7 =	vsel vm13, v7, v22;
	v8 =	vsel vm1, v8, v51;
	v57 =	vbroadcast v27, $0xF;
	v32, _, _ =	vpop (xrf2);
	(xrf2) =	vadd.scan.msk.f32 $0xffff, v50  }
0x126: {  	v36 =	vld [tilespmem:$0x1E180];
	v3 =	vsel vm14, v7, v3;
	v8 =	vsel vm2, v8, v54;
	v60 =	vbroadcast v28, $0xF;
	v35, _, _ =	vpop (xrf2);
	(xrf2) =	vadd.scan.msk.f32 $0xffff, v53  }
0x127: {  	v8 =	vsel vm3, v8, v57;
	v11 =	vbroadcast v11, $0xF;
	v63 =	vbroadcast v29, $0xF;
	v39 =	vld [tilespmem:$0x1E200];
	v38, _, _ =	vpop (xrf2);
	(xrf2) =	vadd.scan.msk.f32 $0xffff, v56  }
0x128: {  	v8 =	vsel vm4, v8, v60;
	v42 =	vbroadcast v12, $0xF;
	v34 =	vbroadcast v30, $0xF;
	v41 =	vld [tilespmem:$0x1E280];
	v40, _, _ =	vpop (xrf2);
	(xrf2) =	vadd.scan.msk.f32 $0xffff, v59  }
0x129: {  	v44 =	vld [tilespmem:$0x1E300];
	v8 =	vsel vm5, v8, v63;
	v15 =	vbroadcast v15, $0xF;
	v37 =	vbroadcast v10, $0xF;
	v43, _, _ =	vpop (xrf2);
	(xrf2) =	vadd.scan.msk.f32 $0xffff, v62  }
0x12a: {  	v48 =	vld [tilespmem:$0x1E380];
	v8 =	vsel vm6, v8, v34;
	v29 =	vbroadcast v16, $0xF;
	v49 =	vbroadcast v49, $0xF;
	v47, _, _ =	vpop (xrf2);
	(xrf2) =	vadd.scan.msk.f32 $0xffff, v33  }
0x12b: {  	v8 =	vsel vm7, v8, v37;
	v54 =	vbroadcast v55, $0xF;
	v50 =	vbroadcast v52, $0xF;
	v52 =	vld [tilespmem:$0x1E400];
	v51, _, _ =	vpop (xrf2);
	(xrf2) =	vadd.scan.msk.f32 $0xffff, v36  }
0x12c: {  	v45 =	vsel vm8, v8, v11;
	v46 =	vbroadcast v13, $0xF;
	v57 =	vbroadcast v58, $0xF;
	v56 =	vld [tilespmem:$0x1E480];
	v55, _, _ =	vpop (xrf2);
	(xrf2) =	vadd.scan.msk.f32 $0xffff, v39  }
0x12d: {  	v7 =	vsel vm9, v45, v42;
	v61 =	vbroadcast v61, $0xF;
	v53 =	vbroadcast v14, $0xF;
	v59 =	vld [tilespmem:$0x1E500];
	v58, _, _ =	vpop (xrf2);
	(xrf2) =	vadd.scan.msk.f32 $0xffff, v41  }
0x12e: {  	v63 =	vld [tilespmem:$0x1E580];
	v7 =	vsel vm10, v7, v46;
	v20 =	vbroadcast v32, $0xF;
	v9 =	vsel vm0, v49, v50;
	v62, _, _ =	vpop (xrf2);
	(xrf2) =	vadd.scan.msk.f32 $0xffff, v44  }
0x12f: {  	v26 =	vld [tilespmem:$0x1E600];
	v30 =	vbroadcast v35, $0xF;
	v7 =	vsel vm11, v7, v53;
	v60 =	vsel vm1, v9, v54;
	v25, _, _ =	vpop (xrf2);
	(xrf2) =	vadd.scan.msk.f32 $0xffff, v48  }
0x130: {  	v32 =	vbroadcast v38, $0xF;
	v7 =	vsel vm12, v7, v15;
	v8 =	vsel vm2, v60, v57;
	v27, _, _ =	vpop (xrf2);
	(xrf2) =	vadd.scan.msk.f32 $0xffff, v52  }
0x131: {  	v8 =	vsel vm3, v8, v61;
	v33 =	vbroadcast v40, $0xF;
	v12 =	vbroadcast v43, $0xF;
	v31, _, _ =	vpop (xrf2);
	(xrf2) =	vadd.scan.msk.f32 $0xffff, v56  }
0x132: {  	v35 =	vld [tilespmem:$0x1E680];
	v5 =	vsel vm13, v7, v29;
	v9 =	vbroadcast v27, $0xF;
	v13 =	vbroadcast v31, $0xF;
	v34, _, _ =	vpop (xrf2);
	(xrf2) =	vadd.scan.msk.f32 $0xffff, v59  }
0x133: {  	v8 =	vsel vm4, v8, v20;
	v42 =	vbroadcast v47, $0xF;
	v36, _, _ =	vpop (xrf2);
	(xrf2) =	vadd.scan.msk.f32 $0xffff, v63;
	v37 =	vbroadcast v34, $0xF  }
0x134: {  	v8 =	vsel vm5, v8, v30;
	v9 =	vsel vm0, v9, v13;
	v7 =	vbroadcast v36, $0xF;
	v38, _, _ =	vpop (xrf2);
	(xrf2) =	vadd.scan.msk.f32 $0xffff, v26  }
0x135: {  	v6 =	vsel vm6, v8, v32;
	v39, _, _ =	vpop (xrf2);
	v8 =	vsel vm1, v9, v37;
	v40 =	vbroadcast v38, $0xF  }
0x136: {  	v6 =	vsel vm7, v6, v33;
	v41, _, _ =	vpop (xrf2);
	v7 =	vsel vm2, v8, v7;
	v4 =	vbroadcast v39, $0xF  }
0x137: {  	v58 =	vbroadcast v58, $0xF;
	(xrf2) =	vadd.scan.msk.f32 $0xffff, v35;
	v7 =	vsel vm3, v7, v40;
	v43 =	vbroadcast v41, $0xF;
	v44, _, _ =	vpop (xrf2)  }
0x138: {  	v6 =	vsel vm8, v6, v12;
	v45, _, _ =	vpop (xrf2);
	v4 =	vsel vm4, v7, v4;
	v46 =	vbroadcast v44, $0xF  }
0x139: {  	v48 =	vbroadcast v51, $0xF;
	v47, _, _ =	vpop (xrf2);
	v4 =	vsel vm5, v4, v43;
	v49 =	vbroadcast v45, $0xF  }
0x13a: {  	v51 =	vbroadcast v55, $0xF;
	v50, _, _ =	vpop (xrf2);
	v4 =	vsel vm6, v4, v46;
	v52 =	vbroadcast v47, $0xF  }
0x13b: {  	v61 =	vbroadcast v62, $0xF;
	v53, _, _ =	vpop (xrf2);
	v4 =	vsel vm7, v4, v49;
	v54 =	vbroadcast v50, $0xF  }
0x13c: {  	v6 =	vsel vm9, v6, v42;
	v55, _, _ =	vpop (xrf2);
	v4 =	vsel vm8, v4, v52;
	v56 =	vbroadcast v53, $0xF  }
0x13d: {  	v6 =	vsel vm10, v6, v48;
	v57, _, _ =	vpop (xrf2);
	v4 =	vsel vm9, v4, v54;
	v59 =	vbroadcast v55, $0xF  }
0x13e: {  	v6 =	vsel vm11, v6, v51;
	v60, _, _ =	vpop (xrf2);
	v4 =	vsel vm10, v4, v56;
	v8 =	vbroadcast v57, $0xF  }
0x13f: {  	v6 =	vsel vm12, v6, v58;
	v4 =	vsel vm11, v4, v59;
	v62 =	vbroadcast v60, $0xF  }
0x140: {  	[tilespmem:$0x1E700] =	vst v3;
	v2 =	vsel vm14, v5, v2;
	v3 =	vsel vm13, v6, v61;
	v4 =	vsel vm12, v4, v8  }
0x141: {  	s23 =	sadd.s32 $0x1, s23;
	[tilespmem:$0x1E710] =	vst v2;
	v2 =	vsel vm14, v3, v25;
	v63, _, _ =	vpop (xrf2);
	v3 =	vsel vm13, v4, v62  }
0x142: {  	p0 =	sne.s32 s23, s11;
	[tilespmem:$0x1E720] =	vst v2;
	v2 =	vsel vm14, v3, v63  }
.Ltmp7:
0x143: {  	[tilespmem:$0x1E730] =	vst v2;
	(pc) =	sbr.rel @p0 .LBB2_1-.Ltmp7, $4  }
0x144: {  	[hbm4b:s10+s4] =	stream.linear.scatter [tilespmem:s22], [sflag:$0x5], $0x80, $0x38;
	[tilespmem:$0x1E780] =	vst v63  }
0x145: {  	_ =	swait.ge [sflag:s12], $0x80  }
0x146: {  	[sflag:s12] =	ssyncset.done $0x0  }
0x147: {  	[sflag:s12] =	ssyncadd.s32 $0xFFFFFF80  }
0x148: {  	_ =	sfence.sel $0x180000  }
0x149: {  	[bflag:$0x0] =	sbarrier.arrive $0xFFFF  }
0x14a: {  	_ =	strace $0x9000004A  }
0x14b: {  	[bflag:$0x2] =	sbarrier.arrive $0xFFFF  }
0x14c: {  	p0 =	sne.s32 s1, $0x0;
	s0 =	rddreg [dreg:$0x3]  }
0x14d: {  	s0 =	sadd.s32 @!p0 $0x100000, s0  }
0x14e: {  	[sflag:s0] =	ssyncadd.tile.s32 @!p0 $0x1;
	_ =	shalt  }
.Lfunc_end2:
_tile_overlayer_lowered:
.L_overlay_start_2:
0x14f: {  	(tag) =	ssettag $0x2  }
0x150: {  	s0 =	rddreg [dreg:$0x0];
	s2 =	stileid.u32  }
0x151: {  	s1 =	rddreg [dreg:$0x1];
	p0 =	sne.s32 s2, $0x0  }
0x152: {  	s3 =	rddreg [dreg:$0x2];
	[bflag:$0x3] =	sbarrier.arrive $0xFFFF;
	s2 =	simm.s32 @!p0 $0x1C05  }
0x153: {  	[timem:s3], [sflag:s2] =	dma.local @!p0 [hbm:s0], s1  }
0x154: {  	s0 =	simm.s32 @!p0 $0x5  }
0x155: {  	_ =	swait.ge @!p0 [sflag:s0], s1  }
0x156: {  	s1 =	ssub.s32 @!p0 $0x0, s1;
	[sflag:s0] =	ssyncset.done @!p0 $0x0  }
0x157: {  	[sflag:s0] =	ssyncadd.s32 @!p0 s1  }
0x158: {  	[bflag:$0x3] =	sbarrier.arrive $0xFFFF  }
0x159: {  	_ =	shalt  }

</sc_bundles>
